<compile_context>
chip_gen: v7x
topology: tpu7x:2x2x1
jax: 0.10.2.dev20260603
libtpu: 0.0.44.dev20260713+nightly
codegen_flags: <defaults>
</compile_context>

<pallas_src>
import functools

import jax
import jax.numpy as jnp
from jax import lax
from jax.experimental import pallas as pl
from jax.experimental.pallas import tpu as pltpu
from jax.experimental.pallas import tpu_sc as plsc

N = 524288
M = N * 40
BBITS = 15
B = 1 << BBITS
SHIFT = 32 - BBITS
NC = 2
NS = 16
NW = NC * NS
L = 16

EPT1 = N // NW
CHUNK = 2048
PPT = M // NW
PCH = 8192
SLC = B // NS

_mesh2 = plsc.VectorSubcoreMesh(core_axis_name="c", subcore_axis_name="s",
                                num_cores=2)
_mesh1 = plsc.VectorSubcoreMesh(core_axis_name="c", subcore_axis_name="s",
                                num_cores=1)


def _wid():
    return lax.axis_index("s") * NC + lax.axis_index("c")


def _bucket(vals_f32):
    bits = lax.bitcast_convert_type(vals_f32, jnp.int32)
    key = jnp.where(bits < 0, jnp.bitwise_not(bits),
                    jnp.bitwise_xor(bits, jnp.int32(-2147483648)))
    return lax.shift_right_logical(key, SHIFT)


@functools.partial(
    pl.kernel,
    out_type=(
        jax.ShapeDtypeStruct((N,), jnp.float32),
        jax.ShapeDtypeStruct((NW * 3 * B,), jnp.int32),
    ),
    mesh=_mesh2,
    compiler_params=pltpu.CompilerParams(needs_layout_passes=False),
    scratch_types=[
        pltpu.VMEM((CHUNK,), jnp.float32),
        pltpu.VMEM((CHUNK,), jnp.float32),
        pltpu.VMEM((CHUNK,), jnp.float32),
        pltpu.VMEM((B,), jnp.int32),
        pltpu.VMEM((B,), jnp.int32),
        pltpu.VMEM((B,), jnp.int32),
    ],
)
def _k1_hist(pred_hbm, gt_hbm, c_hbm, hists_hbm,
             pbuf, gbuf, cbuf, hg, hc, hp):
    wid = _wid()
    zero = jnp.zeros((L,), jnp.int32)

    def _zero(i, _):
        hg[pl.ds(i * L, L)] = zero
        hc[pl.ds(i * L, L)] = zero
        hp[pl.ds(i * L, L)] = zero
        return 0
    lax.fori_loop(0, B // L, _zero, 0, unroll=8)

    ones = jnp.ones((L,), jnp.int32)
    base = wid * EPT1

    def _chunk(k, _):
        off = base + k * CHUNK
        pltpu.sync_copy(pred_hbm.at[pl.ds(off, CHUNK)], pbuf)
        pltpu.sync_copy(gt_hbm.at[pl.ds(off, CHUNK)], gbuf)

        def _vec(i, _):
            p = pbuf[pl.ds(i * L, L)]
            g = gbuf[pl.ds(i * L, L)]
            cv = p - g
            cbuf[pl.ds(i * L, L)] = cv
            plsc.addupdate_scatter(hg, [_bucket(g)], ones)
            plsc.addupdate_scatter(hc, [_bucket(cv)], ones)
            plsc.addupdate_scatter(hp, [_bucket(p)], ones)
            return 0
        lax.fori_loop(0, CHUNK // L, _vec, 0, unroll=4)
        pltpu.sync_copy(cbuf, c_hbm.at[pl.ds(off, CHUNK)])
        return 0
    lax.fori_loop(0, EPT1 // CHUNK, _chunk, 0)

    hb = wid * (3 * B)
    pltpu.sync_copy(hg, hists_hbm.at[pl.ds(hb, B)])
    pltpu.sync_copy(hc, hists_hbm.at[pl.ds(hb + B, B)])
    pltpu.sync_copy(hp, hists_hbm.at[pl.ds(hb + 2 * B, B)])


@functools.partial(
    pl.kernel,
    out_type=jax.ShapeDtypeStruct((3 * B,), jnp.float32),
    mesh=_mesh1,
    compiler_params=pltpu.CompilerParams(needs_layout_passes=False),
    scratch_types=[
        pltpu.VMEM((NW * SLC,), jnp.int32),
        pltpu.VMEM((3 * SLC,), jnp.int32),
        pltpu.VMEM((SLC,), jnp.float32),
        pltpu.VMEM((L,), jnp.int32),
        pltpu.VMEM((NS * L,), jnp.int32),
        pltpu.VMEM_SHARED((NS * L,), jnp.int32),
        pltpu.SemaphoreType.DMA,
    ],
)
def _k2_scan(hists_hbm, mid_hbm, fan, acc3, midb, trow, tall, sh_tot, sem):
    wid = lax.axis_index("s")
    lanes = lax.iota(jnp.int32, L)

    def _per_array(arr, tots):
        def _fire(t, _):
            pltpu.async_copy(
                hists_hbm.at[pl.ds(t * (3 * B) + arr * B + wid * SLC, SLC)],
                fan.at[pl.ds(t * SLC, SLC)], sem)
            return 0
        lax.fori_loop(0, NW, _fire, 0)

        def _drain(t, _):
            pltpu.make_async_copy(
                hists_hbm.at[pl.ds(0, SLC)], fan.at[pl.ds(0, SLC)], sem).wait()
            return 0
        lax.fori_loop(0, NW, _drain, 0)

        def _add(i, tot):
            s = pl.ds(arr * SLC + i * L, L)

            def _srcsum(t, v):
                return v + fan[pl.ds(t * SLC + i * L, L)]
            v = lax.fori_loop(0, NW, _srcsum, jnp.zeros((L,), jnp.int32),
                              unroll=8)
            acc3[s] = v
            return tot + jnp.sum(v)
        tot = lax.fori_loop(0, SLC // L, _add, jnp.int32(0), unroll=2)
        return jnp.where(lanes == arr, tot, tots)
    tots = lax.fori_loop(0, 3, _per_array, jnp.zeros((L,), jnp.int32))

    trow[pl.ds(0, L)] = tots
    pltpu.sync_copy(trow, sh_tot.at[pl.ds(wid * L, L)])
    plsc.subcore_barrier()
    pltpu.sync_copy(sh_tot, tall)

    inv_n = jnp.float32(1.0 / N)

    def _per_array2(arr, _):
        tvec = plsc.load_gather(tall, [lanes * L + arr])
        off0 = jnp.sum(jnp.where(lanes < wid, tvec, 0))

        def _scan(i, off):
            h = acc3[pl.ds(arr * SLC + i * L, L)]
            incl = jnp.cumsum(h)
            excl = (incl - h) + off
            mid = (excl.astype(jnp.float32)
                   + (h.astype(jnp.float32) - 1.0) * 0.5) * inv_n
            midb[pl.ds(i * L, L)] = mid
            return off + jnp.sum(h)
        lax.fori_loop(0, SLC // L, _scan, off0)
        pltpu.sync_copy(midb, mid_hbm.at[pl.ds(arr * B + wid * SLC, SLC)])
        return 0
    lax.fori_loop(0, 3, _per_array2, 0)


@functools.partial(
    pl.kernel,
    out_type=(
        jax.ShapeDtypeStruct((NW * L,), jnp.float32),
        jax.ShapeDtypeStruct((NW * L,), jnp.float32),
        jax.ShapeDtypeStruct((NW * L,), jnp.float32),
    ),
    mesh=_mesh2,
    compiler_params=pltpu.CompilerParams(needs_layout_passes=False),
    scratch_types=[
        pltpu.VMEM((B,), jnp.float32),
        pltpu.VMEM((B,), jnp.float32),
        pltpu.VMEM((B,), jnp.float32),
        pltpu.VMEM((CHUNK,), jnp.float32),
        pltpu.VMEM((CHUNK,), jnp.float32),
        pltpu.VMEM((L,), jnp.float32),
    ],
)
def _k3_dots(pred_hbm, gt_hbm, mid_hbm, pad_hbm, rank_hbm, mse_hbm,
             mg_t, mc_t, mp_t, pbuf, gbuf, ostg):
    wid = _wid()
    pltpu.sync_copy(mid_hbm.at[pl.ds(0, B)], mg_t)
    pltpu.sync_copy(mid_hbm.at[pl.ds(B, B)], mc_t)
    pltpu.sync_copy(mid_hbm.at[pl.ds(2 * B, B)], mp_t)

    base = wid * EPT1
    zf = jnp.zeros((L,), jnp.float32)

    def _chunk(k, accs):
        ap, ar, am = accs
        off = base + k * CHUNK
        pltpu.sync_copy(pred_hbm.at[pl.ds(off, CHUNK)], pbuf)
        pltpu.sync_copy(gt_hbm.at[pl.ds(off, CHUNK)], gbuf)

        def _vec(i, accs2):
            ap2, ar2, am2 = accs2
            p = pbuf[pl.ds(i * L, L)]
            g = gbuf[pl.ds(i * L, L)]
            cv = p - g
            mg = plsc.load_gather(mg_t, [_bucket(g)])
            mc = plsc.load_gather(mc_t, [_bucket(cv)])
            mp = plsc.load_gather(mp_t, [_bucket(p)])
            dpad = mc - mg
            drank = mp - mg
            return (ap2 + dpad * dpad, ar2 + drank * drank, am2 + cv * cv)
        return lax.fori_loop(0, CHUNK // L, _vec, (ap, ar, am), unroll=4)
    ap, ar, am = lax.fori_loop(0, EPT1 // CHUNK, _chunk, (zf, zf, zf))

    ostg[pl.ds(0, L)] = ap
    pltpu.sync_copy(ostg, pad_hbm.at[pl.ds(wid * L, L)])
    ostg[pl.ds(0, L)] = ar
    pltpu.sync_copy(ostg, rank_hbm.at[pl.ds(wid * L, L)])
    ostg[pl.ds(0, L)] = am
    pltpu.sync_copy(ostg, mse_hbm.at[pl.ds(wid * L, L)])


NCHUNK = PPT // PCH


@functools.partial(
    pl.kernel,
    out_type=jax.ShapeDtypeStruct((NW * L,), jnp.float32),
    mesh=_mesh2,
    compiler_params=pltpu.CompilerParams(needs_layout_passes=False),
    scratch_types=[
        pltpu.VMEM_SHARED((N // 2,), jnp.float32),
        pltpu.VMEM((PCH,), jnp.int32),
        pltpu.VMEM((PCH,), jnp.int32),
        pltpu.VMEM((PCH,), jnp.int32),
        pltpu.VMEM((PCH,), jnp.int32),
        pltpu.VMEM((PCH,), jnp.int32),
        pltpu.VMEM((PCH,), jnp.int32),
        pltpu.VMEM((PCH,), jnp.int32),
        pltpu.VMEM((PCH,), jnp.int32),
        pltpu.VMEM((PCH,), jnp.float32),
        pltpu.VMEM((PCH,), jnp.float32),
        pltpu.VMEM((PCH,), jnp.float32),
        pltpu.VMEM((PCH,), jnp.float32),
        pltpu.VMEM((L,), jnp.float32),
        pltpu.SemaphoreType.DMA,
        pltpu.SemaphoreType.DMA,
        pltpu.SemaphoreType.DMA,
        pltpu.SemaphoreType.DMA,
        pltpu.SemaphoreType.DMA,
        pltpu.SemaphoreType.DMA,
        pltpu.SemaphoreType.DMA,
        pltpu.SemaphoreType.DMA,
    ],
)
def _k4_pairs(c_hbm, a_hbm, b_hbm, age_hbm,
              sh_cp, a0, a1, b0, b1, ma0, ma1, mb0, mb1,
              ca0, ca1, cb0, cb1, ostg,
              ia0, ia1, ib0, ib1, ga0, ga1, gb0, gb1):
    clo, chi, pkb = ca0, ca1, cb0
    sid = lax.axis_index("s")
    wid = _wid()
    half = N // 2
    wseg = half // NS

    def _stage(j, _):
        woff = sid * wseg + j * PCH
        pltpu.sync_copy(c_hbm.at[pl.ds(woff, PCH)], clo)
        pltpu.sync_copy(c_hbm.at[pl.ds(woff + half, PCH)], chi)

        def _pk(i, _):
            s = pl.ds(i * L, L)
            blo = lax.bitcast_convert_type(clo[s], jnp.int32)
            bhi = lax.bitcast_convert_type(chi[s], jnp.int32)
            rlo = lax.shift_right_logical(
                blo + 0x7FFF + (lax.shift_right_logical(blo, 16) & 1), 16)
            rhi = lax.shift_right_logical(
                bhi + 0x7FFF + (lax.shift_right_logical(bhi, 16) & 1), 16)
            pkb[s] = lax.bitcast_convert_type(rlo | lax.shift_left(rhi, 16),
                                              jnp.float32)
            return 0
        lax.fori_loop(0, PCH // L, _pk, 0, unroll=8)
        pltpu.sync_copy(pkb, sh_cp.at[pl.ds(woff, PCH)])
        return 0
    lax.fori_loop(0, wseg // PCH, _stage, 0)
    plsc.subcore_barrier()

    base = wid * PPT
    zf = jnp.zeros((L,), jnp.float32)
    abufs, bbufs = (a0, a1), (b0, b1)
    mabufs, mbbufs = (ma0, ma1), (mb0, mb1)
    cabufs, cbbufs = (ca0, ca1), (cb0, cb1)
    iasems, ibsems = (ia0, ia1), (ib0, ib1)
    gasems, gbsems = (ga0, ga1), (gb0, gb1)
    wmask = jnp.int32(half - 1)

    def _issue_idx(k, s):
        kk = lax.rem(k, jnp.int32(NCHUNK))
        off = base + kk * PCH
        pltpu.async_copy(a_hbm.at[pl.ds(off, PCH)], abufs[s], iasems[s])
        pltpu.async_copy(b_hbm.at[pl.ds(off, PCH)], bbufs[s], ibsems[s])

    def _wait_idx(s):
        pltpu.make_async_copy(a_hbm.at[pl.ds(0, PCH)], abufs[s], iasems[s]).wait()
        pltpu.make_async_copy(b_hbm.at[pl.ds(0, PCH)], bbufs[s], ibsems[s]).wait()

    def _mask_idx(s):
        def _m(i, _):
            sl = pl.ds(i * L, L)
            mabufs[s][sl] = abufs[s][sl] & wmask
            mbbufs[s][sl] = bbufs[s][sl] & wmask
            return 0
        lax.fori_loop(0, PCH // L, _m, 0, unroll=8)

    def _issue_gather(k, s):
        pltpu.async_copy(sh_cp.at[mabufs[s]], cabufs[s], gasems[s])
        pltpu.async_copy(sh_cp.at[mbbufs[s]], cbbufs[s], gbsems[s])

    def _wait_gather(s):
        pltpu.make_async_copy(sh_cp.at[mabufs[s]], cabufs[s], gasems[s]).wait()
        pltpu.make_async_copy(sh_cp.at[mbbufs[s]], cbbufs[s], gbsems[s]).wait()

    def _decode(wordf, idx):
        word = lax.bitcast_convert_type(wordf, jnp.int32)
        hi = lax.shift_right_logical(idx, 18) > 0
        bits = jnp.where(hi, word & jnp.int32(-65536), lax.shift_left(word, 16))
        return lax.bitcast_convert_type(bits, jnp.float32)

    def _compute(k, s, acc):
        del k

        def _vec(i, acc2):
            sl = pl.ds(i * L, L)
            va = _decode(cabufs[s][sl], abufs[s][sl])
            vb = _decode(cbbufs[s][sl], bbufs[s][sl])
            d = va - vb
            return acc2 + d * d
        return lax.fori_loop(0, PCH // L, _vec, acc, unroll=8)

    _issue_idx(jnp.int32(0), 0)
    _issue_idx(jnp.int32(1), 1)

    def _super(h, acc):
        k0 = h * 2
        _wait_idx(0)
        _mask_idx(0)
        _issue_gather(k0, 0)
        _wait_idx(1)
        _mask_idx(1)
        _issue_gather(k0 + 1, 1)
        _wait_gather(0)
        _issue_idx(k0 + 2, 0)
        acc = _compute(k0, 0, acc)
        _wait_gather(1)
        _issue_idx(k0 + 3, 1)
        acc = _compute(k0 + 1, 1, acc)
        return acc
    acc = lax.fori_loop(0, NCHUNK // 2, _super, zf)
    _wait_idx(0)
    _wait_idx(1)

    ostg[pl.ds(0, L)] = acc
    pltpu.sync_copy(ostg, age_hbm.at[pl.ds(wid * L, L)])


def kernel(mem_pred, mem_gt, a, b):
    c, hists = _k1_hist(mem_pred, mem_gt)
    mid = _k2_scan(hists)
    pad_p, rank_p, mse_p = _k3_dots(mem_pred, mem_gt, mid)
    age_p = _k4_pairs(c, a, b)
    inv_n = jnp.float32(1.0 / N)
    l_pad = jnp.sum(pad_p) * inv_n
    l_rank = jnp.sum(rank_p) * inv_n
    mse = jnp.sum(mse_p) * inv_n
    l_age = jnp.sum(age_p) * jnp.float32(1.0 / M)
    return 20.0 * (l_pad + l_rank + l_age) + mse

# --- scband reference (transcript-rebuilt; emitter-appended) ---
"""Pipeline reference for scband-pad-rank-difference-90194313216707 (READ-ONLY COPY).

The authoritative reference and input builder live on the scoring server;
editing this copy changes nothing except your own understanding.
"""

import jax, jax.numpy as jnp
import numpy as np

N = 524288

def setup_inputs(seed: int = 0) -> dict:
    key = jax.random.key(seed)
    k1, k2, k3, k4 = jax.random.split(key, 4)
    mem_pred = jax.random.normal(k1, (N,), dtype=jnp.float32)
    mem_gt = jax.random.normal(k2, (N,), dtype=jnp.float32)
    # torch module draws these with np.random inside forward; we materialize them
    # deterministically here so the reference is reproducible.
    a = jax.random.randint(k3, (N * 40,), 0, N)
    b = jax.random.randint(k4, (N * 40,), 0, N)
    return {"mem_pred": mem_pred, "mem_gt": mem_gt, "a": a, "b": b}

def get_rank(batch_score):
    rank = jnp.argsort(batch_score, axis=0)
    rank = jnp.argsort(rank, axis=0)
    rank = rank * -1 + batch_score.shape[0]
    rank = rank.astype(jnp.float32)
    rank = rank / batch_score.shape[0]
    return rank

def reference(mem_pred, mem_gt, a, b):
    rank_gt = get_rank(mem_gt)
    rank_pad = get_rank(mem_pred - mem_gt)
    pad_ranking_loss = jnp.mean((rank_pad - rank_gt) ** 2)
    rank_gt2 = get_rank(mem_gt)
    rank_pred = get_rank(mem_pred)
    ranking_loss = jnp.mean((rank_pred - rank_gt2) ** 2)
    diff_mem_pred = mem_pred[a] - mem_pred[b]
    diff_mem_gt = mem_gt[a] - mem_gt[b]
    age_difference_loss = jnp.mean((diff_mem_pred - diff_mem_gt) ** 2)
    loss = 20.0 * (pad_ranking_loss + ranking_loss + age_difference_loss) + jnp.mean((mem_pred - mem_gt) ** 2)
    return loss

if __name__ == "__main__":
    import jax
    _d = setup_inputs()
    print(jax.jit(kernel)(*tuple(_d.values())))

</pallas_src>

<mosaic_0001>
#map = affine_map<(d0, d1) -> (0)>
module attributes {stable_mosaic.version = 14 : i64} {
  func.func @_k1_hist(%arg0: i32, %arg1: i32, %arg2: memref<524288xf32, #tpu.memory_space<hbm>>, %arg3: memref<524288xf32, #tpu.memory_space<hbm>>, %arg4: memref<524288xf32, #tpu.memory_space<hbm>>, %arg5: memref<3145728xi32, #tpu.memory_space<hbm>>, %arg6: memref<2048xf32, #tpu.memory_space<vmem>>, %arg7: memref<2048xf32, #tpu.memory_space<vmem>>, %arg8: memref<2048xf32, #tpu.memory_space<vmem>>, %arg9: memref<32768xi32, #tpu.memory_space<vmem>>, %arg10: memref<32768xi32, #tpu.memory_space<vmem>>, %arg11: memref<32768xi32, #tpu.memory_space<vmem>>) attributes {dimension_semantics = [#tpu.dimension_semantics<core_parallel>, #tpu.dimension_semantics<subcore_parallel>], iteration_bounds = array<i64: 2, 16>, scalar_prefetch = 0 : i64, scratch_operands = 6 : i64, tpu.core_type = #tpu.core_type<sc_vector_subcore>, window_params = [{transform_indices = #map}, {transform_indices = #map}, {transform_indices = #map}, {transform_indices = #map}]} {
    %mul3A = arith.constant 2 : i32
    %mul3A_0 = arith.muli %arg1, %mul3A : i32
    %add3A = arith.addi %mul3A_0, %arg0 : i32
    %broadcast_in_dim3A = arith.constant 0 : i32
    %broadcast_in_dim3A_1 = vector.broadcast %broadcast_in_dim3A : i32 to vector<16xi32>
    %scan3A = arith.constant 0 : i32
    %scan3A_2 = arith.constant 0 : i32
    %scan3A_3 = arith.constant 2048 : i32
    %scan3A_4 = arith.addi %scan3A_2, %scan3A_3 : i32
    %scan3A_5 = arith.constant 8 : i32
    %scan3A_6 = scf.for %scan3A_25 = %scan3A_2 to %scan3A_4 step %scan3A_5 iter_args(%scan3A_26 = %scan3A) -> (i32)  : i32 {
      %mul3A_27 = arith.constant 16 : i32
      %mul3A_28 = arith.muli %scan3A_25, %mul3A_27 : i32
      %swap3A = arith.index_cast %mul3A_28 : i32 to index
      %swap3A_29 = tpu.vector_load %arg9[%swap3A] {strides = array<i32>} : memref<32768xi32, #tpu.memory_space<vmem>>, vector<16xi32>,
      tpu.vector_store %arg9[%swap3A], %broadcast_in_dim3A_1 {strides = array<i32>} : memref<32768xi32, #tpu.memory_space<vmem>>, vector<16xi32>,
      %mul3A_30 = arith.constant 16 : i32
      %mul3A_31 = arith.muli %scan3A_25, %mul3A_30 : i32
      %swap3A_32 = arith.index_cast %mul3A_31 : i32 to index
      %swap3A_33 = tpu.vector_load %arg10[%swap3A_32] {strides = array<i32>} : memref<32768xi32, #tpu.memory_space<vmem>>, vector<16xi32>,
      tpu.vector_store %arg10[%swap3A_32], %broadcast_in_dim3A_1 {strides = array<i32>} : memref<32768xi32, #tpu.memory_space<vmem>>, vector<16xi32>,
      %mul3A_34 = arith.constant 16 : i32
      %mul3A_35 = arith.muli %scan3A_25, %mul3A_34 : i32
      %swap3A_36 = arith.index_cast %mul3A_35 : i32 to index
      %swap3A_37 = tpu.vector_load %arg11[%swap3A_36] {strides = array<i32>} : memref<32768xi32, #tpu.memory_space<vmem>>, vector<16xi32>,
      tpu.vector_store %arg11[%swap3A_36], %broadcast_in_dim3A_1 {strides = array<i32>} : memref<32768xi32, #tpu.memory_space<vmem>>, vector<16xi32>,
      %scan3A_38 = arith.constant 0 : i32
      %scan3A_39 = arith.constant 1 : i32
      %scan3A_40 = arith.addi %scan3A_25, %scan3A_39 : i32
      %mul3A_41 = arith.constant 16 : i32
      %mul3A_42 = arith.muli %scan3A_40, %mul3A_41 : i32
      %swap3A_43 = arith.index_cast %mul3A_42 : i32 to index
      %swap3A_44 = tpu.vector_load %arg9[%swap3A_43] {strides = array<i32>} : memref<32768xi32, #tpu.memory_space<vmem>>, vector<16xi32>,
      tpu.vector_store %arg9[%swap3A_43], %broadcast_in_dim3A_1 {strides = array<i32>} : memref<32768xi32, #tpu.memory_space<vmem>>, vector<16xi32>,
      %mul3A_45 = arith.constant 16 : i32
      %mul3A_46 = arith.muli %scan3A_40, %mul3A_45 : i32
      %swap3A_47 = arith.index_cast %mul3A_46 : i32 to index
      %swap3A_48 = tpu.vector_load %arg10[%swap3A_47] {strides = array<i32>} : memref<32768xi32, #tpu.memory_space<vmem>>, vector<16xi32>,
      tpu.vector_store %arg10[%swap3A_47], %broadcast_in_dim3A_1 {strides = array<i32>} : memref<32768xi32, #tpu.memory_space<vmem>>, vector<16xi32>,
      %mul3A_49 = arith.constant 16 : i32
      %mul3A_50 = arith.muli %scan3A_40, %mul3A_49 : i32
      %swap3A_51 = arith.index_cast %mul3A_50 : i32 to index
      %swap3A_52 = tpu.vector_load %arg11[%swap3A_51] {strides = array<i32>} : memref<32768xi32, #tpu.memory_space<vmem>>, vector<16xi32>,
      tpu.vector_store %arg11[%swap3A_51], %broadcast_in_dim3A_1 {strides = array<i32>} : memref<32768xi32, #tpu.memory_space<vmem>>, vector<16xi32>,
      %scan3A_53 = arith.constant 0 : i32
      %scan3A_54 = arith.constant 2 : i32
      %scan3A_55 = arith.addi %scan3A_25, %scan3A_54 : i32
      %mul3A_56 = arith.constant 16 : i32
      %mul3A_57 = arith.muli %scan3A_55, %mul3A_56 : i32
      %swap3A_58 = arith.index_cast %mul3A_57 : i32 to index
      %swap3A_59 = tpu.vector_load %arg9[%swap3A_58] {strides = array<i32>} : memref<32768xi32, #tpu.memory_space<vmem>>, vector<16xi32>,
      tpu.vector_store %arg9[%swap3A_58], %broadcast_in_dim3A_1 {strides = array<i32>} : memref<32768xi32, #tpu.memory_space<vmem>>, vector<16xi32>,
      %mul3A_60 = arith.constant 16 : i32
      %mul3A_61 = arith.muli %scan3A_55, %mul3A_60 : i32
      %swap3A_62 = arith.index_cast %mul3A_61 : i32 to index
      %swap3A_63 = tpu.vector_load %arg10[%swap3A_62] {strides = array<i32>} : memref<32768xi32, #tpu.memory_space<vmem>>, vector<16xi32>,
      tpu.vector_store %arg10[%swap3A_62], %broadcast_in_dim3A_1 {strides = array<i32>} : memref<32768xi32, #tpu.memory_space<vmem>>, vector<16xi32>,
      %mul3A_64 = arith.constant 16 : i32
      %mul3A_65 = arith.muli %scan3A_55, %mul3A_64 : i32
      %swap3A_66 = arith.index_cast %mul3A_65 : i32 to index
      %swap3A_67 = tpu.vector_load %arg11[%swap3A_66] {strides = array<i32>} : memref<32768xi32, #tpu.memory_space<vmem>>, vector<16xi32>,
      tpu.vector_store %arg11[%swap3A_66], %broadcast_in_dim3A_1 {strides = array<i32>} : memref<32768xi32, #tpu.memory_space<vmem>>, vector<16xi32>,
      %scan3A_68 = arith.constant 0 : i32
      %scan3A_69 = arith.constant 3 : i32
      %scan3A_70 = arith.addi %scan3A_25, %scan3A_69 : i32
      %mul3A_71 = arith.constant 16 : i32
      %mul3A_72 = arith.muli %scan3A_70, %mul3A_71 : i32
      %swap3A_73 = arith.index_cast %mul3A_72 : i32 to index
      %swap3A_74 = tpu.vector_load %arg9[%swap3A_73] {strides = array<i32>} : memref<32768xi32, #tpu.memory_space<vmem>>, vector<16xi32>,
      tpu.vector_store %arg9[%swap3A_73], %broadcast_in_dim3A_1 {strides = array<i32>} : memref<32768xi32, #tpu.memory_space<vmem>>, vector<16xi32>,
      %mul3A_75 = arith.constant 16 : i32
      %mul3A_76 = arith.muli %scan3A_70, %mul3A_75 : i32
      %swap3A_77 = arith.index_cast %mul3A_76 : i32 to index
      %swap3A_78 = tpu.vector_load %arg10[%swap3A_77] {strides = array<i32>} : memref<32768xi32, #tpu.memory_space<vmem>>, vector<16xi32>,
      tpu.vector_store %arg10[%swap3A_77], %broadcast_in_dim3A_1 {strides = array<i32>} : memref<32768xi32, #tpu.memory_space<vmem>>, vector<16xi32>,
      %mul3A_79 = arith.constant 16 : i32
      %mul3A_80 = arith.muli %scan3A_70, %mul3A_79 : i32
      %swap3A_81 = arith.index_cast %mul3A_80 : i32 to index
      %swap3A_82 = tpu.vector_load %arg11[%swap3A_81] {strides = array<i32>} : memref<32768xi32, #tpu.memory_space<vmem>>, vector<16xi32>,
      tpu.vector_store %arg11[%swap3A_81], %broadcast_in_dim3A_1 {strides = array<i32>} : memref<32768xi32, #tpu.memory_space<vmem>>, vector<16xi32>,
      %scan3A_83 = arith.constant 0 : i32
      %scan3A_84 = arith.constant 4 : i32
      %scan3A_85 = arith.addi %scan3A_25, %scan3A_84 : i32
      %mul3A_86 = arith.constant 16 : i32
      %mul3A_87 = arith.muli %scan3A_85, %mul3A_86 : i32
      %swap3A_88 = arith.index_cast %mul3A_87 : i32 to index
      %swap3A_89 = tpu.vector_load %arg9[%swap3A_88] {strides = array<i32>} : memref<32768xi32, #tpu.memory_space<vmem>>, vector<16xi32>,
      tpu.vector_store %arg9[%swap3A_88], %broadcast_in_dim3A_1 {strides = array<i32>} : memref<32768xi32, #tpu.memory_space<vmem>>, vector<16xi32>,
      %mul3A_90 = arith.constant 16 : i32
      %mul3A_91 = arith.muli %scan3A_85, %mul3A_90 : i32
      %swap3A_92 = arith.index_cast %mul3A_91 : i32 to index
      %swap3A_93 = tpu.vector_load %arg10[%swap3A_92] {strides = array<i32>} : memref<32768xi32, #tpu.memory_space<vmem>>, vector<16xi32>,
      tpu.vector_store %arg10[%swap3A_92], %broadcast_in_dim3A_1 {strides = array<i32>} : memref<32768xi32, #tpu.memory_space<vmem>>, vector<16xi32>,
      %mul3A_94 = arith.constant 16 : i32
      %mul3A_95 = arith.muli %scan3A_85, %mul3A_94 : i32
      %swap3A_96 = arith.index_cast %mul3A_95 : i32 to index
      %swap3A_97 = tpu.vector_load %arg11[%swap3A_96] {strides = array<i32>} : memref<32768xi32, #tpu.memory_space<vmem>>, vector<16xi32>,
      tpu.vector_store %arg11[%swap3A_96], %broadcast_in_dim3A_1 {strides = array<i32>} : memref<32768xi32, #tpu.memory_space<vmem>>, vector<16xi32>,
      %scan3A_98 = arith.constant 0 : i32
      %scan3A_99 = arith.constant 5 : i32
      %scan3A_100 = arith.addi %scan3A_25, %scan3A_99 : i32
      %mul3A_101 = arith.constant 16 : i32
      %mul3A_102 = arith.muli %scan3A_100, %mul3A_101 : i32
      %swap3A_103 = arith.index_cast %mul3A_102 : i32 to index
      %swap3A_104 = tpu.vector_load %arg9[%swap3A_103] {strides = array<i32>} : memref<32768xi32, #tpu.memory_space<vmem>>, vector<16xi32>,
      tpu.vector_store %arg9[%swap3A_103], %broadcast_in_dim3A_1 {strides = array<i32>} : memref<32768xi32, #tpu.memory_space<vmem>>, vector<16xi32>,
      %mul3A_105 = arith.constant 16 : i32
      %mul3A_106 = arith.muli %scan3A_100, %mul3A_105 : i32
      %swap3A_107 = arith.index_cast %mul3A_106 : i32 to index
      %swap3A_108 = tpu.vector_load %arg10[%swap3A_107] {strides = array<i32>} : memref<32768xi32, #tpu.memory_space<vmem>>, vector<16xi32>,
      tpu.vector_store %arg10[%swap3A_107], %broadcast_in_dim3A_1 {strides = array<i32>} : memref<32768xi32, #tpu.memory_space<vmem>>, vector<16xi32>,
      %mul3A_109 = arith.constant 16 : i32
      %mul3A_110 = arith.muli %scan3A_100, %mul3A_109 : i32
      %swap3A_111 = arith.index_cast %mul3A_110 : i32 to index
      %swap3A_112 = tpu.vector_load %arg11[%swap3A_111] {strides = array<i32>} : memref<32768xi32, #tpu.memory_space<vmem>>, vector<16xi32>,
      tpu.vector_store %arg11[%swap3A_111], %broadcast_in_dim3A_1 {strides = array<i32>} : memref<32768xi32, #tpu.memory_space<vmem>>, vector<16xi32>,
      %scan3A_113 = arith.constant 0 : i32
      %scan3A_114 = arith.constant 6 : i32
      %scan3A_115 = arith.addi %scan3A_25, %scan3A_114 : i32
      %mul3A_116 = arith.constant 16 : i32
      %mul3A_117 = arith.muli %scan3A_115, %mul3A_116 : i32
      %swap3A_118 = arith.index_cast %mul3A_117 : i32 to index
      %swap3A_119 = tpu.vector_load %arg9[%swap3A_118] {strides = array<i32>} : memref<32768xi32, #tpu.memory_space<vmem>>, vector<16xi32>,
      tpu.vector_store %arg9[%swap3A_118], %broadcast_in_dim3A_1 {strides = array<i32>} : memref<32768xi32, #tpu.memory_space<vmem>>, vector<16xi32>,
      %mul3A_120 = arith.constant 16 : i32
      %mul3A_121 = arith.muli %scan3A_115, %mul3A_120 : i32
      %swap3A_122 = arith.index_cast %mul3A_121 : i32 to index
      %swap3A_123 = tpu.vector_load %arg10[%swap3A_122] {strides = array<i32>} : memref<32768xi32, #tpu.memory_space<vmem>>, vector<16xi32>,
      tpu.vector_store %arg10[%swap3A_122], %broadcast_in_dim3A_1 {strides = array<i32>} : memref<32768xi32, #tpu.memory_space<vmem>>, vector<16xi32>,
      %mul3A_124 = arith.constant 16 : i32
      %mul3A_125 = arith.muli %scan3A_115, %mul3A_124 : i32
      %swap3A_126 = arith.index_cast %mul3A_125 : i32 to index
      %swap3A_127 = tpu.vector_load %arg11[%swap3A_126] {strides = array<i32>} : memref<32768xi32, #tpu.memory_space<vmem>>, vector<16xi32>,
      tpu.vector_store %arg11[%swap3A_126], %broadcast_in_dim3A_1 {strides = array<i32>} : memref<32768xi32, #tpu.memory_space<vmem>>, vector<16xi32>,
      %scan3A_128 = arith.constant 0 : i32
      %scan3A_129 = arith.constant 7 : i32
      %scan3A_130 = arith.addi %scan3A_25, %scan3A_129 : i32
      %mul3A_131 = arith.constant 16 : i32
      %mul3A_132 = arith.muli %scan3A_130, %mul3A_131 : i32
      %swap3A_133 = arith.index_cast %mul3A_132 : i32 to index
      %swap3A_134 = tpu.vector_load %arg9[%swap3A_133] {strides = array<i32>} : memref<32768xi32, #tpu.memory_space<vmem>>, vector<16xi32>,
      tpu.vector_store %arg9[%swap3A_133], %broadcast_in_dim3A_1 {strides = array<i32>} : memref<32768xi32, #tpu.memory_space<vmem>>, vector<16xi32>,
      %mul3A_135 = arith.constant 16 : i32
      %mul3A_136 = arith.muli %scan3A_130, %mul3A_135 : i32
      %swap3A_137 = arith.index_cast %mul3A_136 : i32 to index
      %swap3A_138 = tpu.vector_load %arg10[%swap3A_137] {strides = array<i32>} : memref<32768xi32, #tpu.memory_space<vmem>>, vector<16xi32>,
      tpu.vector_store %arg10[%swap3A_137], %broadcast_in_dim3A_1 {strides = array<i32>} : memref<32768xi32, #tpu.memory_space<vmem>>, vector<16xi32>,
      %mul3A_139 = arith.constant 16 : i32
      %mul3A_140 = arith.muli %scan3A_130, %mul3A_139 : i32
      %swap3A_141 = arith.index_cast %mul3A_140 : i32 to index
      %swap3A_142 = tpu.vector_load %arg11[%swap3A_141] {strides = array<i32>} : memref<32768xi32, #tpu.memory_space<vmem>>, vector<16xi32>,
      tpu.vector_store %arg11[%swap3A_141], %broadcast_in_dim3A_1 {strides = array<i32>} : memref<32768xi32, #tpu.memory_space<vmem>>, vector<16xi32>,
      %scan3A_143 = arith.constant 0 : i32
      scf.yield %scan3A_143 : i32
    }
    %scan3A_7 = arith.constant 2048 : i32
    %broadcast_in_dim3A_8 = arith.constant 1 : i32
    %broadcast_in_dim3A_9 = vector.broadcast %broadcast_in_dim3A_8 : i32 to vector<16xi32>
    %mul3A_10 = arith.constant 16384 : i32
    %mul3A_11 = arith.muli %add3A, %mul3A_10 : i32
    %scan3A_12 = arith.constant 0 : i32
    %scan3A_13 = arith.constant 0 : i32
    %scan3A_14 = arith.constant 8 : i32
    %scan3A_15 = arith.addi %scan3A_13, %scan3A_14 : i32
    %scan3A_16 = arith.constant 1 : i32
    %scan3A_17 = scf.for %scan3A_25 = %scan3A_13 to %scan3A_15 step %scan3A_16 iter_args(%scan3A_26 = %scan3A_12) -> (i32)  : i32 {
      %mul3A_27 = arith.constant 2048 : i32
      %mul3A_28 = arith.muli %scan3A_25, %mul3A_27 : i32
      %add3A_29 = arith.addi %mul3A_11, %mul3A_28 : i32
      "tpu.region"() ({
        %run_scoped3A = tpu.sem_alloc : memref<!tpu.dma_semaphore, #tpu.memory_space<semaphore_mem>>
        %dma_start3A = tpu.memref_slice %arg2[%add3A_29] : memref<524288xf32, #tpu.memory_space<hbm>> -> memref<2048xf32, #tpu.memory_space<hbm>>
        %dma_start3A_38 = tpu.memref_slice %arg2[%add3A_29] : memref<524288xf32, #tpu.memory_space<hbm>> -> memref<2048xf32, #tpu.memory_space<hbm>>
        tpu.enqueue_dma source(%dma_start3A_38 : memref<2048xf32, #tpu.memory_space<hbm>>) target(%arg6 : memref<2048xf32, #tpu.memory_space<vmem>>) target_semaphore(%run_scoped3A : memref<!tpu.dma_semaphore, #tpu.memory_space<semaphore_mem>>)
        %dma_wait3A = tpu.memref_slice %arg2[%add3A_29] : memref<524288xf32, #tpu.memory_space<hbm>> -> memref<2048xf32, #tpu.memory_space<hbm>>
        %dma_wait3A_39 = tpu.memref_slice %arg2[%add3A_29] : memref<524288xf32, #tpu.memory_space<hbm>> -> memref<2048xf32, #tpu.memory_space<hbm>>
        tpu.wait_dma2 semaphore(%run_scoped3A : memref<!tpu.dma_semaphore, #tpu.memory_space<semaphore_mem>>) src(%dma_wait3A_39 : memref<2048xf32, #tpu.memory_space<hbm>>) dst(%arg6 : memref<2048xf32, #tpu.memory_space<vmem>>)
        tpu.yield
      }) : () -> ()
      "tpu.region"() ({
        %run_scoped3A = tpu.sem_alloc : memref<!tpu.dma_semaphore, #tpu.memory_space<semaphore_mem>>
        %dma_start3A = tpu.memref_slice %arg3[%add3A_29] : memref<524288xf32, #tpu.memory_space<hbm>> -> memref<2048xf32, #tpu.memory_space<hbm>>
        %dma_start3A_38 = tpu.memref_slice %arg3[%add3A_29] : memref<524288xf32, #tpu.memory_space<hbm>> -> memref<2048xf32, #tpu.memory_space<hbm>>
        tpu.enqueue_dma source(%dma_start3A_38 : memref<2048xf32, #tpu.memory_space<hbm>>) target(%arg7 : memref<2048xf32, #tpu.memory_space<vmem>>) target_semaphore(%run_scoped3A : memref<!tpu.dma_semaphore, #tpu.memory_space<semaphore_mem>>)
        %dma_wait3A = tpu.memref_slice %arg3[%add3A_29] : memref<524288xf32, #tpu.memory_space<hbm>> -> memref<2048xf32, #tpu.memory_space<hbm>>
        %dma_wait3A_39 = tpu.memref_slice %arg3[%add3A_29] : memref<524288xf32, #tpu.memory_space<hbm>> -> memref<2048xf32, #tpu.memory_space<hbm>>
        tpu.wait_dma2 semaphore(%run_scoped3A : memref<!tpu.dma_semaphore, #tpu.memory_space<semaphore_mem>>) src(%dma_wait3A_39 : memref<2048xf32, #tpu.memory_space<hbm>>) dst(%arg7 : memref<2048xf32, #tpu.memory_space<vmem>>)
        tpu.yield
      }) : () -> ()
      %scan3A_30 = arith.constant 0 : i32
      %scan3A_31 = arith.constant 0 : i32
      %scan3A_32 = arith.constant 128 : i32
      %scan3A_33 = arith.addi %scan3A_31, %scan3A_32 : i32
      %scan3A_34 = arith.constant 4 : i32
      %scan3A_35 = scf.for %scan3A_38 = %scan3A_31 to %scan3A_33 step %scan3A_34 iter_args(%scan3A_39 = %scan3A_30) -> (i32)  : i32 {
        %mul3A_40 = arith.constant 16 : i32
        %mul3A_41 = arith.muli %scan3A_38, %mul3A_40 : i32
        %get3A = arith.index_cast %mul3A_41 : i32 to index
        %get3A_42 = tpu.vector_load %arg6[%get3A] {strides = array<i32>} : memref<2048xf32, #tpu.memory_space<vmem>>, vector<16xf32>,
        %mul3A_43 = arith.constant 16 : i32
        %mul3A_44 = arith.muli %scan3A_38, %mul3A_43 : i32
        %get3A_45 = arith.index_cast %mul3A_44 : i32 to index
        %get3A_46 = tpu.vector_load %arg7[%get3A_45] {strides = array<i32>} : memref<2048xf32, #tpu.memory_space<vmem>>, vector<16xf32>,
        %sub3A = arith.subf %get3A_42, %get3A_46 : vector<16xf32>
        %mul3A_47 = arith.constant 16 : i32
        %mul3A_48 = arith.muli %scan3A_38, %mul3A_47 : i32
        %swap3A = arith.index_cast %mul3A_48 : i32 to index
        %swap3A_49 = tpu.vector_load %arg8[%swap3A] {strides = array<i32>} : memref<2048xf32, #tpu.memory_space<vmem>>, vector<16xf32>,
        tpu.vector_store %arg8[%swap3A], %sub3A {strides = array<i32>} : memref<2048xf32, #tpu.memory_space<vmem>>, vector<16xf32>,
        %bitcast_convert_type3A = tpu.bitcast %get3A_46 : vector<16xf32> -> vector<16xi32>
        %lt3A = arith.constant 0 : i32
        %lt3A_50 = vector.broadcast %lt3A : i32 to vector<16xi32>
        %lt3A_51 = arith.cmpi slt, %bitcast_convert_type3A, %lt3A_50 : vector<16xi32>
        %not3A = arith.constant dense<-1> : vector<16xi32>
        %not3A_52 = arith.xori %bitcast_convert_type3A, %not3A : vector<16xi32>
        %xor3A = arith.constant -2147483648 : i32
        %xor3A_53 = vector.broadcast %xor3A : i32 to vector<16xi32>
        %xor3A_54 = arith.xori %bitcast_convert_type3A, %xor3A_53 : vector<16xi32>
        %select_n3A = arith.select %lt3A_51, %not3A_52, %xor3A_54 : vector<16xi1>, vector<16xi32>
        %shift_right_logical3A = arith.constant 17 : i32
        %shift_right_logical3A_55 = vector.broadcast %shift_right_logical3A : i32 to vector<16xi32>
        %shift_right_logical3A_56 = arith.shrui %select_n3A, %shift_right_logical3A_55 : vector<16xi32>
        tpu.vector_store_idx %arg9[%shift_right_logical3A_56], %broadcast_in_dim3A_9 {add = true} : memref<32768xi32, #tpu.memory_space<vmem>>[vector<16xi32>], vector<16xi32>,
        %bitcast_convert_type3A_57 = tpu.bitcast %sub3A : vector<16xf32> -> vector<16xi32>
        %lt3A_58 = arith.constant 0 : i32
        %lt3A_59 = vector.broadcast %lt3A_58 : i32 to vector<16xi32>
        %lt3A_60 = arith.cmpi slt, %bitcast_convert_type3A_57, %lt3A_59 : vector<16xi32>
        %not3A_61 = arith.constant dense<-1> : vector<16xi32>
        %not3A_62 = arith.xori %bitcast_convert_type3A_57, %not3A_61 : vector<16xi32>
        %xor3A_63 = arith.constant -2147483648 : i32
        %xor3A_64 = vector.broadcast %xor3A_63 : i32 to vector<16xi32>
        %xor3A_65 = arith.xori %bitcast_convert_type3A_57, %xor3A_64 : vector<16xi32>
        %select_n3A_66 = arith.select %lt3A_60, %not3A_62, %xor3A_65 : vector<16xi1>, vector<16xi32>
        %shift_right_logical3A_67 = arith.constant 17 : i32
        %shift_right_logical3A_68 = vector.broadcast %shift_right_logical3A_67 : i32 to vector<16xi32>
        %shift_right_logical3A_69 = arith.shrui %select_n3A_66, %shift_right_logical3A_68 : vector<16xi32>
        tpu.vector_store_idx %arg10[%shift_right_logical3A_69], %broadcast_in_dim3A_9 {add = true} : memref<32768xi32, #tpu.memory_space<vmem>>[vector<16xi32>], vector<16xi32>,
        %bitcast_convert_type3A_70 = tpu.bitcast %get3A_42 : vector<16xf32> -> vector<16xi32>
        %lt3A_71 = arith.constant 0 : i32
        %lt3A_72 = vector.broadcast %lt3A_71 : i32 to vector<16xi32>
        %lt3A_73 = arith.cmpi slt, %bitcast_convert_type3A_70, %lt3A_72 : vector<16xi32>
        %not3A_74 = arith.constant dense<-1> : vector<16xi32>
        %not3A_75 = arith.xori %bitcast_convert_type3A_70, %not3A_74 : vector<16xi32>
        %xor3A_76 = arith.constant -2147483648 : i32
        %xor3A_77 = vector.broadcast %xor3A_76 : i32 to vector<16xi32>
        %xor3A_78 = arith.xori %bitcast_convert_type3A_70, %xor3A_77 : vector<16xi32>
        %select_n3A_79 = arith.select %lt3A_73, %not3A_75, %xor3A_78 : vector<16xi1>, vector<16xi32>
        %shift_right_logical3A_80 = arith.constant 17 : i32
        %shift_right_logical3A_81 = vector.broadcast %shift_right_logical3A_80 : i32 to vector<16xi32>
        %shift_right_logical3A_82 = arith.shrui %select_n3A_79, %shift_right_logical3A_81 : vector<16xi32>
        tpu.vector_store_idx %arg11[%shift_right_logical3A_82], %broadcast_in_dim3A_9 {add = true} : memref<32768xi32, #tpu.memory_space<vmem>>[vector<16xi32>], vector<16xi32>,
        %scan3A_83 = arith.constant 0 : i32
        %scan3A_84 = arith.constant 1 : i32
        %scan3A_85 = arith.addi %scan3A_38, %scan3A_84 : i32
        %mul3A_86 = arith.constant 16 : i32
        %mul3A_87 = arith.muli %scan3A_85, %mul3A_86 : i32
        %get3A_88 = arith.index_cast %mul3A_87 : i32 to index
        %get3A_89 = tpu.vector_load %arg6[%get3A_88] {strides = array<i32>} : memref<2048xf32, #tpu.memory_space<vmem>>, vector<16xf32>,
        %mul3A_90 = arith.constant 16 : i32
        %mul3A_91 = arith.muli %scan3A_85, %mul3A_90 : i32
        %get3A_92 = arith.index_cast %mul3A_91 : i32 to index
        %get3A_93 = tpu.vector_load %arg7[%get3A_92] {strides = array<i32>} : memref<2048xf32, #tpu.memory_space<vmem>>, vector<16xf32>,
        %sub3A_94 = arith.subf %get3A_89, %get3A_93 : vector<16xf32>
        %mul3A_95 = arith.constant 16 : i32
        %mul3A_96 = arith.muli %scan3A_85, %mul3A_95 : i32
        %swap3A_97 = arith.index_cast %mul3A_96 : i32 to index
        %swap3A_98 = tpu.vector_load %arg8[%swap3A_97] {strides = array<i32>} : memref<2048xf32, #tpu.memory_space<vmem>>, vector<16xf32>,
        tpu.vector_store %arg8[%swap3A_97], %sub3A_94 {strides = array<i32>} : memref<2048xf32, #tpu.memory_space<vmem>>, vector<16xf32>,
        %bitcast_convert_type3A_99 = tpu.bitcast %get3A_93 : vector<16xf32> -> vector<16xi32>
        %lt3A_100 = arith.constant 0 : i32
        %lt3A_101 = vector.broadcast %lt3A_100 : i32 to vector<16xi32>
        %lt3A_102 = arith.cmpi slt, %bitcast_convert_type3A_99, %lt3A_101 : vector<16xi32>
        %not3A_103 = arith.constant dense<-1> : vector<16xi32>
        %not3A_104 = arith.xori %bitcast_convert_type3A_99, %not3A_103 : vector<16xi32>
        %xor3A_105 = arith.constant -2147483648 : i32
        %xor3A_106 = vector.broadcast %xor3A_105 : i32 to vector<16xi32>
        %xor3A_107 = arith.xori %bitcast_convert_type3A_99, %xor3A_106 : vector<16xi32>
        %select_n3A_108 = arith.select %lt3A_102, %not3A_104, %xor3A_107 : vector<16xi1>, vector<16xi32>
        %shift_right_logical3A_109 = arith.constant 17 : i32
        %shift_right_logical3A_110 = vector.broadcast %shift_right_logical3A_109 : i32 to vector<16xi32>
        %shift_right_logical3A_111 = arith.shrui %select_n3A_108, %shift_right_logical3A_110 : vector<16xi32>
        tpu.vector_store_idx %arg9[%shift_right_logical3A_111], %broadcast_in_dim3A_9 {add = true} : memref<32768xi32, #tpu.memory_space<vmem>>[vector<16xi32>], vector<16xi32>,
        %bitcast_convert_type3A_112 = tpu.bitcast %sub3A_94 : vector<16xf32> -> vector<16xi32>
        %lt3A_113 = arith.constant 0 : i32
        %lt3A_114 = vector.broadcast %lt3A_113 : i32 to vector<16xi32>
        %lt3A_115 = arith.cmpi slt, %bitcast_convert_type3A_112, %lt3A_114 : vector<16xi32>
        %not3A_116 = arith.constant dense<-1> : vector<16xi32>
        %not3A_117 = arith.xori %bitcast_convert_type3A_112, %not3A_116 : vector<16xi32>
        %xor3A_118 = arith.constant -2147483648 : i32
        %xor3A_119 = vector.broadcast %xor3A_118 : i32 to vector<16xi32>
        %xor3A_120 = arith.xori %bitcast_convert_type3A_112, %xor3A_119 : vector<16xi32>
        %select_n3A_121 = arith.select %lt3A_115, %not3A_117, %xor3A_120 : vector<16xi1>, vector<16xi32>
        %shift_right_logical3A_122 = arith.constant 17 : i32
        %shift_right_logical3A_123 = vector.broadcast %shift_right_logical3A_122 : i32 to vector<16xi32>
        %shift_right_logical3A_124 = arith.shrui %select_n3A_121, %shift_right_logical3A_123 : vector<16xi32>
        tpu.vector_store_idx %arg10[%shift_right_logical3A_124], %broadcast_in_dim3A_9 {add = true} : memref<32768xi32, #tpu.memory_space<vmem>>[vector<16xi32>], vector<16xi32>,
        %bitcast_convert_type3A_125 = tpu.bitcast %get3A_89 : vector<16xf32> -> vector<16xi32>
        %lt3A_126 = arith.constant 0 : i32
        %lt3A_127 = vector.broadcast %lt3A_126 : i32 to vector<16xi32>
        %lt3A_128 = arith.cmpi slt, %bitcast_convert_type3A_125, %lt3A_127 : vector<16xi32>
        %not3A_129 = arith.constant dense<-1> : vector<16xi32>
        %not3A_130 = arith.xori %bitcast_convert_type3A_125, %not3A_129 : vector<16xi32>
        %xor3A_131 = arith.constant -2147483648 : i32
        %xor3A_132 = vector.broadcast %xor3A_131 : i32 to vector<16xi32>
        %xor3A_133 = arith.xori %bitcast_convert_type3A_125, %xor3A_132 : vector<16xi32>
        %select_n3A_134 = arith.select %lt3A_128, %not3A_130, %xor3A_133 : vector<16xi1>, vector<16xi32>
        %shift_right_logical3A_135 = arith.constant 17 : i32
        %shift_right_logical3A_136 = vector.broadcast %shift_right_logical3A_135 : i32 to vector<16xi32>
        %shift_right_logical3A_137 = arith.shrui %select_n3A_134, %shift_right_logical3A_136 : vector<16xi32>
        tpu.vector_store_idx %arg11[%shift_right_logical3A_137], %broadcast_in_dim3A_9 {add = true} : memref<32768xi32, #tpu.memory_space<vmem>>[vector<16xi32>], vector<16xi32>,
        %scan3A_138 = arith.constant 0 : i32
        %scan3A_139 = arith.constant 2 : i32
        %scan3A_140 = arith.addi %scan3A_38, %scan3A_139 : i32
        %mul3A_141 = arith.constant 16 : i32
        %mul3A_142 = arith.muli %scan3A_140, %mul3A_141 : i32
        %get3A_143 = arith.index_cast %mul3A_142 : i32 to index
        %get3A_144 = tpu.vector_load %arg6[%get3A_143] {strides = array<i32>} : memref<2048xf32, #tpu.memory_space<vmem>>, vector<16xf32>,
        %mul3A_145 = arith.constant 16 : i32
        %mul3A_146 = arith.muli %scan3A_140, %mul3A_145 : i32
        %get3A_147 = arith.index_cast %mul3A_146 : i32 to index
        %get3A_148 = tpu.vector_load %arg7[%get3A_147] {strides = array<i32>} : memref<2048xf32, #tpu.memory_space<vmem>>, vector<16xf32>,
        %sub3A_149 = arith.subf %get3A_144, %get3A_148 : vector<16xf32>
        %mul3A_150 = arith.constant 16 : i32
        %mul3A_151 = arith.muli %scan3A_140, %mul3A_150 : i32
        %swap3A_152 = arith.index_cast %mul3A_151 : i32 to index
        %swap3A_153 = tpu.vector_load %arg8[%swap3A_152] {strides = array<i32>} : memref<2048xf32, #tpu.memory_space<vmem>>, vector<16xf32>,
        tpu.vector_store %arg8[%swap3A_152], %sub3A_149 {strides = array<i32>} : memref<2048xf32, #tpu.memory_space<vmem>>, vector<16xf32>,
        %bitcast_convert_type3A_154 = tpu.bitcast %get3A_148 : vector<16xf32> -> vector<16xi32>
        %lt3A_155 = arith.constant 0 : i32
        %lt3A_156 = vector.broadcast %lt3A_155 : i32 to vector<16xi32>
        %lt3A_157 = arith.cmpi slt, %bitcast_convert_type3A_154, %lt3A_156 : vector<16xi32>
        %not3A_158 = arith.constant dense<-1> : vector<16xi32>
        %not3A_159 = arith.xori %bitcast_convert_type3A_154, %not3A_158 : vector<16xi32>
        %xor3A_160 = arith.constant -2147483648 : i32
        %xor3A_161 = vector.broadcast %xor3A_160 : i32 to vector<16xi32>
        %xor3A_162 = arith.xori %bitcast_convert_type3A_154, %xor3A_161 : vector<16xi32>
        %select_n3A_163 = arith.select %lt3A_157, %not3A_159, %xor3A_162 : vector<16xi1>, vector<16xi32>
        %shift_right_logical3A_164 = arith.constant 17 : i32
        %shift_right_logical3A_165 = vector.broadcast %shift_right_logical3A_164 : i32 to vector<16xi32>
        %shift_right_logical3A_166 = arith.shrui %select_n3A_163, %shift_right_logical3A_165 : vector<16xi32>
        tpu.vector_store_idx %arg9[%shift_right_logical3A_166], %broadcast_in_dim3A_9 {add = true} : memref<32768xi32, #tpu.memory_space<vmem>>[vector<16xi32>], vector<16xi32>,
        %bitcast_convert_type3A_167 = tpu.bitcast %sub3A_149 : vector<16xf32> -> vector<16xi32>
        %lt3A_168 = arith.constant 0 : i32
        %lt3A_169 = vector.broadcast %lt3A_168 : i32 to vector<16xi32>
        %lt3A_170 = arith.cmpi slt, %bitcast_convert_type3A_167, %lt3A_169 : vector<16xi32>
        %not3A_171 = arith.constant dense<-1> : vector<16xi32>
        %not3A_172 = arith.xori %bitcast_convert_type3A_167, %not3A_171 : vector<16xi32>
        %xor3A_173 = arith.constant -2147483648 : i32
        %xor3A_174 = vector.broadcast %xor3A_173 : i32 to vector<16xi32>
        %xor3A_175 = arith.xori %bitcast_convert_type3A_167, %xor3A_174 : vector<16xi32>
        %select_n3A_176 = arith.select %lt3A_170, %not3A_172, %xor3A_175 : vector<16xi1>, vector<16xi32>
        %shift_right_logical3A_177 = arith.constant 17 : i32
        %shift_right_logical3A_178 = vector.broadcast %shift_right_logical3A_177 : i32 to vector<16xi32>
        %shift_right_logical3A_179 = arith.shrui %select_n3A_176, %shift_right_logical3A_178 : vector<16xi32>
        tpu.vector_store_idx %arg10[%shift_right_logical3A_179], %broadcast_in_dim3A_9 {add = true} : memref<32768xi32, #tpu.memory_space<vmem>>[vector<16xi32>], vector<16xi32>,
        %bitcast_convert_type3A_180 = tpu.bitcast %get3A_144 : vector<16xf32> -> vector<16xi32>
        %lt3A_181 = arith.constant 0 : i32
        %lt3A_182 = vector.broadcast %lt3A_181 : i32 to vector<16xi32>
        %lt3A_183 = arith.cmpi slt, %bitcast_convert_type3A_180, %lt3A_182 : vector<16xi32>
        %not3A_184 = arith.constant dense<-1> : vector<16xi32>
        %not3A_185 = arith.xori %bitcast_convert_type3A_180, %not3A_184 : vector<16xi32>
        %xor3A_186 = arith.constant -2147483648 : i32
        %xor3A_187 = vector.broadcast %xor3A_186 : i32 to vector<16xi32>
        %xor3A_188 = arith.xori %bitcast_convert_type3A_180, %xor3A_187 : vector<16xi32>
        %select_n3A_189 = arith.select %lt3A_183, %not3A_185, %xor3A_188 : vector<16xi1>, vector<16xi32>
        %shift_right_logical3A_190 = arith.constant 17 : i32
        %shift_right_logical3A_191 = vector.broadcast %shift_right_logical3A_190 : i32 to vector<16xi32>
        %shift_right_logical3A_192 = arith.shrui %select_n3A_189, %shift_right_logical3A_191 : vector<16xi32>
        tpu.vector_store_idx %arg11[%shift_right_logical3A_192], %broadcast_in_dim3A_9 {add = true} : memref<32768xi32, #tpu.memory_space<vmem>>[vector<16xi32>], vector<16xi32>,
        %scan3A_193 = arith.constant 0 : i32
        %scan3A_194 = arith.constant 3 : i32
        %scan3A_195 = arith.addi %scan3A_38, %scan3A_194 : i32
        %mul3A_196 = arith.constant 16 : i32
        %mul3A_197 = arith.muli %scan3A_195, %mul3A_196 : i32
        %get3A_198 = arith.index_cast %mul3A_197 : i32 to index
        %get3A_199 = tpu.vector_load %arg6[%get3A_198] {strides = array<i32>} : memref<2048xf32, #tpu.memory_space<vmem>>, vector<16xf32>,
        %mul3A_200 = arith.constant 16 : i32
        %mul3A_201 = arith.muli %scan3A_195, %mul3A_200 : i32
        %get3A_202 = arith.index_cast %mul3A_201 : i32 to index
        %get3A_203 = tpu.vector_load %arg7[%get3A_202] {strides = array<i32>} : memref<2048xf32, #tpu.memory_space<vmem>>, vector<16xf32>,
        %sub3A_204 = arith.subf %get3A_199, %get3A_203 : vector<16xf32>
        %mul3A_205 = arith.constant 16 : i32
        %mul3A_206 = arith.muli %scan3A_195, %mul3A_205 : i32
        %swap3A_207 = arith.index_cast %mul3A_206 : i32 to index
        %swap3A_208 = tpu.vector_load %arg8[%swap3A_207] {strides = array<i32>} : memref<2048xf32, #tpu.memory_space<vmem>>, vector<16xf32>,
        tpu.vector_store %arg8[%swap3A_207], %sub3A_204 {strides = array<i32>} : memref<2048xf32, #tpu.memory_space<vmem>>, vector<16xf32>,
        %bitcast_convert_type3A_209 = tpu.bitcast %get3A_203 : vector<16xf32> -> vector<16xi32>
        %lt3A_210 = arith.constant 0 : i32
        %lt3A_211 = vector.broadcast %lt3A_210 : i32 to vector<16xi32>
        %lt3A_212 = arith.cmpi slt, %bitcast_convert_type3A_209, %lt3A_211 : vector<16xi32>
        %not3A_213 = arith.constant dense<-1> : vector<16xi32>
        %not3A_214 = arith.xori %bitcast_convert_type3A_209, %not3A_213 : vector<16xi32>
        %xor3A_215 = arith.constant -2147483648 : i32
        %xor3A_216 = vector.broadcast %xor3A_215 : i32 to vector<16xi32>
        %xor3A_217 = arith.xori %bitcast_convert_type3A_209, %xor3A_216 : vector<16xi32>
        %select_n3A_218 = arith.select %lt3A_212, %not3A_214, %xor3A_217 : vector<16xi1>, vector<16xi32>
        %shift_right_logical3A_219 = arith.constant 17 : i32
        %shift_right_logical3A_220 = vector.broadcast %shift_right_logical3A_219 : i32 to vector<16xi32>
        %shift_right_logical3A_221 = arith.shrui %select_n3A_218, %shift_right_logical3A_220 : vector<16xi32>
        tpu.vector_store_idx %arg9[%shift_right_logical3A_221], %broadcast_in_dim3A_9 {add = true} : memref<32768xi32, #tpu.memory_space<vmem>>[vector<16xi32>], vector<16xi32>,
        %bitcast_convert_type3A_222 = tpu.bitcast %sub3A_204 : vector<16xf32> -> vector<16xi32>
        %lt3A_223 = arith.constant 0 : i32
        %lt3A_224 = vector.broadcast %lt3A_223 : i32 to vector<16xi32>
        %lt3A_225 = arith.cmpi slt, %bitcast_convert_type3A_222, %lt3A_224 : vector<16xi32>
        %not3A_226 = arith.constant dense<-1> : vector<16xi32>
        %not3A_227 = arith.xori %bitcast_convert_type3A_222, %not3A_226 : vector<16xi32>
        %xor3A_228 = arith.constant -2147483648 : i32
        %xor3A_229 = vector.broadcast %xor3A_228 : i32 to vector<16xi32>
        %xor3A_230 = arith.xori %bitcast_convert_type3A_222, %xor3A_229 : vector<16xi32>
        %select_n3A_231 = arith.select %lt3A_225, %not3A_227, %xor3A_230 : vector<16xi1>, vector<16xi32>
        %shift_right_logical3A_232 = arith.constant 17 : i32
        %shift_right_logical3A_233 = vector.broadcast %shift_right_logical3A_232 : i32 to vector<16xi32>
        %shift_right_logical3A_234 = arith.shrui %select_n3A_231, %shift_right_logical3A_233 : vector<16xi32>
        tpu.vector_store_idx %arg10[%shift_right_logical3A_234], %broadcast_in_dim3A_9 {add = true} : memref<32768xi32, #tpu.memory_space<vmem>>[vector<16xi32>], vector<16xi32>,
        %bitcast_convert_type3A_235 = tpu.bitcast %get3A_199 : vector<16xf32> -> vector<16xi32>
        %lt3A_236 = arith.constant 0 : i32
        %lt3A_237 = vector.broadcast %lt3A_236 : i32 to vector<16xi32>
        %lt3A_238 = arith.cmpi slt, %bitcast_convert_type3A_235, %lt3A_237 : vector<16xi32>
        %not3A_239 = arith.constant dense<-1> : vector<16xi32>
        %not3A_240 = arith.xori %bitcast_convert_type3A_235, %not3A_239 : vector<16xi32>
        %xor3A_241 = arith.constant -2147483648 : i32
        %xor3A_242 = vector.broadcast %xor3A_241 : i32 to vector<16xi32>
        %xor3A_243 = arith.xori %bitcast_convert_type3A_235, %xor3A_242 : vector<16xi32>
        %select_n3A_244 = arith.select %lt3A_238, %not3A_240, %xor3A_243 : vector<16xi1>, vector<16xi32>
        %shift_right_logical3A_245 = arith.constant 17 : i32
        %shift_right_logical3A_246 = vector.broadcast %shift_right_logical3A_245 : i32 to vector<16xi32>
        %shift_right_logical3A_247 = arith.shrui %select_n3A_244, %shift_right_logical3A_246 : vector<16xi32>
        tpu.vector_store_idx %arg11[%shift_right_logical3A_247], %broadcast_in_dim3A_9 {add = true} : memref<32768xi32, #tpu.memory_space<vmem>>[vector<16xi32>], vector<16xi32>,
        %scan3A_248 = arith.constant 0 : i32
        scf.yield %scan3A_248 : i32
      }
      %scan3A_36 = arith.constant 128 : i32
      "tpu.region"() ({
        %run_scoped3A = tpu.sem_alloc : memref<!tpu.dma_semaphore, #tpu.memory_space<semaphore_mem>>
        %dma_start3A = tpu.memref_slice %arg4[%add3A_29] : memref<524288xf32, #tpu.memory_space<hbm>> -> memref<2048xf32, #tpu.memory_space<hbm>>
        %dma_start3A_38 = tpu.memref_slice %arg4[%add3A_29] : memref<524288xf32, #tpu.memory_space<hbm>> -> memref<2048xf32, #tpu.memory_space<hbm>>
        tpu.enqueue_dma source(%arg8 : memref<2048xf32, #tpu.memory_space<vmem>>) target(%dma_start3A_38 : memref<2048xf32, #tpu.memory_space<hbm>>) target_semaphore(%run_scoped3A : memref<!tpu.dma_semaphore, #tpu.memory_space<semaphore_mem>>)
        %dma_wait3A = tpu.memref_slice %arg4[%add3A_29] : memref<524288xf32, #tpu.memory_space<hbm>> -> memref<2048xf32, #tpu.memory_space<hbm>>
        %dma_wait3A_39 = tpu.memref_slice %arg4[%add3A_29] : memref<524288xf32, #tpu.memory_space<hbm>> -> memref<2048xf32, #tpu.memory_space<hbm>>
        tpu.wait_dma2 semaphore(%run_scoped3A : memref<!tpu.dma_semaphore, #tpu.memory_space<semaphore_mem>>) src(%arg8 : memref<2048xf32, #tpu.memory_space<vmem>>) dst(%dma_wait3A_39 : memref<2048xf32, #tpu.memory_space<hbm>>)
        tpu.yield
      }) : () -> ()
      %scan3A_37 = arith.constant 0 : i32
      scf.yield %scan3A_37 : i32
    }
    %scan3A_18 = arith.constant 8 : i32
    %mul3A_19 = arith.constant 98304 : i32
    %mul3A_20 = arith.muli %add3A, %mul3A_19 : i32
    "tpu.region"() ({
      %run_scoped3A = tpu.sem_alloc : memref<!tpu.dma_semaphore, #tpu.memory_space<semaphore_mem>>
      %dma_start3A = tpu.memref_slice %arg5[%mul3A_20] : memref<3145728xi32, #tpu.memory_space<hbm>> -> memref<32768xi32, #tpu.memory_space<hbm>>
      %dma_start3A_25 = tpu.memref_slice %arg5[%mul3A_20] : memref<3145728xi32, #tpu.memory_space<hbm>> -> memref<32768xi32, #tpu.memory_space<hbm>>
      tpu.enqueue_dma source(%arg9 : memref<32768xi32, #tpu.memory_space<vmem>>) target(%dma_start3A_25 : memref<32768xi32, #tpu.memory_space<hbm>>) target_semaphore(%run_scoped3A : memref<!tpu.dma_semaphore, #tpu.memory_space<semaphore_mem>>)
      %dma_wait3A = tpu.memref_slice %arg5[%mul3A_20] : memref<3145728xi32, #tpu.memory_space<hbm>> -> memref<32768xi32, #tpu.memory_space<hbm>>
      %dma_wait3A_26 = tpu.memref_slice %arg5[%mul3A_20] : memref<3145728xi32, #tpu.memory_space<hbm>> -> memref<32768xi32, #tpu.memory_space<hbm>>
      tpu.wait_dma2 semaphore(%run_scoped3A : memref<!tpu.dma_semaphore, #tpu.memory_space<semaphore_mem>>) src(%arg9 : memref<32768xi32, #tpu.memory_space<vmem>>) dst(%dma_wait3A_26 : memref<32768xi32, #tpu.memory_space<hbm>>)
      tpu.yield
    }) : () -> ()
    %add3A_21 = arith.constant 32768 : i32
    %add3A_22 = arith.addi %mul3A_20, %add3A_21 : i32
    "tpu.region"() ({
      %run_scoped3A = tpu.sem_alloc : memref<!tpu.dma_semaphore, #tpu.memory_space<semaphore_mem>>
      %dma_start3A = tpu.memref_slice %arg5[%add3A_22] : memref<3145728xi32, #tpu.memory_space<hbm>> -> memref<32768xi32, #tpu.memory_space<hbm>>
      %dma_start3A_25 = tpu.memref_slice %arg5[%add3A_22] : memref<3145728xi32, #tpu.memory_space<hbm>> -> memref<32768xi32, #tpu.memory_space<hbm>>
      tpu.enqueue_dma source(%arg10 : memref<32768xi32, #tpu.memory_space<vmem>>) target(%dma_start3A_25 : memref<32768xi32, #tpu.memory_space<hbm>>) target_semaphore(%run_scoped3A : memref<!tpu.dma_semaphore, #tpu.memory_space<semaphore_mem>>)
      %dma_wait3A = tpu.memref_slice %arg5[%add3A_22] : memref<3145728xi32, #tpu.memory_space<hbm>> -> memref<32768xi32, #tpu.memory_space<hbm>>
      %dma_wait3A_26 = tpu.memref_slice %arg5[%add3A_22] : memref<3145728xi32, #tpu.memory_space<hbm>> -> memref<32768xi32, #tpu.memory_space<hbm>>
      tpu.wait_dma2 semaphore(%run_scoped3A : memref<!tpu.dma_semaphore, #tpu.memory_space<semaphore_mem>>) src(%arg10 : memref<32768xi32, #tpu.memory_space<vmem>>) dst(%dma_wait3A_26 : memref<32768xi32, #tpu.memory_space<hbm>>)
      tpu.yield
    }) : () -> ()
    %add3A_23 = arith.constant 65536 : i32
    %add3A_24 = arith.addi %mul3A_20, %add3A_23 : i32
    "tpu.region"() ({
      %run_scoped3A = tpu.sem_alloc : memref<!tpu.dma_semaphore, #tpu.memory_space<semaphore_mem>>
      %dma_start3A = tpu.memref_slice %arg5[%add3A_24] : memref<3145728xi32, #tpu.memory_space<hbm>> -> memref<32768xi32, #tpu.memory_space<hbm>>
      %dma_start3A_25 = tpu.memref_slice %arg5[%add3A_24] : memref<3145728xi32, #tpu.memory_space<hbm>> -> memref<32768xi32, #tpu.memory_space<hbm>>
      tpu.enqueue_dma source(%arg11 : memref<32768xi32, #tpu.memory_space<vmem>>) target(%dma_start3A_25 : memref<32768xi32, #tpu.memory_space<hbm>>) target_semaphore(%run_scoped3A : memref<!tpu.dma_semaphore, #tpu.memory_space<semaphore_mem>>)
      %dma_wait3A = tpu.memref_slice %arg5[%add3A_24] : memref<3145728xi32, #tpu.memory_space<hbm>> -> memref<32768xi32, #tpu.memory_space<hbm>>
      %dma_wait3A_26 = tpu.memref_slice %arg5[%add3A_24] : memref<3145728xi32, #tpu.memory_space<hbm>> -> memref<32768xi32, #tpu.memory_space<hbm>>
      tpu.wait_dma2 semaphore(%run_scoped3A : memref<!tpu.dma_semaphore, #tpu.memory_space<semaphore_mem>>) src(%arg11 : memref<32768xi32, #tpu.memory_space<vmem>>) dst(%dma_wait3A_26 : memref<32768xi32, #tpu.memory_space<hbm>>)
      tpu.yield
    }) : () -> ()
    return
  }
}

#map = affine_map<(d0, d1) -> (0)>
module attributes {stable_mosaic.version = 14 : i64} {
  func.func @_k3_dots(%arg0: i32, %arg1: i32, %arg2: memref<524288xf32, #tpu.memory_space<hbm>>, %arg3: memref<524288xf32, #tpu.memory_space<hbm>>, %arg4: memref<98304xf32, #tpu.memory_space<hbm>>, %arg5: memref<512xf32, #tpu.memory_space<hbm>>, %arg6: memref<512xf32, #tpu.memory_space<hbm>>, %arg7: memref<512xf32, #tpu.memory_space<hbm>>, %arg8: memref<32768xf32, #tpu.memory_space<vmem>>, %arg9: memref<32768xf32, #tpu.memory_space<vmem>>, %arg10: memref<32768xf32, #tpu.memory_space<vmem>>, %arg11: memref<2048xf32, #tpu.memory_space<vmem>>, %arg12: memref<2048xf32, #tpu.memory_space<vmem>>, %arg13: memref<16xf32, #tpu.memory_space<vmem>>) attributes {dimension_semantics = [#tpu.dimension_semantics<core_parallel>, #tpu.dimension_semantics<subcore_parallel>], iteration_bounds = array<i64: 2, 16>, scalar_prefetch = 0 : i64, scratch_operands = 6 : i64, tpu.core_type = #tpu.core_type<sc_vector_subcore>, window_params = [{transform_indices = #map}, {transform_indices = #map}, {transform_indices = #map}, {transform_indices = #map}, {transform_indices = #map}, {transform_indices = #map}]} {
    %mul3A = arith.constant 2 : i32
    %mul3A_0 = arith.muli %arg1, %mul3A : i32
    %add3A = arith.addi %mul3A_0, %arg0 : i32
    "tpu.region"() ({
      %run_scoped3A = tpu.sem_alloc : memref<!tpu.dma_semaphore, #tpu.memory_space<semaphore_mem>>
      %dma_start3A = arith.constant 0 : i32
      %dma_start3A_20 = tpu.memref_slice %arg4[%dma_start3A] : memref<98304xf32, #tpu.memory_space<hbm>> -> memref<32768xf32, #tpu.memory_space<hbm>>
      %dma_start3A_21 = arith.constant 0 : i32
      %dma_start3A_22 = tpu.memref_slice %arg4[%dma_start3A_21] : memref<98304xf32, #tpu.memory_space<hbm>> -> memref<32768xf32, #tpu.memory_space<hbm>>
      tpu.enqueue_dma source(%dma_start3A_22 : memref<32768xf32, #tpu.memory_space<hbm>>) target(%arg8 : memref<32768xf32, #tpu.memory_space<vmem>>) target_semaphore(%run_scoped3A : memref<!tpu.dma_semaphore, #tpu.memory_space<semaphore_mem>>)
      %dma_wait3A = arith.constant 0 : i32
      %dma_wait3A_23 = tpu.memref_slice %arg4[%dma_wait3A] : memref<98304xf32, #tpu.memory_space<hbm>> -> memref<32768xf32, #tpu.memory_space<hbm>>
      %dma_wait3A_24 = arith.constant 0 : i32
      %dma_wait3A_25 = tpu.memref_slice %arg4[%dma_wait3A_24] : memref<98304xf32, #tpu.memory_space<hbm>> -> memref<32768xf32, #tpu.memory_space<hbm>>
      tpu.wait_dma2 semaphore(%run_scoped3A : memref<!tpu.dma_semaphore, #tpu.memory_space<semaphore_mem>>) src(%dma_wait3A_25 : memref<32768xf32, #tpu.memory_space<hbm>>) dst(%arg8 : memref<32768xf32, #tpu.memory_space<vmem>>)
      tpu.yield
    }) : () -> ()
    "tpu.region"() ({
      %run_scoped3A = tpu.sem_alloc : memref<!tpu.dma_semaphore, #tpu.memory_space<semaphore_mem>>
      %dma_start3A = arith.constant 32768 : i32
      %dma_start3A_20 = tpu.memref_slice %arg4[%dma_start3A] : memref<98304xf32, #tpu.memory_space<hbm>> -> memref<32768xf32, #tpu.memory_space<hbm>>
      %dma_start3A_21 = arith.constant 32768 : i32
      %dma_start3A_22 = tpu.memref_slice %arg4[%dma_start3A_21] : memref<98304xf32, #tpu.memory_space<hbm>> -> memref<32768xf32, #tpu.memory_space<hbm>>
      tpu.enqueue_dma source(%dma_start3A_22 : memref<32768xf32, #tpu.memory_space<hbm>>) target(%arg9 : memref<32768xf32, #tpu.memory_space<vmem>>) target_semaphore(%run_scoped3A : memref<!tpu.dma_semaphore, #tpu.memory_space<semaphore_mem>>)
      %dma_wait3A = arith.constant 32768 : i32
      %dma_wait3A_23 = tpu.memref_slice %arg4[%dma_wait3A] : memref<98304xf32, #tpu.memory_space<hbm>> -> memref<32768xf32, #tpu.memory_space<hbm>>
      %dma_wait3A_24 = arith.constant 32768 : i32
      %dma_wait3A_25 = tpu.memref_slice %arg4[%dma_wait3A_24] : memref<98304xf32, #tpu.memory_space<hbm>> -> memref<32768xf32, #tpu.memory_space<hbm>>
      tpu.wait_dma2 semaphore(%run_scoped3A : memref<!tpu.dma_semaphore, #tpu.memory_space<semaphore_mem>>) src(%dma_wait3A_25 : memref<32768xf32, #tpu.memory_space<hbm>>) dst(%arg9 : memref<32768xf32, #tpu.memory_space<vmem>>)
      tpu.yield
    }) : () -> ()
    "tpu.region"() ({
      %run_scoped3A = tpu.sem_alloc : memref<!tpu.dma_semaphore, #tpu.memory_space<semaphore_mem>>
      %dma_start3A = arith.constant 65536 : i32
      %dma_start3A_20 = tpu.memref_slice %arg4[%dma_start3A] : memref<98304xf32, #tpu.memory_space<hbm>> -> memref<32768xf32, #tpu.memory_space<hbm>>
      %dma_start3A_21 = arith.constant 65536 : i32
      %dma_start3A_22 = tpu.memref_slice %arg4[%dma_start3A_21] : memref<98304xf32, #tpu.memory_space<hbm>> -> memref<32768xf32, #tpu.memory_space<hbm>>
      tpu.enqueue_dma source(%dma_start3A_22 : memref<32768xf32, #tpu.memory_space<hbm>>) target(%arg10 : memref<32768xf32, #tpu.memory_space<vmem>>) target_semaphore(%run_scoped3A : memref<!tpu.dma_semaphore, #tpu.memory_space<semaphore_mem>>)
      %dma_wait3A = arith.constant 65536 : i32
      %dma_wait3A_23 = tpu.memref_slice %arg4[%dma_wait3A] : memref<98304xf32, #tpu.memory_space<hbm>> -> memref<32768xf32, #tpu.memory_space<hbm>>
      %dma_wait3A_24 = arith.constant 65536 : i32
      %dma_wait3A_25 = tpu.memref_slice %arg4[%dma_wait3A_24] : memref<98304xf32, #tpu.memory_space<hbm>> -> memref<32768xf32, #tpu.memory_space<hbm>>
      tpu.wait_dma2 semaphore(%run_scoped3A : memref<!tpu.dma_semaphore, #tpu.memory_space<semaphore_mem>>) src(%dma_wait3A_25 : memref<32768xf32, #tpu.memory_space<hbm>>) dst(%arg10 : memref<32768xf32, #tpu.memory_space<vmem>>)
      tpu.yield
    }) : () -> ()
    %mul3A_1 = arith.constant 16384 : i32
    %mul3A_2 = arith.muli %add3A, %mul3A_1 : i32
    %broadcast_in_dim3A = arith.constant 0.000000e+00 : f32
    %broadcast_in_dim3A_3 = vector.broadcast %broadcast_in_dim3A : f32 to vector<16xf32>
    %scan3A = arith.constant 0 : i32
    %scan3A_4 = arith.constant 8 : i32
    %scan3A_5 = arith.addi %scan3A, %scan3A_4 : i32
    %scan3A_6 = arith.constant 1 : i32
    %scan3A_7:3 = scf.for %scan3A_20 = %scan3A to %scan3A_5 step %scan3A_6 iter_args(%scan3A_21 = %broadcast_in_dim3A_3, %scan3A_22 = %broadcast_in_dim3A_3, %scan3A_23 = %broadcast_in_dim3A_3) -> (vector<16xf32>, vector<16xf32>, vector<16xf32>)  : i32 {
      %mul3A_24 = arith.constant 2048 : i32
      %mul3A_25 = arith.muli %scan3A_20, %mul3A_24 : i32
      %add3A_26 = arith.addi %mul3A_2, %mul3A_25 : i32
      "tpu.region"() ({
        %run_scoped3A = tpu.sem_alloc : memref<!tpu.dma_semaphore, #tpu.memory_space<semaphore_mem>>
        %dma_start3A = tpu.memref_slice %arg2[%add3A_26] : memref<524288xf32, #tpu.memory_space<hbm>> -> memref<2048xf32, #tpu.memory_space<hbm>>
        %dma_start3A_33 = tpu.memref_slice %arg2[%add3A_26] : memref<524288xf32, #tpu.memory_space<hbm>> -> memref<2048xf32, #tpu.memory_space<hbm>>
        tpu.enqueue_dma source(%dma_start3A_33 : memref<2048xf32, #tpu.memory_space<hbm>>) target(%arg11 : memref<2048xf32, #tpu.memory_space<vmem>>) target_semaphore(%run_scoped3A : memref<!tpu.dma_semaphore, #tpu.memory_space<semaphore_mem>>)
        %dma_wait3A = tpu.memref_slice %arg2[%add3A_26] : memref<524288xf32, #tpu.memory_space<hbm>> -> memref<2048xf32, #tpu.memory_space<hbm>>
        %dma_wait3A_34 = tpu.memref_slice %arg2[%add3A_26] : memref<524288xf32, #tpu.memory_space<hbm>> -> memref<2048xf32, #tpu.memory_space<hbm>>
        tpu.wait_dma2 semaphore(%run_scoped3A : memref<!tpu.dma_semaphore, #tpu.memory_space<semaphore_mem>>) src(%dma_wait3A_34 : memref<2048xf32, #tpu.memory_space<hbm>>) dst(%arg11 : memref<2048xf32, #tpu.memory_space<vmem>>)
        tpu.yield
      }) : () -> ()
      "tpu.region"() ({
        %run_scoped3A = tpu.sem_alloc : memref<!tpu.dma_semaphore, #tpu.memory_space<semaphore_mem>>
        %dma_start3A = tpu.memref_slice %arg3[%add3A_26] : memref<524288xf32, #tpu.memory_space<hbm>> -> memref<2048xf32, #tpu.memory_space<hbm>>
        %dma_start3A_33 = tpu.memref_slice %arg3[%add3A_26] : memref<524288xf32, #tpu.memory_space<hbm>> -> memref<2048xf32, #tpu.memory_space<hbm>>
        tpu.enqueue_dma source(%dma_start3A_33 : memref<2048xf32, #tpu.memory_space<hbm>>) target(%arg12 : memref<2048xf32, #tpu.memory_space<vmem>>) target_semaphore(%run_scoped3A : memref<!tpu.dma_semaphore, #tpu.memory_space<semaphore_mem>>)
        %dma_wait3A = tpu.memref_slice %arg3[%add3A_26] : memref<524288xf32, #tpu.memory_space<hbm>> -> memref<2048xf32, #tpu.memory_space<hbm>>
        %dma_wait3A_34 = tpu.memref_slice %arg3[%add3A_26] : memref<524288xf32, #tpu.memory_space<hbm>> -> memref<2048xf32, #tpu.memory_space<hbm>>
        tpu.wait_dma2 semaphore(%run_scoped3A : memref<!tpu.dma_semaphore, #tpu.memory_space<semaphore_mem>>) src(%dma_wait3A_34 : memref<2048xf32, #tpu.memory_space<hbm>>) dst(%arg12 : memref<2048xf32, #tpu.memory_space<vmem>>)
        tpu.yield
      }) : () -> ()
      %scan3A_27 = arith.constant 0 : i32
      %scan3A_28 = arith.constant 128 : i32
      %scan3A_29 = arith.addi %scan3A_27, %scan3A_28 : i32
      %scan3A_30 = arith.constant 4 : i32
      %scan3A_31:3 = scf.for %scan3A_33 = %scan3A_27 to %scan3A_29 step %scan3A_30 iter_args(%scan3A_34 = %scan3A_21, %scan3A_35 = %scan3A_22, %scan3A_36 = %scan3A_23) -> (vector<16xf32>, vector<16xf32>, vector<16xf32>)  : i32 {
        %mul3A_37 = arith.constant 16 : i32
        %mul3A_38 = arith.muli %scan3A_33, %mul3A_37 : i32
        %get3A = arith.index_cast %mul3A_38 : i32 to index
        %get3A_39 = tpu.vector_load %arg11[%get3A] {strides = array<i32>} : memref<2048xf32, #tpu.memory_space<vmem>>, vector<16xf32>,
        %mul3A_40 = arith.constant 16 : i32
        %mul3A_41 = arith.muli %scan3A_33, %mul3A_40 : i32
        %get3A_42 = arith.index_cast %mul3A_41 : i32 to index
        %get3A_43 = tpu.vector_load %arg12[%get3A_42] {strides = array<i32>} : memref<2048xf32, #tpu.memory_space<vmem>>, vector<16xf32>,
        %sub3A = arith.subf %get3A_39, %get3A_43 : vector<16xf32>
        %bitcast_convert_type3A = tpu.bitcast %get3A_43 : vector<16xf32> -> vector<16xi32>
        %lt3A = arith.constant 0 : i32
        %lt3A_44 = vector.broadcast %lt3A : i32 to vector<16xi32>
        %lt3A_45 = arith.cmpi slt, %bitcast_convert_type3A, %lt3A_44 : vector<16xi32>
        %not3A = arith.constant dense<-1> : vector<16xi32>
        %not3A_46 = arith.xori %bitcast_convert_type3A, %not3A : vector<16xi32>
        %xor3A = arith.constant -2147483648 : i32
        %xor3A_47 = vector.broadcast %xor3A : i32 to vector<16xi32>
        %xor3A_48 = arith.xori %bitcast_convert_type3A, %xor3A_47 : vector<16xi32>
        %select_n3A = arith.select %lt3A_45, %not3A_46, %xor3A_48 : vector<16xi1>, vector<16xi32>
        %shift_right_logical3A = arith.constant 17 : i32
        %shift_right_logical3A_49 = vector.broadcast %shift_right_logical3A : i32 to vector<16xi32>
        %shift_right_logical3A_50 = arith.shrui %select_n3A, %shift_right_logical3A_49 : vector<16xi32>
        %gather3A = tpu.vector_load_idx %arg8[%shift_right_logical3A_50] : memref<32768xf32, #tpu.memory_space<vmem>>[vector<16xi32>], vector<16xf32>,
        %bitcast_convert_type3A_51 = tpu.bitcast %sub3A : vector<16xf32> -> vector<16xi32>
        %lt3A_52 = arith.constant 0 : i32
        %lt3A_53 = vector.broadcast %lt3A_52 : i32 to vector<16xi32>
        %lt3A_54 = arith.cmpi slt, %bitcast_convert_type3A_51, %lt3A_53 : vector<16xi32>
        %not3A_55 = arith.constant dense<-1> : vector<16xi32>
        %not3A_56 = arith.xori %bitcast_convert_type3A_51, %not3A_55 : vector<16xi32>
        %xor3A_57 = arith.constant -2147483648 : i32
        %xor3A_58 = vector.broadcast %xor3A_57 : i32 to vector<16xi32>
        %xor3A_59 = arith.xori %bitcast_convert_type3A_51, %xor3A_58 : vector<16xi32>
        %select_n3A_60 = arith.select %lt3A_54, %not3A_56, %xor3A_59 : vector<16xi1>, vector<16xi32>
        %shift_right_logical3A_61 = arith.constant 17 : i32
        %shift_right_logical3A_62 = vector.broadcast %shift_right_logical3A_61 : i32 to vector<16xi32>
        %shift_right_logical3A_63 = arith.shrui %select_n3A_60, %shift_right_logical3A_62 : vector<16xi32>
        %gather3A_64 = tpu.vector_load_idx %arg9[%shift_right_logical3A_63] : memref<32768xf32, #tpu.memory_space<vmem>>[vector<16xi32>], vector<16xf32>,
        %bitcast_convert_type3A_65 = tpu.bitcast %get3A_39 : vector<16xf32> -> vector<16xi32>
        %lt3A_66 = arith.constant 0 : i32
        %lt3A_67 = vector.broadcast %lt3A_66 : i32 to vector<16xi32>
        %lt3A_68 = arith.cmpi slt, %bitcast_convert_type3A_65, %lt3A_67 : vector<16xi32>
        %not3A_69 = arith.constant dense<-1> : vector<16xi32>
        %not3A_70 = arith.xori %bitcast_convert_type3A_65, %not3A_69 : vector<16xi32>
        %xor3A_71 = arith.constant -2147483648 : i32
        %xor3A_72 = vector.broadcast %xor3A_71 : i32 to vector<16xi32>
        %xor3A_73 = arith.xori %bitcast_convert_type3A_65, %xor3A_72 : vector<16xi32>
        %select_n3A_74 = arith.select %lt3A_68, %not3A_70, %xor3A_73 : vector<16xi1>, vector<16xi32>
        %shift_right_logical3A_75 = arith.constant 17 : i32
        %shift_right_logical3A_76 = vector.broadcast %shift_right_logical3A_75 : i32 to vector<16xi32>
        %shift_right_logical3A_77 = arith.shrui %select_n3A_74, %shift_right_logical3A_76 : vector<16xi32>
        %gather3A_78 = tpu.vector_load_idx %arg10[%shift_right_logical3A_77] : memref<32768xf32, #tpu.memory_space<vmem>>[vector<16xi32>], vector<16xf32>,
        %sub3A_79 = arith.subf %gather3A_64, %gather3A : vector<16xf32>
        %sub3A_80 = arith.subf %gather3A_78, %gather3A : vector<16xf32>
        %mul3A_81 = arith.mulf %sub3A_79, %sub3A_79 : vector<16xf32>
        %add3A_82 = arith.addf %scan3A_34, %mul3A_81 : vector<16xf32>
        %mul3A_83 = arith.mulf %sub3A_80, %sub3A_80 : vector<16xf32>
        %add3A_84 = arith.addf %scan3A_35, %mul3A_83 : vector<16xf32>
        %mul3A_85 = arith.mulf %sub3A, %sub3A : vector<16xf32>
        %add3A_86 = arith.addf %scan3A_36, %mul3A_85 : vector<16xf32>
        %scan3A_87 = arith.constant 1 : i32
        %scan3A_88 = arith.addi %scan3A_33, %scan3A_87 : i32
        %mul3A_89 = arith.constant 16 : i32
        %mul3A_90 = arith.muli %scan3A_88, %mul3A_89 : i32
        %get3A_91 = arith.index_cast %mul3A_90 : i32 to index
        %get3A_92 = tpu.vector_load %arg11[%get3A_91] {strides = array<i32>} : memref<2048xf32, #tpu.memory_space<vmem>>, vector<16xf32>,
        %mul3A_93 = arith.constant 16 : i32
        %mul3A_94 = arith.muli %scan3A_88, %mul3A_93 : i32
        %get3A_95 = arith.index_cast %mul3A_94 : i32 to index
        %get3A_96 = tpu.vector_load %arg12[%get3A_95] {strides = array<i32>} : memref<2048xf32, #tpu.memory_space<vmem>>, vector<16xf32>,
        %sub3A_97 = arith.subf %get3A_92, %get3A_96 : vector<16xf32>
        %bitcast_convert_type3A_98 = tpu.bitcast %get3A_96 : vector<16xf32> -> vector<16xi32>
        %lt3A_99 = arith.constant 0 : i32
        %lt3A_100 = vector.broadcast %lt3A_99 : i32 to vector<16xi32>
        %lt3A_101 = arith.cmpi slt, %bitcast_convert_type3A_98, %lt3A_100 : vector<16xi32>
        %not3A_102 = arith.constant dense<-1> : vector<16xi32>
        %not3A_103 = arith.xori %bitcast_convert_type3A_98, %not3A_102 : vector<16xi32>
        %xor3A_104 = arith.constant -2147483648 : i32
        %xor3A_105 = vector.broadcast %xor3A_104 : i32 to vector<16xi32>
        %xor3A_106 = arith.xori %bitcast_convert_type3A_98, %xor3A_105 : vector<16xi32>
        %select_n3A_107 = arith.select %lt3A_101, %not3A_103, %xor3A_106 : vector<16xi1>, vector<16xi32>
        %shift_right_logical3A_108 = arith.constant 17 : i32
        %shift_right_logical3A_109 = vector.broadcast %shift_right_logical3A_108 : i32 to vector<16xi32>
        %shift_right_logical3A_110 = arith.shrui %select_n3A_107, %shift_right_logical3A_109 : vector<16xi32>
        %gather3A_111 = tpu.vector_load_idx %arg8[%shift_right_logical3A_110] : memref<32768xf32, #tpu.memory_space<vmem>>[vector<16xi32>], vector<16xf32>,
        %bitcast_convert_type3A_112 = tpu.bitcast %sub3A_97 : vector<16xf32> -> vector<16xi32>
        %lt3A_113 = arith.constant 0 : i32
        %lt3A_114 = vector.broadcast %lt3A_113 : i32 to vector<16xi32>
        %lt3A_115 = arith.cmpi slt, %bitcast_convert_type3A_112, %lt3A_114 : vector<16xi32>
        %not3A_116 = arith.constant dense<-1> : vector<16xi32>
        %not3A_117 = arith.xori %bitcast_convert_type3A_112, %not3A_116 : vector<16xi32>
        %xor3A_118 = arith.constant -2147483648 : i32
        %xor3A_119 = vector.broadcast %xor3A_118 : i32 to vector<16xi32>
        %xor3A_120 = arith.xori %bitcast_convert_type3A_112, %xor3A_119 : vector<16xi32>
        %select_n3A_121 = arith.select %lt3A_115, %not3A_117, %xor3A_120 : vector<16xi1>, vector<16xi32>
        %shift_right_logical3A_122 = arith.constant 17 : i32
        %shift_right_logical3A_123 = vector.broadcast %shift_right_logical3A_122 : i32 to vector<16xi32>
        %shift_right_logical3A_124 = arith.shrui %select_n3A_121, %shift_right_logical3A_123 : vector<16xi32>
        %gather3A_125 = tpu.vector_load_idx %arg9[%shift_right_logical3A_124] : memref<32768xf32, #tpu.memory_space<vmem>>[vector<16xi32>], vector<16xf32>,
        %bitcast_convert_type3A_126 = tpu.bitcast %get3A_92 : vector<16xf32> -> vector<16xi32>
        %lt3A_127 = arith.constant 0 : i32
        %lt3A_128 = vector.broadcast %lt3A_127 : i32 to vector<16xi32>
        %lt3A_129 = arith.cmpi slt, %bitcast_convert_type3A_126, %lt3A_128 : vector<16xi32>
        %not3A_130 = arith.constant dense<-1> : vector<16xi32>
        %not3A_131 = arith.xori %bitcast_convert_type3A_126, %not3A_130 : vector<16xi32>
        %xor3A_132 = arith.constant -2147483648 : i32
        %xor3A_133 = vector.broadcast %xor3A_132 : i32 to vector<16xi32>
        %xor3A_134 = arith.xori %bitcast_convert_type3A_126, %xor3A_133 : vector<16xi32>
        %select_n3A_135 = arith.select %lt3A_129, %not3A_131, %xor3A_134 : vector<16xi1>, vector<16xi32>
        %shift_right_logical3A_136 = arith.constant 17 : i32
        %shift_right_logical3A_137 = vector.broadcast %shift_right_logical3A_136 : i32 to vector<16xi32>
        %shift_right_logical3A_138 = arith.shrui %select_n3A_135, %shift_right_logical3A_137 : vector<16xi32>
        %gather3A_139 = tpu.vector_load_idx %arg10[%shift_right_logical3A_138] : memref<32768xf32, #tpu.memory_space<vmem>>[vector<16xi32>], vector<16xf32>,
        %sub3A_140 = arith.subf %gather3A_125, %gather3A_111 : vector<16xf32>
        %sub3A_141 = arith.subf %gather3A_139, %gather3A_111 : vector<16xf32>
        %mul3A_142 = arith.mulf %sub3A_140, %sub3A_140 : vector<16xf32>
        %add3A_143 = arith.addf %add3A_82, %mul3A_142 : vector<16xf32>
        %mul3A_144 = arith.mulf %sub3A_141, %sub3A_141 : vector<16xf32>
        %add3A_145 = arith.addf %add3A_84, %mul3A_144 : vector<16xf32>
        %mul3A_146 = arith.mulf %sub3A_97, %sub3A_97 : vector<16xf32>
        %add3A_147 = arith.addf %add3A_86, %mul3A_146 : vector<16xf32>
        %scan3A_148 = arith.constant 2 : i32
        %scan3A_149 = arith.addi %scan3A_33, %scan3A_148 : i32
        %mul3A_150 = arith.constant 16 : i32
        %mul3A_151 = arith.muli %scan3A_149, %mul3A_150 : i32
        %get3A_152 = arith.index_cast %mul3A_151 : i32 to index
        %get3A_153 = tpu.vector_load %arg11[%get3A_152] {strides = array<i32>} : memref<2048xf32, #tpu.memory_space<vmem>>, vector<16xf32>,
        %mul3A_154 = arith.constant 16 : i32
        %mul3A_155 = arith.muli %scan3A_149, %mul3A_154 : i32
        %get3A_156 = arith.index_cast %mul3A_155 : i32 to index
        %get3A_157 = tpu.vector_load %arg12[%get3A_156] {strides = array<i32>} : memref<2048xf32, #tpu.memory_space<vmem>>, vector<16xf32>,
        %sub3A_158 = arith.subf %get3A_153, %get3A_157 : vector<16xf32>
        %bitcast_convert_type3A_159 = tpu.bitcast %get3A_157 : vector<16xf32> -> vector<16xi32>
        %lt3A_160 = arith.constant 0 : i32
        %lt3A_161 = vector.broadcast %lt3A_160 : i32 to vector<16xi32>
        %lt3A_162 = arith.cmpi slt, %bitcast_convert_type3A_159, %lt3A_161 : vector<16xi32>
        %not3A_163 = arith.constant dense<-1> : vector<16xi32>
        %not3A_164 = arith.xori %bitcast_convert_type3A_159, %not3A_163 : vector<16xi32>
        %xor3A_165 = arith.constant -2147483648 : i32
        %xor3A_166 = vector.broadcast %xor3A_165 : i32 to vector<16xi32>
        %xor3A_167 = arith.xori %bitcast_convert_type3A_159, %xor3A_166 : vector<16xi32>
        %select_n3A_168 = arith.select %lt3A_162, %not3A_164, %xor3A_167 : vector<16xi1>, vector<16xi32>
        %shift_right_logical3A_169 = arith.constant 17 : i32
        %shift_right_logical3A_170 = vector.broadcast %shift_right_logical3A_169 : i32 to vector<16xi32>
        %shift_right_logical3A_171 = arith.shrui %select_n3A_168, %shift_right_logical3A_170 : vector<16xi32>
        %gather3A_172 = tpu.vector_load_idx %arg8[%shift_right_logical3A_171] : memref<32768xf32, #tpu.memory_space<vmem>>[vector<16xi32>], vector<16xf32>,
        %bitcast_convert_type3A_173 = tpu.bitcast %sub3A_158 : vector<16xf32> -> vector<16xi32>
        %lt3A_174 = arith.constant 0 : i32
        %lt3A_175 = vector.broadcast %lt3A_174 : i32 to vector<16xi32>
        %lt3A_176 = arith.cmpi slt, %bitcast_convert_type3A_173, %lt3A_175 : vector<16xi32>
        %not3A_177 = arith.constant dense<-1> : vector<16xi32>
        %not3A_178 = arith.xori %bitcast_convert_type3A_173, %not3A_177 : vector<16xi32>
        %xor3A_179 = arith.constant -2147483648 : i32
        %xor3A_180 = vector.broadcast %xor3A_179 : i32 to vector<16xi32>
        %xor3A_181 = arith.xori %bitcast_convert_type3A_173, %xor3A_180 : vector<16xi32>
        %select_n3A_182 = arith.select %lt3A_176, %not3A_178, %xor3A_181 : vector<16xi1>, vector<16xi32>
        %shift_right_logical3A_183 = arith.constant 17 : i32
        %shift_right_logical3A_184 = vector.broadcast %shift_right_logical3A_183 : i32 to vector<16xi32>
        %shift_right_logical3A_185 = arith.shrui %select_n3A_182, %shift_right_logical3A_184 : vector<16xi32>
        %gather3A_186 = tpu.vector_load_idx %arg9[%shift_right_logical3A_185] : memref<32768xf32, #tpu.memory_space<vmem>>[vector<16xi32>], vector<16xf32>,
        %bitcast_convert_type3A_187 = tpu.bitcast %get3A_153 : vector<16xf32> -> vector<16xi32>
        %lt3A_188 = arith.constant 0 : i32
        %lt3A_189 = vector.broadcast %lt3A_188 : i32 to vector<16xi32>
        %lt3A_190 = arith.cmpi slt, %bitcast_convert_type3A_187, %lt3A_189 : vector<16xi32>
        %not3A_191 = arith.constant dense<-1> : vector<16xi32>
        %not3A_192 = arith.xori %bitcast_convert_type3A_187, %not3A_191 : vector<16xi32>
        %xor3A_193 = arith.constant -2147483648 : i32
        %xor3A_194 = vector.broadcast %xor3A_193 : i32 to vector<16xi32>
        %xor3A_195 = arith.xori %bitcast_convert_type3A_187, %xor3A_194 : vector<16xi32>
        %select_n3A_196 = arith.select %lt3A_190, %not3A_192, %xor3A_195 : vector<16xi1>, vector<16xi32>
        %shift_right_logical3A_197 = arith.constant 17 : i32
        %shift_right_logical3A_198 = vector.broadcast %shift_right_logical3A_197 : i32 to vector<16xi32>
        %shift_right_logical3A_199 = arith.shrui %select_n3A_196, %shift_right_logical3A_198 : vector<16xi32>
        %gather3A_200 = tpu.vector_load_idx %arg10[%shift_right_logical3A_199] : memref<32768xf32, #tpu.memory_space<vmem>>[vector<16xi32>], vector<16xf32>,
        %sub3A_201 = arith.subf %gather3A_186, %gather3A_172 : vector<16xf32>
        %sub3A_202 = arith.subf %gather3A_200, %gather3A_172 : vector<16xf32>
        %mul3A_203 = arith.mulf %sub3A_201, %sub3A_201 : vector<16xf32>
        %add3A_204 = arith.addf %add3A_143, %mul3A_203 : vector<16xf32>
        %mul3A_205 = arith.mulf %sub3A_202, %sub3A_202 : vector<16xf32>
        %add3A_206 = arith.addf %add3A_145, %mul3A_205 : vector<16xf32>
        %mul3A_207 = arith.mulf %sub3A_158, %sub3A_158 : vector<16xf32>
        %add3A_208 = arith.addf %add3A_147, %mul3A_207 : vector<16xf32>
        %scan3A_209 = arith.constant 3 : i32
        %scan3A_210 = arith.addi %scan3A_33, %scan3A_209 : i32
        %mul3A_211 = arith.constant 16 : i32
        %mul3A_212 = arith.muli %scan3A_210, %mul3A_211 : i32
        %get3A_213 = arith.index_cast %mul3A_212 : i32 to index
        %get3A_214 = tpu.vector_load %arg11[%get3A_213] {strides = array<i32>} : memref<2048xf32, #tpu.memory_space<vmem>>, vector<16xf32>,
        %mul3A_215 = arith.constant 16 : i32
        %mul3A_216 = arith.muli %scan3A_210, %mul3A_215 : i32
        %get3A_217 = arith.index_cast %mul3A_216 : i32 to index
        %get3A_218 = tpu.vector_load %arg12[%get3A_217] {strides = array<i32>} : memref<2048xf32, #tpu.memory_space<vmem>>, vector<16xf32>,
        %sub3A_219 = arith.subf %get3A_214, %get3A_218 : vector<16xf32>
        %bitcast_convert_type3A_220 = tpu.bitcast %get3A_218 : vector<16xf32> -> vector<16xi32>
        %lt3A_221 = arith.constant 0 : i32
        %lt3A_222 = vector.broadcast %lt3A_221 : i32 to vector<16xi32>
        %lt3A_223 = arith.cmpi slt, %bitcast_convert_type3A_220, %lt3A_222 : vector<16xi32>
        %not3A_224 = arith.constant dense<-1> : vector<16xi32>
        %not3A_225 = arith.xori %bitcast_convert_type3A_220, %not3A_224 : vector<16xi32>
        %xor3A_226 = arith.constant -2147483648 : i32
        %xor3A_227 = vector.broadcast %xor3A_226 : i32 to vector<16xi32>
        %xor3A_228 = arith.xori %bitcast_convert_type3A_220, %xor3A_227 : vector<16xi32>
        %select_n3A_229 = arith.select %lt3A_223, %not3A_225, %xor3A_228 : vector<16xi1>, vector<16xi32>
        %shift_right_logical3A_230 = arith.constant 17 : i32
        %shift_right_logical3A_231 = vector.broadcast %shift_right_logical3A_230 : i32 to vector<16xi32>
        %shift_right_logical3A_232 = arith.shrui %select_n3A_229, %shift_right_logical3A_231 : vector<16xi32>
        %gather3A_233 = tpu.vector_load_idx %arg8[%shift_right_logical3A_232] : memref<32768xf32, #tpu.memory_space<vmem>>[vector<16xi32>], vector<16xf32>,
        %bitcast_convert_type3A_234 = tpu.bitcast %sub3A_219 : vector<16xf32> -> vector<16xi32>
        %lt3A_235 = arith.constant 0 : i32
        %lt3A_236 = vector.broadcast %lt3A_235 : i32 to vector<16xi32>
        %lt3A_237 = arith.cmpi slt, %bitcast_convert_type3A_234, %lt3A_236 : vector<16xi32>
        %not3A_238 = arith.constant dense<-1> : vector<16xi32>
        %not3A_239 = arith.xori %bitcast_convert_type3A_234, %not3A_238 : vector<16xi32>
        %xor3A_240 = arith.constant -2147483648 : i32
        %xor3A_241 = vector.broadcast %xor3A_240 : i32 to vector<16xi32>
        %xor3A_242 = arith.xori %bitcast_convert_type3A_234, %xor3A_241 : vector<16xi32>
        %select_n3A_243 = arith.select %lt3A_237, %not3A_239, %xor3A_242 : vector<16xi1>, vector<16xi32>
        %shift_right_logical3A_244 = arith.constant 17 : i32
        %shift_right_logical3A_245 = vector.broadcast %shift_right_logical3A_244 : i32 to vector<16xi32>
        %shift_right_logical3A_246 = arith.shrui %select_n3A_243, %shift_right_logical3A_245 : vector<16xi32>
        %gather3A_247 = tpu.vector_load_idx %arg9[%shift_right_logical3A_246] : memref<32768xf32, #tpu.memory_space<vmem>>[vector<16xi32>], vector<16xf32>,
        %bitcast_convert_type3A_248 = tpu.bitcast %get3A_214 : vector<16xf32> -> vector<16xi32>
        %lt3A_249 = arith.constant 0 : i32
        %lt3A_250 = vector.broadcast %lt3A_249 : i32 to vector<16xi32>
        %lt3A_251 = arith.cmpi slt, %bitcast_convert_type3A_248, %lt3A_250 : vector<16xi32>
        %not3A_252 = arith.constant dense<-1> : vector<16xi32>
        %not3A_253 = arith.xori %bitcast_convert_type3A_248, %not3A_252 : vector<16xi32>
        %xor3A_254 = arith.constant -2147483648 : i32
        %xor3A_255 = vector.broadcast %xor3A_254 : i32 to vector<16xi32>
        %xor3A_256 = arith.xori %bitcast_convert_type3A_248, %xor3A_255 : vector<16xi32>
        %select_n3A_257 = arith.select %lt3A_251, %not3A_253, %xor3A_256 : vector<16xi1>, vector<16xi32>
        %shift_right_logical3A_258 = arith.constant 17 : i32
        %shift_right_logical3A_259 = vector.broadcast %shift_right_logical3A_258 : i32 to vector<16xi32>
        %shift_right_logical3A_260 = arith.shrui %select_n3A_257, %shift_right_logical3A_259 : vector<16xi32>
        %gather3A_261 = tpu.vector_load_idx %arg10[%shift_right_logical3A_260] : memref<32768xf32, #tpu.memory_space<vmem>>[vector<16xi32>], vector<16xf32>,
        %sub3A_262 = arith.subf %gather3A_247, %gather3A_233 : vector<16xf32>
        %sub3A_263 = arith.subf %gather3A_261, %gather3A_233 : vector<16xf32>
        %mul3A_264 = arith.mulf %sub3A_262, %sub3A_262 : vector<16xf32>
        %add3A_265 = arith.addf %add3A_204, %mul3A_264 : vector<16xf32>
        %mul3A_266 = arith.mulf %sub3A_263, %sub3A_263 : vector<16xf32>
        %add3A_267 = arith.addf %add3A_206, %mul3A_266 : vector<16xf32>
        %mul3A_268 = arith.mulf %sub3A_219, %sub3A_219 : vector<16xf32>
        %add3A_269 = arith.addf %add3A_208, %mul3A_268 : vector<16xf32>
        scf.yield %add3A_265, %add3A_267, %add3A_269 : vector<16xf32>, vector<16xf32>, vector<16xf32>
      }
      %scan3A_32 = arith.constant 128 : i32
      scf.yield %scan3A_31#0, %scan3A_31#1, %scan3A_31#2 : vector<16xf32>, vector<16xf32>, vector<16xf32>
    }
    %scan3A_8 = arith.constant 8 : i32
    %swap3A = arith.constant 0 : index
    %swap3A_9 = tpu.vector_load %arg13[%swap3A] {strides = array<i32>} : memref<16xf32, #tpu.memory_space<vmem>>, vector<16xf32>,
    tpu.vector_store %arg13[%swap3A], %scan3A_7#0 {strides = array<i32>} : memref<16xf32, #tpu.memory_space<vmem>>, vector<16xf32>,
    %mul3A_10 = arith.constant 16 : i32
    %mul3A_11 = arith.muli %add3A, %mul3A_10 : i32
    "tpu.region"() ({
      %run_scoped3A = tpu.sem_alloc : memref<!tpu.dma_semaphore, #tpu.memory_space<semaphore_mem>>
      %dma_start3A = tpu.memref_slice %arg5[%mul3A_11] : memref<512xf32, #tpu.memory_space<hbm>> -> memref<16xf32, #tpu.memory_space<hbm>>
      %dma_start3A_20 = tpu.memref_slice %arg5[%mul3A_11] : memref<512xf32, #tpu.memory_space<hbm>> -> memref<16xf32, #tpu.memory_space<hbm>>
      tpu.enqueue_dma source(%arg13 : memref<16xf32, #tpu.memory_space<vmem>>) target(%dma_start3A_20 : memref<16xf32, #tpu.memory_space<hbm>>) target_semaphore(%run_scoped3A : memref<!tpu.dma_semaphore, #tpu.memory_space<semaphore_mem>>)
      %dma_wait3A = tpu.memref_slice %arg5[%mul3A_11] : memref<512xf32, #tpu.memory_space<hbm>> -> memref<16xf32, #tpu.memory_space<hbm>>
      %dma_wait3A_21 = tpu.memref_slice %arg5[%mul3A_11] : memref<512xf32, #tpu.memory_space<hbm>> -> memref<16xf32, #tpu.memory_space<hbm>>
      tpu.wait_dma2 semaphore(%run_scoped3A : memref<!tpu.dma_semaphore, #tpu.memory_space<semaphore_mem>>) src(%arg13 : memref<16xf32, #tpu.memory_space<vmem>>) dst(%dma_wait3A_21 : memref<16xf32, #tpu.memory_space<hbm>>)
      tpu.yield
    }) : () -> ()
    %swap3A_12 = arith.constant 0 : index
    %swap3A_13 = tpu.vector_load %arg13[%swap3A_12] {strides = array<i32>} : memref<16xf32, #tpu.memory_space<vmem>>, vector<16xf32>,
    tpu.vector_store %arg13[%swap3A_12], %scan3A_7#1 {strides = array<i32>} : memref<16xf32, #tpu.memory_space<vmem>>, vector<16xf32>,
    %mul3A_14 = arith.constant 16 : i32
    %mul3A_15 = arith.muli %add3A, %mul3A_14 : i32
    "tpu.region"() ({
      %run_scoped3A = tpu.sem_alloc : memref<!tpu.dma_semaphore, #tpu.memory_space<semaphore_mem>>
      %dma_start3A = tpu.memref_slice %arg6[%mul3A_15] : memref<512xf32, #tpu.memory_space<hbm>> -> memref<16xf32, #tpu.memory_space<hbm>>
      %dma_start3A_20 = tpu.memref_slice %arg6[%mul3A_15] : memref<512xf32, #tpu.memory_space<hbm>> -> memref<16xf32, #tpu.memory_space<hbm>>
      tpu.enqueue_dma source(%arg13 : memref<16xf32, #tpu.memory_space<vmem>>) target(%dma_start3A_20 : memref<16xf32, #tpu.memory_space<hbm>>) target_semaphore(%run_scoped3A : memref<!tpu.dma_semaphore, #tpu.memory_space<semaphore_mem>>)
      %dma_wait3A = tpu.memref_slice %arg6[%mul3A_15] : memref<512xf32, #tpu.memory_space<hbm>> -> memref<16xf32, #tpu.memory_space<hbm>>
      %dma_wait3A_21 = tpu.memref_slice %arg6[%mul3A_15] : memref<512xf32, #tpu.memory_space<hbm>> -> memref<16xf32, #tpu.memory_space<hbm>>
      tpu.wait_dma2 semaphore(%run_scoped3A : memref<!tpu.dma_semaphore, #tpu.memory_space<semaphore_mem>>) src(%arg13 : memref<16xf32, #tpu.memory_space<vmem>>) dst(%dma_wait3A_21 : memref<16xf32, #tpu.memory_space<hbm>>)
      tpu.yield
    }) : () -> ()
    %swap3A_16 = arith.constant 0 : index
    %swap3A_17 = tpu.vector_load %arg13[%swap3A_16] {strides = array<i32>} : memref<16xf32, #tpu.memory_space<vmem>>, vector<16xf32>,
    tpu.vector_store %arg13[%swap3A_16], %scan3A_7#2 {strides = array<i32>} : memref<16xf32, #tpu.memory_space<vmem>>, vector<16xf32>,
    %mul3A_18 = arith.constant 16 : i32
    %mul3A_19 = arith.muli %add3A, %mul3A_18 : i32
    "tpu.region"() ({
      %run_scoped3A = tpu.sem_alloc : memref<!tpu.dma_semaphore, #tpu.memory_space<semaphore_mem>>
      %dma_start3A = tpu.memref_slice %arg7[%mul3A_19] : memref<512xf32, #tpu.memory_space<hbm>> -> memref<16xf32, #tpu.memory_space<hbm>>
      %dma_start3A_20 = tpu.memref_slice %arg7[%mul3A_19] : memref<512xf32, #tpu.memory_space<hbm>> -> memref<16xf32, #tpu.memory_space<hbm>>
      tpu.enqueue_dma source(%arg13 : memref<16xf32, #tpu.memory_space<vmem>>) target(%dma_start3A_20 : memref<16xf32, #tpu.memory_space<hbm>>) target_semaphore(%run_scoped3A : memref<!tpu.dma_semaphore, #tpu.memory_space<semaphore_mem>>)
      %dma_wait3A = tpu.memref_slice %arg7[%mul3A_19] : memref<512xf32, #tpu.memory_space<hbm>> -> memref<16xf32, #tpu.memory_space<hbm>>
      %dma_wait3A_21 = tpu.memref_slice %arg7[%mul3A_19] : memref<512xf32, #tpu.memory_space<hbm>> -> memref<16xf32, #tpu.memory_space<hbm>>
      tpu.wait_dma2 semaphore(%run_scoped3A : memref<!tpu.dma_semaphore, #tpu.memory_space<semaphore_mem>>) src(%arg13 : memref<16xf32, #tpu.memory_space<vmem>>) dst(%dma_wait3A_21 : memref<16xf32, #tpu.memory_space<hbm>>)
      tpu.yield
    }) : () -> ()
    return
  }
}

#map = affine_map<(d0, d1) -> (0)>
module attributes {stable_mosaic.version = 14 : i64} {
  func.func @_k2_scan(%arg0: i32, %arg1: i32, %arg2: memref<3145728xi32, #tpu.memory_space<hbm>>, %arg3: memref<98304xf32, #tpu.memory_space<hbm>>, %arg4: memref<65536xi32, #tpu.memory_space<vmem>>, %arg5: memref<6144xi32, #tpu.memory_space<vmem>>, %arg6: memref<2048xf32, #tpu.memory_space<vmem>>, %arg7: memref<16xi32, #tpu.memory_space<vmem>>, %arg8: memref<256xi32, #tpu.memory_space<vmem>>, %arg9: memref<256xi32, #tpu.memory_space<vmem_shared>>, %arg10: memref<!tpu.dma_semaphore, #tpu.memory_space<semaphore_mem>>) attributes {dimension_semantics = [#tpu.dimension_semantics<core_parallel>, #tpu.dimension_semantics<subcore_parallel>], iteration_bounds = array<i64: 1, 16>, scalar_prefetch = 0 : i64, scratch_operands = 7 : i64, tpu.core_type = #tpu.core_type<sc_vector_subcore>, window_params = [{transform_indices = #map}, {transform_indices = #map}]} {
    %iota3A = tpu.iota {dimensions = array<i32: 0>} : vector<16xi32>
    %broadcast_in_dim3A = arith.constant 0 : i32
    %broadcast_in_dim3A_0 = vector.broadcast %broadcast_in_dim3A : i32 to vector<16xi32>
    %scan3A = arith.constant 0 : i32
    %scan3A_1 = arith.constant 3 : i32
    %scan3A_2 = arith.addi %scan3A, %scan3A_1 : i32
    %scan3A_3 = arith.constant 1 : i32
    %scan3A_4 = scf.for %scan3A_16 = %scan3A to %scan3A_2 step %scan3A_3 iter_args(%scan3A_17 = %broadcast_in_dim3A_0) -> (vector<16xi32>)  : i32 {
      %scan3A_18 = arith.constant 0 : i32
      %scan3A_19 = arith.constant 0 : i32
      %scan3A_20 = arith.constant 32 : i32
      %scan3A_21 = arith.addi %scan3A_19, %scan3A_20 : i32
      %scan3A_22 = arith.constant 1 : i32
      %scan3A_23 = scf.for %scan3A_41 = %scan3A_19 to %scan3A_21 step %scan3A_22 iter_args(%scan3A_42 = %scan3A_18) -> (i32)  : i32 {
        %mul3A_43 = arith.constant 98304 : i32
        %mul3A_44 = arith.muli %scan3A_41, %mul3A_43 : i32
        %mul3A_45 = arith.constant 32768 : i32
        %mul3A_46 = arith.muli %scan3A_16, %mul3A_45 : i32
        %add3A = arith.addi %mul3A_44, %mul3A_46 : i32
        %mul3A_47 = arith.constant 2048 : i32
        %mul3A_48 = arith.muli %arg1, %mul3A_47 : i32
        %add3A_49 = arith.addi %add3A, %mul3A_48 : i32
        %mul3A_50 = arith.constant 2048 : i32
        %mul3A_51 = arith.muli %scan3A_41, %mul3A_50 : i32
        %dma_start3A = tpu.memref_slice %arg4[%mul3A_51] : memref<65536xi32, #tpu.memory_space<vmem>> -> memref<2048xi32, #tpu.memory_space<vmem>>
        %dma_start3A_52 = tpu.memref_slice %arg2[%add3A_49] : memref<3145728xi32, #tpu.memory_space<hbm>> -> memref<2048xi32, #tpu.memory_space<hbm>>
        %dma_start3A_53 = tpu.memref_slice %arg4[%mul3A_51] : memref<65536xi32, #tpu.memory_space<vmem>> -> memref<2048xi32, #tpu.memory_space<vmem>>
        %dma_start3A_54 = tpu.memref_slice %arg2[%add3A_49] : memref<3145728xi32, #tpu.memory_space<hbm>> -> memref<2048xi32, #tpu.memory_space<hbm>>
        tpu.enqueue_dma source(%dma_start3A_54 : memref<2048xi32, #tpu.memory_space<hbm>>) target(%dma_start3A_53 : memref<2048xi32, #tpu.memory_space<vmem>>) target_semaphore(%arg10 : memref<!tpu.dma_semaphore, #tpu.memory_space<semaphore_mem>>)
        %scan3A_55 = arith.constant 0 : i32
        scf.yield %scan3A_55 : i32
      }
      %scan3A_24 = arith.constant 32 : i32
      %scan3A_25 = arith.constant 0 : i32
      %scan3A_26 = arith.constant 0 : i32
      %scan3A_27 = arith.constant 32 : i32
      %scan3A_28 = arith.addi %scan3A_26, %scan3A_27 : i32
      %scan3A_29 = arith.constant 1 : i32
      %scan3A_30 = scf.for %scan3A_41 = %scan3A_26 to %scan3A_28 step %scan3A_29 iter_args(%scan3A_42 = %scan3A_25) -> (i32)  : i32 {
        %dma_wait3A = arith.constant 0 : i32
        %dma_wait3A_43 = tpu.memref_slice %arg4[%dma_wait3A] : memref<65536xi32, #tpu.memory_space<vmem>> -> memref<2048xi32, #tpu.memory_space<vmem>>
        %dma_wait3A_44 = arith.constant 0 : i32
        %dma_wait3A_45 = tpu.memref_slice %arg2[%dma_wait3A_44] : memref<3145728xi32, #tpu.memory_space<hbm>> -> memref<2048xi32, #tpu.memory_space<hbm>>
        %dma_wait3A_46 = arith.constant 0 : i32
        %dma_wait3A_47 = tpu.memref_slice %arg4[%dma_wait3A_46] : memref<65536xi32, #tpu.memory_space<vmem>> -> memref<2048xi32, #tpu.memory_space<vmem>>
        %dma_wait3A_48 = arith.constant 0 : i32
        %dma_wait3A_49 = tpu.memref_slice %arg2[%dma_wait3A_48] : memref<3145728xi32, #tpu.memory_space<hbm>> -> memref<2048xi32, #tpu.memory_space<hbm>>
        tpu.wait_dma2 semaphore(%arg10 : memref<!tpu.dma_semaphore, #tpu.memory_space<semaphore_mem>>) src(%dma_wait3A_49 : memref<2048xi32, #tpu.memory_space<hbm>>) dst(%dma_wait3A_47 : memref<2048xi32, #tpu.memory_space<vmem>>)
        %scan3A_50 = arith.constant 0 : i32
        scf.yield %scan3A_50 : i32
      }
      %scan3A_31 = arith.constant 32 : i32
      %scan3A_32 = arith.constant 0 : i32
      %scan3A_33 = arith.constant 0 : i32
      %scan3A_34 = arith.constant 128 : i32
      %scan3A_35 = arith.addi %scan3A_33, %scan3A_34 : i32
      %scan3A_36 = arith.constant 2 : i32
      %scan3A_37 = scf.for %scan3A_41 = %scan3A_33 to %scan3A_35 step %scan3A_36 iter_args(%scan3A_42 = %scan3A_32) -> (i32)  : i32 {
        %mul3A_43 = arith.constant 2048 : i32
        %mul3A_44 = arith.muli %scan3A_16, %mul3A_43 : i32
        %mul3A_45 = arith.constant 16 : i32
        %mul3A_46 = arith.muli %scan3A_41, %mul3A_45 : i32
        %add3A = arith.addi %mul3A_44, %mul3A_46 : i32
        %broadcast_in_dim3A_47 = arith.constant 0 : i32
        %broadcast_in_dim3A_48 = vector.broadcast %broadcast_in_dim3A_47 : i32 to vector<16xi32>
        %scan3A_49 = arith.constant 0 : i32
        %scan3A_50 = arith.constant 32 : i32
        %scan3A_51 = arith.addi %scan3A_49, %scan3A_50 : i32
        %scan3A_52 = arith.constant 8 : i32
        %scan3A_53 = scf.for %scan3A_83 = %scan3A_49 to %scan3A_51 step %scan3A_52 iter_args(%scan3A_84 = %broadcast_in_dim3A_48) -> (vector<16xi32>)  : i32 {
          %mul3A_85 = arith.constant 2048 : i32
          %mul3A_86 = arith.muli %scan3A_83, %mul3A_85 : i32
          %mul3A_87 = arith.constant 16 : i32
          %mul3A_88 = arith.muli %scan3A_41, %mul3A_87 : i32
          %add3A_89 = arith.addi %mul3A_86, %mul3A_88 : i32
          %get3A = arith.index_cast %add3A_89 : i32 to index
          %get3A_90 = tpu.vector_load %arg4[%get3A] {strides = array<i32>} : memref<65536xi32, #tpu.memory_space<vmem>>, vector<16xi32>,
          %add3A_91 = arith.addi %scan3A_84, %get3A_90 : vector<16xi32>
          %scan3A_92 = arith.constant 1 : i32
          %scan3A_93 = arith.addi %scan3A_83, %scan3A_92 : i32
          %mul3A_94 = arith.constant 2048 : i32
          %mul3A_95 = arith.muli %scan3A_93, %mul3A_94 : i32
          %mul3A_96 = arith.constant 16 : i32
          %mul3A_97 = arith.muli %scan3A_41, %mul3A_96 : i32
          %add3A_98 = arith.addi %mul3A_95, %mul3A_97 : i32
          %get3A_99 = arith.index_cast %add3A_98 : i32 to index
          %get3A_100 = tpu.vector_load %arg4[%get3A_99] {strides = array<i32>} : memref<65536xi32, #tpu.memory_space<vmem>>, vector<16xi32>,
          %add3A_101 = arith.addi %add3A_91, %get3A_100 : vector<16xi32>
          %scan3A_102 = arith.constant 2 : i32
          %scan3A_103 = arith.addi %scan3A_83, %scan3A_102 : i32
          %mul3A_104 = arith.constant 2048 : i32
          %mul3A_105 = arith.muli %scan3A_103, %mul3A_104 : i32
          %mul3A_106 = arith.constant 16 : i32
          %mul3A_107 = arith.muli %scan3A_41, %mul3A_106 : i32
          %add3A_108 = arith.addi %mul3A_105, %mul3A_107 : i32
          %get3A_109 = arith.index_cast %add3A_108 : i32 to index
          %get3A_110 = tpu.vector_load %arg4[%get3A_109] {strides = array<i32>} : memref<65536xi32, #tpu.memory_space<vmem>>, vector<16xi32>,
          %add3A_111 = arith.addi %add3A_101, %get3A_110 : vector<16xi32>
          %scan3A_112 = arith.constant 3 : i32
          %scan3A_113 = arith.addi %scan3A_83, %scan3A_112 : i32
          %mul3A_114 = arith.constant 2048 : i32
          %mul3A_115 = arith.muli %scan3A_113, %mul3A_114 : i32
          %mul3A_116 = arith.constant 16 : i32
          %mul3A_117 = arith.muli %scan3A_41, %mul3A_116 : i32
          %add3A_118 = arith.addi %mul3A_115, %mul3A_117 : i32
          %get3A_119 = arith.index_cast %add3A_118 : i32 to index
          %get3A_120 = tpu.vector_load %arg4[%get3A_119] {strides = array<i32>} : memref<65536xi32, #tpu.memory_space<vmem>>, vector<16xi32>,
          %add3A_121 = arith.addi %add3A_111, %get3A_120 : vector<16xi32>
          %scan3A_122 = arith.constant 4 : i32
          %scan3A_123 = arith.addi %scan3A_83, %scan3A_122 : i32
          %mul3A_124 = arith.constant 2048 : i32
          %mul3A_125 = arith.muli %scan3A_123, %mul3A_124 : i32
          %mul3A_126 = arith.constant 16 : i32
          %mul3A_127 = arith.muli %scan3A_41, %mul3A_126 : i32
          %add3A_128 = arith.addi %mul3A_125, %mul3A_127 : i32
          %get3A_129 = arith.index_cast %add3A_128 : i32 to index
          %get3A_130 = tpu.vector_load %arg4[%get3A_129] {strides = array<i32>} : memref<65536xi32, #tpu.memory_space<vmem>>, vector<16xi32>,
          %add3A_131 = arith.addi %add3A_121, %get3A_130 : vector<16xi32>
          %scan3A_132 = arith.constant 5 : i32
          %scan3A_133 = arith.addi %scan3A_83, %scan3A_132 : i32
          %mul3A_134 = arith.constant 2048 : i32
          %mul3A_135 = arith.muli %scan3A_133, %mul3A_134 : i32
          %mul3A_136 = arith.constant 16 : i32
          %mul3A_137 = arith.muli %scan3A_41, %mul3A_136 : i32
          %add3A_138 = arith.addi %mul3A_135, %mul3A_137 : i32
          %get3A_139 = arith.index_cast %add3A_138 : i32 to index
          %get3A_140 = tpu.vector_load %arg4[%get3A_139] {strides = array<i32>} : memref<65536xi32, #tpu.memory_space<vmem>>, vector<16xi32>,
          %add3A_141 = arith.addi %add3A_131, %get3A_140 : vector<16xi32>
          %scan3A_142 = arith.constant 6 : i32
          %scan3A_143 = arith.addi %scan3A_83, %scan3A_142 : i32
          %mul3A_144 = arith.constant 2048 : i32
          %mul3A_145 = arith.muli %scan3A_143, %mul3A_144 : i32
          %mul3A_146 = arith.constant 16 : i32
          %mul3A_147 = arith.muli %scan3A_41, %mul3A_146 : i32
          %add3A_148 = arith.addi %mul3A_145, %mul3A_147 : i32
          %get3A_149 = arith.index_cast %add3A_148 : i32 to index
          %get3A_150 = tpu.vector_load %arg4[%get3A_149] {strides = array<i32>} : memref<65536xi32, #tpu.memory_space<vmem>>, vector<16xi32>,
          %add3A_151 = arith.addi %add3A_141, %get3A_150 : vector<16xi32>
          %scan3A_152 = arith.constant 7 : i32
          %scan3A_153 = arith.addi %scan3A_83, %scan3A_152 : i32
          %mul3A_154 = arith.constant 2048 : i32
          %mul3A_155 = arith.muli %scan3A_153, %mul3A_154 : i32
          %mul3A_156 = arith.constant 16 : i32
          %mul3A_157 = arith.muli %scan3A_41, %mul3A_156 : i32
          %add3A_158 = arith.addi %mul3A_155, %mul3A_157 : i32
          %get3A_159 = arith.index_cast %add3A_158 : i32 to index
          %get3A_160 = tpu.vector_load %arg4[%get3A_159] {strides = array<i32>} : memref<65536xi32, #tpu.memory_space<vmem>>, vector<16xi32>,
          %add3A_161 = arith.addi %add3A_151, %get3A_160 : vector<16xi32>
          scf.yield %add3A_161 : vector<16xi32>
        }
        %scan3A_54 = arith.constant 32 : i32
        %swap3A_55 = arith.index_cast %add3A : i32 to index
        %swap3A_56 = tpu.vector_load %arg5[%swap3A_55] {strides = array<i32>} : memref<6144xi32, #tpu.memory_space<vmem>>, vector<16xi32>,
        tpu.vector_store %arg5[%swap3A_55], %scan3A_53 {strides = array<i32>} : memref<6144xi32, #tpu.memory_space<vmem>>, vector<16xi32>,
        %reduce_sum3A = arith.constant true
        %reduce_sum3A_57 = vector.broadcast %reduce_sum3A : i1 to vector<16xi1>
        %reduce_sum3A_58 = tpu.scan <sum>, %scan3A_53 masked %reduce_sum3A_57 : vector<16xi32>, vector<16xi1> -> vector<16xi32>
        %reduce_sum3A_59 = vector.extract %reduce_sum3A_58[15] : i32 from vector<16xi32>
        %add3A_60 = arith.addi %scan3A_42, %reduce_sum3A_59 : i32
        %scan3A_61 = arith.constant 1 : i32
        %scan3A_62 = arith.addi %scan3A_41, %scan3A_61 : i32
        %mul3A_63 = arith.constant 2048 : i32
        %mul3A_64 = arith.muli %scan3A_16, %mul3A_63 : i32
        %mul3A_65 = arith.constant 16 : i32
        %mul3A_66 = arith.muli %scan3A_62, %mul3A_65 : i32
        %add3A_67 = arith.addi %mul3A_64, %mul3A_66 : i32
        %broadcast_in_dim3A_68 = arith.constant 0 : i32
        %broadcast_in_dim3A_69 = vector.broadcast %broadcast_in_dim3A_68 : i32 to vector<16xi32>
        %scan3A_70 = arith.constant 0 : i32
        %scan3A_71 = arith.constant 32 : i32
        %scan3A_72 = arith.addi %scan3A_70, %scan3A_71 : i32
        %scan3A_73 = arith.constant 8 : i32
        %scan3A_74 = scf.for %scan3A_83 = %scan3A_70 to %scan3A_72 step %scan3A_73 iter_args(%scan3A_84 = %broadcast_in_dim3A_69) -> (vector<16xi32>)  : i32 {
          %mul3A_85 = arith.constant 2048 : i32
          %mul3A_86 = arith.muli %scan3A_83, %mul3A_85 : i32
          %mul3A_87 = arith.constant 16 : i32
          %mul3A_88 = arith.muli %scan3A_62, %mul3A_87 : i32
          %add3A_89 = arith.addi %mul3A_86, %mul3A_88 : i32
          %get3A = arith.index_cast %add3A_89 : i32 to index
          %get3A_90 = tpu.vector_load %arg4[%get3A] {strides = array<i32>} : memref<65536xi32, #tpu.memory_space<vmem>>, vector<16xi32>,
          %add3A_91 = arith.addi %scan3A_84, %get3A_90 : vector<16xi32>
          %scan3A_92 = arith.constant 1 : i32
          %scan3A_93 = arith.addi %scan3A_83, %scan3A_92 : i32
          %mul3A_94 = arith.constant 2048 : i32
          %mul3A_95 = arith.muli %scan3A_93, %mul3A_94 : i32
          %mul3A_96 = arith.constant 16 : i32
          %mul3A_97 = arith.muli %scan3A_62, %mul3A_96 : i32
          %add3A_98 = arith.addi %mul3A_95, %mul3A_97 : i32
          %get3A_99 = arith.index_cast %add3A_98 : i32 to index
          %get3A_100 = tpu.vector_load %arg4[%get3A_99] {strides = array<i32>} : memref<65536xi32, #tpu.memory_space<vmem>>, vector<16xi32>,
          %add3A_101 = arith.addi %add3A_91, %get3A_100 : vector<16xi32>
          %scan3A_102 = arith.constant 2 : i32
          %scan3A_103 = arith.addi %scan3A_83, %scan3A_102 : i32
          %mul3A_104 = arith.constant 2048 : i32
          %mul3A_105 = arith.muli %scan3A_103, %mul3A_104 : i32
          %mul3A_106 = arith.constant 16 : i32
          %mul3A_107 = arith.muli %scan3A_62, %mul3A_106 : i32
          %add3A_108 = arith.addi %mul3A_105, %mul3A_107 : i32
          %get3A_109 = arith.index_cast %add3A_108 : i32 to index
          %get3A_110 = tpu.vector_load %arg4[%get3A_109] {strides = array<i32>} : memref<65536xi32, #tpu.memory_space<vmem>>, vector<16xi32>,
          %add3A_111 = arith.addi %add3A_101, %get3A_110 : vector<16xi32>
          %scan3A_112 = arith.constant 3 : i32
          %scan3A_113 = arith.addi %scan3A_83, %scan3A_112 : i32
          %mul3A_114 = arith.constant 2048 : i32
          %mul3A_115 = arith.muli %scan3A_113, %mul3A_114 : i32
          %mul3A_116 = arith.constant 16 : i32
          %mul3A_117 = arith.muli %scan3A_62, %mul3A_116 : i32
          %add3A_118 = arith.addi %mul3A_115, %mul3A_117 : i32
          %get3A_119 = arith.index_cast %add3A_118 : i32 to index
          %get3A_120 = tpu.vector_load %arg4[%get3A_119] {strides = array<i32>} : memref<65536xi32, #tpu.memory_space<vmem>>, vector<16xi32>,
          %add3A_121 = arith.addi %add3A_111, %get3A_120 : vector<16xi32>
          %scan3A_122 = arith.constant 4 : i32
          %scan3A_123 = arith.addi %scan3A_83, %scan3A_122 : i32
          %mul3A_124 = arith.constant 2048 : i32
          %mul3A_125 = arith.muli %scan3A_123, %mul3A_124 : i32
          %mul3A_126 = arith.constant 16 : i32
          %mul3A_127 = arith.muli %scan3A_62, %mul3A_126 : i32
          %add3A_128 = arith.addi %mul3A_125, %mul3A_127 : i32
          %get3A_129 = arith.index_cast %add3A_128 : i32 to index
          %get3A_130 = tpu.vector_load %arg4[%get3A_129] {strides = array<i32>} : memref<65536xi32, #tpu.memory_space<vmem>>, vector<16xi32>,
          %add3A_131 = arith.addi %add3A_121, %get3A_130 : vector<16xi32>
          %scan3A_132 = arith.constant 5 : i32
          %scan3A_133 = arith.addi %scan3A_83, %scan3A_132 : i32
          %mul3A_134 = arith.constant 2048 : i32
          %mul3A_135 = arith.muli %scan3A_133, %mul3A_134 : i32
          %mul3A_136 = arith.constant 16 : i32
          %mul3A_137 = arith.muli %scan3A_62, %mul3A_136 : i32
          %add3A_138 = arith.addi %mul3A_135, %mul3A_137 : i32
          %get3A_139 = arith.index_cast %add3A_138 : i32 to index
          %get3A_140 = tpu.vector_load %arg4[%get3A_139] {strides = array<i32>} : memref<65536xi32, #tpu.memory_space<vmem>>, vector<16xi32>,
          %add3A_141 = arith.addi %add3A_131, %get3A_140 : vector<16xi32>
          %scan3A_142 = arith.constant 6 : i32
          %scan3A_143 = arith.addi %scan3A_83, %scan3A_142 : i32
          %mul3A_144 = arith.constant 2048 : i32
          %mul3A_145 = arith.muli %scan3A_143, %mul3A_144 : i32
          %mul3A_146 = arith.constant 16 : i32
          %mul3A_147 = arith.muli %scan3A_62, %mul3A_146 : i32
          %add3A_148 = arith.addi %mul3A_145, %mul3A_147 : i32
          %get3A_149 = arith.index_cast %add3A_148 : i32 to index
          %get3A_150 = tpu.vector_load %arg4[%get3A_149] {strides = array<i32>} : memref<65536xi32, #tpu.memory_space<vmem>>, vector<16xi32>,
          %add3A_151 = arith.addi %add3A_141, %get3A_150 : vector<16xi32>
          %scan3A_152 = arith.constant 7 : i32
          %scan3A_153 = arith.addi %scan3A_83, %scan3A_152 : i32
          %mul3A_154 = arith.constant 2048 : i32
          %mul3A_155 = arith.muli %scan3A_153, %mul3A_154 : i32
          %mul3A_156 = arith.constant 16 : i32
          %mul3A_157 = arith.muli %scan3A_62, %mul3A_156 : i32
          %add3A_158 = arith.addi %mul3A_155, %mul3A_157 : i32
          %get3A_159 = arith.index_cast %add3A_158 : i32 to index
          %get3A_160 = tpu.vector_load %arg4[%get3A_159] {strides = array<i32>} : memref<65536xi32, #tpu.memory_space<vmem>>, vector<16xi32>,
          %add3A_161 = arith.addi %add3A_151, %get3A_160 : vector<16xi32>
          scf.yield %add3A_161 : vector<16xi32>
        }
        %scan3A_75 = arith.constant 32 : i32
        %swap3A_76 = arith.index_cast %add3A_67 : i32 to index
        %swap3A_77 = tpu.vector_load %arg5[%swap3A_76] {strides = array<i32>} : memref<6144xi32, #tpu.memory_space<vmem>>, vector<16xi32>,
        tpu.vector_store %arg5[%swap3A_76], %scan3A_74 {strides = array<i32>} : memref<6144xi32, #tpu.memory_space<vmem>>, vector<16xi32>,
        %reduce_sum3A_78 = arith.constant true
        %reduce_sum3A_79 = vector.broadcast %reduce_sum3A_78 : i1 to vector<16xi1>
        %reduce_sum3A_80 = tpu.scan <sum>, %scan3A_74 masked %reduce_sum3A_79 : vector<16xi32>, vector<16xi1> -> vector<16xi32>
        %reduce_sum3A_81 = vector.extract %reduce_sum3A_80[15] : i32 from vector<16xi32>
        %add3A_82 = arith.addi %add3A_60, %reduce_sum3A_81 : i32
        scf.yield %add3A_82 : i32
      }
      %scan3A_38 = arith.constant 128 : i32
      %eq3A = vector.broadcast %scan3A_16 : i32 to vector<16xi32>
      %eq3A_39 = arith.cmpi eq, %iota3A, %eq3A : vector<16xi32>
      %broadcast_in_dim3A_40 = vector.broadcast %scan3A_37 : i32 to vector<16xi32>
      %select_n3A = arith.select %eq3A_39, %broadcast_in_dim3A_40, %scan3A_17 : vector<16xi1>, vector<16xi32>
      scf.yield %select_n3A : vector<16xi32>
    }
    %scan3A_5 = arith.constant 3 : i32
    %swap3A = arith.constant 0 : index
    %swap3A_6 = tpu.vector_load %arg7[%swap3A] {strides = array<i32>} : memref<16xi32, #tpu.memory_space<vmem>>, vector<16xi32>,
    tpu.vector_store %arg7[%swap3A], %scan3A_4 {strides = array<i32>} : memref<16xi32, #tpu.memory_space<vmem>>, vector<16xi32>,
    %mul3A = arith.constant 16 : i32
    %mul3A_7 = arith.muli %arg1, %mul3A : i32
    "tpu.region"() ({
      %run_scoped3A = tpu.sem_alloc : memref<!tpu.dma_semaphore, #tpu.memory_space<semaphore_mem>>
      %dma_start3A = tpu.memref_slice %arg9[%mul3A_7] : memref<256xi32, #tpu.memory_space<vmem_shared>> -> memref<16xi32, #tpu.memory_space<vmem_shared>>
      %dma_start3A_16 = tpu.memref_slice %arg9[%mul3A_7] : memref<256xi32, #tpu.memory_space<vmem_shared>> -> memref<16xi32, #tpu.memory_space<vmem_shared>>
      tpu.enqueue_dma source(%arg7 : memref<16xi32, #tpu.memory_space<vmem>>) target(%dma_start3A_16 : memref<16xi32, #tpu.memory_space<vmem_shared>>) target_semaphore(%run_scoped3A : memref<!tpu.dma_semaphore, #tpu.memory_space<semaphore_mem>>)
      %dma_wait3A = tpu.memref_slice %arg9[%mul3A_7] : memref<256xi32, #tpu.memory_space<vmem_shared>> -> memref<16xi32, #tpu.memory_space<vmem_shared>>
      %dma_wait3A_17 = tpu.memref_slice %arg9[%mul3A_7] : memref<256xi32, #tpu.memory_space<vmem_shared>> -> memref<16xi32, #tpu.memory_space<vmem_shared>>
      tpu.wait_dma2 semaphore(%run_scoped3A : memref<!tpu.dma_semaphore, #tpu.memory_space<semaphore_mem>>) src(%arg7 : memref<16xi32, #tpu.memory_space<vmem>>) dst(%dma_wait3A_17 : memref<16xi32, #tpu.memory_space<vmem_shared>>)
      tpu.yield
    }) : () -> ()
    %barrier3A = arith.constant 0 : index
    tpu.barrier barrier_id(%barrier3A)
    "tpu.region"() ({
      %run_scoped3A = tpu.sem_alloc : memref<!tpu.dma_semaphore, #tpu.memory_space<semaphore_mem>>
      tpu.enqueue_dma source(%arg9 : memref<256xi32, #tpu.memory_space<vmem_shared>>) target(%arg8 : memref<256xi32, #tpu.memory_space<vmem>>) target_semaphore(%run_scoped3A : memref<!tpu.dma_semaphore, #tpu.memory_space<semaphore_mem>>)
      tpu.wait_dma2 semaphore(%run_scoped3A : memref<!tpu.dma_semaphore, #tpu.memory_space<semaphore_mem>>) src(%arg9 : memref<256xi32, #tpu.memory_space<vmem_shared>>) dst(%arg8 : memref<256xi32, #tpu.memory_space<vmem>>)
      tpu.yield
    }) : () -> ()
    %scan3A_8 = arith.constant 1.90734863E-6 : f32
    %scan3A_9 = arith.constant 0 : i32
    %scan3A_10 = arith.constant 0 : i32
    %scan3A_11 = arith.constant 3 : i32
    %scan3A_12 = arith.addi %scan3A_10, %scan3A_11 : i32
    %scan3A_13 = arith.constant 1 : i32
    %scan3A_14 = scf.for %scan3A_16 = %scan3A_10 to %scan3A_12 step %scan3A_13 iter_args(%scan3A_17 = %scan3A_9) -> (i32)  : i32 {
      %mul3A_18 = arith.constant 16 : i32
      %mul3A_19 = vector.broadcast %mul3A_18 : i32 to vector<16xi32>
      %mul3A_20 = arith.muli %iota3A, %mul3A_19 : vector<16xi32>
      %add3A = vector.broadcast %scan3A_16 : i32 to vector<16xi32>
      %add3A_21 = arith.addi %mul3A_20, %add3A : vector<16xi32>
      %gather3A = tpu.vector_load_idx %arg8[%add3A_21] : memref<256xi32, #tpu.memory_space<vmem>>[vector<16xi32>], vector<16xi32>,
      %lt3A = vector.broadcast %arg1 : i32 to vector<16xi32>
      %lt3A_22 = arith.cmpi slt, %iota3A, %lt3A : vector<16xi32>
      %jit3A = arith.constant 0 : i32
      %broadcast_in_dim3A_23 = vector.broadcast %jit3A : i32 to vector<16xi32>
      %select_n3A = arith.select %lt3A_22, %gather3A, %broadcast_in_dim3A_23 : vector<16xi1>, vector<16xi32>
      %reduce_sum3A = arith.constant true
      %reduce_sum3A_24 = vector.broadcast %reduce_sum3A : i1 to vector<16xi1>
      %reduce_sum3A_25 = tpu.scan <sum>, %select_n3A masked %reduce_sum3A_24 : vector<16xi32>, vector<16xi1> -> vector<16xi32>
      %reduce_sum3A_26 = vector.extract %reduce_sum3A_25[15] : i32 from vector<16xi32>
      %scan3A_27 = arith.constant 0 : i32
      %scan3A_28 = arith.constant 128 : i32
      %scan3A_29 = arith.addi %scan3A_27, %scan3A_28 : i32
      %scan3A_30 = arith.constant 1 : i32
      %scan3A_31 = scf.for %scan3A_39 = %scan3A_27 to %scan3A_29 step %scan3A_30 iter_args(%scan3A_40 = %reduce_sum3A_26) -> (i32)  : i32 {
        %mul3A_41 = arith.constant 2048 : i32
        %mul3A_42 = arith.muli %scan3A_16, %mul3A_41 : i32
        %mul3A_43 = arith.constant 16 : i32
        %mul3A_44 = arith.muli %scan3A_39, %mul3A_43 : i32
        %add3A_45 = arith.addi %mul3A_42, %mul3A_44 : i32
        %get3A = arith.index_cast %add3A_45 : i32 to index
        %get3A_46 = tpu.vector_load %arg5[%get3A] {strides = array<i32>} : memref<6144xi32, #tpu.memory_space<vmem>>, vector<16xi32>,
        %cumsum3A = arith.constant true
        %cumsum3A_47 = vector.broadcast %cumsum3A : i1 to vector<16xi1>
        %cumsum3A_48 = tpu.scan <sum>, %get3A_46 masked %cumsum3A_47 : vector<16xi32>, vector<16xi1> -> vector<16xi32>
        %sub3A = arith.subi %cumsum3A_48, %get3A_46 : vector<16xi32>
        %add3A_49 = vector.broadcast %scan3A_40 : i32 to vector<16xi32>
        %add3A_50 = arith.addi %sub3A, %add3A_49 : vector<16xi32>
        %convert_element_type3A = arith.sitofp %add3A_50 : vector<16xi32> to vector<16xf32>
        %convert_element_type3A_51 = arith.sitofp %get3A_46 : vector<16xi32> to vector<16xf32>
        %sub3A_52 = arith.constant 1.000000e+00 : f32
        %sub3A_53 = vector.broadcast %sub3A_52 : f32 to vector<16xf32>
        %sub3A_54 = arith.subf %convert_element_type3A_51, %sub3A_53 : vector<16xf32>
        %mul3A_55 = arith.constant 5.000000e-01 : f32
        %mul3A_56 = vector.broadcast %mul3A_55 : f32 to vector<16xf32>
        %mul3A_57 = arith.mulf %sub3A_54, %mul3A_56 : vector<16xf32>
        %add3A_58 = arith.addf %convert_element_type3A, %mul3A_57 : vector<16xf32>
        %mul3A_59 = vector.broadcast %scan3A_8 : f32 to vector<16xf32>
        %mul3A_60 = arith.mulf %add3A_58, %mul3A_59 : vector<16xf32>
        %mul3A_61 = arith.constant 16 : i32
        %mul3A_62 = arith.muli %scan3A_39, %mul3A_61 : i32
        %swap3A_63 = arith.index_cast %mul3A_62 : i32 to index
        %swap3A_64 = tpu.vector_load %arg6[%swap3A_63] {strides = array<i32>} : memref<2048xf32, #tpu.memory_space<vmem>>, vector<16xf32>,
        tpu.vector_store %arg6[%swap3A_63], %mul3A_60 {strides = array<i32>} : memref<2048xf32, #tpu.memory_space<vmem>>, vector<16xf32>,
        %reduce_sum3A_65 = arith.constant true
        %reduce_sum3A_66 = vector.broadcast %reduce_sum3A_65 : i1 to vector<16xi1>
        %reduce_sum3A_67 = tpu.scan <sum>, %get3A_46 masked %reduce_sum3A_66 : vector<16xi32>, vector<16xi1> -> vector<16xi32>
        %reduce_sum3A_68 = vector.extract %reduce_sum3A_67[15] : i32 from vector<16xi32>
        %add3A_69 = arith.addi %scan3A_40, %reduce_sum3A_68 : i32
        scf.yield %add3A_69 : i32
      }
      %scan3A_32 = arith.constant 128 : i32
      %mul3A_33 = arith.constant 32768 : i32
      %mul3A_34 = arith.muli %scan3A_16, %mul3A_33 : i32
      %mul3A_35 = arith.constant 2048 : i32
      %mul3A_36 = arith.muli %arg1, %mul3A_35 : i32
      %add3A_37 = arith.addi %mul3A_34, %mul3A_36 : i32
      "tpu.region"() ({
        %run_scoped3A = tpu.sem_alloc : memref<!tpu.dma_semaphore, #tpu.memory_space<semaphore_mem>>
        %dma_start3A = tpu.memref_slice %arg3[%add3A_37] : memref<98304xf32, #tpu.memory_space<hbm>> -> memref<2048xf32, #tpu.memory_space<hbm>>
        %dma_start3A_39 = tpu.memref_slice %arg3[%add3A_37] : memref<98304xf32, #tpu.memory_space<hbm>> -> memref<2048xf32, #tpu.memory_space<hbm>>
        tpu.enqueue_dma source(%arg6 : memref<2048xf32, #tpu.memory_space<vmem>>) target(%dma_start3A_39 : memref<2048xf32, #tpu.memory_space<hbm>>) target_semaphore(%run_scoped3A : memref<!tpu.dma_semaphore, #tpu.memory_space<semaphore_mem>>)
        %dma_wait3A = tpu.memref_slice %arg3[%add3A_37] : memref<98304xf32, #tpu.memory_space<hbm>> -> memref<2048xf32, #tpu.memory_space<hbm>>
        %dma_wait3A_40 = tpu.memref_slice %arg3[%add3A_37] : memref<98304xf32, #tpu.memory_space<hbm>> -> memref<2048xf32, #tpu.memory_space<hbm>>
        tpu.wait_dma2 semaphore(%run_scoped3A : memref<!tpu.dma_semaphore, #tpu.memory_space<semaphore_mem>>) src(%arg6 : memref<2048xf32, #tpu.memory_space<vmem>>) dst(%dma_wait3A_40 : memref<2048xf32, #tpu.memory_space<hbm>>)
        tpu.yield
      }) : () -> ()
      %scan3A_38 = arith.constant 0 : i32
      scf.yield %scan3A_38 : i32
    }
    %scan3A_15 = arith.constant 3 : i32
    return
  }
}

#map = affine_map<(d0, d1) -> (0)>
module attributes {stable_mosaic.version = 14 : i64} {
  func.func @_k4_pairs(%arg0: i32, %arg1: i32, %arg2: memref<524288xf32, #tpu.memory_space<hbm>>, %arg3: memref<20971520xi32, #tpu.memory_space<hbm>>, %arg4: memref<20971520xi32, #tpu.memory_space<hbm>>, %arg5: memref<512xf32, #tpu.memory_space<hbm>>, %arg6: memref<262144xf32, #tpu.memory_space<vmem_shared>>, %arg7: memref<8192xi32, #tpu.memory_space<vmem>>, %arg8: memref<8192xi32, #tpu.memory_space<vmem>>, %arg9: memref<8192xi32, #tpu.memory_space<vmem>>, %arg10: memref<8192xi32, #tpu.memory_space<vmem>>, %arg11: memref<8192xi32, #tpu.memory_space<vmem>>, %arg12: memref<8192xi32, #tpu.memory_space<vmem>>, %arg13: memref<8192xi32, #tpu.memory_space<vmem>>, %arg14: memref<8192xi32, #tpu.memory_space<vmem>>, %arg15: memref<8192xf32, #tpu.memory_space<vmem>>, %arg16: memref<8192xf32, #tpu.memory_space<vmem>>, %arg17: memref<8192xf32, #tpu.memory_space<vmem>>, %arg18: memref<8192xf32, #tpu.memory_space<vmem>>, %arg19: memref<16xf32, #tpu.memory_space<vmem>>, %arg20: memref<!tpu.dma_semaphore, #tpu.memory_space<semaphore_mem>>, %arg21: memref<!tpu.dma_semaphore, #tpu.memory_space<semaphore_mem>>, %arg22: memref<!tpu.dma_semaphore, #tpu.memory_space<semaphore_mem>>, %arg23: memref<!tpu.dma_semaphore, #tpu.memory_space<semaphore_mem>>, %arg24: memref<!tpu.dma_semaphore, #tpu.memory_space<semaphore_mem>>, %arg25: memref<!tpu.dma_semaphore, #tpu.memory_space<semaphore_mem>>, %arg26: memref<!tpu.dma_semaphore, #tpu.memory_space<semaphore_mem>>, %arg27: memref<!tpu.dma_semaphore, #tpu.memory_space<semaphore_mem>>) attributes {dimension_semantics = [#tpu.dimension_semantics<core_parallel>, #tpu.dimension_semantics<subcore_parallel>], iteration_bounds = array<i64: 2, 16>, scalar_prefetch = 0 : i64, scratch_operands = 22 : i64, tpu.core_type = #tpu.core_type<sc_vector_subcore>, window_params = [{transform_indices = #map}, {transform_indices = #map}, {transform_indices = #map}, {transform_indices = #map}]} {
    %mul3A = arith.constant 2 : i32
    %mul3A_0 = arith.muli %arg1, %mul3A : i32
    %add3A = arith.addi %mul3A_0, %arg0 : i32
    %scan3A = arith.constant 0 : i32
    %scan3A_1 = arith.constant 0 : i32
    %scan3A_2 = arith.constant 2 : i32
    %scan3A_3 = arith.addi %scan3A_1, %scan3A_2 : i32
    %scan3A_4 = arith.constant 1 : i32
    %scan3A_5 = scf.for %scan3A_53 = %scan3A_1 to %scan3A_3 step %scan3A_4 iter_args(%scan3A_54 = %scan3A) -> (i32)  : i32 {
      %mul3A_55 = arith.constant 16384 : i32
      %mul3A_56 = arith.muli %arg1, %mul3A_55 : i32
      %mul3A_57 = arith.constant 8192 : i32
      %mul3A_58 = arith.muli %scan3A_53, %mul3A_57 : i32
      %add3A_59 = arith.addi %mul3A_56, %mul3A_58 : i32
      "tpu.region"() ({
        %run_scoped3A = tpu.sem_alloc : memref<!tpu.dma_semaphore, #tpu.memory_space<semaphore_mem>>
        %dma_start3A_70 = tpu.memref_slice %arg2[%add3A_59] : memref<524288xf32, #tpu.memory_space<hbm>> -> memref<8192xf32, #tpu.memory_space<hbm>>
        %dma_start3A_71 = tpu.memref_slice %arg2[%add3A_59] : memref<524288xf32, #tpu.memory_space<hbm>> -> memref<8192xf32, #tpu.memory_space<hbm>>
        tpu.enqueue_dma source(%dma_start3A_71 : memref<8192xf32, #tpu.memory_space<hbm>>) target(%arg15 : memref<8192xf32, #tpu.memory_space<vmem>>) target_semaphore(%run_scoped3A : memref<!tpu.dma_semaphore, #tpu.memory_space<semaphore_mem>>)
        %dma_wait3A_72 = tpu.memref_slice %arg2[%add3A_59] : memref<524288xf32, #tpu.memory_space<hbm>> -> memref<8192xf32, #tpu.memory_space<hbm>>
        %dma_wait3A_73 = tpu.memref_slice %arg2[%add3A_59] : memref<524288xf32, #tpu.memory_space<hbm>> -> memref<8192xf32, #tpu.memory_space<hbm>>
        tpu.wait_dma2 semaphore(%run_scoped3A : memref<!tpu.dma_semaphore, #tpu.memory_space<semaphore_mem>>) src(%dma_wait3A_73 : memref<8192xf32, #tpu.memory_space<hbm>>) dst(%arg15 : memref<8192xf32, #tpu.memory_space<vmem>>)
        tpu.yield
      }) : () -> ()
      %add3A_60 = arith.constant 262144 : i32
      %add3A_61 = arith.addi %add3A_59, %add3A_60 : i32
      "tpu.region"() ({
        %run_scoped3A = tpu.sem_alloc : memref<!tpu.dma_semaphore, #tpu.memory_space<semaphore_mem>>
        %dma_start3A_70 = tpu.memref_slice %arg2[%add3A_61] : memref<524288xf32, #tpu.memory_space<hbm>> -> memref<8192xf32, #tpu.memory_space<hbm>>
        %dma_start3A_71 = tpu.memref_slice %arg2[%add3A_61] : memref<524288xf32, #tpu.memory_space<hbm>> -> memref<8192xf32, #tpu.memory_space<hbm>>
        tpu.enqueue_dma source(%dma_start3A_71 : memref<8192xf32, #tpu.memory_space<hbm>>) target(%arg16 : memref<8192xf32, #tpu.memory_space<vmem>>) target_semaphore(%run_scoped3A : memref<!tpu.dma_semaphore, #tpu.memory_space<semaphore_mem>>)
        %dma_wait3A_72 = tpu.memref_slice %arg2[%add3A_61] : memref<524288xf32, #tpu.memory_space<hbm>> -> memref<8192xf32, #tpu.memory_space<hbm>>
        %dma_wait3A_73 = tpu.memref_slice %arg2[%add3A_61] : memref<524288xf32, #tpu.memory_space<hbm>> -> memref<8192xf32, #tpu.memory_space<hbm>>
        tpu.wait_dma2 semaphore(%run_scoped3A : memref<!tpu.dma_semaphore, #tpu.memory_space<semaphore_mem>>) src(%dma_wait3A_73 : memref<8192xf32, #tpu.memory_space<hbm>>) dst(%arg16 : memref<8192xf32, #tpu.memory_space<vmem>>)
        tpu.yield
      }) : () -> ()
      %scan3A_62 = arith.constant 0 : i32
      %scan3A_63 = arith.constant 0 : i32
      %scan3A_64 = arith.constant 512 : i32
      %scan3A_65 = arith.addi %scan3A_63, %scan3A_64 : i32
      %scan3A_66 = arith.constant 8 : i32
      %scan3A_67 = scf.for %scan3A_70 = %scan3A_63 to %scan3A_65 step %scan3A_66 iter_args(%scan3A_71 = %scan3A_62) -> (i32)  : i32 {
        %mul3A_72 = arith.constant 16 : i32
        %mul3A_73 = arith.muli %scan3A_70, %mul3A_72 : i32
        %get3A = arith.index_cast %mul3A_73 : i32 to index
        %get3A_74 = tpu.vector_load %arg15[%get3A] {strides = array<i32>} : memref<8192xf32, #tpu.memory_space<vmem>>, vector<16xf32>,
        %bitcast_convert_type3A = tpu.bitcast %get3A_74 : vector<16xf32> -> vector<16xi32>
        %get3A_75 = arith.index_cast %mul3A_73 : i32 to index
        %get3A_76 = tpu.vector_load %arg16[%get3A_75] {strides = array<i32>} : memref<8192xf32, #tpu.memory_space<vmem>>, vector<16xf32>,
        %bitcast_convert_type3A_77 = tpu.bitcast %get3A_76 : vector<16xf32> -> vector<16xi32>
        %add3A_78 = arith.constant 32767 : i32
        %add3A_79 = vector.broadcast %add3A_78 : i32 to vector<16xi32>
        %add3A_80 = arith.addi %bitcast_convert_type3A, %add3A_79 : vector<16xi32>
        %shift_right_logical3A = arith.constant 16 : i32
        %shift_right_logical3A_81 = vector.broadcast %shift_right_logical3A : i32 to vector<16xi32>
        %shift_right_logical3A_82 = arith.shrui %bitcast_convert_type3A, %shift_right_logical3A_81 : vector<16xi32>
        %and3A = arith.constant 1 : i32
        %and3A_83 = vector.broadcast %and3A : i32 to vector<16xi32>
        %and3A_84 = arith.andi %shift_right_logical3A_82, %and3A_83 : vector<16xi32>
        %add3A_85 = arith.addi %add3A_80, %and3A_84 : vector<16xi32>
        %shift_right_logical3A_86 = arith.constant 16 : i32
        %shift_right_logical3A_87 = vector.broadcast %shift_right_logical3A_86 : i32 to vector<16xi32>
        %shift_right_logical3A_88 = arith.shrui %add3A_85, %shift_right_logical3A_87 : vector<16xi32>
        %add3A_89 = arith.constant 32767 : i32
        %add3A_90 = vector.broadcast %add3A_89 : i32 to vector<16xi32>
        %add3A_91 = arith.addi %bitcast_convert_type3A_77, %add3A_90 : vector<16xi32>
        %shift_right_logical3A_92 = arith.constant 16 : i32
        %shift_right_logical3A_93 = vector.broadcast %shift_right_logical3A_92 : i32 to vector<16xi32>
        %shift_right_logical3A_94 = arith.shrui %bitcast_convert_type3A_77, %shift_right_logical3A_93 : vector<16xi32>
        %and3A_95 = arith.constant 1 : i32
        %and3A_96 = vector.broadcast %and3A_95 : i32 to vector<16xi32>
        %and3A_97 = arith.andi %shift_right_logical3A_94, %and3A_96 : vector<16xi32>
        %add3A_98 = arith.addi %add3A_91, %and3A_97 : vector<16xi32>
        %shift_right_logical3A_99 = arith.constant 16 : i32
        %shift_right_logical3A_100 = vector.broadcast %shift_right_logical3A_99 : i32 to vector<16xi32>
        %shift_right_logical3A_101 = arith.shrui %add3A_98, %shift_right_logical3A_100 : vector<16xi32>
        %shift_left3A = arith.constant 16 : i32
        %shift_left3A_102 = vector.broadcast %shift_left3A : i32 to vector<16xi32>
        %shift_left3A_103 = arith.shli %shift_right_logical3A_101, %shift_left3A_102 : vector<16xi32>
        %or3A = arith.ori %shift_right_logical3A_88, %shift_left3A_103 : vector<16xi32>
        %bitcast_convert_type3A_104 = tpu.bitcast %or3A : vector<16xi32> -> vector<16xf32>
        %swap3A_105 = arith.index_cast %mul3A_73 : i32 to index
        %swap3A_106 = tpu.vector_load %arg17[%swap3A_105] {strides = array<i32>} : memref<8192xf32, #tpu.memory_space<vmem>>, vector<16xf32>,
        tpu.vector_store %arg17[%swap3A_105], %bitcast_convert_type3A_104 {strides = array<i32>} : memref<8192xf32, #tpu.memory_space<vmem>>, vector<16xf32>,
        %scan3A_107 = arith.constant 0 : i32
        %scan3A_108 = arith.constant 1 : i32
        %scan3A_109 = arith.addi %scan3A_70, %scan3A_108 : i32
        %mul3A_110 = arith.constant 16 : i32
        %mul3A_111 = arith.muli %scan3A_109, %mul3A_110 : i32
        %get3A_112 = arith.index_cast %mul3A_111 : i32 to index
        %get3A_113 = tpu.vector_load %arg15[%get3A_112] {strides = array<i32>} : memref<8192xf32, #tpu.memory_space<vmem>>, vector<16xf32>,
        %bitcast_convert_type3A_114 = tpu.bitcast %get3A_113 : vector<16xf32> -> vector<16xi32>
        %get3A_115 = arith.index_cast %mul3A_111 : i32 to index
        %get3A_116 = tpu.vector_load %arg16[%get3A_115] {strides = array<i32>} : memref<8192xf32, #tpu.memory_space<vmem>>, vector<16xf32>,
        %bitcast_convert_type3A_117 = tpu.bitcast %get3A_116 : vector<16xf32> -> vector<16xi32>
        %add3A_118 = arith.constant 32767 : i32
        %add3A_119 = vector.broadcast %add3A_118 : i32 to vector<16xi32>
        %add3A_120 = arith.addi %bitcast_convert_type3A_114, %add3A_119 : vector<16xi32>
        %shift_right_logical3A_121 = arith.constant 16 : i32
        %shift_right_logical3A_122 = vector.broadcast %shift_right_logical3A_121 : i32 to vector<16xi32>
        %shift_right_logical3A_123 = arith.shrui %bitcast_convert_type3A_114, %shift_right_logical3A_122 : vector<16xi32>
        %and3A_124 = arith.constant 1 : i32
        %and3A_125 = vector.broadcast %and3A_124 : i32 to vector<16xi32>
        %and3A_126 = arith.andi %shift_right_logical3A_123, %and3A_125 : vector<16xi32>
        %add3A_127 = arith.addi %add3A_120, %and3A_126 : vector<16xi32>
        %shift_right_logical3A_128 = arith.constant 16 : i32
        %shift_right_logical3A_129 = vector.broadcast %shift_right_logical3A_128 : i32 to vector<16xi32>
        %shift_right_logical3A_130 = arith.shrui %add3A_127, %shift_right_logical3A_129 : vector<16xi32>
        %add3A_131 = arith.constant 32767 : i32
        %add3A_132 = vector.broadcast %add3A_131 : i32 to vector<16xi32>
        %add3A_133 = arith.addi %bitcast_convert_type3A_117, %add3A_132 : vector<16xi32>
        %shift_right_logical3A_134 = arith.constant 16 : i32
        %shift_right_logical3A_135 = vector.broadcast %shift_right_logical3A_134 : i32 to vector<16xi32>
        %shift_right_logical3A_136 = arith.shrui %bitcast_convert_type3A_117, %shift_right_logical3A_135 : vector<16xi32>
        %and3A_137 = arith.constant 1 : i32
        %and3A_138 = vector.broadcast %and3A_137 : i32 to vector<16xi32>
        %and3A_139 = arith.andi %shift_right_logical3A_136, %and3A_138 : vector<16xi32>
        %add3A_140 = arith.addi %add3A_133, %and3A_139 : vector<16xi32>
        %shift_right_logical3A_141 = arith.constant 16 : i32
        %shift_right_logical3A_142 = vector.broadcast %shift_right_logical3A_141 : i32 to vector<16xi32>
        %shift_right_logical3A_143 = arith.shrui %add3A_140, %shift_right_logical3A_142 : vector<16xi32>
        %shift_left3A_144 = arith.constant 16 : i32
        %shift_left3A_145 = vector.broadcast %shift_left3A_144 : i32 to vector<16xi32>
        %shift_left3A_146 = arith.shli %shift_right_logical3A_143, %shift_left3A_145 : vector<16xi32>
        %or3A_147 = arith.ori %shift_right_logical3A_130, %shift_left3A_146 : vector<16xi32>
        %bitcast_convert_type3A_148 = tpu.bitcast %or3A_147 : vector<16xi32> -> vector<16xf32>
        %swap3A_149 = arith.index_cast %mul3A_111 : i32 to index
        %swap3A_150 = tpu.vector_load %arg17[%swap3A_149] {strides = array<i32>} : memref<8192xf32, #tpu.memory_space<vmem>>, vector<16xf32>,
        tpu.vector_store %arg17[%swap3A_149], %bitcast_convert_type3A_148 {strides = array<i32>} : memref<8192xf32, #tpu.memory_space<vmem>>, vector<16xf32>,
        %scan3A_151 = arith.constant 0 : i32
        %scan3A_152 = arith.constant 2 : i32
        %scan3A_153 = arith.addi %scan3A_70, %scan3A_152 : i32
        %mul3A_154 = arith.constant 16 : i32
        %mul3A_155 = arith.muli %scan3A_153, %mul3A_154 : i32
        %get3A_156 = arith.index_cast %mul3A_155 : i32 to index
        %get3A_157 = tpu.vector_load %arg15[%get3A_156] {strides = array<i32>} : memref<8192xf32, #tpu.memory_space<vmem>>, vector<16xf32>,
        %bitcast_convert_type3A_158 = tpu.bitcast %get3A_157 : vector<16xf32> -> vector<16xi32>
        %get3A_159 = arith.index_cast %mul3A_155 : i32 to index
        %get3A_160 = tpu.vector_load %arg16[%get3A_159] {strides = array<i32>} : memref<8192xf32, #tpu.memory_space<vmem>>, vector<16xf32>,
        %bitcast_convert_type3A_161 = tpu.bitcast %get3A_160 : vector<16xf32> -> vector<16xi32>
        %add3A_162 = arith.constant 32767 : i32
        %add3A_163 = vector.broadcast %add3A_162 : i32 to vector<16xi32>
        %add3A_164 = arith.addi %bitcast_convert_type3A_158, %add3A_163 : vector<16xi32>
        %shift_right_logical3A_165 = arith.constant 16 : i32
        %shift_right_logical3A_166 = vector.broadcast %shift_right_logical3A_165 : i32 to vector<16xi32>
        %shift_right_logical3A_167 = arith.shrui %bitcast_convert_type3A_158, %shift_right_logical3A_166 : vector<16xi32>
        %and3A_168 = arith.constant 1 : i32
        %and3A_169 = vector.broadcast %and3A_168 : i32 to vector<16xi32>
        %and3A_170 = arith.andi %shift_right_logical3A_167, %and3A_169 : vector<16xi32>
        %add3A_171 = arith.addi %add3A_164, %and3A_170 : vector<16xi32>
        %shift_right_logical3A_172 = arith.constant 16 : i32
        %shift_right_logical3A_173 = vector.broadcast %shift_right_logical3A_172 : i32 to vector<16xi32>
        %shift_right_logical3A_174 = arith.shrui %add3A_171, %shift_right_logical3A_173 : vector<16xi32>
        %add3A_175 = arith.constant 32767 : i32
        %add3A_176 = vector.broadcast %add3A_175 : i32 to vector<16xi32>
        %add3A_177 = arith.addi %bitcast_convert_type3A_161, %add3A_176 : vector<16xi32>
        %shift_right_logical3A_178 = arith.constant 16 : i32
        %shift_right_logical3A_179 = vector.broadcast %shift_right_logical3A_178 : i32 to vector<16xi32>
        %shift_right_logical3A_180 = arith.shrui %bitcast_convert_type3A_161, %shift_right_logical3A_179 : vector<16xi32>
        %and3A_181 = arith.constant 1 : i32
        %and3A_182 = vector.broadcast %and3A_181 : i32 to vector<16xi32>
        %and3A_183 = arith.andi %shift_right_logical3A_180, %and3A_182 : vector<16xi32>
        %add3A_184 = arith.addi %add3A_177, %and3A_183 : vector<16xi32>
        %shift_right_logical3A_185 = arith.constant 16 : i32
        %shift_right_logical3A_186 = vector.broadcast %shift_right_logical3A_185 : i32 to vector<16xi32>
        %shift_right_logical3A_187 = arith.shrui %add3A_184, %shift_right_logical3A_186 : vector<16xi32>
        %shift_left3A_188 = arith.constant 16 : i32
        %shift_left3A_189 = vector.broadcast %shift_left3A_188 : i32 to vector<16xi32>
        %shift_left3A_190 = arith.shli %shift_right_logical3A_187, %shift_left3A_189 : vector<16xi32>
        %or3A_191 = arith.ori %shift_right_logical3A_174, %shift_left3A_190 : vector<16xi32>
        %bitcast_convert_type3A_192 = tpu.bitcast %or3A_191 : vector<16xi32> -> vector<16xf32>
        %swap3A_193 = arith.index_cast %mul3A_155 : i32 to index
        %swap3A_194 = tpu.vector_load %arg17[%swap3A_193] {strides = array<i32>} : memref<8192xf32, #tpu.memory_space<vmem>>, vector<16xf32>,
        tpu.vector_store %arg17[%swap3A_193], %bitcast_convert_type3A_192 {strides = array<i32>} : memref<8192xf32, #tpu.memory_space<vmem>>, vector<16xf32>,
        %scan3A_195 = arith.constant 0 : i32
        %scan3A_196 = arith.constant 3 : i32
        %scan3A_197 = arith.addi %scan3A_70, %scan3A_196 : i32
        %mul3A_198 = arith.constant 16 : i32
        %mul3A_199 = arith.muli %scan3A_197, %mul3A_198 : i32
        %get3A_200 = arith.index_cast %mul3A_199 : i32 to index
        %get3A_201 = tpu.vector_load %arg15[%get3A_200] {strides = array<i32>} : memref<8192xf32, #tpu.memory_space<vmem>>, vector<16xf32>,
        %bitcast_convert_type3A_202 = tpu.bitcast %get3A_201 : vector<16xf32> -> vector<16xi32>
        %get3A_203 = arith.index_cast %mul3A_199 : i32 to index
        %get3A_204 = tpu.vector_load %arg16[%get3A_203] {strides = array<i32>} : memref<8192xf32, #tpu.memory_space<vmem>>, vector<16xf32>,
        %bitcast_convert_type3A_205 = tpu.bitcast %get3A_204 : vector<16xf32> -> vector<16xi32>
        %add3A_206 = arith.constant 32767 : i32
        %add3A_207 = vector.broadcast %add3A_206 : i32 to vector<16xi32>
        %add3A_208 = arith.addi %bitcast_convert_type3A_202, %add3A_207 : vector<16xi32>
        %shift_right_logical3A_209 = arith.constant 16 : i32
        %shift_right_logical3A_210 = vector.broadcast %shift_right_logical3A_209 : i32 to vector<16xi32>
        %shift_right_logical3A_211 = arith.shrui %bitcast_convert_type3A_202, %shift_right_logical3A_210 : vector<16xi32>
        %and3A_212 = arith.constant 1 : i32
        %and3A_213 = vector.broadcast %and3A_212 : i32 to vector<16xi32>
        %and3A_214 = arith.andi %shift_right_logical3A_211, %and3A_213 : vector<16xi32>
        %add3A_215 = arith.addi %add3A_208, %and3A_214 : vector<16xi32>
        %shift_right_logical3A_216 = arith.constant 16 : i32
        %shift_right_logical3A_217 = vector.broadcast %shift_right_logical3A_216 : i32 to vector<16xi32>
        %shift_right_logical3A_218 = arith.shrui %add3A_215, %shift_right_logical3A_217 : vector<16xi32>
        %add3A_219 = arith.constant 32767 : i32
        %add3A_220 = vector.broadcast %add3A_219 : i32 to vector<16xi32>
        %add3A_221 = arith.addi %bitcast_convert_type3A_205, %add3A_220 : vector<16xi32>
        %shift_right_logical3A_222 = arith.constant 16 : i32
        %shift_right_logical3A_223 = vector.broadcast %shift_right_logical3A_222 : i32 to vector<16xi32>
        %shift_right_logical3A_224 = arith.shrui %bitcast_convert_type3A_205, %shift_right_logical3A_223 : vector<16xi32>
        %and3A_225 = arith.constant 1 : i32
        %and3A_226 = vector.broadcast %and3A_225 : i32 to vector<16xi32>
        %and3A_227 = arith.andi %shift_right_logical3A_224, %and3A_226 : vector<16xi32>
        %add3A_228 = arith.addi %add3A_221, %and3A_227 : vector<16xi32>
        %shift_right_logical3A_229 = arith.constant 16 : i32
        %shift_right_logical3A_230 = vector.broadcast %shift_right_logical3A_229 : i32 to vector<16xi32>
        %shift_right_logical3A_231 = arith.shrui %add3A_228, %shift_right_logical3A_230 : vector<16xi32>
        %shift_left3A_232 = arith.constant 16 : i32
        %shift_left3A_233 = vector.broadcast %shift_left3A_232 : i32 to vector<16xi32>
        %shift_left3A_234 = arith.shli %shift_right_logical3A_231, %shift_left3A_233 : vector<16xi32>
        %or3A_235 = arith.ori %shift_right_logical3A_218, %shift_left3A_234 : vector<16xi32>
        %bitcast_convert_type3A_236 = tpu.bitcast %or3A_235 : vector<16xi32> -> vector<16xf32>
        %swap3A_237 = arith.index_cast %mul3A_199 : i32 to index
        %swap3A_238 = tpu.vector_load %arg17[%swap3A_237] {strides = array<i32>} : memref<8192xf32, #tpu.memory_space<vmem>>, vector<16xf32>,
        tpu.vector_store %arg17[%swap3A_237], %bitcast_convert_type3A_236 {strides = array<i32>} : memref<8192xf32, #tpu.memory_space<vmem>>, vector<16xf32>,
        %scan3A_239 = arith.constant 0 : i32
        %scan3A_240 = arith.constant 4 : i32
        %scan3A_241 = arith.addi %scan3A_70, %scan3A_240 : i32
        %mul3A_242 = arith.constant 16 : i32
        %mul3A_243 = arith.muli %scan3A_241, %mul3A_242 : i32
        %get3A_244 = arith.index_cast %mul3A_243 : i32 to index
        %get3A_245 = tpu.vector_load %arg15[%get3A_244] {strides = array<i32>} : memref<8192xf32, #tpu.memory_space<vmem>>, vector<16xf32>,
        %bitcast_convert_type3A_246 = tpu.bitcast %get3A_245 : vector<16xf32> -> vector<16xi32>
        %get3A_247 = arith.index_cast %mul3A_243 : i32 to index
        %get3A_248 = tpu.vector_load %arg16[%get3A_247] {strides = array<i32>} : memref<8192xf32, #tpu.memory_space<vmem>>, vector<16xf32>,
        %bitcast_convert_type3A_249 = tpu.bitcast %get3A_248 : vector<16xf32> -> vector<16xi32>
        %add3A_250 = arith.constant 32767 : i32
        %add3A_251 = vector.broadcast %add3A_250 : i32 to vector<16xi32>
        %add3A_252 = arith.addi %bitcast_convert_type3A_246, %add3A_251 : vector<16xi32>
        %shift_right_logical3A_253 = arith.constant 16 : i32
        %shift_right_logical3A_254 = vector.broadcast %shift_right_logical3A_253 : i32 to vector<16xi32>
        %shift_right_logical3A_255 = arith.shrui %bitcast_convert_type3A_246, %shift_right_logical3A_254 : vector<16xi32>
        %and3A_256 = arith.constant 1 : i32
        %and3A_257 = vector.broadcast %and3A_256 : i32 to vector<16xi32>
        %and3A_258 = arith.andi %shift_right_logical3A_255, %and3A_257 : vector<16xi32>
        %add3A_259 = arith.addi %add3A_252, %and3A_258 : vector<16xi32>
        %shift_right_logical3A_260 = arith.constant 16 : i32
        %shift_right_logical3A_261 = vector.broadcast %shift_right_logical3A_260 : i32 to vector<16xi32>
        %shift_right_logical3A_262 = arith.shrui %add3A_259, %shift_right_logical3A_261 : vector<16xi32>
        %add3A_263 = arith.constant 32767 : i32
        %add3A_264 = vector.broadcast %add3A_263 : i32 to vector<16xi32>
        %add3A_265 = arith.addi %bitcast_convert_type3A_249, %add3A_264 : vector<16xi32>
        %shift_right_logical3A_266 = arith.constant 16 : i32
        %shift_right_logical3A_267 = vector.broadcast %shift_right_logical3A_266 : i32 to vector<16xi32>
        %shift_right_logical3A_268 = arith.shrui %bitcast_convert_type3A_249, %shift_right_logical3A_267 : vector<16xi32>
        %and3A_269 = arith.constant 1 : i32
        %and3A_270 = vector.broadcast %and3A_269 : i32 to vector<16xi32>
        %and3A_271 = arith.andi %shift_right_logical3A_268, %and3A_270 : vector<16xi32>
        %add3A_272 = arith.addi %add3A_265, %and3A_271 : vector<16xi32>
        %shift_right_logical3A_273 = arith.constant 16 : i32
        %shift_right_logical3A_274 = vector.broadcast %shift_right_logical3A_273 : i32 to vector<16xi32>
        %shift_right_logical3A_275 = arith.shrui %add3A_272, %shift_right_logical3A_274 : vector<16xi32>
        %shift_left3A_276 = arith.constant 16 : i32
        %shift_left3A_277 = vector.broadcast %shift_left3A_276 : i32 to vector<16xi32>
        %shift_left3A_278 = arith.shli %shift_right_logical3A_275, %shift_left3A_277 : vector<16xi32>
        %or3A_279 = arith.ori %shift_right_logical3A_262, %shift_left3A_278 : vector<16xi32>
        %bitcast_convert_type3A_280 = tpu.bitcast %or3A_279 : vector<16xi32> -> vector<16xf32>
        %swap3A_281 = arith.index_cast %mul3A_243 : i32 to index
        %swap3A_282 = tpu.vector_load %arg17[%swap3A_281] {strides = array<i32>} : memref<8192xf32, #tpu.memory_space<vmem>>, vector<16xf32>,
        tpu.vector_store %arg17[%swap3A_281], %bitcast_convert_type3A_280 {strides = array<i32>} : memref<8192xf32, #tpu.memory_space<vmem>>, vector<16xf32>,
        %scan3A_283 = arith.constant 0 : i32
        %scan3A_284 = arith.constant 5 : i32
        %scan3A_285 = arith.addi %scan3A_70, %scan3A_284 : i32
        %mul3A_286 = arith.constant 16 : i32
        %mul3A_287 = arith.muli %scan3A_285, %mul3A_286 : i32
        %get3A_288 = arith.index_cast %mul3A_287 : i32 to index
        %get3A_289 = tpu.vector_load %arg15[%get3A_288] {strides = array<i32>} : memref<8192xf32, #tpu.memory_space<vmem>>, vector<16xf32>,
        %bitcast_convert_type3A_290 = tpu.bitcast %get3A_289 : vector<16xf32> -> vector<16xi32>
        %get3A_291 = arith.index_cast %mul3A_287 : i32 to index
        %get3A_292 = tpu.vector_load %arg16[%get3A_291] {strides = array<i32>} : memref<8192xf32, #tpu.memory_space<vmem>>, vector<16xf32>,
        %bitcast_convert_type3A_293 = tpu.bitcast %get3A_292 : vector<16xf32> -> vector<16xi32>
        %add3A_294 = arith.constant 32767 : i32
        %add3A_295 = vector.broadcast %add3A_294 : i32 to vector<16xi32>
        %add3A_296 = arith.addi %bitcast_convert_type3A_290, %add3A_295 : vector<16xi32>
        %shift_right_logical3A_297 = arith.constant 16 : i32
        %shift_right_logical3A_298 = vector.broadcast %shift_right_logical3A_297 : i32 to vector<16xi32>
        %shift_right_logical3A_299 = arith.shrui %bitcast_convert_type3A_290, %shift_right_logical3A_298 : vector<16xi32>
        %and3A_300 = arith.constant 1 : i32
        %and3A_301 = vector.broadcast %and3A_300 : i32 to vector<16xi32>
        %and3A_302 = arith.andi %shift_right_logical3A_299, %and3A_301 : vector<16xi32>
        %add3A_303 = arith.addi %add3A_296, %and3A_302 : vector<16xi32>
        %shift_right_logical3A_304 = arith.constant 16 : i32
        %shift_right_logical3A_305 = vector.broadcast %shift_right_logical3A_304 : i32 to vector<16xi32>
        %shift_right_logical3A_306 = arith.shrui %add3A_303, %shift_right_logical3A_305 : vector<16xi32>
        %add3A_307 = arith.constant 32767 : i32
        %add3A_308 = vector.broadcast %add3A_307 : i32 to vector<16xi32>
        %add3A_309 = arith.addi %bitcast_convert_type3A_293, %add3A_308 : vector<16xi32>
        %shift_right_logical3A_310 = arith.constant 16 : i32
        %shift_right_logical3A_311 = vector.broadcast %shift_right_logical3A_310 : i32 to vector<16xi32>
        %shift_right_logical3A_312 = arith.shrui %bitcast_convert_type3A_293, %shift_right_logical3A_311 : vector<16xi32>
        %and3A_313 = arith.constant 1 : i32
        %and3A_314 = vector.broadcast %and3A_313 : i32 to vector<16xi32>
        %and3A_315 = arith.andi %shift_right_logical3A_312, %and3A_314 : vector<16xi32>
        %add3A_316 = arith.addi %add3A_309, %and3A_315 : vector<16xi32>
        %shift_right_logical3A_317 = arith.constant 16 : i32
        %shift_right_logical3A_318 = vector.broadcast %shift_right_logical3A_317 : i32 to vector<16xi32>
        %shift_right_logical3A_319 = arith.shrui %add3A_316, %shift_right_logical3A_318 : vector<16xi32>
        %shift_left3A_320 = arith.constant 16 : i32
        %shift_left3A_321 = vector.broadcast %shift_left3A_320 : i32 to vector<16xi32>
        %shift_left3A_322 = arith.shli %shift_right_logical3A_319, %shift_left3A_321 : vector<16xi32>
        %or3A_323 = arith.ori %shift_right_logical3A_306, %shift_left3A_322 : vector<16xi32>
        %bitcast_convert_type3A_324 = tpu.bitcast %or3A_323 : vector<16xi32> -> vector<16xf32>
        %swap3A_325 = arith.index_cast %mul3A_287 : i32 to index
        %swap3A_326 = tpu.vector_load %arg17[%swap3A_325] {strides = array<i32>} : memref<8192xf32, #tpu.memory_space<vmem>>, vector<16xf32>,
        tpu.vector_store %arg17[%swap3A_325], %bitcast_convert_type3A_324 {strides = array<i32>} : memref<8192xf32, #tpu.memory_space<vmem>>, vector<16xf32>,
        %scan3A_327 = arith.constant 0 : i32
        %scan3A_328 = arith.constant 6 : i32
        %scan3A_329 = arith.addi %scan3A_70, %scan3A_328 : i32
        %mul3A_330 = arith.constant 16 : i32
        %mul3A_331 = arith.muli %scan3A_329, %mul3A_330 : i32
        %get3A_332 = arith.index_cast %mul3A_331 : i32 to index
        %get3A_333 = tpu.vector_load %arg15[%get3A_332] {strides = array<i32>} : memref<8192xf32, #tpu.memory_space<vmem>>, vector<16xf32>,
        %bitcast_convert_type3A_334 = tpu.bitcast %get3A_333 : vector<16xf32> -> vector<16xi32>
        %get3A_335 = arith.index_cast %mul3A_331 : i32 to index
        %get3A_336 = tpu.vector_load %arg16[%get3A_335] {strides = array<i32>} : memref<8192xf32, #tpu.memory_space<vmem>>, vector<16xf32>,
        %bitcast_convert_type3A_337 = tpu.bitcast %get3A_336 : vector<16xf32> -> vector<16xi32>
        %add3A_338 = arith.constant 32767 : i32
        %add3A_339 = vector.broadcast %add3A_338 : i32 to vector<16xi32>
        %add3A_340 = arith.addi %bitcast_convert_type3A_334, %add3A_339 : vector<16xi32>
        %shift_right_logical3A_341 = arith.constant 16 : i32
        %shift_right_logical3A_342 = vector.broadcast %shift_right_logical3A_341 : i32 to vector<16xi32>
        %shift_right_logical3A_343 = arith.shrui %bitcast_convert_type3A_334, %shift_right_logical3A_342 : vector<16xi32>
        %and3A_344 = arith.constant 1 : i32
        %and3A_345 = vector.broadcast %and3A_344 : i32 to vector<16xi32>
        %and3A_346 = arith.andi %shift_right_logical3A_343, %and3A_345 : vector<16xi32>
        %add3A_347 = arith.addi %add3A_340, %and3A_346 : vector<16xi32>
        %shift_right_logical3A_348 = arith.constant 16 : i32
        %shift_right_logical3A_349 = vector.broadcast %shift_right_logical3A_348 : i32 to vector<16xi32>
        %shift_right_logical3A_350 = arith.shrui %add3A_347, %shift_right_logical3A_349 : vector<16xi32>
        %add3A_351 = arith.constant 32767 : i32
        %add3A_352 = vector.broadcast %add3A_351 : i32 to vector<16xi32>
        %add3A_353 = arith.addi %bitcast_convert_type3A_337, %add3A_352 : vector<16xi32>
        %shift_right_logical3A_354 = arith.constant 16 : i32
        %shift_right_logical3A_355 = vector.broadcast %shift_right_logical3A_354 : i32 to vector<16xi32>
        %shift_right_logical3A_356 = arith.shrui %bitcast_convert_type3A_337, %shift_right_logical3A_355 : vector<16xi32>
        %and3A_357 = arith.constant 1 : i32
        %and3A_358 = vector.broadcast %and3A_357 : i32 to vector<16xi32>
        %and3A_359 = arith.andi %shift_right_logical3A_356, %and3A_358 : vector<16xi32>
        %add3A_360 = arith.addi %add3A_353, %and3A_359 : vector<16xi32>
        %shift_right_logical3A_361 = arith.constant 16 : i32
        %shift_right_logical3A_362 = vector.broadcast %shift_right_logical3A_361 : i32 to vector<16xi32>
        %shift_right_logical3A_363 = arith.shrui %add3A_360, %shift_right_logical3A_362 : vector<16xi32>
        %shift_left3A_364 = arith.constant 16 : i32
        %shift_left3A_365 = vector.broadcast %shift_left3A_364 : i32 to vector<16xi32>
        %shift_left3A_366 = arith.shli %shift_right_logical3A_363, %shift_left3A_365 : vector<16xi32>
        %or3A_367 = arith.ori %shift_right_logical3A_350, %shift_left3A_366 : vector<16xi32>
        %bitcast_convert_type3A_368 = tpu.bitcast %or3A_367 : vector<16xi32> -> vector<16xf32>
        %swap3A_369 = arith.index_cast %mul3A_331 : i32 to index
        %swap3A_370 = tpu.vector_load %arg17[%swap3A_369] {strides = array<i32>} : memref<8192xf32, #tpu.memory_space<vmem>>, vector<16xf32>,
        tpu.vector_store %arg17[%swap3A_369], %bitcast_convert_type3A_368 {strides = array<i32>} : memref<8192xf32, #tpu.memory_space<vmem>>, vector<16xf32>,
        %scan3A_371 = arith.constant 0 : i32
        %scan3A_372 = arith.constant 7 : i32
        %scan3A_373 = arith.addi %scan3A_70, %scan3A_372 : i32
        %mul3A_374 = arith.constant 16 : i32
        %mul3A_375 = arith.muli %scan3A_373, %mul3A_374 : i32
        %get3A_376 = arith.index_cast %mul3A_375 : i32 to index
        %get3A_377 = tpu.vector_load %arg15[%get3A_376] {strides = array<i32>} : memref<8192xf32, #tpu.memory_space<vmem>>, vector<16xf32>,
        %bitcast_convert_type3A_378 = tpu.bitcast %get3A_377 : vector<16xf32> -> vector<16xi32>
        %get3A_379 = arith.index_cast %mul3A_375 : i32 to index
        %get3A_380 = tpu.vector_load %arg16[%get3A_379] {strides = array<i32>} : memref<8192xf32, #tpu.memory_space<vmem>>, vector<16xf32>,
        %bitcast_convert_type3A_381 = tpu.bitcast %get3A_380 : vector<16xf32> -> vector<16xi32>
        %add3A_382 = arith.constant 32767 : i32
        %add3A_383 = vector.broadcast %add3A_382 : i32 to vector<16xi32>
        %add3A_384 = arith.addi %bitcast_convert_type3A_378, %add3A_383 : vector<16xi32>
        %shift_right_logical3A_385 = arith.constant 16 : i32
        %shift_right_logical3A_386 = vector.broadcast %shift_right_logical3A_385 : i32 to vector<16xi32>
        %shift_right_logical3A_387 = arith.shrui %bitcast_convert_type3A_378, %shift_right_logical3A_386 : vector<16xi32>
        %and3A_388 = arith.constant 1 : i32
        %and3A_389 = vector.broadcast %and3A_388 : i32 to vector<16xi32>
        %and3A_390 = arith.andi %shift_right_logical3A_387, %and3A_389 : vector<16xi32>
        %add3A_391 = arith.addi %add3A_384, %and3A_390 : vector<16xi32>
        %shift_right_logical3A_392 = arith.constant 16 : i32
        %shift_right_logical3A_393 = vector.broadcast %shift_right_logical3A_392 : i32 to vector<16xi32>
        %shift_right_logical3A_394 = arith.shrui %add3A_391, %shift_right_logical3A_393 : vector<16xi32>
        %add3A_395 = arith.constant 32767 : i32
        %add3A_396 = vector.broadcast %add3A_395 : i32 to vector<16xi32>
        %add3A_397 = arith.addi %bitcast_convert_type3A_381, %add3A_396 : vector<16xi32>
        %shift_right_logical3A_398 = arith.constant 16 : i32
        %shift_right_logical3A_399 = vector.broadcast %shift_right_logical3A_398 : i32 to vector<16xi32>
        %shift_right_logical3A_400 = arith.shrui %bitcast_convert_type3A_381, %shift_right_logical3A_399 : vector<16xi32>
        %and3A_401 = arith.constant 1 : i32
        %and3A_402 = vector.broadcast %and3A_401 : i32 to vector<16xi32>
        %and3A_403 = arith.andi %shift_right_logical3A_400, %and3A_402 : vector<16xi32>
        %add3A_404 = arith.addi %add3A_397, %and3A_403 : vector<16xi32>
        %shift_right_logical3A_405 = arith.constant 16 : i32
        %shift_right_logical3A_406 = vector.broadcast %shift_right_logical3A_405 : i32 to vector<16xi32>
        %shift_right_logical3A_407 = arith.shrui %add3A_404, %shift_right_logical3A_406 : vector<16xi32>
        %shift_left3A_408 = arith.constant 16 : i32
        %shift_left3A_409 = vector.broadcast %shift_left3A_408 : i32 to vector<16xi32>
        %shift_left3A_410 = arith.shli %shift_right_logical3A_407, %shift_left3A_409 : vector<16xi32>
        %or3A_411 = arith.ori %shift_right_logical3A_394, %shift_left3A_410 : vector<16xi32>
        %bitcast_convert_type3A_412 = tpu.bitcast %or3A_411 : vector<16xi32> -> vector<16xf32>
        %swap3A_413 = arith.index_cast %mul3A_375 : i32 to index
        %swap3A_414 = tpu.vector_load %arg17[%swap3A_413] {strides = array<i32>} : memref<8192xf32, #tpu.memory_space<vmem>>, vector<16xf32>,
        tpu.vector_store %arg17[%swap3A_413], %bitcast_convert_type3A_412 {strides = array<i32>} : memref<8192xf32, #tpu.memory_space<vmem>>, vector<16xf32>,
        %scan3A_415 = arith.constant 0 : i32
        scf.yield %scan3A_415 : i32
      }
      %scan3A_68 = arith.constant 512 : i32
      "tpu.region"() ({
        %run_scoped3A = tpu.sem_alloc : memref<!tpu.dma_semaphore, #tpu.memory_space<semaphore_mem>>
        %dma_start3A_70 = tpu.memref_slice %arg6[%add3A_59] : memref<262144xf32, #tpu.memory_space<vmem_shared>> -> memref<8192xf32, #tpu.memory_space<vmem_shared>>
        %dma_start3A_71 = tpu.memref_slice %arg6[%add3A_59] : memref<262144xf32, #tpu.memory_space<vmem_shared>> -> memref<8192xf32, #tpu.memory_space<vmem_shared>>
        tpu.enqueue_dma source(%arg17 : memref<8192xf32, #tpu.memory_space<vmem>>) target(%dma_start3A_71 : memref<8192xf32, #tpu.memory_space<vmem_shared>>) target_semaphore(%run_scoped3A : memref<!tpu.dma_semaphore, #tpu.memory_space<semaphore_mem>>)
        %dma_wait3A_72 = tpu.memref_slice %arg6[%add3A_59] : memref<262144xf32, #tpu.memory_space<vmem_shared>> -> memref<8192xf32, #tpu.memory_space<vmem_shared>>
        %dma_wait3A_73 = tpu.memref_slice %arg6[%add3A_59] : memref<262144xf32, #tpu.memory_space<vmem_shared>> -> memref<8192xf32, #tpu.memory_space<vmem_shared>>
        tpu.wait_dma2 semaphore(%run_scoped3A : memref<!tpu.dma_semaphore, #tpu.memory_space<semaphore_mem>>) src(%arg17 : memref<8192xf32, #tpu.memory_space<vmem>>) dst(%dma_wait3A_73 : memref<8192xf32, #tpu.memory_space<vmem_shared>>)
        tpu.yield
      }) : () -> ()
      %scan3A_69 = arith.constant 0 : i32
      scf.yield %scan3A_69 : i32
    }
    %scan3A_6 = arith.constant 2 : i32
    %barrier3A = arith.constant 0 : index
    tpu.barrier barrier_id(%barrier3A)
    %mul3A_7 = arith.constant 655360 : i32
    %mul3A_8 = arith.muli %add3A, %mul3A_7 : i32
    %broadcast_in_dim3A = arith.constant 0.000000e+00 : f32
    %broadcast_in_dim3A_9 = vector.broadcast %broadcast_in_dim3A : f32 to vector<16xf32>
    %rem3A = arith.constant 0 : i32
    %rem3A_10 = arith.constant 80 : i32
    %rem3A_11 = arith.remsi %rem3A, %rem3A_10 : i32
    %mul3A_12 = arith.constant 8192 : i32
    %mul3A_13 = arith.muli %rem3A_11, %mul3A_12 : i32
    %add3A_14 = arith.addi %mul3A_8, %mul3A_13 : i32
    %dma_start3A = tpu.memref_slice %arg3[%add3A_14] : memref<20971520xi32, #tpu.memory_space<hbm>> -> memref<8192xi32, #tpu.memory_space<hbm>>
    %dma_start3A_15 = tpu.memref_slice %arg3[%add3A_14] : memref<20971520xi32, #tpu.memory_space<hbm>> -> memref<8192xi32, #tpu.memory_space<hbm>>
    tpu.enqueue_dma source(%dma_start3A_15 : memref<8192xi32, #tpu.memory_space<hbm>>) target(%arg7 : memref<8192xi32, #tpu.memory_space<vmem>>) target_semaphore(%arg20 : memref<!tpu.dma_semaphore, #tpu.memory_space<semaphore_mem>>)
    %dma_start3A_16 = tpu.memref_slice %arg4[%add3A_14] : memref<20971520xi32, #tpu.memory_space<hbm>> -> memref<8192xi32, #tpu.memory_space<hbm>>
    %dma_start3A_17 = tpu.memref_slice %arg4[%add3A_14] : memref<20971520xi32, #tpu.memory_space<hbm>> -> memref<8192xi32, #tpu.memory_space<hbm>>
    tpu.enqueue_dma source(%dma_start3A_17 : memref<8192xi32, #tpu.memory_space<hbm>>) target(%arg9 : memref<8192xi32, #tpu.memory_space<vmem>>) target_semaphore(%arg22 : memref<!tpu.dma_semaphore, #tpu.memory_space<semaphore_mem>>)
    %rem3A_18 = arith.constant 1 : i32
    %rem3A_19 = arith.constant 80 : i32
    %rem3A_20 = arith.remsi %rem3A_18, %rem3A_19 : i32
    %mul3A_21 = arith.constant 8192 : i32
    %mul3A_22 = arith.muli %rem3A_20, %mul3A_21 : i32
    %add3A_23 = arith.addi %mul3A_8, %mul3A_22 : i32
    %dma_start3A_24 = tpu.memref_slice %arg3[%add3A_23] : memref<20971520xi32, #tpu.memory_space<hbm>> -> memref<8192xi32, #tpu.memory_space<hbm>>
    %dma_start3A_25 = tpu.memref_slice %arg3[%add3A_23] : memref<20971520xi32, #tpu.memory_space<hbm>> -> memref<8192xi32, #tpu.memory_space<hbm>>
    tpu.enqueue_dma source(%dma_start3A_25 : memref<8192xi32, #tpu.memory_space<hbm>>) target(%arg8 : memref<8192xi32, #tpu.memory_space<vmem>>) target_semaphore(%arg21 : memref<!tpu.dma_semaphore, #tpu.memory_space<semaphore_mem>>)
    %dma_start3A_26 = tpu.memref_slice %arg4[%add3A_23] : memref<20971520xi32, #tpu.memory_space<hbm>> -> memref<8192xi32, #tpu.memory_space<hbm>>
    %dma_start3A_27 = tpu.memref_slice %arg4[%add3A_23] : memref<20971520xi32, #tpu.memory_space<hbm>> -> memref<8192xi32, #tpu.memory_space<hbm>>
    tpu.enqueue_dma source(%dma_start3A_27 : memref<8192xi32, #tpu.memory_space<hbm>>) target(%arg10 : memref<8192xi32, #tpu.memory_space<vmem>>) target_semaphore(%arg23 : memref<!tpu.dma_semaphore, #tpu.memory_space<semaphore_mem>>)
    %scan3A_28 = arith.constant 262143 : i32
    %scan3A_29 = arith.constant 0 : i32
    %scan3A_30 = arith.constant 40 : i32
    %scan3A_31 = arith.addi %scan3A_29, %scan3A_30 : i32
    %scan3A_32 = arith.constant 1 : i32
    %scan3A_33 = scf.for %scan3A_53 = %scan3A_29 to %scan3A_31 step %scan3A_32 iter_args(%scan3A_54 = %broadcast_in_dim3A_9) -> (vector<16xf32>)  : i32 {
      %mul3A_55 = arith.constant 2 : i32
      %mul3A_56 = arith.muli %scan3A_53, %mul3A_55 : i32
      %dma_wait3A_57 = arith.constant 0 : i32
      %dma_wait3A_58 = tpu.memref_slice %arg3[%dma_wait3A_57] : memref<20971520xi32, #tpu.memory_space<hbm>> -> memref<8192xi32, #tpu.memory_space<hbm>>
      %dma_wait3A_59 = arith.constant 0 : i32
      %dma_wait3A_60 = tpu.memref_slice %arg3[%dma_wait3A_59] : memref<20971520xi32, #tpu.memory_space<hbm>> -> memref<8192xi32, #tpu.memory_space<hbm>>
      tpu.wait_dma2 semaphore(%arg20 : memref<!tpu.dma_semaphore, #tpu.memory_space<semaphore_mem>>) src(%dma_wait3A_60 : memref<8192xi32, #tpu.memory_space<hbm>>) dst(%arg7 : memref<8192xi32, #tpu.memory_space<vmem>>)
      %dma_wait3A_61 = arith.constant 0 : i32
      %dma_wait3A_62 = tpu.memref_slice %arg4[%dma_wait3A_61] : memref<20971520xi32, #tpu.memory_space<hbm>> -> memref<8192xi32, #tpu.memory_space<hbm>>
      %dma_wait3A_63 = arith.constant 0 : i32
      %dma_wait3A_64 = tpu.memref_slice %arg4[%dma_wait3A_63] : memref<20971520xi32, #tpu.memory_space<hbm>> -> memref<8192xi32, #tpu.memory_space<hbm>>
      tpu.wait_dma2 semaphore(%arg22 : memref<!tpu.dma_semaphore, #tpu.memory_space<semaphore_mem>>) src(%dma_wait3A_64 : memref<8192xi32, #tpu.memory_space<hbm>>) dst(%arg9 : memref<8192xi32, #tpu.memory_space<vmem>>)
      %scan3A_65 = arith.constant 0 : i32
      %scan3A_66 = arith.constant 0 : i32
      %scan3A_67 = arith.constant 512 : i32
      %scan3A_68 = arith.addi %scan3A_66, %scan3A_67 : i32
      %scan3A_69 = arith.constant 8 : i32
      %scan3A_70 = scf.for %scan3A_141 = %scan3A_66 to %scan3A_68 step %scan3A_69 iter_args(%scan3A_142 = %scan3A_65) -> (i32)  : i32 {
        %mul3A_143 = arith.constant 16 : i32
        %mul3A_144 = arith.muli %scan3A_141, %mul3A_143 : i32
        %get3A = arith.index_cast %mul3A_144 : i32 to index
        %get3A_145 = tpu.vector_load %arg7[%get3A] {strides = array<i32>} : memref<8192xi32, #tpu.memory_space<vmem>>, vector<16xi32>,
        %and3A = vector.broadcast %scan3A_28 : i32 to vector<16xi32>
        %and3A_146 = arith.andi %get3A_145, %and3A : vector<16xi32>
        %swap3A_147 = arith.index_cast %mul3A_144 : i32 to index
        %swap3A_148 = tpu.vector_load %arg11[%swap3A_147] {strides = array<i32>} : memref<8192xi32, #tpu.memory_space<vmem>>, vector<16xi32>,
        tpu.vector_store %arg11[%swap3A_147], %and3A_146 {strides = array<i32>} : memref<8192xi32, #tpu.memory_space<vmem>>, vector<16xi32>,
        %get3A_149 = arith.index_cast %mul3A_144 : i32 to index
        %get3A_150 = tpu.vector_load %arg9[%get3A_149] {strides = array<i32>} : memref<8192xi32, #tpu.memory_space<vmem>>, vector<16xi32>,
        %and3A_151 = vector.broadcast %scan3A_28 : i32 to vector<16xi32>
        %and3A_152 = arith.andi %get3A_150, %and3A_151 : vector<16xi32>
        %swap3A_153 = arith.index_cast %mul3A_144 : i32 to index
        %swap3A_154 = tpu.vector_load %arg13[%swap3A_153] {strides = array<i32>} : memref<8192xi32, #tpu.memory_space<vmem>>, vector<16xi32>,
        tpu.vector_store %arg13[%swap3A_153], %and3A_152 {strides = array<i32>} : memref<8192xi32, #tpu.memory_space<vmem>>, vector<16xi32>,
        %scan3A_155 = arith.constant 0 : i32
        %scan3A_156 = arith.constant 1 : i32
        %scan3A_157 = arith.addi %scan3A_141, %scan3A_156 : i32
        %mul3A_158 = arith.constant 16 : i32
        %mul3A_159 = arith.muli %scan3A_157, %mul3A_158 : i32
        %get3A_160 = arith.index_cast %mul3A_159 : i32 to index
        %get3A_161 = tpu.vector_load %arg7[%get3A_160] {strides = array<i32>} : memref<8192xi32, #tpu.memory_space<vmem>>, vector<16xi32>,
        %and3A_162 = vector.broadcast %scan3A_28 : i32 to vector<16xi32>
        %and3A_163 = arith.andi %get3A_161, %and3A_162 : vector<16xi32>
        %swap3A_164 = arith.index_cast %mul3A_159 : i32 to index
        %swap3A_165 = tpu.vector_load %arg11[%swap3A_164] {strides = array<i32>} : memref<8192xi32, #tpu.memory_space<vmem>>, vector<16xi32>,
        tpu.vector_store %arg11[%swap3A_164], %and3A_163 {strides = array<i32>} : memref<8192xi32, #tpu.memory_space<vmem>>, vector<16xi32>,
        %get3A_166 = arith.index_cast %mul3A_159 : i32 to index
        %get3A_167 = tpu.vector_load %arg9[%get3A_166] {strides = array<i32>} : memref<8192xi32, #tpu.memory_space<vmem>>, vector<16xi32>,
        %and3A_168 = vector.broadcast %scan3A_28 : i32 to vector<16xi32>
        %and3A_169 = arith.andi %get3A_167, %and3A_168 : vector<16xi32>
        %swap3A_170 = arith.index_cast %mul3A_159 : i32 to index
        %swap3A_171 = tpu.vector_load %arg13[%swap3A_170] {strides = array<i32>} : memref<8192xi32, #tpu.memory_space<vmem>>, vector<16xi32>,
        tpu.vector_store %arg13[%swap3A_170], %and3A_169 {strides = array<i32>} : memref<8192xi32, #tpu.memory_space<vmem>>, vector<16xi32>,
        %scan3A_172 = arith.constant 0 : i32
        %scan3A_173 = arith.constant 2 : i32
        %scan3A_174 = arith.addi %scan3A_141, %scan3A_173 : i32
        %mul3A_175 = arith.constant 16 : i32
        %mul3A_176 = arith.muli %scan3A_174, %mul3A_175 : i32
        %get3A_177 = arith.index_cast %mul3A_176 : i32 to index
        %get3A_178 = tpu.vector_load %arg7[%get3A_177] {strides = array<i32>} : memref<8192xi32, #tpu.memory_space<vmem>>, vector<16xi32>,
        %and3A_179 = vector.broadcast %scan3A_28 : i32 to vector<16xi32>
        %and3A_180 = arith.andi %get3A_178, %and3A_179 : vector<16xi32>
        %swap3A_181 = arith.index_cast %mul3A_176 : i32 to index
        %swap3A_182 = tpu.vector_load %arg11[%swap3A_181] {strides = array<i32>} : memref<8192xi32, #tpu.memory_space<vmem>>, vector<16xi32>,
        tpu.vector_store %arg11[%swap3A_181], %and3A_180 {strides = array<i32>} : memref<8192xi32, #tpu.memory_space<vmem>>, vector<16xi32>,
        %get3A_183 = arith.index_cast %mul3A_176 : i32 to index
        %get3A_184 = tpu.vector_load %arg9[%get3A_183] {strides = array<i32>} : memref<8192xi32, #tpu.memory_space<vmem>>, vector<16xi32>,
        %and3A_185 = vector.broadcast %scan3A_28 : i32 to vector<16xi32>
        %and3A_186 = arith.andi %get3A_184, %and3A_185 : vector<16xi32>
        %swap3A_187 = arith.index_cast %mul3A_176 : i32 to index
        %swap3A_188 = tpu.vector_load %arg13[%swap3A_187] {strides = array<i32>} : memref<8192xi32, #tpu.memory_space<vmem>>, vector<16xi32>,
        tpu.vector_store %arg13[%swap3A_187], %and3A_186 {strides = array<i32>} : memref<8192xi32, #tpu.memory_space<vmem>>, vector<16xi32>,
        %scan3A_189 = arith.constant 0 : i32
        %scan3A_190 = arith.constant 3 : i32
        %scan3A_191 = arith.addi %scan3A_141, %scan3A_190 : i32
        %mul3A_192 = arith.constant 16 : i32
        %mul3A_193 = arith.muli %scan3A_191, %mul3A_192 : i32
        %get3A_194 = arith.index_cast %mul3A_193 : i32 to index
        %get3A_195 = tpu.vector_load %arg7[%get3A_194] {strides = array<i32>} : memref<8192xi32, #tpu.memory_space<vmem>>, vector<16xi32>,
        %and3A_196 = vector.broadcast %scan3A_28 : i32 to vector<16xi32>
        %and3A_197 = arith.andi %get3A_195, %and3A_196 : vector<16xi32>
        %swap3A_198 = arith.index_cast %mul3A_193 : i32 to index
        %swap3A_199 = tpu.vector_load %arg11[%swap3A_198] {strides = array<i32>} : memref<8192xi32, #tpu.memory_space<vmem>>, vector<16xi32>,
        tpu.vector_store %arg11[%swap3A_198], %and3A_197 {strides = array<i32>} : memref<8192xi32, #tpu.memory_space<vmem>>, vector<16xi32>,
        %get3A_200 = arith.index_cast %mul3A_193 : i32 to index
        %get3A_201 = tpu.vector_load %arg9[%get3A_200] {strides = array<i32>} : memref<8192xi32, #tpu.memory_space<vmem>>, vector<16xi32>,
        %and3A_202 = vector.broadcast %scan3A_28 : i32 to vector<16xi32>
        %and3A_203 = arith.andi %get3A_201, %and3A_202 : vector<16xi32>
        %swap3A_204 = arith.index_cast %mul3A_193 : i32 to index
        %swap3A_205 = tpu.vector_load %arg13[%swap3A_204] {strides = array<i32>} : memref<8192xi32, #tpu.memory_space<vmem>>, vector<16xi32>,
        tpu.vector_store %arg13[%swap3A_204], %and3A_203 {strides = array<i32>} : memref<8192xi32, #tpu.memory_space<vmem>>, vector<16xi32>,
        %scan3A_206 = arith.constant 0 : i32
        %scan3A_207 = arith.constant 4 : i32
        %scan3A_208 = arith.addi %scan3A_141, %scan3A_207 : i32
        %mul3A_209 = arith.constant 16 : i32
        %mul3A_210 = arith.muli %scan3A_208, %mul3A_209 : i32
        %get3A_211 = arith.index_cast %mul3A_210 : i32 to index
        %get3A_212 = tpu.vector_load %arg7[%get3A_211] {strides = array<i32>} : memref<8192xi32, #tpu.memory_space<vmem>>, vector<16xi32>,
        %and3A_213 = vector.broadcast %scan3A_28 : i32 to vector<16xi32>
        %and3A_214 = arith.andi %get3A_212, %and3A_213 : vector<16xi32>
        %swap3A_215 = arith.index_cast %mul3A_210 : i32 to index
        %swap3A_216 = tpu.vector_load %arg11[%swap3A_215] {strides = array<i32>} : memref<8192xi32, #tpu.memory_space<vmem>>, vector<16xi32>,
        tpu.vector_store %arg11[%swap3A_215], %and3A_214 {strides = array<i32>} : memref<8192xi32, #tpu.memory_space<vmem>>, vector<16xi32>,
        %get3A_217 = arith.index_cast %mul3A_210 : i32 to index
        %get3A_218 = tpu.vector_load %arg9[%get3A_217] {strides = array<i32>} : memref<8192xi32, #tpu.memory_space<vmem>>, vector<16xi32>,
        %and3A_219 = vector.broadcast %scan3A_28 : i32 to vector<16xi32>
        %and3A_220 = arith.andi %get3A_218, %and3A_219 : vector<16xi32>
        %swap3A_221 = arith.index_cast %mul3A_210 : i32 to index
        %swap3A_222 = tpu.vector_load %arg13[%swap3A_221] {strides = array<i32>} : memref<8192xi32, #tpu.memory_space<vmem>>, vector<16xi32>,
        tpu.vector_store %arg13[%swap3A_221], %and3A_220 {strides = array<i32>} : memref<8192xi32, #tpu.memory_space<vmem>>, vector<16xi32>,
        %scan3A_223 = arith.constant 0 : i32
        %scan3A_224 = arith.constant 5 : i32
        %scan3A_225 = arith.addi %scan3A_141, %scan3A_224 : i32
        %mul3A_226 = arith.constant 16 : i32
        %mul3A_227 = arith.muli %scan3A_225, %mul3A_226 : i32
        %get3A_228 = arith.index_cast %mul3A_227 : i32 to index
        %get3A_229 = tpu.vector_load %arg7[%get3A_228] {strides = array<i32>} : memref<8192xi32, #tpu.memory_space<vmem>>, vector<16xi32>,
        %and3A_230 = vector.broadcast %scan3A_28 : i32 to vector<16xi32>
        %and3A_231 = arith.andi %get3A_229, %and3A_230 : vector<16xi32>
        %swap3A_232 = arith.index_cast %mul3A_227 : i32 to index
        %swap3A_233 = tpu.vector_load %arg11[%swap3A_232] {strides = array<i32>} : memref<8192xi32, #tpu.memory_space<vmem>>, vector<16xi32>,
        tpu.vector_store %arg11[%swap3A_232], %and3A_231 {strides = array<i32>} : memref<8192xi32, #tpu.memory_space<vmem>>, vector<16xi32>,
        %get3A_234 = arith.index_cast %mul3A_227 : i32 to index
        %get3A_235 = tpu.vector_load %arg9[%get3A_234] {strides = array<i32>} : memref<8192xi32, #tpu.memory_space<vmem>>, vector<16xi32>,
        %and3A_236 = vector.broadcast %scan3A_28 : i32 to vector<16xi32>
        %and3A_237 = arith.andi %get3A_235, %and3A_236 : vector<16xi32>
        %swap3A_238 = arith.index_cast %mul3A_227 : i32 to index
        %swap3A_239 = tpu.vector_load %arg13[%swap3A_238] {strides = array<i32>} : memref<8192xi32, #tpu.memory_space<vmem>>, vector<16xi32>,
        tpu.vector_store %arg13[%swap3A_238], %and3A_237 {strides = array<i32>} : memref<8192xi32, #tpu.memory_space<vmem>>, vector<16xi32>,
        %scan3A_240 = arith.constant 0 : i32
        %scan3A_241 = arith.constant 6 : i32
        %scan3A_242 = arith.addi %scan3A_141, %scan3A_241 : i32
        %mul3A_243 = arith.constant 16 : i32
        %mul3A_244 = arith.muli %scan3A_242, %mul3A_243 : i32
        %get3A_245 = arith.index_cast %mul3A_244 : i32 to index
        %get3A_246 = tpu.vector_load %arg7[%get3A_245] {strides = array<i32>} : memref<8192xi32, #tpu.memory_space<vmem>>, vector<16xi32>,
        %and3A_247 = vector.broadcast %scan3A_28 : i32 to vector<16xi32>
        %and3A_248 = arith.andi %get3A_246, %and3A_247 : vector<16xi32>
        %swap3A_249 = arith.index_cast %mul3A_244 : i32 to index
        %swap3A_250 = tpu.vector_load %arg11[%swap3A_249] {strides = array<i32>} : memref<8192xi32, #tpu.memory_space<vmem>>, vector<16xi32>,
        tpu.vector_store %arg11[%swap3A_249], %and3A_248 {strides = array<i32>} : memref<8192xi32, #tpu.memory_space<vmem>>, vector<16xi32>,
        %get3A_251 = arith.index_cast %mul3A_244 : i32 to index
        %get3A_252 = tpu.vector_load %arg9[%get3A_251] {strides = array<i32>} : memref<8192xi32, #tpu.memory_space<vmem>>, vector<16xi32>,
        %and3A_253 = vector.broadcast %scan3A_28 : i32 to vector<16xi32>
        %and3A_254 = arith.andi %get3A_252, %and3A_253 : vector<16xi32>
        %swap3A_255 = arith.index_cast %mul3A_244 : i32 to index
        %swap3A_256 = tpu.vector_load %arg13[%swap3A_255] {strides = array<i32>} : memref<8192xi32, #tpu.memory_space<vmem>>, vector<16xi32>,
        tpu.vector_store %arg13[%swap3A_255], %and3A_254 {strides = array<i32>} : memref<8192xi32, #tpu.memory_space<vmem>>, vector<16xi32>,
        %scan3A_257 = arith.constant 0 : i32
        %scan3A_258 = arith.constant 7 : i32
        %scan3A_259 = arith.addi %scan3A_141, %scan3A_258 : i32
        %mul3A_260 = arith.constant 16 : i32
        %mul3A_261 = arith.muli %scan3A_259, %mul3A_260 : i32
        %get3A_262 = arith.index_cast %mul3A_261 : i32 to index
        %get3A_263 = tpu.vector_load %arg7[%get3A_262] {strides = array<i32>} : memref<8192xi32, #tpu.memory_space<vmem>>, vector<16xi32>,
        %and3A_264 = vector.broadcast %scan3A_28 : i32 to vector<16xi32>
        %and3A_265 = arith.andi %get3A_263, %and3A_264 : vector<16xi32>
        %swap3A_266 = arith.index_cast %mul3A_261 : i32 to index
        %swap3A_267 = tpu.vector_load %arg11[%swap3A_266] {strides = array<i32>} : memref<8192xi32, #tpu.memory_space<vmem>>, vector<16xi32>,
        tpu.vector_store %arg11[%swap3A_266], %and3A_265 {strides = array<i32>} : memref<8192xi32, #tpu.memory_space<vmem>>, vector<16xi32>,
        %get3A_268 = arith.index_cast %mul3A_261 : i32 to index
        %get3A_269 = tpu.vector_load %arg9[%get3A_268] {strides = array<i32>} : memref<8192xi32, #tpu.memory_space<vmem>>, vector<16xi32>,
        %and3A_270 = vector.broadcast %scan3A_28 : i32 to vector<16xi32>
        %and3A_271 = arith.andi %get3A_269, %and3A_270 : vector<16xi32>
        %swap3A_272 = arith.index_cast %mul3A_261 : i32 to index
        %swap3A_273 = tpu.vector_load %arg13[%swap3A_272] {strides = array<i32>} : memref<8192xi32, #tpu.memory_space<vmem>>, vector<16xi32>,
        tpu.vector_store %arg13[%swap3A_272], %and3A_271 {strides = array<i32>} : memref<8192xi32, #tpu.memory_space<vmem>>, vector<16xi32>,
        %scan3A_274 = arith.constant 0 : i32
        scf.yield %scan3A_274 : i32
      }
      %scan3A_71 = arith.constant 512 : i32
      %dma_start3A_72 = arith.constant 0 : i32
      %dma_start3A_73 = tpu.memref_slice %arg6[%dma_start3A_72] : memref<262144xf32, #tpu.memory_space<vmem_shared>> -> memref<262144xf32, #tpu.memory_space<vmem_shared>>
      tpu.enqueue_indirect_dma source(%dma_start3A_73 : memref<262144xf32, #tpu.memory_space<vmem_shared>>) target(%arg15 : memref<8192xf32, #tpu.memory_space<vmem>>) offsets(%arg11 : memref<8192xi32, #tpu.memory_space<vmem>>) semaphore(%arg24 : memref<!tpu.dma_semaphore, #tpu.memory_space<semaphore_mem>>)
      %dma_start3A_74 = arith.constant 0 : i32
      %dma_start3A_75 = tpu.memref_slice %arg6[%dma_start3A_74] : memref<262144xf32, #tpu.memory_space<vmem_shared>> -> memref<262144xf32, #tpu.memory_space<vmem_shared>>
      tpu.enqueue_indirect_dma source(%dma_start3A_75 : memref<262144xf32, #tpu.memory_space<vmem_shared>>) target(%arg17 : memref<8192xf32, #tpu.memory_space<vmem>>) offsets(%arg13 : memref<8192xi32, #tpu.memory_space<vmem>>) semaphore(%arg26 : memref<!tpu.dma_semaphore, #tpu.memory_space<semaphore_mem>>)
      %dma_wait3A_76 = arith.constant 0 : i32
      %dma_wait3A_77 = tpu.memref_slice %arg3[%dma_wait3A_76] : memref<20971520xi32, #tpu.memory_space<hbm>> -> memref<8192xi32, #tpu.memory_space<hbm>>
      %dma_wait3A_78 = arith.constant 0 : i32
      %dma_wait3A_79 = tpu.memref_slice %arg3[%dma_wait3A_78] : memref<20971520xi32, #tpu.memory_space<hbm>> -> memref<8192xi32, #tpu.memory_space<hbm>>
      tpu.wait_dma2 semaphore(%arg21 : memref<!tpu.dma_semaphore, #tpu.memory_space<semaphore_mem>>) src(%dma_wait3A_79 : memref<8192xi32, #tpu.memory_space<hbm>>) dst(%arg8 : memref<8192xi32, #tpu.memory_space<vmem>>)
      %dma_wait3A_80 = arith.constant 0 : i32
      %dma_wait3A_81 = tpu.memref_slice %arg4[%dma_wait3A_80] : memref<20971520xi32, #tpu.memory_space<hbm>> -> memref<8192xi32, #tpu.memory_space<hbm>>
      %dma_wait3A_82 = arith.constant 0 : i32
      %dma_wait3A_83 = tpu.memref_slice %arg4[%dma_wait3A_82] : memref<20971520xi32, #tpu.memory_space<hbm>> -> memref<8192xi32, #tpu.memory_space<hbm>>
      tpu.wait_dma2 semaphore(%arg23 : memref<!tpu.dma_semaphore, #tpu.memory_space<semaphore_mem>>) src(%dma_wait3A_83 : memref<8192xi32, #tpu.memory_space<hbm>>) dst(%arg10 : memref<8192xi32, #tpu.memory_space<vmem>>)
      %scan3A_84 = arith.constant 0 : i32
      %scan3A_85 = arith.constant 0 : i32
      %scan3A_86 = arith.constant 512 : i32
      %scan3A_87 = arith.addi %scan3A_85, %scan3A_86 : i32
      %scan3A_88 = arith.constant 8 : i32
      %scan3A_89 = scf.for %scan3A_141 = %scan3A_85 to %scan3A_87 step %scan3A_88 iter_args(%scan3A_142 = %scan3A_84) -> (i32)  : i32 {
        %mul3A_143 = arith.constant 16 : i32
        %mul3A_144 = arith.muli %scan3A_141, %mul3A_143 : i32
        %get3A = arith.index_cast %mul3A_144 : i32 to index
        %get3A_145 = tpu.vector_load %arg8[%get3A] {strides = array<i32>} : memref<8192xi32, #tpu.memory_space<vmem>>, vector<16xi32>,
        %and3A = vector.broadcast %scan3A_28 : i32 to vector<16xi32>
        %and3A_146 = arith.andi %get3A_145, %and3A : vector<16xi32>
        %swap3A_147 = arith.index_cast %mul3A_144 : i32 to index
        %swap3A_148 = tpu.vector_load %arg12[%swap3A_147] {strides = array<i32>} : memref<8192xi32, #tpu.memory_space<vmem>>, vector<16xi32>,
        tpu.vector_store %arg12[%swap3A_147], %and3A_146 {strides = array<i32>} : memref<8192xi32, #tpu.memory_space<vmem>>, vector<16xi32>,
        %get3A_149 = arith.index_cast %mul3A_144 : i32 to index
        %get3A_150 = tpu.vector_load %arg10[%get3A_149] {strides = array<i32>} : memref<8192xi32, #tpu.memory_space<vmem>>, vector<16xi32>,
        %and3A_151 = vector.broadcast %scan3A_28 : i32 to vector<16xi32>
        %and3A_152 = arith.andi %get3A_150, %and3A_151 : vector<16xi32>
        %swap3A_153 = arith.index_cast %mul3A_144 : i32 to index
        %swap3A_154 = tpu.vector_load %arg14[%swap3A_153] {strides = array<i32>} : memref<8192xi32, #tpu.memory_space<vmem>>, vector<16xi32>,
        tpu.vector_store %arg14[%swap3A_153], %and3A_152 {strides = array<i32>} : memref<8192xi32, #tpu.memory_space<vmem>>, vector<16xi32>,
        %scan3A_155 = arith.constant 0 : i32
        %scan3A_156 = arith.constant 1 : i32
        %scan3A_157 = arith.addi %scan3A_141, %scan3A_156 : i32
        %mul3A_158 = arith.constant 16 : i32
        %mul3A_159 = arith.muli %scan3A_157, %mul3A_158 : i32
        %get3A_160 = arith.index_cast %mul3A_159 : i32 to index
        %get3A_161 = tpu.vector_load %arg8[%get3A_160] {strides = array<i32>} : memref<8192xi32, #tpu.memory_space<vmem>>, vector<16xi32>,
        %and3A_162 = vector.broadcast %scan3A_28 : i32 to vector<16xi32>
        %and3A_163 = arith.andi %get3A_161, %and3A_162 : vector<16xi32>
        %swap3A_164 = arith.index_cast %mul3A_159 : i32 to index
        %swap3A_165 = tpu.vector_load %arg12[%swap3A_164] {strides = array<i32>} : memref<8192xi32, #tpu.memory_space<vmem>>, vector<16xi32>,
        tpu.vector_store %arg12[%swap3A_164], %and3A_163 {strides = array<i32>} : memref<8192xi32, #tpu.memory_space<vmem>>, vector<16xi32>,
        %get3A_166 = arith.index_cast %mul3A_159 : i32 to index
        %get3A_167 = tpu.vector_load %arg10[%get3A_166] {strides = array<i32>} : memref<8192xi32, #tpu.memory_space<vmem>>, vector<16xi32>,
        %and3A_168 = vector.broadcast %scan3A_28 : i32 to vector<16xi32>
        %and3A_169 = arith.andi %get3A_167, %and3A_168 : vector<16xi32>
        %swap3A_170 = arith.index_cast %mul3A_159 : i32 to index
        %swap3A_171 = tpu.vector_load %arg14[%swap3A_170] {strides = array<i32>} : memref<8192xi32, #tpu.memory_space<vmem>>, vector<16xi32>,
        tpu.vector_store %arg14[%swap3A_170], %and3A_169 {strides = array<i32>} : memref<8192xi32, #tpu.memory_space<vmem>>, vector<16xi32>,
        %scan3A_172 = arith.constant 0 : i32
        %scan3A_173 = arith.constant 2 : i32
        %scan3A_174 = arith.addi %scan3A_141, %scan3A_173 : i32
        %mul3A_175 = arith.constant 16 : i32
        %mul3A_176 = arith.muli %scan3A_174, %mul3A_175 : i32
        %get3A_177 = arith.index_cast %mul3A_176 : i32 to index
        %get3A_178 = tpu.vector_load %arg8[%get3A_177] {strides = array<i32>} : memref<8192xi32, #tpu.memory_space<vmem>>, vector<16xi32>,
        %and3A_179 = vector.broadcast %scan3A_28 : i32 to vector<16xi32>
        %and3A_180 = arith.andi %get3A_178, %and3A_179 : vector<16xi32>
        %swap3A_181 = arith.index_cast %mul3A_176 : i32 to index
        %swap3A_182 = tpu.vector_load %arg12[%swap3A_181] {strides = array<i32>} : memref<8192xi32, #tpu.memory_space<vmem>>, vector<16xi32>,
        tpu.vector_store %arg12[%swap3A_181], %and3A_180 {strides = array<i32>} : memref<8192xi32, #tpu.memory_space<vmem>>, vector<16xi32>,
        %get3A_183 = arith.index_cast %mul3A_176 : i32 to index
        %get3A_184 = tpu.vector_load %arg10[%get3A_183] {strides = array<i32>} : memref<8192xi32, #tpu.memory_space<vmem>>, vector<16xi32>,
        %and3A_185 = vector.broadcast %scan3A_28 : i32 to vector<16xi32>
        %and3A_186 = arith.andi %get3A_184, %and3A_185 : vector<16xi32>
        %swap3A_187 = arith.index_cast %mul3A_176 : i32 to index
        %swap3A_188 = tpu.vector_load %arg14[%swap3A_187] {strides = array<i32>} : memref<8192xi32, #tpu.memory_space<vmem>>, vector<16xi32>,
        tpu.vector_store %arg14[%swap3A_187], %and3A_186 {strides = array<i32>} : memref<8192xi32, #tpu.memory_space<vmem>>, vector<16xi32>,
        %scan3A_189 = arith.constant 0 : i32
        %scan3A_190 = arith.constant 3 : i32
        %scan3A_191 = arith.addi %scan3A_141, %scan3A_190 : i32
        %mul3A_192 = arith.constant 16 : i32
        %mul3A_193 = arith.muli %scan3A_191, %mul3A_192 : i32
        %get3A_194 = arith.index_cast %mul3A_193 : i32 to index
        %get3A_195 = tpu.vector_load %arg8[%get3A_194] {strides = array<i32>} : memref<8192xi32, #tpu.memory_space<vmem>>, vector<16xi32>,
        %and3A_196 = vector.broadcast %scan3A_28 : i32 to vector<16xi32>
        %and3A_197 = arith.andi %get3A_195, %and3A_196 : vector<16xi32>
        %swap3A_198 = arith.index_cast %mul3A_193 : i32 to index
        %swap3A_199 = tpu.vector_load %arg12[%swap3A_198] {strides = array<i32>} : memref<8192xi32, #tpu.memory_space<vmem>>, vector<16xi32>,
        tpu.vector_store %arg12[%swap3A_198], %and3A_197 {strides = array<i32>} : memref<8192xi32, #tpu.memory_space<vmem>>, vector<16xi32>,
        %get3A_200 = arith.index_cast %mul3A_193 : i32 to index
        %get3A_201 = tpu.vector_load %arg10[%get3A_200] {strides = array<i32>} : memref<8192xi32, #tpu.memory_space<vmem>>, vector<16xi32>,
        %and3A_202 = vector.broadcast %scan3A_28 : i32 to vector<16xi32>
        %and3A_203 = arith.andi %get3A_201, %and3A_202 : vector<16xi32>
        %swap3A_204 = arith.index_cast %mul3A_193 : i32 to index
        %swap3A_205 = tpu.vector_load %arg14[%swap3A_204] {strides = array<i32>} : memref<8192xi32, #tpu.memory_space<vmem>>, vector<16xi32>,
        tpu.vector_store %arg14[%swap3A_204], %and3A_203 {strides = array<i32>} : memref<8192xi32, #tpu.memory_space<vmem>>, vector<16xi32>,
        %scan3A_206 = arith.constant 0 : i32
        %scan3A_207 = arith.constant 4 : i32
        %scan3A_208 = arith.addi %scan3A_141, %scan3A_207 : i32
        %mul3A_209 = arith.constant 16 : i32
        %mul3A_210 = arith.muli %scan3A_208, %mul3A_209 : i32
        %get3A_211 = arith.index_cast %mul3A_210 : i32 to index
        %get3A_212 = tpu.vector_load %arg8[%get3A_211] {strides = array<i32>} : memref<8192xi32, #tpu.memory_space<vmem>>, vector<16xi32>,
        %and3A_213 = vector.broadcast %scan3A_28 : i32 to vector<16xi32>
        %and3A_214 = arith.andi %get3A_212, %and3A_213 : vector<16xi32>
        %swap3A_215 = arith.index_cast %mul3A_210 : i32 to index
        %swap3A_216 = tpu.vector_load %arg12[%swap3A_215] {strides = array<i32>} : memref<8192xi32, #tpu.memory_space<vmem>>, vector<16xi32>,
        tpu.vector_store %arg12[%swap3A_215], %and3A_214 {strides = array<i32>} : memref<8192xi32, #tpu.memory_space<vmem>>, vector<16xi32>,
        %get3A_217 = arith.index_cast %mul3A_210 : i32 to index
        %get3A_218 = tpu.vector_load %arg10[%get3A_217] {strides = array<i32>} : memref<8192xi32, #tpu.memory_space<vmem>>, vector<16xi32>,
        %and3A_219 = vector.broadcast %scan3A_28 : i32 to vector<16xi32>
        %and3A_220 = arith.andi %get3A_218, %and3A_219 : vector<16xi32>
        %swap3A_221 = arith.index_cast %mul3A_210 : i32 to index
        %swap3A_222 = tpu.vector_load %arg14[%swap3A_221] {strides = array<i32>} : memref<8192xi32, #tpu.memory_space<vmem>>, vector<16xi32>,
        tpu.vector_store %arg14[%swap3A_221], %and3A_220 {strides = array<i32>} : memref<8192xi32, #tpu.memory_space<vmem>>, vector<16xi32>,
        %scan3A_223 = arith.constant 0 : i32
        %scan3A_224 = arith.constant 5 : i32
        %scan3A_225 = arith.addi %scan3A_141, %scan3A_224 : i32
        %mul3A_226 = arith.constant 16 : i32
        %mul3A_227 = arith.muli %scan3A_225, %mul3A_226 : i32
        %get3A_228 = arith.index_cast %mul3A_227 : i32 to index
        %get3A_229 = tpu.vector_load %arg8[%get3A_228] {strides = array<i32>} : memref<8192xi32, #tpu.memory_space<vmem>>, vector<16xi32>,
        %and3A_230 = vector.broadcast %scan3A_28 : i32 to vector<16xi32>
        %and3A_231 = arith.andi %get3A_229, %and3A_230 : vector<16xi32>
        %swap3A_232 = arith.index_cast %mul3A_227 : i32 to index
        %swap3A_233 = tpu.vector_load %arg12[%swap3A_232] {strides = array<i32>} : memref<8192xi32, #tpu.memory_space<vmem>>, vector<16xi32>,
        tpu.vector_store %arg12[%swap3A_232], %and3A_231 {strides = array<i32>} : memref<8192xi32, #tpu.memory_space<vmem>>, vector<16xi32>,
        %get3A_234 = arith.index_cast %mul3A_227 : i32 to index
        %get3A_235 = tpu.vector_load %arg10[%get3A_234] {strides = array<i32>} : memref<8192xi32, #tpu.memory_space<vmem>>, vector<16xi32>,
        %and3A_236 = vector.broadcast %scan3A_28 : i32 to vector<16xi32>
        %and3A_237 = arith.andi %get3A_235, %and3A_236 : vector<16xi32>
        %swap3A_238 = arith.index_cast %mul3A_227 : i32 to index
        %swap3A_239 = tpu.vector_load %arg14[%swap3A_238] {strides = array<i32>} : memref<8192xi32, #tpu.memory_space<vmem>>, vector<16xi32>,
        tpu.vector_store %arg14[%swap3A_238], %and3A_237 {strides = array<i32>} : memref<8192xi32, #tpu.memory_space<vmem>>, vector<16xi32>,
        %scan3A_240 = arith.constant 0 : i32
        %scan3A_241 = arith.constant 6 : i32
        %scan3A_242 = arith.addi %scan3A_141, %scan3A_241 : i32
        %mul3A_243 = arith.constant 16 : i32
        %mul3A_244 = arith.muli %scan3A_242, %mul3A_243 : i32
        %get3A_245 = arith.index_cast %mul3A_244 : i32 to index
        %get3A_246 = tpu.vector_load %arg8[%get3A_245] {strides = array<i32>} : memref<8192xi32, #tpu.memory_space<vmem>>, vector<16xi32>,
        %and3A_247 = vector.broadcast %scan3A_28 : i32 to vector<16xi32>
        %and3A_248 = arith.andi %get3A_246, %and3A_247 : vector<16xi32>
        %swap3A_249 = arith.index_cast %mul3A_244 : i32 to index
        %swap3A_250 = tpu.vector_load %arg12[%swap3A_249] {strides = array<i32>} : memref<8192xi32, #tpu.memory_space<vmem>>, vector<16xi32>,
        tpu.vector_store %arg12[%swap3A_249], %and3A_248 {strides = array<i32>} : memref<8192xi32, #tpu.memory_space<vmem>>, vector<16xi32>,
        %get3A_251 = arith.index_cast %mul3A_244 : i32 to index
        %get3A_252 = tpu.vector_load %arg10[%get3A_251] {strides = array<i32>} : memref<8192xi32, #tpu.memory_space<vmem>>, vector<16xi32>,
        %and3A_253 = vector.broadcast %scan3A_28 : i32 to vector<16xi32>
        %and3A_254 = arith.andi %get3A_252, %and3A_253 : vector<16xi32>
        %swap3A_255 = arith.index_cast %mul3A_244 : i32 to index
        %swap3A_256 = tpu.vector_load %arg14[%swap3A_255] {strides = array<i32>} : memref<8192xi32, #tpu.memory_space<vmem>>, vector<16xi32>,
        tpu.vector_store %arg14[%swap3A_255], %and3A_254 {strides = array<i32>} : memref<8192xi32, #tpu.memory_space<vmem>>, vector<16xi32>,
        %scan3A_257 = arith.constant 0 : i32
        %scan3A_258 = arith.constant 7 : i32
        %scan3A_259 = arith.addi %scan3A_141, %scan3A_258 : i32
        %mul3A_260 = arith.constant 16 : i32
        %mul3A_261 = arith.muli %scan3A_259, %mul3A_260 : i32
        %get3A_262 = arith.index_cast %mul3A_261 : i32 to index
        %get3A_263 = tpu.vector_load %arg8[%get3A_262] {strides = array<i32>} : memref<8192xi32, #tpu.memory_space<vmem>>, vector<16xi32>,
        %and3A_264 = vector.broadcast %scan3A_28 : i32 to vector<16xi32>
        %and3A_265 = arith.andi %get3A_263, %and3A_264 : vector<16xi32>
        %swap3A_266 = arith.index_cast %mul3A_261 : i32 to index
        %swap3A_267 = tpu.vector_load %arg12[%swap3A_266] {strides = array<i32>} : memref<8192xi32, #tpu.memory_space<vmem>>, vector<16xi32>,
        tpu.vector_store %arg12[%swap3A_266], %and3A_265 {strides = array<i32>} : memref<8192xi32, #tpu.memory_space<vmem>>, vector<16xi32>,
        %get3A_268 = arith.index_cast %mul3A_261 : i32 to index
        %get3A_269 = tpu.vector_load %arg10[%get3A_268] {strides = array<i32>} : memref<8192xi32, #tpu.memory_space<vmem>>, vector<16xi32>,
        %and3A_270 = vector.broadcast %scan3A_28 : i32 to vector<16xi32>
        %and3A_271 = arith.andi %get3A_269, %and3A_270 : vector<16xi32>
        %swap3A_272 = arith.index_cast %mul3A_261 : i32 to index
        %swap3A_273 = tpu.vector_load %arg14[%swap3A_272] {strides = array<i32>} : memref<8192xi32, #tpu.memory_space<vmem>>, vector<16xi32>,
        tpu.vector_store %arg14[%swap3A_272], %and3A_271 {strides = array<i32>} : memref<8192xi32, #tpu.memory_space<vmem>>, vector<16xi32>,
        %scan3A_274 = arith.constant 0 : i32
        scf.yield %scan3A_274 : i32
      }
      %scan3A_90 = arith.constant 512 : i32
      %add3A_91 = arith.constant 1 : i32
      %add3A_92 = arith.addi %mul3A_56, %add3A_91 : i32
      %dma_start3A_93 = arith.constant 0 : i32
      %dma_start3A_94 = tpu.memref_slice %arg6[%dma_start3A_93] : memref<262144xf32, #tpu.memory_space<vmem_shared>> -> memref<262144xf32, #tpu.memory_space<vmem_shared>>
      tpu.enqueue_indirect_dma source(%dma_start3A_94 : memref<262144xf32, #tpu.memory_space<vmem_shared>>) target(%arg16 : memref<8192xf32, #tpu.memory_space<vmem>>) offsets(%arg12 : memref<8192xi32, #tpu.memory_space<vmem>>) semaphore(%arg25 : memref<!tpu.dma_semaphore, #tpu.memory_space<semaphore_mem>>)
      %dma_start3A_95 = arith.constant 0 : i32
      %dma_start3A_96 = tpu.memref_slice %arg6[%dma_start3A_95] : memref<262144xf32, #tpu.memory_space<vmem_shared>> -> memref<262144xf32, #tpu.memory_space<vmem_shared>>
      tpu.enqueue_indirect_dma source(%dma_start3A_96 : memref<262144xf32, #tpu.memory_space<vmem_shared>>) target(%arg18 : memref<8192xf32, #tpu.memory_space<vmem>>) offsets(%arg14 : memref<8192xi32, #tpu.memory_space<vmem>>) semaphore(%arg27 : memref<!tpu.dma_semaphore, #tpu.memory_space<semaphore_mem>>)
      %dma_wait3A_97 = arith.constant 0 : i32
      %dma_wait3A_98 = tpu.memref_slice %arg6[%dma_wait3A_97] : memref<262144xf32, #tpu.memory_space<vmem_shared>> -> memref<262144xf32, #tpu.memory_space<vmem_shared>>
      tpu.wait_indirect_dma semaphore(%arg24 : memref<!tpu.dma_semaphore, #tpu.memory_space<semaphore_mem>>) src(%dma_wait3A_98 : memref<262144xf32, #tpu.memory_space<vmem_shared>>) dst(%arg15 : memref<8192xf32, #tpu.memory_space<vmem>>)
      %dma_wait3A_99 = arith.constant 0 : i32
      %dma_wait3A_100 = tpu.memref_slice %arg6[%dma_wait3A_99] : memref<262144xf32, #tpu.memory_space<vmem_shared>> -> memref<262144xf32, #tpu.memory_space<vmem_shared>>
      tpu.wait_indirect_dma semaphore(%arg26 : memref<!tpu.dma_semaphore, #tpu.memory_space<semaphore_mem>>) src(%dma_wait3A_100 : memref<262144xf32, #tpu.memory_space<vmem_shared>>) dst(%arg17 : memref<8192xf32, #tpu.memory_space<vmem>>)
      %add3A_101 = arith.constant 2 : i32
      %add3A_102 = arith.addi %mul3A_56, %add3A_101 : i32
      %rem3A_103 = arith.constant 80 : i32
      %rem3A_104 = arith.remsi %add3A_102, %rem3A_103 : i32
      %mul3A_105 = arith.constant 8192 : i32
      %mul3A_106 = arith.muli %rem3A_104, %mul3A_105 : i32
      %add3A_107 = arith.addi %mul3A_8, %mul3A_106 : i32
      %dma_start3A_108 = tpu.memref_slice %arg3[%add3A_107] : memref<20971520xi32, #tpu.memory_space<hbm>> -> memref<8192xi32, #tpu.memory_space<hbm>>
      %dma_start3A_109 = tpu.memref_slice %arg3[%add3A_107] : memref<20971520xi32, #tpu.memory_space<hbm>> -> memref<8192xi32, #tpu.memory_space<hbm>>
      tpu.enqueue_dma source(%dma_start3A_109 : memref<8192xi32, #tpu.memory_space<hbm>>) target(%arg7 : memref<8192xi32, #tpu.memory_space<vmem>>) target_semaphore(%arg20 : memref<!tpu.dma_semaphore, #tpu.memory_space<semaphore_mem>>)
      %dma_start3A_110 = tpu.memref_slice %arg4[%add3A_107] : memref<20971520xi32, #tpu.memory_space<hbm>> -> memref<8192xi32, #tpu.memory_space<hbm>>
      %dma_start3A_111 = tpu.memref_slice %arg4[%add3A_107] : memref<20971520xi32, #tpu.memory_space<hbm>> -> memref<8192xi32, #tpu.memory_space<hbm>>
      tpu.enqueue_dma source(%dma_start3A_111 : memref<8192xi32, #tpu.memory_space<hbm>>) target(%arg9 : memref<8192xi32, #tpu.memory_space<vmem>>) target_semaphore(%arg22 : memref<!tpu.dma_semaphore, #tpu.memory_space<semaphore_mem>>)
      %scan3A_112 = arith.constant 0 : i32
      %scan3A_113 = arith.constant 512 : i32
      %scan3A_114 = arith.addi %scan3A_112, %scan3A_113 : i32
      %scan3A_115 = arith.constant 8 : i32
      %scan3A_116 = scf.for %scan3A_141 = %scan3A_112 to %scan3A_114 step %scan3A_115 iter_args(%scan3A_142 = %scan3A_54) -> (vector<16xf32>)  : i32 {
        %mul3A_143 = arith.constant 16 : i32
        %mul3A_144 = arith.muli %scan3A_141, %mul3A_143 : i32
        %get3A = arith.index_cast %mul3A_144 : i32 to index
        %get3A_145 = tpu.vector_load %arg15[%get3A] {strides = array<i32>} : memref<8192xf32, #tpu.memory_space<vmem>>, vector<16xf32>,
        %get3A_146 = arith.index_cast %mul3A_144 : i32 to index
        %get3A_147 = tpu.vector_load %arg7[%get3A_146] {strides = array<i32>} : memref<8192xi32, #tpu.memory_space<vmem>>, vector<16xi32>,
        %bitcast_convert_type3A = tpu.bitcast %get3A_145 : vector<16xf32> -> vector<16xi32>
        %shift_right_logical3A = arith.constant 18 : i32
        %shift_right_logical3A_148 = vector.broadcast %shift_right_logical3A : i32 to vector<16xi32>
        %shift_right_logical3A_149 = arith.shrui %get3A_147, %shift_right_logical3A_148 : vector<16xi32>
        %gt3A = arith.constant 0 : i32
        %gt3A_150 = vector.broadcast %gt3A : i32 to vector<16xi32>
        %gt3A_151 = arith.cmpi sgt, %shift_right_logical3A_149, %gt3A_150 : vector<16xi32>
        %and3A = arith.constant -65536 : i32
        %and3A_152 = vector.broadcast %and3A : i32 to vector<16xi32>
        %and3A_153 = arith.andi %bitcast_convert_type3A, %and3A_152 : vector<16xi32>
        %shift_left3A = arith.constant 16 : i32
        %shift_left3A_154 = vector.broadcast %shift_left3A : i32 to vector<16xi32>
        %shift_left3A_155 = arith.shli %bitcast_convert_type3A, %shift_left3A_154 : vector<16xi32>
        %select_n3A = arith.select %gt3A_151, %and3A_153, %shift_left3A_155 : vector<16xi1>, vector<16xi32>
        %bitcast_convert_type3A_156 = tpu.bitcast %select_n3A : vector<16xi32> -> vector<16xf32>
        %get3A_157 = arith.index_cast %mul3A_144 : i32 to index
        %get3A_158 = tpu.vector_load %arg17[%get3A_157] {strides = array<i32>} : memref<8192xf32, #tpu.memory_space<vmem>>, vector<16xf32>,
        %get3A_159 = arith.index_cast %mul3A_144 : i32 to index
        %get3A_160 = tpu.vector_load %arg9[%get3A_159] {strides = array<i32>} : memref<8192xi32, #tpu.memory_space<vmem>>, vector<16xi32>,
        %bitcast_convert_type3A_161 = tpu.bitcast %get3A_158 : vector<16xf32> -> vector<16xi32>
        %shift_right_logical3A_162 = arith.constant 18 : i32
        %shift_right_logical3A_163 = vector.broadcast %shift_right_logical3A_162 : i32 to vector<16xi32>
        %shift_right_logical3A_164 = arith.shrui %get3A_160, %shift_right_logical3A_163 : vector<16xi32>
        %gt3A_165 = arith.constant 0 : i32
        %gt3A_166 = vector.broadcast %gt3A_165 : i32 to vector<16xi32>
        %gt3A_167 = arith.cmpi sgt, %shift_right_logical3A_164, %gt3A_166 : vector<16xi32>
        %and3A_168 = arith.constant -65536 : i32
        %and3A_169 = vector.broadcast %and3A_168 : i32 to vector<16xi32>
        %and3A_170 = arith.andi %bitcast_convert_type3A_161, %and3A_169 : vector<16xi32>
        %shift_left3A_171 = arith.constant 16 : i32
        %shift_left3A_172 = vector.broadcast %shift_left3A_171 : i32 to vector<16xi32>
        %shift_left3A_173 = arith.shli %bitcast_convert_type3A_161, %shift_left3A_172 : vector<16xi32>
        %select_n3A_174 = arith.select %gt3A_167, %and3A_170, %shift_left3A_173 : vector<16xi1>, vector<16xi32>
        %bitcast_convert_type3A_175 = tpu.bitcast %select_n3A_174 : vector<16xi32> -> vector<16xf32>
        %sub3A = arith.subf %bitcast_convert_type3A_156, %bitcast_convert_type3A_175 : vector<16xf32>
        %mul3A_176 = arith.mulf %sub3A, %sub3A : vector<16xf32>
        %add3A_177 = arith.addf %scan3A_142, %mul3A_176 : vector<16xf32>
        %scan3A_178 = arith.constant 1 : i32
        %scan3A_179 = arith.addi %scan3A_141, %scan3A_178 : i32
        %mul3A_180 = arith.constant 16 : i32
        %mul3A_181 = arith.muli %scan3A_179, %mul3A_180 : i32
        %get3A_182 = arith.index_cast %mul3A_181 : i32 to index
        %get3A_183 = tpu.vector_load %arg15[%get3A_182] {strides = array<i32>} : memref<8192xf32, #tpu.memory_space<vmem>>, vector<16xf32>,
        %get3A_184 = arith.index_cast %mul3A_181 : i32 to index
        %get3A_185 = tpu.vector_load %arg7[%get3A_184] {strides = array<i32>} : memref<8192xi32, #tpu.memory_space<vmem>>, vector<16xi32>,
        %bitcast_convert_type3A_186 = tpu.bitcast %get3A_183 : vector<16xf32> -> vector<16xi32>
        %shift_right_logical3A_187 = arith.constant 18 : i32
        %shift_right_logical3A_188 = vector.broadcast %shift_right_logical3A_187 : i32 to vector<16xi32>
        %shift_right_logical3A_189 = arith.shrui %get3A_185, %shift_right_logical3A_188 : vector<16xi32>
        %gt3A_190 = arith.constant 0 : i32
        %gt3A_191 = vector.broadcast %gt3A_190 : i32 to vector<16xi32>
        %gt3A_192 = arith.cmpi sgt, %shift_right_logical3A_189, %gt3A_191 : vector<16xi32>
        %and3A_193 = arith.constant -65536 : i32
        %and3A_194 = vector.broadcast %and3A_193 : i32 to vector<16xi32>
        %and3A_195 = arith.andi %bitcast_convert_type3A_186, %and3A_194 : vector<16xi32>
        %shift_left3A_196 = arith.constant 16 : i32
        %shift_left3A_197 = vector.broadcast %shift_left3A_196 : i32 to vector<16xi32>
        %shift_left3A_198 = arith.shli %bitcast_convert_type3A_186, %shift_left3A_197 : vector<16xi32>
        %select_n3A_199 = arith.select %gt3A_192, %and3A_195, %shift_left3A_198 : vector<16xi1>, vector<16xi32>
        %bitcast_convert_type3A_200 = tpu.bitcast %select_n3A_199 : vector<16xi32> -> vector<16xf32>
        %get3A_201 = arith.index_cast %mul3A_181 : i32 to index
        %get3A_202 = tpu.vector_load %arg17[%get3A_201] {strides = array<i32>} : memref<8192xf32, #tpu.memory_space<vmem>>, vector<16xf32>,
        %get3A_203 = arith.index_cast %mul3A_181 : i32 to index
        %get3A_204 = tpu.vector_load %arg9[%get3A_203] {strides = array<i32>} : memref<8192xi32, #tpu.memory_space<vmem>>, vector<16xi32>,
        %bitcast_convert_type3A_205 = tpu.bitcast %get3A_202 : vector<16xf32> -> vector<16xi32>
        %shift_right_logical3A_206 = arith.constant 18 : i32
        %shift_right_logical3A_207 = vector.broadcast %shift_right_logical3A_206 : i32 to vector<16xi32>
        %shift_right_logical3A_208 = arith.shrui %get3A_204, %shift_right_logical3A_207 : vector<16xi32>
        %gt3A_209 = arith.constant 0 : i32
        %gt3A_210 = vector.broadcast %gt3A_209 : i32 to vector<16xi32>
        %gt3A_211 = arith.cmpi sgt, %shift_right_logical3A_208, %gt3A_210 : vector<16xi32>
        %and3A_212 = arith.constant -65536 : i32
        %and3A_213 = vector.broadcast %and3A_212 : i32 to vector<16xi32>
        %and3A_214 = arith.andi %bitcast_convert_type3A_205, %and3A_213 : vector<16xi32>
        %shift_left3A_215 = arith.constant 16 : i32
        %shift_left3A_216 = vector.broadcast %shift_left3A_215 : i32 to vector<16xi32>
        %shift_left3A_217 = arith.shli %bitcast_convert_type3A_205, %shift_left3A_216 : vector<16xi32>
        %select_n3A_218 = arith.select %gt3A_211, %and3A_214, %shift_left3A_217 : vector<16xi1>, vector<16xi32>
        %bitcast_convert_type3A_219 = tpu.bitcast %select_n3A_218 : vector<16xi32> -> vector<16xf32>
        %sub3A_220 = arith.subf %bitcast_convert_type3A_200, %bitcast_convert_type3A_219 : vector<16xf32>
        %mul3A_221 = arith.mulf %sub3A_220, %sub3A_220 : vector<16xf32>
        %add3A_222 = arith.addf %add3A_177, %mul3A_221 : vector<16xf32>
        %scan3A_223 = arith.constant 2 : i32
        %scan3A_224 = arith.addi %scan3A_141, %scan3A_223 : i32
        %mul3A_225 = arith.constant 16 : i32
        %mul3A_226 = arith.muli %scan3A_224, %mul3A_225 : i32
        %get3A_227 = arith.index_cast %mul3A_226 : i32 to index
        %get3A_228 = tpu.vector_load %arg15[%get3A_227] {strides = array<i32>} : memref<8192xf32, #tpu.memory_space<vmem>>, vector<16xf32>,
        %get3A_229 = arith.index_cast %mul3A_226 : i32 to index
        %get3A_230 = tpu.vector_load %arg7[%get3A_229] {strides = array<i32>} : memref<8192xi32, #tpu.memory_space<vmem>>, vector<16xi32>,
        %bitcast_convert_type3A_231 = tpu.bitcast %get3A_228 : vector<16xf32> -> vector<16xi32>
        %shift_right_logical3A_232 = arith.constant 18 : i32
        %shift_right_logical3A_233 = vector.broadcast %shift_right_logical3A_232 : i32 to vector<16xi32>
        %shift_right_logical3A_234 = arith.shrui %get3A_230, %shift_right_logical3A_233 : vector<16xi32>
        %gt3A_235 = arith.constant 0 : i32
        %gt3A_236 = vector.broadcast %gt3A_235 : i32 to vector<16xi32>
        %gt3A_237 = arith.cmpi sgt, %shift_right_logical3A_234, %gt3A_236 : vector<16xi32>
        %and3A_238 = arith.constant -65536 : i32
        %and3A_239 = vector.broadcast %and3A_238 : i32 to vector<16xi32>
        %and3A_240 = arith.andi %bitcast_convert_type3A_231, %and3A_239 : vector<16xi32>
        %shift_left3A_241 = arith.constant 16 : i32
        %shift_left3A_242 = vector.broadcast %shift_left3A_241 : i32 to vector<16xi32>
        %shift_left3A_243 = arith.shli %bitcast_convert_type3A_231, %shift_left3A_242 : vector<16xi32>
        %select_n3A_244 = arith.select %gt3A_237, %and3A_240, %shift_left3A_243 : vector<16xi1>, vector<16xi32>
        %bitcast_convert_type3A_245 = tpu.bitcast %select_n3A_244 : vector<16xi32> -> vector<16xf32>
        %get3A_246 = arith.index_cast %mul3A_226 : i32 to index
        %get3A_247 = tpu.vector_load %arg17[%get3A_246] {strides = array<i32>} : memref<8192xf32, #tpu.memory_space<vmem>>, vector<16xf32>,
        %get3A_248 = arith.index_cast %mul3A_226 : i32 to index
        %get3A_249 = tpu.vector_load %arg9[%get3A_248] {strides = array<i32>} : memref<8192xi32, #tpu.memory_space<vmem>>, vector<16xi32>,
        %bitcast_convert_type3A_250 = tpu.bitcast %get3A_247 : vector<16xf32> -> vector<16xi32>
        %shift_right_logical3A_251 = arith.constant 18 : i32
        %shift_right_logical3A_252 = vector.broadcast %shift_right_logical3A_251 : i32 to vector<16xi32>
        %shift_right_logical3A_253 = arith.shrui %get3A_249, %shift_right_logical3A_252 : vector<16xi32>
        %gt3A_254 = arith.constant 0 : i32
        %gt3A_255 = vector.broadcast %gt3A_254 : i32 to vector<16xi32>
        %gt3A_256 = arith.cmpi sgt, %shift_right_logical3A_253, %gt3A_255 : vector<16xi32>
        %and3A_257 = arith.constant -65536 : i32
        %and3A_258 = vector.broadcast %and3A_257 : i32 to vector<16xi32>
        %and3A_259 = arith.andi %bitcast_convert_type3A_250, %and3A_258 : vector<16xi32>
        %shift_left3A_260 = arith.constant 16 : i32
        %shift_left3A_261 = vector.broadcast %shift_left3A_260 : i32 to vector<16xi32>
        %shift_left3A_262 = arith.shli %bitcast_convert_type3A_250, %shift_left3A_261 : vector<16xi32>
        %select_n3A_263 = arith.select %gt3A_256, %and3A_259, %shift_left3A_262 : vector<16xi1>, vector<16xi32>
        %bitcast_convert_type3A_264 = tpu.bitcast %select_n3A_263 : vector<16xi32> -> vector<16xf32>
        %sub3A_265 = arith.subf %bitcast_convert_type3A_245, %bitcast_convert_type3A_264 : vector<16xf32>
        %mul3A_266 = arith.mulf %sub3A_265, %sub3A_265 : vector<16xf32>
        %add3A_267 = arith.addf %add3A_222, %mul3A_266 : vector<16xf32>
        %scan3A_268 = arith.constant 3 : i32
        %scan3A_269 = arith.addi %scan3A_141, %scan3A_268 : i32
        %mul3A_270 = arith.constant 16 : i32
        %mul3A_271 = arith.muli %scan3A_269, %mul3A_270 : i32
        %get3A_272 = arith.index_cast %mul3A_271 : i32 to index
        %get3A_273 = tpu.vector_load %arg15[%get3A_272] {strides = array<i32>} : memref<8192xf32, #tpu.memory_space<vmem>>, vector<16xf32>,
        %get3A_274 = arith.index_cast %mul3A_271 : i32 to index
        %get3A_275 = tpu.vector_load %arg7[%get3A_274] {strides = array<i32>} : memref<8192xi32, #tpu.memory_space<vmem>>, vector<16xi32>,
        %bitcast_convert_type3A_276 = tpu.bitcast %get3A_273 : vector<16xf32> -> vector<16xi32>
        %shift_right_logical3A_277 = arith.constant 18 : i32
        %shift_right_logical3A_278 = vector.broadcast %shift_right_logical3A_277 : i32 to vector<16xi32>
        %shift_right_logical3A_279 = arith.shrui %get3A_275, %shift_right_logical3A_278 : vector<16xi32>
        %gt3A_280 = arith.constant 0 : i32
        %gt3A_281 = vector.broadcast %gt3A_280 : i32 to vector<16xi32>
        %gt3A_282 = arith.cmpi sgt, %shift_right_logical3A_279, %gt3A_281 : vector<16xi32>
        %and3A_283 = arith.constant -65536 : i32
        %and3A_284 = vector.broadcast %and3A_283 : i32 to vector<16xi32>
        %and3A_285 = arith.andi %bitcast_convert_type3A_276, %and3A_284 : vector<16xi32>
        %shift_left3A_286 = arith.constant 16 : i32
        %shift_left3A_287 = vector.broadcast %shift_left3A_286 : i32 to vector<16xi32>
        %shift_left3A_288 = arith.shli %bitcast_convert_type3A_276, %shift_left3A_287 : vector<16xi32>
        %select_n3A_289 = arith.select %gt3A_282, %and3A_285, %shift_left3A_288 : vector<16xi1>, vector<16xi32>
        %bitcast_convert_type3A_290 = tpu.bitcast %select_n3A_289 : vector<16xi32> -> vector<16xf32>
        %get3A_291 = arith.index_cast %mul3A_271 : i32 to index
        %get3A_292 = tpu.vector_load %arg17[%get3A_291] {strides = array<i32>} : memref<8192xf32, #tpu.memory_space<vmem>>, vector<16xf32>,
        %get3A_293 = arith.index_cast %mul3A_271 : i32 to index
        %get3A_294 = tpu.vector_load %arg9[%get3A_293] {strides = array<i32>} : memref<8192xi32, #tpu.memory_space<vmem>>, vector<16xi32>,
        %bitcast_convert_type3A_295 = tpu.bitcast %get3A_292 : vector<16xf32> -> vector<16xi32>
        %shift_right_logical3A_296 = arith.constant 18 : i32
        %shift_right_logical3A_297 = vector.broadcast %shift_right_logical3A_296 : i32 to vector<16xi32>
        %shift_right_logical3A_298 = arith.shrui %get3A_294, %shift_right_logical3A_297 : vector<16xi32>
        %gt3A_299 = arith.constant 0 : i32
        %gt3A_300 = vector.broadcast %gt3A_299 : i32 to vector<16xi32>
        %gt3A_301 = arith.cmpi sgt, %shift_right_logical3A_298, %gt3A_300 : vector<16xi32>
        %and3A_302 = arith.constant -65536 : i32
        %and3A_303 = vector.broadcast %and3A_302 : i32 to vector<16xi32>
        %and3A_304 = arith.andi %bitcast_convert_type3A_295, %and3A_303 : vector<16xi32>
        %shift_left3A_305 = arith.constant 16 : i32
        %shift_left3A_306 = vector.broadcast %shift_left3A_305 : i32 to vector<16xi32>
        %shift_left3A_307 = arith.shli %bitcast_convert_type3A_295, %shift_left3A_306 : vector<16xi32>
        %select_n3A_308 = arith.select %gt3A_301, %and3A_304, %shift_left3A_307 : vector<16xi1>, vector<16xi32>
        %bitcast_convert_type3A_309 = tpu.bitcast %select_n3A_308 : vector<16xi32> -> vector<16xf32>
        %sub3A_310 = arith.subf %bitcast_convert_type3A_290, %bitcast_convert_type3A_309 : vector<16xf32>
        %mul3A_311 = arith.mulf %sub3A_310, %sub3A_310 : vector<16xf32>
        %add3A_312 = arith.addf %add3A_267, %mul3A_311 : vector<16xf32>
        %scan3A_313 = arith.constant 4 : i32
        %scan3A_314 = arith.addi %scan3A_141, %scan3A_313 : i32
        %mul3A_315 = arith.constant 16 : i32
        %mul3A_316 = arith.muli %scan3A_314, %mul3A_315 : i32
        %get3A_317 = arith.index_cast %mul3A_316 : i32 to index
        %get3A_318 = tpu.vector_load %arg15[%get3A_317] {strides = array<i32>} : memref<8192xf32, #tpu.memory_space<vmem>>, vector<16xf32>,
        %get3A_319 = arith.index_cast %mul3A_316 : i32 to index
        %get3A_320 = tpu.vector_load %arg7[%get3A_319] {strides = array<i32>} : memref<8192xi32, #tpu.memory_space<vmem>>, vector<16xi32>,
        %bitcast_convert_type3A_321 = tpu.bitcast %get3A_318 : vector<16xf32> -> vector<16xi32>
        %shift_right_logical3A_322 = arith.constant 18 : i32
        %shift_right_logical3A_323 = vector.broadcast %shift_right_logical3A_322 : i32 to vector<16xi32>
        %shift_right_logical3A_324 = arith.shrui %get3A_320, %shift_right_logical3A_323 : vector<16xi32>
        %gt3A_325 = arith.constant 0 : i32
        %gt3A_326 = vector.broadcast %gt3A_325 : i32 to vector<16xi32>
        %gt3A_327 = arith.cmpi sgt, %shift_right_logical3A_324, %gt3A_326 : vector<16xi32>
        %and3A_328 = arith.constant -65536 : i32
        %and3A_329 = vector.broadcast %and3A_328 : i32 to vector<16xi32>
        %and3A_330 = arith.andi %bitcast_convert_type3A_321, %and3A_329 : vector<16xi32>
        %shift_left3A_331 = arith.constant 16 : i32
        %shift_left3A_332 = vector.broadcast %shift_left3A_331 : i32 to vector<16xi32>
        %shift_left3A_333 = arith.shli %bitcast_convert_type3A_321, %shift_left3A_332 : vector<16xi32>
        %select_n3A_334 = arith.select %gt3A_327, %and3A_330, %shift_left3A_333 : vector<16xi1>, vector<16xi32>
        %bitcast_convert_type3A_335 = tpu.bitcast %select_n3A_334 : vector<16xi32> -> vector<16xf32>
        %get3A_336 = arith.index_cast %mul3A_316 : i32 to index
        %get3A_337 = tpu.vector_load %arg17[%get3A_336] {strides = array<i32>} : memref<8192xf32, #tpu.memory_space<vmem>>, vector<16xf32>,
        %get3A_338 = arith.index_cast %mul3A_316 : i32 to index
        %get3A_339 = tpu.vector_load %arg9[%get3A_338] {strides = array<i32>} : memref<8192xi32, #tpu.memory_space<vmem>>, vector<16xi32>,
        %bitcast_convert_type3A_340 = tpu.bitcast %get3A_337 : vector<16xf32> -> vector<16xi32>
        %shift_right_logical3A_341 = arith.constant 18 : i32
        %shift_right_logical3A_342 = vector.broadcast %shift_right_logical3A_341 : i32 to vector<16xi32>
        %shift_right_logical3A_343 = arith.shrui %get3A_339, %shift_right_logical3A_342 : vector<16xi32>
        %gt3A_344 = arith.constant 0 : i32
        %gt3A_345 = vector.broadcast %gt3A_344 : i32 to vector<16xi32>
        %gt3A_346 = arith.cmpi sgt, %shift_right_logical3A_343, %gt3A_345 : vector<16xi32>
        %and3A_347 = arith.constant -65536 : i32
        %and3A_348 = vector.broadcast %and3A_347 : i32 to vector<16xi32>
        %and3A_349 = arith.andi %bitcast_convert_type3A_340, %and3A_348 : vector<16xi32>
        %shift_left3A_350 = arith.constant 16 : i32
        %shift_left3A_351 = vector.broadcast %shift_left3A_350 : i32 to vector<16xi32>
        %shift_left3A_352 = arith.shli %bitcast_convert_type3A_340, %shift_left3A_351 : vector<16xi32>
        %select_n3A_353 = arith.select %gt3A_346, %and3A_349, %shift_left3A_352 : vector<16xi1>, vector<16xi32>
        %bitcast_convert_type3A_354 = tpu.bitcast %select_n3A_353 : vector<16xi32> -> vector<16xf32>
        %sub3A_355 = arith.subf %bitcast_convert_type3A_335, %bitcast_convert_type3A_354 : vector<16xf32>
        %mul3A_356 = arith.mulf %sub3A_355, %sub3A_355 : vector<16xf32>
        %add3A_357 = arith.addf %add3A_312, %mul3A_356 : vector<16xf32>
        %scan3A_358 = arith.constant 5 : i32
        %scan3A_359 = arith.addi %scan3A_141, %scan3A_358 : i32
        %mul3A_360 = arith.constant 16 : i32
        %mul3A_361 = arith.muli %scan3A_359, %mul3A_360 : i32
        %get3A_362 = arith.index_cast %mul3A_361 : i32 to index
        %get3A_363 = tpu.vector_load %arg15[%get3A_362] {strides = array<i32>} : memref<8192xf32, #tpu.memory_space<vmem>>, vector<16xf32>,
        %get3A_364 = arith.index_cast %mul3A_361 : i32 to index
        %get3A_365 = tpu.vector_load %arg7[%get3A_364] {strides = array<i32>} : memref<8192xi32, #tpu.memory_space<vmem>>, vector<16xi32>,
        %bitcast_convert_type3A_366 = tpu.bitcast %get3A_363 : vector<16xf32> -> vector<16xi32>
        %shift_right_logical3A_367 = arith.constant 18 : i32
        %shift_right_logical3A_368 = vector.broadcast %shift_right_logical3A_367 : i32 to vector<16xi32>
        %shift_right_logical3A_369 = arith.shrui %get3A_365, %shift_right_logical3A_368 : vector<16xi32>
        %gt3A_370 = arith.constant 0 : i32
        %gt3A_371 = vector.broadcast %gt3A_370 : i32 to vector<16xi32>
        %gt3A_372 = arith.cmpi sgt, %shift_right_logical3A_369, %gt3A_371 : vector<16xi32>
        %and3A_373 = arith.constant -65536 : i32
        %and3A_374 = vector.broadcast %and3A_373 : i32 to vector<16xi32>
        %and3A_375 = arith.andi %bitcast_convert_type3A_366, %and3A_374 : vector<16xi32>
        %shift_left3A_376 = arith.constant 16 : i32
        %shift_left3A_377 = vector.broadcast %shift_left3A_376 : i32 to vector<16xi32>
        %shift_left3A_378 = arith.shli %bitcast_convert_type3A_366, %shift_left3A_377 : vector<16xi32>
        %select_n3A_379 = arith.select %gt3A_372, %and3A_375, %shift_left3A_378 : vector<16xi1>, vector<16xi32>
        %bitcast_convert_type3A_380 = tpu.bitcast %select_n3A_379 : vector<16xi32> -> vector<16xf32>
        %get3A_381 = arith.index_cast %mul3A_361 : i32 to index
        %get3A_382 = tpu.vector_load %arg17[%get3A_381] {strides = array<i32>} : memref<8192xf32, #tpu.memory_space<vmem>>, vector<16xf32>,
        %get3A_383 = arith.index_cast %mul3A_361 : i32 to index
        %get3A_384 = tpu.vector_load %arg9[%get3A_383] {strides = array<i32>} : memref<8192xi32, #tpu.memory_space<vmem>>, vector<16xi32>,
        %bitcast_convert_type3A_385 = tpu.bitcast %get3A_382 : vector<16xf32> -> vector<16xi32>
        %shift_right_logical3A_386 = arith.constant 18 : i32
        %shift_right_logical3A_387 = vector.broadcast %shift_right_logical3A_386 : i32 to vector<16xi32>
        %shift_right_logical3A_388 = arith.shrui %get3A_384, %shift_right_logical3A_387 : vector<16xi32>
        %gt3A_389 = arith.constant 0 : i32
        %gt3A_390 = vector.broadcast %gt3A_389 : i32 to vector<16xi32>
        %gt3A_391 = arith.cmpi sgt, %shift_right_logical3A_388, %gt3A_390 : vector<16xi32>
        %and3A_392 = arith.constant -65536 : i32
        %and3A_393 = vector.broadcast %and3A_392 : i32 to vector<16xi32>
        %and3A_394 = arith.andi %bitcast_convert_type3A_385, %and3A_393 : vector<16xi32>
        %shift_left3A_395 = arith.constant 16 : i32
        %shift_left3A_396 = vector.broadcast %shift_left3A_395 : i32 to vector<16xi32>
        %shift_left3A_397 = arith.shli %bitcast_convert_type3A_385, %shift_left3A_396 : vector<16xi32>
        %select_n3A_398 = arith.select %gt3A_391, %and3A_394, %shift_left3A_397 : vector<16xi1>, vector<16xi32>
        %bitcast_convert_type3A_399 = tpu.bitcast %select_n3A_398 : vector<16xi32> -> vector<16xf32>
        %sub3A_400 = arith.subf %bitcast_convert_type3A_380, %bitcast_convert_type3A_399 : vector<16xf32>
        %mul3A_401 = arith.mulf %sub3A_400, %sub3A_400 : vector<16xf32>
        %add3A_402 = arith.addf %add3A_357, %mul3A_401 : vector<16xf32>
        %scan3A_403 = arith.constant 6 : i32
        %scan3A_404 = arith.addi %scan3A_141, %scan3A_403 : i32
        %mul3A_405 = arith.constant 16 : i32
        %mul3A_406 = arith.muli %scan3A_404, %mul3A_405 : i32
        %get3A_407 = arith.index_cast %mul3A_406 : i32 to index
        %get3A_408 = tpu.vector_load %arg15[%get3A_407] {strides = array<i32>} : memref<8192xf32, #tpu.memory_space<vmem>>, vector<16xf32>,
        %get3A_409 = arith.index_cast %mul3A_406 : i32 to index
        %get3A_410 = tpu.vector_load %arg7[%get3A_409] {strides = array<i32>} : memref<8192xi32, #tpu.memory_space<vmem>>, vector<16xi32>,
        %bitcast_convert_type3A_411 = tpu.bitcast %get3A_408 : vector<16xf32> -> vector<16xi32>
        %shift_right_logical3A_412 = arith.constant 18 : i32
        %shift_right_logical3A_413 = vector.broadcast %shift_right_logical3A_412 : i32 to vector<16xi32>
        %shift_right_logical3A_414 = arith.shrui %get3A_410, %shift_right_logical3A_413 : vector<16xi32>
        %gt3A_415 = arith.constant 0 : i32
        %gt3A_416 = vector.broadcast %gt3A_415 : i32 to vector<16xi32>
        %gt3A_417 = arith.cmpi sgt, %shift_right_logical3A_414, %gt3A_416 : vector<16xi32>
        %and3A_418 = arith.constant -65536 : i32
        %and3A_419 = vector.broadcast %and3A_418 : i32 to vector<16xi32>
        %and3A_420 = arith.andi %bitcast_convert_type3A_411, %and3A_419 : vector<16xi32>
        %shift_left3A_421 = arith.constant 16 : i32
        %shift_left3A_422 = vector.broadcast %shift_left3A_421 : i32 to vector<16xi32>
        %shift_left3A_423 = arith.shli %bitcast_convert_type3A_411, %shift_left3A_422 : vector<16xi32>
        %select_n3A_424 = arith.select %gt3A_417, %and3A_420, %shift_left3A_423 : vector<16xi1>, vector<16xi32>
        %bitcast_convert_type3A_425 = tpu.bitcast %select_n3A_424 : vector<16xi32> -> vector<16xf32>
        %get3A_426 = arith.index_cast %mul3A_406 : i32 to index
        %get3A_427 = tpu.vector_load %arg17[%get3A_426] {strides = array<i32>} : memref<8192xf32, #tpu.memory_space<vmem>>, vector<16xf32>,
        %get3A_428 = arith.index_cast %mul3A_406 : i32 to index
        %get3A_429 = tpu.vector_load %arg9[%get3A_428] {strides = array<i32>} : memref<8192xi32, #tpu.memory_space<vmem>>, vector<16xi32>,
        %bitcast_convert_type3A_430 = tpu.bitcast %get3A_427 : vector<16xf32> -> vector<16xi32>
        %shift_right_logical3A_431 = arith.constant 18 : i32
        %shift_right_logical3A_432 = vector.broadcast %shift_right_logical3A_431 : i32 to vector<16xi32>
        %shift_right_logical3A_433 = arith.shrui %get3A_429, %shift_right_logical3A_432 : vector<16xi32>
        %gt3A_434 = arith.constant 0 : i32
        %gt3A_435 = vector.broadcast %gt3A_434 : i32 to vector<16xi32>
        %gt3A_436 = arith.cmpi sgt, %shift_right_logical3A_433, %gt3A_435 : vector<16xi32>
        %and3A_437 = arith.constant -65536 : i32
        %and3A_438 = vector.broadcast %and3A_437 : i32 to vector<16xi32>
        %and3A_439 = arith.andi %bitcast_convert_type3A_430, %and3A_438 : vector<16xi32>
        %shift_left3A_440 = arith.constant 16 : i32
        %shift_left3A_441 = vector.broadcast %shift_left3A_440 : i32 to vector<16xi32>
        %shift_left3A_442 = arith.shli %bitcast_convert_type3A_430, %shift_left3A_441 : vector<16xi32>
        %select_n3A_443 = arith.select %gt3A_436, %and3A_439, %shift_left3A_442 : vector<16xi1>, vector<16xi32>
        %bitcast_convert_type3A_444 = tpu.bitcast %select_n3A_443 : vector<16xi32> -> vector<16xf32>
        %sub3A_445 = arith.subf %bitcast_convert_type3A_425, %bitcast_convert_type3A_444 : vector<16xf32>
        %mul3A_446 = arith.mulf %sub3A_445, %sub3A_445 : vector<16xf32>
        %add3A_447 = arith.addf %add3A_402, %mul3A_446 : vector<16xf32>
        %scan3A_448 = arith.constant 7 : i32
        %scan3A_449 = arith.addi %scan3A_141, %scan3A_448 : i32
        %mul3A_450 = arith.constant 16 : i32
        %mul3A_451 = arith.muli %scan3A_449, %mul3A_450 : i32
        %get3A_452 = arith.index_cast %mul3A_451 : i32 to index
        %get3A_453 = tpu.vector_load %arg15[%get3A_452] {strides = array<i32>} : memref<8192xf32, #tpu.memory_space<vmem>>, vector<16xf32>,
        %get3A_454 = arith.index_cast %mul3A_451 : i32 to index
        %get3A_455 = tpu.vector_load %arg7[%get3A_454] {strides = array<i32>} : memref<8192xi32, #tpu.memory_space<vmem>>, vector<16xi32>,
        %bitcast_convert_type3A_456 = tpu.bitcast %get3A_453 : vector<16xf32> -> vector<16xi32>
        %shift_right_logical3A_457 = arith.constant 18 : i32
        %shift_right_logical3A_458 = vector.broadcast %shift_right_logical3A_457 : i32 to vector<16xi32>
        %shift_right_logical3A_459 = arith.shrui %get3A_455, %shift_right_logical3A_458 : vector<16xi32>
        %gt3A_460 = arith.constant 0 : i32
        %gt3A_461 = vector.broadcast %gt3A_460 : i32 to vector<16xi32>
        %gt3A_462 = arith.cmpi sgt, %shift_right_logical3A_459, %gt3A_461 : vector<16xi32>
        %and3A_463 = arith.constant -65536 : i32
        %and3A_464 = vector.broadcast %and3A_463 : i32 to vector<16xi32>
        %and3A_465 = arith.andi %bitcast_convert_type3A_456, %and3A_464 : vector<16xi32>
        %shift_left3A_466 = arith.constant 16 : i32
        %shift_left3A_467 = vector.broadcast %shift_left3A_466 : i32 to vector<16xi32>
        %shift_left3A_468 = arith.shli %bitcast_convert_type3A_456, %shift_left3A_467 : vector<16xi32>
        %select_n3A_469 = arith.select %gt3A_462, %and3A_465, %shift_left3A_468 : vector<16xi1>, vector<16xi32>
        %bitcast_convert_type3A_470 = tpu.bitcast %select_n3A_469 : vector<16xi32> -> vector<16xf32>
        %get3A_471 = arith.index_cast %mul3A_451 : i32 to index
        %get3A_472 = tpu.vector_load %arg17[%get3A_471] {strides = array<i32>} : memref<8192xf32, #tpu.memory_space<vmem>>, vector<16xf32>,
        %get3A_473 = arith.index_cast %mul3A_451 : i32 to index
        %get3A_474 = tpu.vector_load %arg9[%get3A_473] {strides = array<i32>} : memref<8192xi32, #tpu.memory_space<vmem>>, vector<16xi32>,
        %bitcast_convert_type3A_475 = tpu.bitcast %get3A_472 : vector<16xf32> -> vector<16xi32>
        %shift_right_logical3A_476 = arith.constant 18 : i32
        %shift_right_logical3A_477 = vector.broadcast %shift_right_logical3A_476 : i32 to vector<16xi32>
        %shift_right_logical3A_478 = arith.shrui %get3A_474, %shift_right_logical3A_477 : vector<16xi32>
        %gt3A_479 = arith.constant 0 : i32
        %gt3A_480 = vector.broadcast %gt3A_479 : i32 to vector<16xi32>
        %gt3A_481 = arith.cmpi sgt, %shift_right_logical3A_478, %gt3A_480 : vector<16xi32>
        %and3A_482 = arith.constant -65536 : i32
        %and3A_483 = vector.broadcast %and3A_482 : i32 to vector<16xi32>
        %and3A_484 = arith.andi %bitcast_convert_type3A_475, %and3A_483 : vector<16xi32>
        %shift_left3A_485 = arith.constant 16 : i32
        %shift_left3A_486 = vector.broadcast %shift_left3A_485 : i32 to vector<16xi32>
        %shift_left3A_487 = arith.shli %bitcast_convert_type3A_475, %shift_left3A_486 : vector<16xi32>
        %select_n3A_488 = arith.select %gt3A_481, %and3A_484, %shift_left3A_487 : vector<16xi1>, vector<16xi32>
        %bitcast_convert_type3A_489 = tpu.bitcast %select_n3A_488 : vector<16xi32> -> vector<16xf32>
        %sub3A_490 = arith.subf %bitcast_convert_type3A_470, %bitcast_convert_type3A_489 : vector<16xf32>
        %mul3A_491 = arith.mulf %sub3A_490, %sub3A_490 : vector<16xf32>
        %add3A_492 = arith.addf %add3A_447, %mul3A_491 : vector<16xf32>
        scf.yield %add3A_492 : vector<16xf32>
      }
      %scan3A_117 = arith.constant 512 : i32
      %dma_wait3A_118 = arith.constant 0 : i32
      %dma_wait3A_119 = tpu.memref_slice %arg6[%dma_wait3A_118] : memref<262144xf32, #tpu.memory_space<vmem_shared>> -> memref<262144xf32, #tpu.memory_space<vmem_shared>>
      tpu.wait_indirect_dma semaphore(%arg25 : memref<!tpu.dma_semaphore, #tpu.memory_space<semaphore_mem>>) src(%dma_wait3A_119 : memref<262144xf32, #tpu.memory_space<vmem_shared>>) dst(%arg16 : memref<8192xf32, #tpu.memory_space<vmem>>)
      %dma_wait3A_120 = arith.constant 0 : i32
      %dma_wait3A_121 = tpu.memref_slice %arg6[%dma_wait3A_120] : memref<262144xf32, #tpu.memory_space<vmem_shared>> -> memref<262144xf32, #tpu.memory_space<vmem_shared>>
      tpu.wait_indirect_dma semaphore(%arg27 : memref<!tpu.dma_semaphore, #tpu.memory_space<semaphore_mem>>) src(%dma_wait3A_121 : memref<262144xf32, #tpu.memory_space<vmem_shared>>) dst(%arg18 : memref<8192xf32, #tpu.memory_space<vmem>>)
      %add3A_122 = arith.constant 3 : i32
      %add3A_123 = arith.addi %mul3A_56, %add3A_122 : i32
      %rem3A_124 = arith.constant 80 : i32
      %rem3A_125 = arith.remsi %add3A_123, %rem3A_124 : i32
      %mul3A_126 = arith.constant 8192 : i32
      %mul3A_127 = arith.muli %rem3A_125, %mul3A_126 : i32
      %add3A_128 = arith.addi %mul3A_8, %mul3A_127 : i32
      %dma_start3A_129 = tpu.memref_slice %arg3[%add3A_128] : memref<20971520xi32, #tpu.memory_space<hbm>> -> memref<8192xi32, #tpu.memory_space<hbm>>
      %dma_start3A_130 = tpu.memref_slice %arg3[%add3A_128] : memref<20971520xi32, #tpu.memory_space<hbm>> -> memref<8192xi32, #tpu.memory_space<hbm>>
      tpu.enqueue_dma source(%dma_start3A_130 : memref<8192xi32, #tpu.memory_space<hbm>>) target(%arg8 : memref<8192xi32, #tpu.memory_space<vmem>>) target_semaphore(%arg21 : memref<!tpu.dma_semaphore, #tpu.memory_space<semaphore_mem>>)
      %dma_start3A_131 = tpu.memref_slice %arg4[%add3A_128] : memref<20971520xi32, #tpu.memory_space<hbm>> -> memref<8192xi32, #tpu.memory_space<hbm>>
      %dma_start3A_132 = tpu.memref_slice %arg4[%add3A_128] : memref<20971520xi32, #tpu.memory_space<hbm>> -> memref<8192xi32, #tpu.memory_space<hbm>>
      tpu.enqueue_dma source(%dma_start3A_132 : memref<8192xi32, #tpu.memory_space<hbm>>) target(%arg10 : memref<8192xi32, #tpu.memory_space<vmem>>) target_semaphore(%arg23 : memref<!tpu.dma_semaphore, #tpu.memory_space<semaphore_mem>>)
      %add3A_133 = arith.constant 1 : i32
      %add3A_134 = arith.addi %mul3A_56, %add3A_133 : i32
      %scan3A_135 = arith.constant 0 : i32
      %scan3A_136 = arith.constant 512 : i32
      %scan3A_137 = arith.addi %scan3A_135, %scan3A_136 : i32
      %scan3A_138 = arith.constant 8 : i32
      %scan3A_139 = scf.for %scan3A_141 = %scan3A_135 to %scan3A_137 step %scan3A_138 iter_args(%scan3A_142 = %scan3A_116) -> (vector<16xf32>)  : i32 {
        %mul3A_143 = arith.constant 16 : i32
        %mul3A_144 = arith.muli %scan3A_141, %mul3A_143 : i32
        %get3A = arith.index_cast %mul3A_144 : i32 to index
        %get3A_145 = tpu.vector_load %arg16[%get3A] {strides = array<i32>} : memref<8192xf32, #tpu.memory_space<vmem>>, vector<16xf32>,
        %get3A_146 = arith.index_cast %mul3A_144 : i32 to index
        %get3A_147 = tpu.vector_load %arg8[%get3A_146] {strides = array<i32>} : memref<8192xi32, #tpu.memory_space<vmem>>, vector<16xi32>,
        %bitcast_convert_type3A = tpu.bitcast %get3A_145 : vector<16xf32> -> vector<16xi32>
        %shift_right_logical3A = arith.constant 18 : i32
        %shift_right_logical3A_148 = vector.broadcast %shift_right_logical3A : i32 to vector<16xi32>
        %shift_right_logical3A_149 = arith.shrui %get3A_147, %shift_right_logical3A_148 : vector<16xi32>
        %gt3A = arith.constant 0 : i32
        %gt3A_150 = vector.broadcast %gt3A : i32 to vector<16xi32>
        %gt3A_151 = arith.cmpi sgt, %shift_right_logical3A_149, %gt3A_150 : vector<16xi32>
        %and3A = arith.constant -65536 : i32
        %and3A_152 = vector.broadcast %and3A : i32 to vector<16xi32>
        %and3A_153 = arith.andi %bitcast_convert_type3A, %and3A_152 : vector<16xi32>
        %shift_left3A = arith.constant 16 : i32
        %shift_left3A_154 = vector.broadcast %shift_left3A : i32 to vector<16xi32>
        %shift_left3A_155 = arith.shli %bitcast_convert_type3A, %shift_left3A_154 : vector<16xi32>
        %select_n3A = arith.select %gt3A_151, %and3A_153, %shift_left3A_155 : vector<16xi1>, vector<16xi32>
        %bitcast_convert_type3A_156 = tpu.bitcast %select_n3A : vector<16xi32> -> vector<16xf32>
        %get3A_157 = arith.index_cast %mul3A_144 : i32 to index
        %get3A_158 = tpu.vector_load %arg18[%get3A_157] {strides = array<i32>} : memref<8192xf32, #tpu.memory_space<vmem>>, vector<16xf32>,
        %get3A_159 = arith.index_cast %mul3A_144 : i32 to index
        %get3A_160 = tpu.vector_load %arg10[%get3A_159] {strides = array<i32>} : memref<8192xi32, #tpu.memory_space<vmem>>, vector<16xi32>,
        %bitcast_convert_type3A_161 = tpu.bitcast %get3A_158 : vector<16xf32> -> vector<16xi32>
        %shift_right_logical3A_162 = arith.constant 18 : i32
        %shift_right_logical3A_163 = vector.broadcast %shift_right_logical3A_162 : i32 to vector<16xi32>
        %shift_right_logical3A_164 = arith.shrui %get3A_160, %shift_right_logical3A_163 : vector<16xi32>
        %gt3A_165 = arith.constant 0 : i32
        %gt3A_166 = vector.broadcast %gt3A_165 : i32 to vector<16xi32>
        %gt3A_167 = arith.cmpi sgt, %shift_right_logical3A_164, %gt3A_166 : vector<16xi32>
        %and3A_168 = arith.constant -65536 : i32
        %and3A_169 = vector.broadcast %and3A_168 : i32 to vector<16xi32>
        %and3A_170 = arith.andi %bitcast_convert_type3A_161, %and3A_169 : vector<16xi32>
        %shift_left3A_171 = arith.constant 16 : i32
        %shift_left3A_172 = vector.broadcast %shift_left3A_171 : i32 to vector<16xi32>
        %shift_left3A_173 = arith.shli %bitcast_convert_type3A_161, %shift_left3A_172 : vector<16xi32>
        %select_n3A_174 = arith.select %gt3A_167, %and3A_170, %shift_left3A_173 : vector<16xi1>, vector<16xi32>
        %bitcast_convert_type3A_175 = tpu.bitcast %select_n3A_174 : vector<16xi32> -> vector<16xf32>
        %sub3A = arith.subf %bitcast_convert_type3A_156, %bitcast_convert_type3A_175 : vector<16xf32>
        %mul3A_176 = arith.mulf %sub3A, %sub3A : vector<16xf32>
        %add3A_177 = arith.addf %scan3A_142, %mul3A_176 : vector<16xf32>
        %scan3A_178 = arith.constant 1 : i32
        %scan3A_179 = arith.addi %scan3A_141, %scan3A_178 : i32
        %mul3A_180 = arith.constant 16 : i32
        %mul3A_181 = arith.muli %scan3A_179, %mul3A_180 : i32
        %get3A_182 = arith.index_cast %mul3A_181 : i32 to index
        %get3A_183 = tpu.vector_load %arg16[%get3A_182] {strides = array<i32>} : memref<8192xf32, #tpu.memory_space<vmem>>, vector<16xf32>,
        %get3A_184 = arith.index_cast %mul3A_181 : i32 to index
        %get3A_185 = tpu.vector_load %arg8[%get3A_184] {strides = array<i32>} : memref<8192xi32, #tpu.memory_space<vmem>>, vector<16xi32>,
        %bitcast_convert_type3A_186 = tpu.bitcast %get3A_183 : vector<16xf32> -> vector<16xi32>
        %shift_right_logical3A_187 = arith.constant 18 : i32
        %shift_right_logical3A_188 = vector.broadcast %shift_right_logical3A_187 : i32 to vector<16xi32>
        %shift_right_logical3A_189 = arith.shrui %get3A_185, %shift_right_logical3A_188 : vector<16xi32>
        %gt3A_190 = arith.constant 0 : i32
        %gt3A_191 = vector.broadcast %gt3A_190 : i32 to vector<16xi32>
        %gt3A_192 = arith.cmpi sgt, %shift_right_logical3A_189, %gt3A_191 : vector<16xi32>
        %and3A_193 = arith.constant -65536 : i32
        %and3A_194 = vector.broadcast %and3A_193 : i32 to vector<16xi32>
        %and3A_195 = arith.andi %bitcast_convert_type3A_186, %and3A_194 : vector<16xi32>
        %shift_left3A_196 = arith.constant 16 : i32
        %shift_left3A_197 = vector.broadcast %shift_left3A_196 : i32 to vector<16xi32>
        %shift_left3A_198 = arith.shli %bitcast_convert_type3A_186, %shift_left3A_197 : vector<16xi32>
        %select_n3A_199 = arith.select %gt3A_192, %and3A_195, %shift_left3A_198 : vector<16xi1>, vector<16xi32>
        %bitcast_convert_type3A_200 = tpu.bitcast %select_n3A_199 : vector<16xi32> -> vector<16xf32>
        %get3A_201 = arith.index_cast %mul3A_181 : i32 to index
        %get3A_202 = tpu.vector_load %arg18[%get3A_201] {strides = array<i32>} : memref<8192xf32, #tpu.memory_space<vmem>>, vector<16xf32>,
        %get3A_203 = arith.index_cast %mul3A_181 : i32 to index
        %get3A_204 = tpu.vector_load %arg10[%get3A_203] {strides = array<i32>} : memref<8192xi32, #tpu.memory_space<vmem>>, vector<16xi32>,
        %bitcast_convert_type3A_205 = tpu.bitcast %get3A_202 : vector<16xf32> -> vector<16xi32>
        %shift_right_logical3A_206 = arith.constant 18 : i32
        %shift_right_logical3A_207 = vector.broadcast %shift_right_logical3A_206 : i32 to vector<16xi32>
        %shift_right_logical3A_208 = arith.shrui %get3A_204, %shift_right_logical3A_207 : vector<16xi32>
        %gt3A_209 = arith.constant 0 : i32
        %gt3A_210 = vector.broadcast %gt3A_209 : i32 to vector<16xi32>
        %gt3A_211 = arith.cmpi sgt, %shift_right_logical3A_208, %gt3A_210 : vector<16xi32>
        %and3A_212 = arith.constant -65536 : i32
        %and3A_213 = vector.broadcast %and3A_212 : i32 to vector<16xi32>
        %and3A_214 = arith.andi %bitcast_convert_type3A_205, %and3A_213 : vector<16xi32>
        %shift_left3A_215 = arith.constant 16 : i32
        %shift_left3A_216 = vector.broadcast %shift_left3A_215 : i32 to vector<16xi32>
        %shift_left3A_217 = arith.shli %bitcast_convert_type3A_205, %shift_left3A_216 : vector<16xi32>
        %select_n3A_218 = arith.select %gt3A_211, %and3A_214, %shift_left3A_217 : vector<16xi1>, vector<16xi32>
        %bitcast_convert_type3A_219 = tpu.bitcast %select_n3A_218 : vector<16xi32> -> vector<16xf32>
        %sub3A_220 = arith.subf %bitcast_convert_type3A_200, %bitcast_convert_type3A_219 : vector<16xf32>
        %mul3A_221 = arith.mulf %sub3A_220, %sub3A_220 : vector<16xf32>
        %add3A_222 = arith.addf %add3A_177, %mul3A_221 : vector<16xf32>
        %scan3A_223 = arith.constant 2 : i32
        %scan3A_224 = arith.addi %scan3A_141, %scan3A_223 : i32
        %mul3A_225 = arith.constant 16 : i32
        %mul3A_226 = arith.muli %scan3A_224, %mul3A_225 : i32
        %get3A_227 = arith.index_cast %mul3A_226 : i32 to index
        %get3A_228 = tpu.vector_load %arg16[%get3A_227] {strides = array<i32>} : memref<8192xf32, #tpu.memory_space<vmem>>, vector<16xf32>,
        %get3A_229 = arith.index_cast %mul3A_226 : i32 to index
        %get3A_230 = tpu.vector_load %arg8[%get3A_229] {strides = array<i32>} : memref<8192xi32, #tpu.memory_space<vmem>>, vector<16xi32>,
        %bitcast_convert_type3A_231 = tpu.bitcast %get3A_228 : vector<16xf32> -> vector<16xi32>
        %shift_right_logical3A_232 = arith.constant 18 : i32
        %shift_right_logical3A_233 = vector.broadcast %shift_right_logical3A_232 : i32 to vector<16xi32>
        %shift_right_logical3A_234 = arith.shrui %get3A_230, %shift_right_logical3A_233 : vector<16xi32>
        %gt3A_235 = arith.constant 0 : i32
        %gt3A_236 = vector.broadcast %gt3A_235 : i32 to vector<16xi32>
        %gt3A_237 = arith.cmpi sgt, %shift_right_logical3A_234, %gt3A_236 : vector<16xi32>
        %and3A_238 = arith.constant -65536 : i32
        %and3A_239 = vector.broadcast %and3A_238 : i32 to vector<16xi32>
        %and3A_240 = arith.andi %bitcast_convert_type3A_231, %and3A_239 : vector<16xi32>
        %shift_left3A_241 = arith.constant 16 : i32
        %shift_left3A_242 = vector.broadcast %shift_left3A_241 : i32 to vector<16xi32>
        %shift_left3A_243 = arith.shli %bitcast_convert_type3A_231, %shift_left3A_242 : vector<16xi32>
        %select_n3A_244 = arith.select %gt3A_237, %and3A_240, %shift_left3A_243 : vector<16xi1>, vector<16xi32>
        %bitcast_convert_type3A_245 = tpu.bitcast %select_n3A_244 : vector<16xi32> -> vector<16xf32>
        %get3A_246 = arith.index_cast %mul3A_226 : i32 to index
        %get3A_247 = tpu.vector_load %arg18[%get3A_246] {strides = array<i32>} : memref<8192xf32, #tpu.memory_space<vmem>>, vector<16xf32>,
        %get3A_248 = arith.index_cast %mul3A_226 : i32 to index
        %get3A_249 = tpu.vector_load %arg10[%get3A_248] {strides = array<i32>} : memref<8192xi32, #tpu.memory_space<vmem>>, vector<16xi32>,
        %bitcast_convert_type3A_250 = tpu.bitcast %get3A_247 : vector<16xf32> -> vector<16xi32>
        %shift_right_logical3A_251 = arith.constant 18 : i32
        %shift_right_logical3A_252 = vector.broadcast %shift_right_logical3A_251 : i32 to vector<16xi32>
        %shift_right_logical3A_253 = arith.shrui %get3A_249, %shift_right_logical3A_252 : vector<16xi32>
        %gt3A_254 = arith.constant 0 : i32
        %gt3A_255 = vector.broadcast %gt3A_254 : i32 to vector<16xi32>
        %gt3A_256 = arith.cmpi sgt, %shift_right_logical3A_253, %gt3A_255 : vector<16xi32>
        %and3A_257 = arith.constant -65536 : i32
        %and3A_258 = vector.broadcast %and3A_257 : i32 to vector<16xi32>
        %and3A_259 = arith.andi %bitcast_convert_type3A_250, %and3A_258 : vector<16xi32>
        %shift_left3A_260 = arith.constant 16 : i32
        %shift_left3A_261 = vector.broadcast %shift_left3A_260 : i32 to vector<16xi32>
        %shift_left3A_262 = arith.shli %bitcast_convert_type3A_250, %shift_left3A_261 : vector<16xi32>
        %select_n3A_263 = arith.select %gt3A_256, %and3A_259, %shift_left3A_262 : vector<16xi1>, vector<16xi32>
        %bitcast_convert_type3A_264 = tpu.bitcast %select_n3A_263 : vector<16xi32> -> vector<16xf32>
        %sub3A_265 = arith.subf %bitcast_convert_type3A_245, %bitcast_convert_type3A_264 : vector<16xf32>
        %mul3A_266 = arith.mulf %sub3A_265, %sub3A_265 : vector<16xf32>
        %add3A_267 = arith.addf %add3A_222, %mul3A_266 : vector<16xf32>
        %scan3A_268 = arith.constant 3 : i32
        %scan3A_269 = arith.addi %scan3A_141, %scan3A_268 : i32
        %mul3A_270 = arith.constant 16 : i32
        %mul3A_271 = arith.muli %scan3A_269, %mul3A_270 : i32
        %get3A_272 = arith.index_cast %mul3A_271 : i32 to index
        %get3A_273 = tpu.vector_load %arg16[%get3A_272] {strides = array<i32>} : memref<8192xf32, #tpu.memory_space<vmem>>, vector<16xf32>,
        %get3A_274 = arith.index_cast %mul3A_271 : i32 to index
        %get3A_275 = tpu.vector_load %arg8[%get3A_274] {strides = array<i32>} : memref<8192xi32, #tpu.memory_space<vmem>>, vector<16xi32>,
        %bitcast_convert_type3A_276 = tpu.bitcast %get3A_273 : vector<16xf32> -> vector<16xi32>
        %shift_right_logical3A_277 = arith.constant 18 : i32
        %shift_right_logical3A_278 = vector.broadcast %shift_right_logical3A_277 : i32 to vector<16xi32>
        %shift_right_logical3A_279 = arith.shrui %get3A_275, %shift_right_logical3A_278 : vector<16xi32>
        %gt3A_280 = arith.constant 0 : i32
        %gt3A_281 = vector.broadcast %gt3A_280 : i32 to vector<16xi32>
        %gt3A_282 = arith.cmpi sgt, %shift_right_logical3A_279, %gt3A_281 : vector<16xi32>
        %and3A_283 = arith.constant -65536 : i32
        %and3A_284 = vector.broadcast %and3A_283 : i32 to vector<16xi32>
        %and3A_285 = arith.andi %bitcast_convert_type3A_276, %and3A_284 : vector<16xi32>
        %shift_left3A_286 = arith.constant 16 : i32
        %shift_left3A_287 = vector.broadcast %shift_left3A_286 : i32 to vector<16xi32>
        %shift_left3A_288 = arith.shli %bitcast_convert_type3A_276, %shift_left3A_287 : vector<16xi32>
        %select_n3A_289 = arith.select %gt3A_282, %and3A_285, %shift_left3A_288 : vector<16xi1>, vector<16xi32>
        %bitcast_convert_type3A_290 = tpu.bitcast %select_n3A_289 : vector<16xi32> -> vector<16xf32>
        %get3A_291 = arith.index_cast %mul3A_271 : i32 to index
        %get3A_292 = tpu.vector_load %arg18[%get3A_291] {strides = array<i32>} : memref<8192xf32, #tpu.memory_space<vmem>>, vector<16xf32>,
        %get3A_293 = arith.index_cast %mul3A_271 : i32 to index
        %get3A_294 = tpu.vector_load %arg10[%get3A_293] {strides = array<i32>} : memref<8192xi32, #tpu.memory_space<vmem>>, vector<16xi32>,
        %bitcast_convert_type3A_295 = tpu.bitcast %get3A_292 : vector<16xf32> -> vector<16xi32>
        %shift_right_logical3A_296 = arith.constant 18 : i32
        %shift_right_logical3A_297 = vector.broadcast %shift_right_logical3A_296 : i32 to vector<16xi32>
        %shift_right_logical3A_298 = arith.shrui %get3A_294, %shift_right_logical3A_297 : vector<16xi32>
        %gt3A_299 = arith.constant 0 : i32
        %gt3A_300 = vector.broadcast %gt3A_299 : i32 to vector<16xi32>
        %gt3A_301 = arith.cmpi sgt, %shift_right_logical3A_298, %gt3A_300 : vector<16xi32>
        %and3A_302 = arith.constant -65536 : i32
        %and3A_303 = vector.broadcast %and3A_302 : i32 to vector<16xi32>
        %and3A_304 = arith.andi %bitcast_convert_type3A_295, %and3A_303 : vector<16xi32>
        %shift_left3A_305 = arith.constant 16 : i32
        %shift_left3A_306 = vector.broadcast %shift_left3A_305 : i32 to vector<16xi32>
        %shift_left3A_307 = arith.shli %bitcast_convert_type3A_295, %shift_left3A_306 : vector<16xi32>
        %select_n3A_308 = arith.select %gt3A_301, %and3A_304, %shift_left3A_307 : vector<16xi1>, vector<16xi32>
        %bitcast_convert_type3A_309 = tpu.bitcast %select_n3A_308 : vector<16xi32> -> vector<16xf32>
        %sub3A_310 = arith.subf %bitcast_convert_type3A_290, %bitcast_convert_type3A_309 : vector<16xf32>
        %mul3A_311 = arith.mulf %sub3A_310, %sub3A_310 : vector<16xf32>
        %add3A_312 = arith.addf %add3A_267, %mul3A_311 : vector<16xf32>
        %scan3A_313 = arith.constant 4 : i32
        %scan3A_314 = arith.addi %scan3A_141, %scan3A_313 : i32
        %mul3A_315 = arith.constant 16 : i32
        %mul3A_316 = arith.muli %scan3A_314, %mul3A_315 : i32
        %get3A_317 = arith.index_cast %mul3A_316 : i32 to index
        %get3A_318 = tpu.vector_load %arg16[%get3A_317] {strides = array<i32>} : memref<8192xf32, #tpu.memory_space<vmem>>, vector<16xf32>,
        %get3A_319 = arith.index_cast %mul3A_316 : i32 to index
        %get3A_320 = tpu.vector_load %arg8[%get3A_319] {strides = array<i32>} : memref<8192xi32, #tpu.memory_space<vmem>>, vector<16xi32>,
        %bitcast_convert_type3A_321 = tpu.bitcast %get3A_318 : vector<16xf32> -> vector<16xi32>
        %shift_right_logical3A_322 = arith.constant 18 : i32
        %shift_right_logical3A_323 = vector.broadcast %shift_right_logical3A_322 : i32 to vector<16xi32>
        %shift_right_logical3A_324 = arith.shrui %get3A_320, %shift_right_logical3A_323 : vector<16xi32>
        %gt3A_325 = arith.constant 0 : i32
        %gt3A_326 = vector.broadcast %gt3A_325 : i32 to vector<16xi32>
        %gt3A_327 = arith.cmpi sgt, %shift_right_logical3A_324, %gt3A_326 : vector<16xi32>
        %and3A_328 = arith.constant -65536 : i32
        %and3A_329 = vector.broadcast %and3A_328 : i32 to vector<16xi32>
        %and3A_330 = arith.andi %bitcast_convert_type3A_321, %and3A_329 : vector<16xi32>
        %shift_left3A_331 = arith.constant 16 : i32
        %shift_left3A_332 = vector.broadcast %shift_left3A_331 : i32 to vector<16xi32>
        %shift_left3A_333 = arith.shli %bitcast_convert_type3A_321, %shift_left3A_332 : vector<16xi32>
        %select_n3A_334 = arith.select %gt3A_327, %and3A_330, %shift_left3A_333 : vector<16xi1>, vector<16xi32>
        %bitcast_convert_type3A_335 = tpu.bitcast %select_n3A_334 : vector<16xi32> -> vector<16xf32>
        %get3A_336 = arith.index_cast %mul3A_316 : i32 to index
        %get3A_337 = tpu.vector_load %arg18[%get3A_336] {strides = array<i32>} : memref<8192xf32, #tpu.memory_space<vmem>>, vector<16xf32>,
        %get3A_338 = arith.index_cast %mul3A_316 : i32 to index
        %get3A_339 = tpu.vector_load %arg10[%get3A_338] {strides = array<i32>} : memref<8192xi32, #tpu.memory_space<vmem>>, vector<16xi32>,
        %bitcast_convert_type3A_340 = tpu.bitcast %get3A_337 : vector<16xf32> -> vector<16xi32>
        %shift_right_logical3A_341 = arith.constant 18 : i32
        %shift_right_logical3A_342 = vector.broadcast %shift_right_logical3A_341 : i32 to vector<16xi32>
        %shift_right_logical3A_343 = arith.shrui %get3A_339, %shift_right_logical3A_342 : vector<16xi32>
        %gt3A_344 = arith.constant 0 : i32
        %gt3A_345 = vector.broadcast %gt3A_344 : i32 to vector<16xi32>
        %gt3A_346 = arith.cmpi sgt, %shift_right_logical3A_343, %gt3A_345 : vector<16xi32>
        %and3A_347 = arith.constant -65536 : i32
        %and3A_348 = vector.broadcast %and3A_347 : i32 to vector<16xi32>
        %and3A_349 = arith.andi %bitcast_convert_type3A_340, %and3A_348 : vector<16xi32>
        %shift_left3A_350 = arith.constant 16 : i32
        %shift_left3A_351 = vector.broadcast %shift_left3A_350 : i32 to vector<16xi32>
        %shift_left3A_352 = arith.shli %bitcast_convert_type3A_340, %shift_left3A_351 : vector<16xi32>
        %select_n3A_353 = arith.select %gt3A_346, %and3A_349, %shift_left3A_352 : vector<16xi1>, vector<16xi32>
        %bitcast_convert_type3A_354 = tpu.bitcast %select_n3A_353 : vector<16xi32> -> vector<16xf32>
        %sub3A_355 = arith.subf %bitcast_convert_type3A_335, %bitcast_convert_type3A_354 : vector<16xf32>
        %mul3A_356 = arith.mulf %sub3A_355, %sub3A_355 : vector<16xf32>
        %add3A_357 = arith.addf %add3A_312, %mul3A_356 : vector<16xf32>
        %scan3A_358 = arith.constant 5 : i32
        %scan3A_359 = arith.addi %scan3A_141, %scan3A_358 : i32
        %mul3A_360 = arith.constant 16 : i32
        %mul3A_361 = arith.muli %scan3A_359, %mul3A_360 : i32
        %get3A_362 = arith.index_cast %mul3A_361 : i32 to index
        %get3A_363 = tpu.vector_load %arg16[%get3A_362] {strides = array<i32>} : memref<8192xf32, #tpu.memory_space<vmem>>, vector<16xf32>,
        %get3A_364 = arith.index_cast %mul3A_361 : i32 to index
        %get3A_365 = tpu.vector_load %arg8[%get3A_364] {strides = array<i32>} : memref<8192xi32, #tpu.memory_space<vmem>>, vector<16xi32>,
        %bitcast_convert_type3A_366 = tpu.bitcast %get3A_363 : vector<16xf32> -> vector<16xi32>
        %shift_right_logical3A_367 = arith.constant 18 : i32
        %shift_right_logical3A_368 = vector.broadcast %shift_right_logical3A_367 : i32 to vector<16xi32>
        %shift_right_logical3A_369 = arith.shrui %get3A_365, %shift_right_logical3A_368 : vector<16xi32>
        %gt3A_370 = arith.constant 0 : i32
        %gt3A_371 = vector.broadcast %gt3A_370 : i32 to vector<16xi32>
        %gt3A_372 = arith.cmpi sgt, %shift_right_logical3A_369, %gt3A_371 : vector<16xi32>
        %and3A_373 = arith.constant -65536 : i32
        %and3A_374 = vector.broadcast %and3A_373 : i32 to vector<16xi32>
        %and3A_375 = arith.andi %bitcast_convert_type3A_366, %and3A_374 : vector<16xi32>
        %shift_left3A_376 = arith.constant 16 : i32
        %shift_left3A_377 = vector.broadcast %shift_left3A_376 : i32 to vector<16xi32>
        %shift_left3A_378 = arith.shli %bitcast_convert_type3A_366, %shift_left3A_377 : vector<16xi32>
        %select_n3A_379 = arith.select %gt3A_372, %and3A_375, %shift_left3A_378 : vector<16xi1>, vector<16xi32>
        %bitcast_convert_type3A_380 = tpu.bitcast %select_n3A_379 : vector<16xi32> -> vector<16xf32>
        %get3A_381 = arith.index_cast %mul3A_361 : i32 to index
        %get3A_382 = tpu.vector_load %arg18[%get3A_381] {strides = array<i32>} : memref<8192xf32, #tpu.memory_space<vmem>>, vector<16xf32>,
        %get3A_383 = arith.index_cast %mul3A_361 : i32 to index
        %get3A_384 = tpu.vector_load %arg10[%get3A_383] {strides = array<i32>} : memref<8192xi32, #tpu.memory_space<vmem>>, vector<16xi32>,
        %bitcast_convert_type3A_385 = tpu.bitcast %get3A_382 : vector<16xf32> -> vector<16xi32>
        %shift_right_logical3A_386 = arith.constant 18 : i32
        %shift_right_logical3A_387 = vector.broadcast %shift_right_logical3A_386 : i32 to vector<16xi32>
        %shift_right_logical3A_388 = arith.shrui %get3A_384, %shift_right_logical3A_387 : vector<16xi32>
        %gt3A_389 = arith.constant 0 : i32
        %gt3A_390 = vector.broadcast %gt3A_389 : i32 to vector<16xi32>
        %gt3A_391 = arith.cmpi sgt, %shift_right_logical3A_388, %gt3A_390 : vector<16xi32>
        %and3A_392 = arith.constant -65536 : i32
        %and3A_393 = vector.broadcast %and3A_392 : i32 to vector<16xi32>
        %and3A_394 = arith.andi %bitcast_convert_type3A_385, %and3A_393 : vector<16xi32>
        %shift_left3A_395 = arith.constant 16 : i32
        %shift_left3A_396 = vector.broadcast %shift_left3A_395 : i32 to vector<16xi32>
        %shift_left3A_397 = arith.shli %bitcast_convert_type3A_385, %shift_left3A_396 : vector<16xi32>
        %select_n3A_398 = arith.select %gt3A_391, %and3A_394, %shift_left3A_397 : vector<16xi1>, vector<16xi32>
        %bitcast_convert_type3A_399 = tpu.bitcast %select_n3A_398 : vector<16xi32> -> vector<16xf32>
        %sub3A_400 = arith.subf %bitcast_convert_type3A_380, %bitcast_convert_type3A_399 : vector<16xf32>
        %mul3A_401 = arith.mulf %sub3A_400, %sub3A_400 : vector<16xf32>
        %add3A_402 = arith.addf %add3A_357, %mul3A_401 : vector<16xf32>
        %scan3A_403 = arith.constant 6 : i32
        %scan3A_404 = arith.addi %scan3A_141, %scan3A_403 : i32
        %mul3A_405 = arith.constant 16 : i32
        %mul3A_406 = arith.muli %scan3A_404, %mul3A_405 : i32
        %get3A_407 = arith.index_cast %mul3A_406 : i32 to index
        %get3A_408 = tpu.vector_load %arg16[%get3A_407] {strides = array<i32>} : memref<8192xf32, #tpu.memory_space<vmem>>, vector<16xf32>,
        %get3A_409 = arith.index_cast %mul3A_406 : i32 to index
        %get3A_410 = tpu.vector_load %arg8[%get3A_409] {strides = array<i32>} : memref<8192xi32, #tpu.memory_space<vmem>>, vector<16xi32>,
        %bitcast_convert_type3A_411 = tpu.bitcast %get3A_408 : vector<16xf32> -> vector<16xi32>
        %shift_right_logical3A_412 = arith.constant 18 : i32
        %shift_right_logical3A_413 = vector.broadcast %shift_right_logical3A_412 : i32 to vector<16xi32>
        %shift_right_logical3A_414 = arith.shrui %get3A_410, %shift_right_logical3A_413 : vector<16xi32>
        %gt3A_415 = arith.constant 0 : i32
        %gt3A_416 = vector.broadcast %gt3A_415 : i32 to vector<16xi32>
        %gt3A_417 = arith.cmpi sgt, %shift_right_logical3A_414, %gt3A_416 : vector<16xi32>
        %and3A_418 = arith.constant -65536 : i32
        %and3A_419 = vector.broadcast %and3A_418 : i32 to vector<16xi32>
        %and3A_420 = arith.andi %bitcast_convert_type3A_411, %and3A_419 : vector<16xi32>
        %shift_left3A_421 = arith.constant 16 : i32
        %shift_left3A_422 = vector.broadcast %shift_left3A_421 : i32 to vector<16xi32>
        %shift_left3A_423 = arith.shli %bitcast_convert_type3A_411, %shift_left3A_422 : vector<16xi32>
        %select_n3A_424 = arith.select %gt3A_417, %and3A_420, %shift_left3A_423 : vector<16xi1>, vector<16xi32>
        %bitcast_convert_type3A_425 = tpu.bitcast %select_n3A_424 : vector<16xi32> -> vector<16xf32>
        %get3A_426 = arith.index_cast %mul3A_406 : i32 to index
        %get3A_427 = tpu.vector_load %arg18[%get3A_426] {strides = array<i32>} : memref<8192xf32, #tpu.memory_space<vmem>>, vector<16xf32>,
        %get3A_428 = arith.index_cast %mul3A_406 : i32 to index
        %get3A_429 = tpu.vector_load %arg10[%get3A_428] {strides = array<i32>} : memref<8192xi32, #tpu.memory_space<vmem>>, vector<16xi32>,
        %bitcast_convert_type3A_430 = tpu.bitcast %get3A_427 : vector<16xf32> -> vector<16xi32>
        %shift_right_logical3A_431 = arith.constant 18 : i32
        %shift_right_logical3A_432 = vector.broadcast %shift_right_logical3A_431 : i32 to vector<16xi32>
        %shift_right_logical3A_433 = arith.shrui %get3A_429, %shift_right_logical3A_432 : vector<16xi32>
        %gt3A_434 = arith.constant 0 : i32
        %gt3A_435 = vector.broadcast %gt3A_434 : i32 to vector<16xi32>
        %gt3A_436 = arith.cmpi sgt, %shift_right_logical3A_433, %gt3A_435 : vector<16xi32>
        %and3A_437 = arith.constant -65536 : i32
        %and3A_438 = vector.broadcast %and3A_437 : i32 to vector<16xi32>
        %and3A_439 = arith.andi %bitcast_convert_type3A_430, %and3A_438 : vector<16xi32>
        %shift_left3A_440 = arith.constant 16 : i32
        %shift_left3A_441 = vector.broadcast %shift_left3A_440 : i32 to vector<16xi32>
        %shift_left3A_442 = arith.shli %bitcast_convert_type3A_430, %shift_left3A_441 : vector<16xi32>
        %select_n3A_443 = arith.select %gt3A_436, %and3A_439, %shift_left3A_442 : vector<16xi1>, vector<16xi32>
        %bitcast_convert_type3A_444 = tpu.bitcast %select_n3A_443 : vector<16xi32> -> vector<16xf32>
        %sub3A_445 = arith.subf %bitcast_convert_type3A_425, %bitcast_convert_type3A_444 : vector<16xf32>
        %mul3A_446 = arith.mulf %sub3A_445, %sub3A_445 : vector<16xf32>
        %add3A_447 = arith.addf %add3A_402, %mul3A_446 : vector<16xf32>
        %scan3A_448 = arith.constant 7 : i32
        %scan3A_449 = arith.addi %scan3A_141, %scan3A_448 : i32
        %mul3A_450 = arith.constant 16 : i32
        %mul3A_451 = arith.muli %scan3A_449, %mul3A_450 : i32
        %get3A_452 = arith.index_cast %mul3A_451 : i32 to index
        %get3A_453 = tpu.vector_load %arg16[%get3A_452] {strides = array<i32>} : memref<8192xf32, #tpu.memory_space<vmem>>, vector<16xf32>,
        %get3A_454 = arith.index_cast %mul3A_451 : i32 to index
        %get3A_455 = tpu.vector_load %arg8[%get3A_454] {strides = array<i32>} : memref<8192xi32, #tpu.memory_space<vmem>>, vector<16xi32>,
        %bitcast_convert_type3A_456 = tpu.bitcast %get3A_453 : vector<16xf32> -> vector<16xi32>
        %shift_right_logical3A_457 = arith.constant 18 : i32
        %shift_right_logical3A_458 = vector.broadcast %shift_right_logical3A_457 : i32 to vector<16xi32>
        %shift_right_logical3A_459 = arith.shrui %get3A_455, %shift_right_logical3A_458 : vector<16xi32>
        %gt3A_460 = arith.constant 0 : i32
        %gt3A_461 = vector.broadcast %gt3A_460 : i32 to vector<16xi32>
        %gt3A_462 = arith.cmpi sgt, %shift_right_logical3A_459, %gt3A_461 : vector<16xi32>
        %and3A_463 = arith.constant -65536 : i32
        %and3A_464 = vector.broadcast %and3A_463 : i32 to vector<16xi32>
        %and3A_465 = arith.andi %bitcast_convert_type3A_456, %and3A_464 : vector<16xi32>
        %shift_left3A_466 = arith.constant 16 : i32
        %shift_left3A_467 = vector.broadcast %shift_left3A_466 : i32 to vector<16xi32>
        %shift_left3A_468 = arith.shli %bitcast_convert_type3A_456, %shift_left3A_467 : vector<16xi32>
        %select_n3A_469 = arith.select %gt3A_462, %and3A_465, %shift_left3A_468 : vector<16xi1>, vector<16xi32>
        %bitcast_convert_type3A_470 = tpu.bitcast %select_n3A_469 : vector<16xi32> -> vector<16xf32>
        %get3A_471 = arith.index_cast %mul3A_451 : i32 to index
        %get3A_472 = tpu.vector_load %arg18[%get3A_471] {strides = array<i32>} : memref<8192xf32, #tpu.memory_space<vmem>>, vector<16xf32>,
        %get3A_473 = arith.index_cast %mul3A_451 : i32 to index
        %get3A_474 = tpu.vector_load %arg10[%get3A_473] {strides = array<i32>} : memref<8192xi32, #tpu.memory_space<vmem>>, vector<16xi32>,
        %bitcast_convert_type3A_475 = tpu.bitcast %get3A_472 : vector<16xf32> -> vector<16xi32>
        %shift_right_logical3A_476 = arith.constant 18 : i32
        %shift_right_logical3A_477 = vector.broadcast %shift_right_logical3A_476 : i32 to vector<16xi32>
        %shift_right_logical3A_478 = arith.shrui %get3A_474, %shift_right_logical3A_477 : vector<16xi32>
        %gt3A_479 = arith.constant 0 : i32
        %gt3A_480 = vector.broadcast %gt3A_479 : i32 to vector<16xi32>
        %gt3A_481 = arith.cmpi sgt, %shift_right_logical3A_478, %gt3A_480 : vector<16xi32>
        %and3A_482 = arith.constant -65536 : i32
        %and3A_483 = vector.broadcast %and3A_482 : i32 to vector<16xi32>
        %and3A_484 = arith.andi %bitcast_convert_type3A_475, %and3A_483 : vector<16xi32>
        %shift_left3A_485 = arith.constant 16 : i32
        %shift_left3A_486 = vector.broadcast %shift_left3A_485 : i32 to vector<16xi32>
        %shift_left3A_487 = arith.shli %bitcast_convert_type3A_475, %shift_left3A_486 : vector<16xi32>
        %select_n3A_488 = arith.select %gt3A_481, %and3A_484, %shift_left3A_487 : vector<16xi1>, vector<16xi32>
        %bitcast_convert_type3A_489 = tpu.bitcast %select_n3A_488 : vector<16xi32> -> vector<16xf32>
        %sub3A_490 = arith.subf %bitcast_convert_type3A_470, %bitcast_convert_type3A_489 : vector<16xf32>
        %mul3A_491 = arith.mulf %sub3A_490, %sub3A_490 : vector<16xf32>
        %add3A_492 = arith.addf %add3A_447, %mul3A_491 : vector<16xf32>
        scf.yield %add3A_492 : vector<16xf32>
      }
      %scan3A_140 = arith.constant 512 : i32
      scf.yield %scan3A_139 : vector<16xf32>
    }
    %scan3A_34 = arith.constant 40 : i32
    %dma_wait3A = arith.constant 0 : i32
    %dma_wait3A_35 = tpu.memref_slice %arg3[%dma_wait3A] : memref<20971520xi32, #tpu.memory_space<hbm>> -> memref<8192xi32, #tpu.memory_space<hbm>>
    %dma_wait3A_36 = arith.constant 0 : i32
    %dma_wait3A_37 = tpu.memref_slice %arg3[%dma_wait3A_36] : memref<20971520xi32, #tpu.memory_space<hbm>> -> memref<8192xi32, #tpu.memory_space<hbm>>
    tpu.wait_dma2 semaphore(%arg20 : memref<!tpu.dma_semaphore, #tpu.memory_space<semaphore_mem>>) src(%dma_wait3A_37 : memref<8192xi32, #tpu.memory_space<hbm>>) dst(%arg7 : memref<8192xi32, #tpu.memory_space<vmem>>)
    %dma_wait3A_38 = arith.constant 0 : i32
    %dma_wait3A_39 = tpu.memref_slice %arg4[%dma_wait3A_38] : memref<20971520xi32, #tpu.memory_space<hbm>> -> memref<8192xi32, #tpu.memory_space<hbm>>
    %dma_wait3A_40 = arith.constant 0 : i32
    %dma_wait3A_41 = tpu.memref_slice %arg4[%dma_wait3A_40] : memref<20971520xi32, #tpu.memory_space<hbm>> -> memref<8192xi32, #tpu.memory_space<hbm>>
    tpu.wait_dma2 semaphore(%arg22 : memref<!tpu.dma_semaphore, #tpu.memory_space<semaphore_mem>>) src(%dma_wait3A_41 : memref<8192xi32, #tpu.memory_space<hbm>>) dst(%arg9 : memref<8192xi32, #tpu.memory_space<vmem>>)
    %dma_wait3A_42 = arith.constant 0 : i32
    %dma_wait3A_43 = tpu.memref_slice %arg3[%dma_wait3A_42] : memref<20971520xi32, #tpu.memory_space<hbm>> -> memref<8192xi32, #tpu.memory_space<hbm>>
    %dma_wait3A_44 = arith.constant 0 : i32
    %dma_wait3A_45 = tpu.memref_slice %arg3[%dma_wait3A_44] : memref<20971520xi32, #tpu.memory_space<hbm>> -> memref<8192xi32, #tpu.memory_space<hbm>>
    tpu.wait_dma2 semaphore(%arg21 : memref<!tpu.dma_semaphore, #tpu.memory_space<semaphore_mem>>) src(%dma_wait3A_45 : memref<8192xi32, #tpu.memory_space<hbm>>) dst(%arg8 : memref<8192xi32, #tpu.memory_space<vmem>>)
    %dma_wait3A_46 = arith.constant 0 : i32
    %dma_wait3A_47 = tpu.memref_slice %arg4[%dma_wait3A_46] : memref<20971520xi32, #tpu.memory_space<hbm>> -> memref<8192xi32, #tpu.memory_space<hbm>>
    %dma_wait3A_48 = arith.constant 0 : i32
    %dma_wait3A_49 = tpu.memref_slice %arg4[%dma_wait3A_48] : memref<20971520xi32, #tpu.memory_space<hbm>> -> memref<8192xi32, #tpu.memory_space<hbm>>
    tpu.wait_dma2 semaphore(%arg23 : memref<!tpu.dma_semaphore, #tpu.memory_space<semaphore_mem>>) src(%dma_wait3A_49 : memref<8192xi32, #tpu.memory_space<hbm>>) dst(%arg10 : memref<8192xi32, #tpu.memory_space<vmem>>)
    %swap3A = arith.constant 0 : index
    %swap3A_50 = tpu.vector_load %arg19[%swap3A] {strides = array<i32>} : memref<16xf32, #tpu.memory_space<vmem>>, vector<16xf32>,
    tpu.vector_store %arg19[%swap3A], %scan3A_33 {strides = array<i32>} : memref<16xf32, #tpu.memory_space<vmem>>, vector<16xf32>,
    %mul3A_51 = arith.constant 16 : i32
    %mul3A_52 = arith.muli %add3A, %mul3A_51 : i32
    "tpu.region"() ({
      %run_scoped3A = tpu.sem_alloc : memref<!tpu.dma_semaphore, #tpu.memory_space<semaphore_mem>>
      %dma_start3A_53 = tpu.memref_slice %arg5[%mul3A_52] : memref<512xf32, #tpu.memory_space<hbm>> -> memref<16xf32, #tpu.memory_space<hbm>>
      %dma_start3A_54 = tpu.memref_slice %arg5[%mul3A_52] : memref<512xf32, #tpu.memory_space<hbm>> -> memref<16xf32, #tpu.memory_space<hbm>>
      tpu.enqueue_dma source(%arg19 : memref<16xf32, #tpu.memory_space<vmem>>) target(%dma_start3A_54 : memref<16xf32, #tpu.memory_space<hbm>>) target_semaphore(%run_scoped3A : memref<!tpu.dma_semaphore, #tpu.memory_space<semaphore_mem>>)
      %dma_wait3A_55 = tpu.memref_slice %arg5[%mul3A_52] : memref<512xf32, #tpu.memory_space<hbm>> -> memref<16xf32, #tpu.memory_space<hbm>>
      %dma_wait3A_56 = tpu.memref_slice %arg5[%mul3A_52] : memref<512xf32, #tpu.memory_space<hbm>> -> memref<16xf32, #tpu.memory_space<hbm>>
      tpu.wait_dma2 semaphore(%run_scoped3A : memref<!tpu.dma_semaphore, #tpu.memory_space<semaphore_mem>>) src(%arg19 : memref<16xf32, #tpu.memory_space<vmem>>) dst(%dma_wait3A_56 : memref<16xf32, #tpu.memory_space<hbm>>)
      tpu.yield
    }) : () -> ()
    return
  }
}

</mosaic_0001>

<sc_bundles>
// kernel: kernel.12.cloned.1.call-start
scs
__scs_entry_jumppad:
0x0: {  	(pc) =	sbr.rel $0x88, $3  }
0x1: {  	(tag) =	ssettag $0x0;
	lr =	simm.s32 $0x1  }
0x2: {  	[smem:$0x3F9D] =	sst lr;
	_ =	strace $0xD0000000  }
0x3: {  	_ = 	snop  }
0x4: {  	_ = 	snop  }
0x5: {  	_ = 	snop  }
0x6: {  	_ = 	snop  }
0x7: {  	_ = 	snop  }
__scs_overlays_trampoline_lowered:
0x8: {  	[smem:$0x3FAC] =	sst s0  }
0x9: {  	[smem:$0x3FAD] =	sst s1  }
0xa: {  	[smem:$0x3FAE] =	sst s2  }
0xb: {  	[smem:$0x3FAF] =	sst s3  }
0xc: {  	[smem:$0x3FB0] =	sst s4  }
0xd: {  	[smem:$0x3FB1] =	sst s5  }
0xe: {  	[smem:$0x3FB2] =	sst s6  }
0xf: {  	[smem:$0x3FB3] =	sst s7  }
0x10: {  	[smem:$0x3FB4] =	sst s8  }
0x11: {  	[smem:$0x3FB5] =	sst s9;
	s0 =	simm.s32 @!p0 $0x0  }
0x12: {  	s1 =	sld [smem:$0x3F9B];
	s0 =	simm.s32 @p0 $0x1  }
0x13: {  	[smem:$0x3FB6] =	sst s0;
	s0 =	simm.s32 @!p1 $0x0  }
0x14: {  	s2 =	sld [smem:$0x3F9A];
	s0 =	simm.s32 @p1 $0x1  }
0x15: {  	[smem:$0x3FB7] =	sst s0;
	s0 =	simm.s32 @!p2 $0x0  }
0x16: {  	s3 =	sld [smem:$0x3FDB];
	s0 =	simm.s32 @p2 $0x1  }
0x17: {  	s4 =	simm.s32 $0x1BF5;
	[smem:$0x3FB9] =	sst s0  }
0x18: {  	s0 =	sld [smem:$0x3F9C];
	_ =	swait.ge [sflag:s4], $0x0  }
0x19: {  	s7 =	sld [smem:$0x3F9D]  }
0x1a: {  	s8 =	sadd.s32 $0xFFFFE003, lr  }
0x1b: {  	s9 =	sadd.s32 $0xFFFFFEF7, lr;
	s5 =	simm.s32 $0xFFFFFFFF;
	p2 =	slt.u32 s8, $0xFFFFF086  }
0x1c: {  	p1 =	slt.u32 s9, $0xF7A;
	s5 =	simm.s32 @!p2 $0x0  }
0x1d: {  	s5 =	simm.s32 @p1 $0x1;
	p0 =	seq.s32 s7, s2  }
0x1e: {  	s7 =	smul.u32 @!p0 $0xF7A, s2;
	p2 =	seq.s32 @!p0 s5, $0x0  }
0x1f: {  	s9 =	smul.u32 $0xF7A, s1;
	s8 =	simm.s32 @!p0 $0x1BF5;
	p2 =	por !p2, p0  }
0x20: {  	[sflag:s8] =	ssyncset.s32 @!p0 $0xFFFFF086;
	s6 =	sadd.s32 @!p0 s3, s7;
	s7 =	simm.s32 @!p0 $0x108  }
0x21: {  	s3 =	sadd.s32 s3, s9;
	s6 =	sadd.s32 @!p0 $0x88, s6;
	s7 =	simm.s32 @p2 $0x1082  }
0x22: {  	[simem:s7], [sflag:s8] =	dma.local @!p0 [hbm:s6], $0xF7A  }
0x23: {  	s9 =	sor.u32 $0xD0000000, s2;
	s6 =	simm.s32 $0x108;
	_ =	swait.ge @!p0 [sflag:s8], $0x0  }
0x24: {  	s3 =	sadd.s32 $0x88, s3;
	s6 =	simm.s32 @!p1 $0x1082;
	[sflag:s4] =	ssyncset.s32 $0xFFFFF086  }
0x25: {  	[simem:s6], [sflag:s4] =	dma.local [hbm:s3], $0xF7A  }
0x26: {  	[smem:$0x3F9D] =	sst s1;
	(tag) =	ssettag s2;
	_ =	strace s9  }
0x27: {  	s1 =	sld [smem:$0x3FAD]  }
0x28: {  	s2 =	sld [smem:$0x3FAE]  }
0x29: {  	s4 =	sld [smem:$0x3FB0]  }
0x2a: {  	p0 =	seq.s32 s5, $0x0;
	s5 =	sld [smem:$0x3FB1]  }
0x2b: {  	s6 =	sld [smem:$0x3FB2]  }
0x2c: {  	s7 =	sld [smem:$0x3FB3]  }
0x2d: {  	s3 =	simm.s32 $0x108;
	s8 =	sld [smem:$0x3FB4]  }
0x2e: {  	s3 =	simm.s32 @!p0 $0x1082;
	s9 =	sld [smem:$0x3FB5]  }
0x2f: {  	lr =	sadd.s32 s0, s3;
	s0 =	sld [smem:$0x3FAC]  }
0x30: {  	s3 =	sld [smem:$0x3FAF]  }
0x31: {  	[smem:$0x3FB8] =	sst s10  }
0x32: {  	s10 =	sld [smem:$0x3FB6];
	_ =	sdelay $0x3  }
0x33: {  	p0 =	seq.s32 s10, $0x1;
	s10 =	sld [smem:$0x3FB8];
	_ =	sdelay $0x3  }
0x34: {  	[smem:$0x3FB8] =	sst s10  }
0x35: {  	s10 =	sld [smem:$0x3FB7];
	_ =	sdelay $0x3  }
0x36: {  	p1 =	seq.s32 s10, $0x1;
	s10 =	sld [smem:$0x3FB8];
	_ =	sdelay $0x3  }
0x37: {  	[smem:$0x3FB8] =	sst s10  }
0x38: {  	s10 =	sld [smem:$0x3FB9]  }
0x39: {  	_ = 	snop;
	(pc) =	sbr.ind lr, $3  }
0x3a: {  	_ = 	snop  }
0x3b: {  	_ = 	snop  }
0x3c: {  	p2 =	seq.s32 s10, $0x1;
	s10 =	sld [smem:$0x3FB8]  }
0x3d: {  	_ =	shalt  }
0x3e: {  	_ =	shalt  }
0x3f: {  	_ =	shalt  }
0x40: {  	_ =	shalt  }
0x41: {  	_ =	shalt  }
0x42: {  	_ =	shalt  }
0x43: {  	_ =	shalt  }
0x44: {  	_ =	shalt  }
0x45: {  	_ =	shalt  }
0x46: {  	_ =	shalt  }
0x47: {  	_ =	shalt  }
0x48: {  	_ =	shalt  }
0x49: {  	_ =	shalt  }
0x4a: {  	_ =	shalt  }
0x4b: {  	_ =	shalt  }
0x4c: {  	_ =	shalt  }
0x4d: {  	_ =	shalt  }
0x4e: {  	_ =	shalt  }
0x4f: {  	_ =	shalt  }
0x50: {  	_ =	shalt  }
0x51: {  	_ =	shalt  }
0x52: {  	_ =	shalt  }
0x53: {  	_ =	shalt  }
0x54: {  	_ =	shalt  }
0x55: {  	_ =	shalt  }
0x56: {  	_ =	shalt  }
0x57: {  	_ =	shalt  }
0x58: {  	_ =	shalt  }
0x59: {  	_ =	shalt  }
0x5a: {  	_ =	shalt  }
0x5b: {  	_ =	shalt  }
0x5c: {  	_ =	shalt  }
0x5d: {  	_ =	shalt  }
0x5e: {  	_ =	shalt  }
0x5f: {  	_ =	shalt  }
0x60: {  	_ =	shalt  }
0x61: {  	_ =	shalt  }
0x62: {  	_ =	shalt  }
0x63: {  	_ =	shalt  }
0x64: {  	_ =	shalt  }
0x65: {  	_ =	shalt  }
0x66: {  	_ =	shalt  }
0x67: {  	_ =	shalt  }
0x68: {  	_ =	shalt  }
0x69: {  	_ =	shalt  }
0x6a: {  	_ =	shalt  }
0x6b: {  	_ =	shalt  }
0x6c: {  	_ =	shalt  }
0x6d: {  	_ =	shalt  }
0x6e: {  	_ =	shalt  }
0x6f: {  	_ =	shalt  }
0x70: {  	_ =	shalt  }
0x71: {  	_ =	shalt  }
0x72: {  	_ =	shalt  }
0x73: {  	_ =	shalt  }
0x74: {  	_ =	shalt  }
0x75: {  	_ =	shalt  }
0x76: {  	_ =	shalt  }
0x77: {  	_ =	shalt  }
0x78: {  	_ =	shalt  }
0x79: {  	_ =	shalt  }
0x7a: {  	_ =	shalt  }
0x7b: {  	_ =	shalt  }
0x7c: {  	_ =	shalt  }
0x7d: {  	_ =	shalt  }
0x7e: {  	_ =	shalt  }
0x7f: {  	_ =	shalt  }
0x80: {  	_ =	shalt  }
0x81: {  	_ =	shalt  }
0x82: {  	_ =	shalt  }
0x83: {  	_ =	shalt  }
0x84: {  	_ =	shalt  }
0x85: {  	_ =	shalt  }
0x86: {  	_ =	shalt  }
0x87: {  	_ =	shalt  }
.Lfunc_end0:
.L_simem_size_0:
called_computation.2_lowered:
.L_overlay_start_0:
0x88: {  	s2 =	sld [smem:$0x3FD9]  }
0x89: {  	s3 =	sld [smem:$0x3FFE];
	_ =	sdelay $0x1  }
0x8a: {  	s1 =	srdreg.scid  }
0x8b: {  	s0 =	sand.u32 $0x1, s1  }
0x8c: {  	s17 =	sshll.u32 s0, $0xA;
	s2 =	sadd.s32 s3, s2  }
0x8d: {  	s2 =	sadd.s32 s2, s17  }
0x8e: {  	[smem:$0x3FC4] =	sst s2  }
0x8f: {  	_ = 	snop  }
0x90: {  	s18 =	sld [smem:$0x3FC9]  }
0x91: {  	s4 =	sld [smem:$0x3FC8];
	(tm) =	ssettm $0x1  }
0x92: {  	s19 =	sld [smem:$0x3FFB];
	_ =	sdelay $0x3  }
0x93: {  	_ =	strace s19  }
0x94: {  	s2 =	sld [smem:$0x3FFC];
	_ =	sdelay $0x3  }
0x95: {  	_ =	strace s2  }
0x96: {  	s2 =	sld [smem:$0x3FFD];
	_ =	sdelay $0x3  }
0x97: {  	_ =	strace s2  }
0x98: {  	_ =	strace $0x8FFFFFFF  }
0x99: {  	s20 =	sld [smem:$0x3FDB];
	_ =	sdelay $0x1  }
0x9a: {  	s5 =	simm.s32 $_scs_section_size  }
0x9b: {  	s6 =	simm.s32 $_size__tile_overlayer_lowered;
	s7 =	simm.s32 $_tile_overlayer_lowered  }
0x9c: {  	s8 =	simm.s32 $0x1BFF;
	s21 =	sshll.u32 s7, $0x1;
	s5 =	sadd.s32 s5, s20  }
0x9d: {  	s22 =	simm.s32 $0x0;
	s6 =	sshll.u32 s6, $0x1;
	s7 =	sadd.s32 s21, s5  }
0x9e: {  	[timem:s22], [sflag:s8] =	dma.local [hbm:s7], s6  }
0x9f: {  	_ =	swait.ge [sflag:s8], s6  }
0xa0: {  	s6 =	ssub.s32 $0x0, s6;
	[sflag:s8] =	ssyncset.done $0x0  }
0xa1: {  	[sflag:s8] =	ssyncadd.s32 s6;
	_ =	sdelay $0x1  }
0xa2: {  	s23 =	simm.s32 $0x1B8B  }
0xa3: {  	_ =	swait.ge [sflag:s23], $0x1  }
0xa4: {  	[sflag:s23] =	ssyncset.done $0x0  }
0xa5: {  	[sflag:s23] =	ssyncadd.s32 $0xFFFFFFFF  }
0xa6: {  	s6 =	sld [smem:$0x0]  }
0xa7: {  	s7 =	sand.u32 $0xFFFFFFFE, s1  }
0xa8: {  	p0 =	sne.s32 s1, s7  }
0xa9: {  	s7 =	sshll.u32 @p0 s7, $0xE  }
0xaa: {  	s7 =	sadd.s32 @p0 $0x11B8D, s7;
	s8 =	sshll.u32 @p0 s6, $0x11  }
0xab: {  	s7 =	sor.u32 @p0 s8, s7  }
0xac: {  	[sflag:s7] =	ssyncadd.remote.s32 @p0 $0x1;
	_ =	sdelay $0x1  }
0xad: {  	s7 =	simm.s32 @p0 $0x1B8D  }
0xae: {  	_ =	swait.eq @p0 [sflag:s7], $0x1  }
0xaf: {  	[sflag:s7] =	ssyncadd.s32 @p0 $0xFFFFFFFF  }
0xb0: {  	s8 =	sshll.u32 @!p0 s1, $0xE  }
0xb1: {  	s8 =	sor.u32 @!p0 $0x4000, s8;
	s7 =	simm.s32 @!p0 $0x1B8D  }
0xb2: {  	s6 =	sshll.u32 @!p0 s6, $0x11;
	s8 =	sadd.s32 @!p0 $0x11B8D, s8;
	_ =	swait.eq @!p0 [sflag:s7], $0x1  }
0xb3: {  	s6 =	sor.u32 @!p0 s6, s8;
	[sflag:s7] =	ssyncadd.s32 @!p0 $0xFFFFFFFF  }
0xb4: {  	s25 =	simm.s32 $0x1B8E;
	s24 =	sld [smem:$0x3FFE];
	[sflag:s6] =	ssyncadd.remote.s32 @!p0 $0x1  }
0xb5: {  	s26 =	simm.s32 $execute0_lowered;
	[smem:$0x3FD2] =	sst s25  }
0xb6: {  	s7 =	sshll.u32 s26, $0x1;
	_ =	strace $0x8000004F;
	[dreg:$0x1] =	wrdreg $0xFFFFFFFF  }
0xb7: {  	s28 =	simm.s32 $_size_execute0_lowered;
	s5 =	sadd.s32 s5, s7;
	[dreg:$0x0] =	wrdreg $0x0  }
0xb8: {  	s7 =	sshll.u32 s28, $0x1;
	[dreg:$0x2] =	wrdreg s5  }
0xb9: {  	[dreg:$0x3] =	wrdreg s7  }
0xba: {  	[dreg:$0x4] =	wrdreg $0xC0  }
0xbb: {  	_ =	task [dreg:s22], $0x5FFFF  }
0xbc: {  	[dreg:$0x1] =	wrdreg $0xFFFFFFFF  }
0xbd: {  	[dreg:$0x0] =	wrdreg $0x60  }
0xbe: {  	[dreg:$0x2] =	wrdreg s18  }
0xbf: {  	[dreg:$0x3] =	wrdreg s4  }
0xc0: {  	[dreg:$0x4] =	wrdreg s24  }
0xc1: {  	[dreg:$0x5] =	wrdreg $0xA  }
0xc2: {  	_ =	task.clear_ibuf [dreg:s22], $0x6FFFF;
	_ =	strace $0x9000004F  }
0xc3: {  	s29 =	simm.s32 $0xA;
	_ =	strace $0x80000051  }
0xc4: {  	_ =	swait.ge [sflag:s29], $0x1  }
0xc5: {  	[sflag:s29] =	ssyncadd.s32 $0xFFFFFFFF  }
0xc6: {  	_ =	strace $0x90000051  }
0xc7: {  	_ =	sfence  }
0xc8: {  	s30 =	sld [smem:$0x0];
	_ =	sdelay $0x2  }
0xc9: {  	s31 =	sshll.u32 s1, $0xD;
	s1 =	sshrl.u32 s1, $0x2  }
0xca: {  	s4 =	sand.u32 $0x4000, s31;
	s1 =	sadd.s32 s1, s30  }
0xcb: {  	s0 =	sor.u32 s4, s0;
	s1 =	sshll.u32 s1, $0x11  }
0xcc: {  	s0 =	sor.u32 s1, s0  }
0xcd: {  	s0 =	sadd.s32 $0x8F2B, s0  }
0xce: {  	[sflag:s0] =	ssyncadd.remote.s32 $0x1  }
0xcf: {  	_ =	sfence.sel $0xFFFF  }
0xd0: {  	[dreg:$0x0] =	wrdreg $0xFFFFFFFF;
	(pc) =	sbr.abs _section_cstart, $3  }
0xd1: {  	[dreg:$0x1] =	wrdreg $0xFFFFFFFF  }
0xd2: {  	_ =	task.clear_ibuf [dreg:s22], $0x2FFFF;
	_ =	strace $0x9FFFFFFF  }
0xd3: {  	(tm) =	ssettm $0x7FFFFFFF  }
tec
execute0_lowered:
.L_overlay_start_1:
0x0: {  	(tag) =	ssettag $0x1  }
0x1: {  	s1 =	rddreg [dreg:$0x0]  }
0x2: {  	s3 =	rddreg [dreg:$0x1]  }
0x3: {  	s7 =	rddreg [dreg:$0x2]  }
0x4: {  	s0 =	rddreg [dreg:$0x3];
	s5 =	srdreg.scid  }
0x5: {  	s2 =	stileid.u32;
	s4 =	simm.s32 $0x0;
	s13 =	simm.s32 $0x1  }
0x6: {  	s14 =	simm.s32 $0x8000;
	s15 =	simm.s32 $0x10000;
	s16 =	simm.s32 $0x18000  }
0x7: {  	s17 =	simm.s32 $0x18800;
	s18 =	simm.s32 $0x19000;
	s19 =	simm.s32 $0x0  }
0x8: {  	s5 =	sand.u32 $0x1, s5;
	s6 =	sshll.u32 s2, $0x1;
	[smem:$0x7FF] =	sst s4  }
0x9: {  	s8 =	sor.u32 s5, s6;
	_ =	strace $0x80000050;
	s9 =	ssub.s32 $0x2, s5  }
0xa: {  	s5 =	sadd.s32 $0x70200, s7;
	s6 =	sshll.u32 s8, $0x1;
	s31 =	sshrl.u32 s9, $0x1  }
0xb: {  	s8 =	sshll.u32 s8, $0xB;
	s11 =	sadd.s32 s6, s7;
	s12 =	ssub.s32 s9, s31  }
0xc: {  	s6 =	sadd.s32 $0x71200, s7;
	s7 =	sadd.s32 $0x72200, s7;
	s9 =	sadd.s32 $0x600, s11  }
0xd: {  	s10 =	sadd.s32 $0x400, s11;
	s11 =	sadd.s32 $0x200, s11;
	s12 =	smax.u32 s12, $0x1  }
.LBB2_1:
0xe: {  	[tilespmem:s4], [sflag:$0x1] =	stream.linear.gather [hbm4b:s5+s4], $0x8000, $0x38;
	[tilespmem:$0x19080] =	vst v63  }
0xf: {  	_ =	swait.ge [sflag:s13], $0x8000  }
0x10: {  	[sflag:s13] =	ssyncset.done $0x0  }
0x11: {  	[sflag:s13] =	ssyncadd.s32 $0xFFFF8000  }
0x12: {  	[tilespmem:s14], [sflag:$0x1] =	stream.linear.gather [hbm4b:s6+s4], $0x8000, $0x38;
	[tilespmem:$0x19080] =	vst v63  }
0x13: {  	_ =	swait.ge [sflag:s13], $0x8000  }
0x14: {  	[sflag:s13] =	ssyncset.done $0x0  }
0x15: {  	[sflag:s13] =	ssyncadd.s32 $0xFFFF8000  }
0x16: {  	[tilespmem:s15], [sflag:$0x1] =	stream.linear.gather [hbm4b:s7+s4], $0x8000, $0x38;
	[tilespmem:$0x19080] =	vst v63  }
0x17: {  	_ =	swait.ge [sflag:s13], $0x8000  }
0x18: {  	[sflag:s13] =	ssyncset.done $0x0  }
0x19: {  	v3 =	vimm.f32 $0.0e+00;
	v1 =	vimm.f32 $0.0e+00;
	v0 =	vimm.f32 $0.0e+00;
	s20 =	simm.s32 $0x0;
	[sflag:s13] =	ssyncadd.s32 $0xFFFF8000  }
.LBB2_2:
0x1a: {  	s21 =	sshll.u32 s20, $0x8  }
0x1b: {  	s21 =	sadd.s32 s8, s21  }
0x1c: {  	s22 =	sadd.s32 s1, s21  }
0x1d: {  	[tilespmem:s16], [sflag:$0x1] =	stream.linear.gather [hbm4b:s22+s4], $0x800, $0x38;
	[tilespmem:$0x19080] =	vst v63  }
0x1e: {  	_ =	swait.ge [sflag:s13], $0x800  }
0x1f: {  	[sflag:s13] =	ssyncset.done $0x0  }
0x20: {  	s21 =	sadd.s32 s3, s21;
	[sflag:s13] =	ssyncadd.s32 $0xFFFFF800  }
0x21: {  	[tilespmem:s17], [sflag:$0x1] =	stream.linear.gather [hbm4b:s21+s4], $0x800, $0x38;
	[tilespmem:$0x19080] =	vst v63  }
0x22: {  	_ =	swait.ge [sflag:s13], $0x800  }
0x23: {  	[sflag:s13] =	ssyncset.done $0x0  }
0x24: {  	s28 =	simm.s32 $0x18820;
	[sflag:s13] =	ssyncadd.s32 $0xFFFFF800  }
0x25: {  	s29 =	simm.s32 $0x18020;
	v2 =	vld [tilespmem:s28+$0x0]  }
0x26: {  	v4 =	vld [tilespmem:s29+$0xFFFFFFE0]  }
0x27: {  	v5 =	vld [tilespmem:s29+$0xFFFFFFF0]  }
0x28: {  	v6 =	vld [tilespmem:s28+$0x10]  }
0x29: {  	v9 =	vld [tilespmem:s28+$0xFFFFFFE0]  }
0x2a: {  	v12 =	vld [tilespmem:s29+$0x10]  }
0x2b: {  	s31 =	simm.s32 $0x18060;
	v15 =	vld [tilespmem:s28+$0xFFFFFFF0];
	vm0 =	vlt.s32 v2, $0x0  }
0x2c: {  	v23 =	vld [tilespmem:s31+$0xFFFFFFE0];
	v7 =	vxor.u32 $0xFFFFFFFF, v2;
	v8 =	vxor.u32 $0x80000000, v2;
	vm1 =	vlt.s32 v4, $0x0  }
0x2d: {  	v10 =	vxor.u32 $0xFFFFFFFF, v4;
	v11 =	vxor.u32 $0x80000000, v4;
	v13 =	vxor.u32 $0x80000000, v5  }
0x2e: {  	v14 =	vxor.u32 $0xFFFFFFFF, v6;
	v16 =	vxor.u32 $0x80000000, v6;
	v17 =	vxor.u32 $0xFFFFFFFF, v9  }
0x2f: {  	v18 =	vxor.u32 $0x80000000, v9;
	v4 =	vsub.f32 v4, v9;
	v19 =	vxor.u32 $0xFFFFFFFF, v12  }
0x30: {  	v20 =	vsub.f32 v5, v15;
	v21 =	vxor.u32 $0x80000000, v15;
	vm3 =	vlt.s32 v5, $0x0  }
0x31: {  	v26 =	vxor.u32 $0x80000000, v23;
	v7 =	vsel vm0, v7, v8;
	v8 =	vsel vm1, v10, v11  }
0x32: {  	v10 =	vld [tilespmem:s29+$0x0];
	v11 =	vxor.u32 $0xFFFFFFFF, v5;
	vm0 =	vlt.s32 v6, $0x0;
	v6 =	vsub.f32 v12, v6  }
0x33: {  	v7 =	vshrl.u32 v7, $0x11;
	v8 =	vshrl.u32 v8, $0x11;
	v14 =	vsel vm0, v14, v16  }
0x34: {  	vm0 =	vlt.s32 v12, $0x0;
	vm4 =	vlt.s32 v4, $0x0;
	v5 =	vsel vm3, v11, v13  }
0x35: {  	vm3 =	vlt.s32 v9, $0x0;
	v9 =	vxor.u32 $0x80000000, v4;
	v12 =	vxor.u32 $0x80000000, v12  }
0x36: {  	v17 =	vsel vm3, v17, v18;
	v18 =	vxor.u32 $0xFFFFFFFF, v4;
	v12 =	vsel vm0, v19, v12  }
0x37: {  	v19 =	vxor.u32 $0xFFFFFFFF, v6;
	vm0 =	vlt.s32 v6, $0x0;
	v2 =	vsub.f32 v10, v2  }
0x38: {  	s30 =	simm.s32 $0x18860;
	vm1 =	vlt.s32 v10, $0x0;
	v16 =	vxor.u32 $0xFFFFFFFF, v10;
	v10 =	vxor.u32 $0x80000000, v10  }
0x39: {  	v25 =	vld [tilespmem:s30+$0x10];
	v14 =	vshrl.u32 v14, $0x11;
	v10 =	vsel vm1, v16, v10;
	v16 =	vxor.u32 $0x80000000, v6  }
0x3a: {  	v31 =	vld [tilespmem:s31+$0x10];
	vm1 =	vlt.s32 v15, $0x0;
	v15 =	vxor.u32 $0xFFFFFFFF, v15;
	vm2 =	vlt.s32 v2, $0x0  }
0x3b: {  	v7 =	vld.idx.msk [tilespmem:v7+s4+$0x0], $0xffff;
	v10 =	vshrl.u32 v10, $0x11;
	v11 =	vxor.u32 $0xFFFFFFFF, v2;
	v13 =	vxor.u32 $0x80000000, v2  }
0x3c: {  	v11 =	vsel vm2, v11, v13;
	v13 =	vsel vm1, v15, v21;
	v15 =	vshrl.u32 v17, $0x11;
	v21 =	vld [tilespmem:s30+$0x0]  }
0x3d: {  	v4 =	vmul.f32 v4, v4;
	v8 =	vld.idx.msk [tilespmem:v8+s15+$0x0], $0xffff;
	v16 =	vsel vm0, v19, v16;
	v11 =	vshrl.u32 v11, $0x11  }
0x3e: {  	v9 =	vsel vm4, v18, v9;
	v18 =	vmul.f32 v2, v2;
	v14 =	vld.idx.msk [tilespmem:v14+s4+$0x0], $0xffff;
	v2 =	vshrl.u32 v16, $0x11  }
0x3f: {  	v33 =	vxor.u32 $0xFFFFFFFF, v31;
	v22 =	vxor.u32 $0xFFFFFFFF, v20;
	v12 =	vshrl.u32 v12, $0x11;
	v16 =	vld [tilespmem:s31+$0xFFFFFFF0]  }
0x40: {  	v3 =	vadd.f32 v4, v3;
	v17 =	vshrl.u32 v5, $0x11;
	v5 =	vmul.f32 v20, v20;
	v10 =	vld.idx.msk [tilespmem:v10+s15+$0x0], $0xffff  }
0x41: {  	v15 =	vld.idx.msk [tilespmem:v15+s4+$0x0], $0xffff;
	vm0 =	vlt.s32 v21, $0x0;
	v19 =	vxor.u32 $0xFFFFFFFF, v21;
	v24 =	vxor.u32 $0x80000000, v21  }
0x42: {  	v9 =	vshrl.u32 v9, $0x11;
	v3 =	vadd.f32 v5, v3;
	v11 =	vld.idx.msk [tilespmem:v11+s14+$0x0], $0xffff;
	v19 =	vsel vm0, v19, v24  }
0x43: {  	vm1 =	vlt.s32 v23, $0x0;
	v24 =	vxor.u32 $0xFFFFFFFF, v23;
	v28 =	vshrl.u32 v19, $0x11;
	v19 =	vld.idx.msk [tilespmem:v2+s14+$0x0], $0xffff  }
0x44: {  	v27 =	vshrl.u32 v13, $0x11;
	v3 =	vadd.f32 v18, v3;
	v13 =	vsel vm1, v24, v26;
	v24 =	vld [tilespmem:s30+$0xFFFFFFE0]  }
0x45: {  	v30 =	vxor.u32 $0x80000000, v16;
	vm14 =	vlt.s32 v16, $0x0;
	v10 =	vsub.f32 v10, v7  }
0x46: {  	vm0 =	vlt.s32 v20, $0x0;
	v26 =	vxor.u32 $0xFFFFFFFF, v16;
	v8 =	vsub.f32 v8, v15  }
0x47: {  	vm1 =	vlt.s32 v25, $0x0;
	v29 =	vshrl.u32 v13, $0x11;
	v2 =	vmul.f32 v10, v10  }
0x48: {  	v13 =	vld [tilespmem:s31+$0x0];
	v7 =	vsub.f32 v11, v7;
	v10 =	vxor.u32 $0xFFFFFFFF, v25;
	v4 =	vmul.f32 v8, v8  }
0x49: {  	v11 =	vld.idx.msk [tilespmem:v12+s15+$0x0], $0xffff;
	v8 =	vmul.f32 v6, v6;
	v6 =	vsub.f32 v19, v14;
	v12 =	vxor.u32 $0xFFFFFFFF, v24  }
0x4a: {  	v18 =	vxor.u32 $0x80000000, v24;
	v32 =	vsub.f32 v23, v24;
	vm15 =	vlt.s32 v24, $0x0  }
0x4b: {  	v7 =	vmul.f32 v7, v7;
	v12 =	vsel vm15, v12, v18;
	v5 =	vadd.f32 v4, v1  }
0x4c: {  	v1 =	vxor.u32 $0x80000000, v20;
	v4 =	vxor.u32 $0x80000000, v25;
	v18 =	vshrl.u32 v12, $0x11  }
0x4d: {  	v19 =	vsel vm0, v22, v1;
	v1 =	vsub.f32 v31, v25;
	v10 =	vsel vm1, v10, v4  }
0x4e: {  	v20 =	vld [tilespmem:s30+$0xFFFFFFF0];
	v4 =	vadd.f32 v8, v3;
	v8 =	vsub.f32 v13, v21;
	v3 =	vshrl.u32 v19, $0x11  }
0x4f: {  	vm0 =	vlt.s32 v13, $0x0;
	v21 =	vxor.u32 $0xFFFFFFFF, v13;
	v22 =	vxor.u32 $0x80000000, v13;
	v19 =	vld.idx.msk [tilespmem:v9+s14+$0x0], $0xffff  }
0x50: {  	vm1 =	vlt.s32 v31, $0x0;
	v11 =	vsub.f32 v11, v14;
	v14 =	vld.idx.msk [tilespmem:v17+s15+$0x0], $0xffff;
	v17 =	vsel vm0, v21, v22  }
0x51: {  	vm0 =	vlt.s32 v32, $0x0;
	v21 =	vxor.u32 $0x80000000, v32;
	vm2 =	vlt.s32 v8, $0x0  }
0x52: {  	v25 =	vld.idx.msk [tilespmem:v27+s4+$0x0], $0xffff;
	v13 =	vxor.u32 $0x80000000, v1;
	v27 =	vshrl.u32 v17, $0x11;
	v17 =	vxor.u32 $0xFFFFFFFF, v8  }
0x53: {  	v11 =	vmul.f32 v11, v11;
	v9 =	vsub.f32 v16, v20;
	vm3 =	vlt.s32 v20, $0x0;
	v63 =	vld.idx.msk [tilespmem:v3+s14+$0x0], $0xffff  }
0x54: {  	v22 =	vxor.u32 $0x80000000, v20;
	v16 =	vsel vm14, v26, v30;
	v26 =	vxor.u32 $0xFFFFFFFF, v32  }
0x55: {  	v15 =	vsub.f32 v19, v15;
	v3 =	vxor.u32 $0xFFFFFFFF, v20;
	v20 =	vxor.u32 $0x80000000, v8  }
0x56: {  	v12 =	vmul.f32 v9, v9;
	v19 =	vsel vm3, v3, v22;
	v3 =	vsel vm2, v17, v20  }
0x57: {  	v22 =	vsub.f32 v14, v25;
	v17 =	vshrl.u32 v16, $0x11;
	v14 =	vld.idx.msk [tilespmem:v29+s15+$0x0], $0xffff;
	v16 =	vxor.u32 $0xFFFFFFFF, v9  }
0x58: {  	v23 =	vshrl.u32 v3, $0x11;
	v3 =	vld.idx.msk [tilespmem:v28+s4+$0x0], $0xffff;
	v28 =	vxor.u32 $0x80000000, v31;
	v25 =	vsub.f32 v63, v25  }
0x59: {  	s23 =	simm.s32 $0x180A0;
	s22 =	simm.s32 $0x188A0;
	s21 =	simm.s32 $0x4;
	v20 =	vld.idx.msk [tilespmem:v27+s15+$0x0], $0xffff;
	v24 =	vmul.f32 v15, v15;
	v15 =	vmul.f32 v32, v32;
	v27 =	vsel vm1, v33, v28  }
.LBB2_3:
0x5a: {  	v28 =	vld [tilespmem:s22+$0x0];
	s21 =	sadd.s32 $0x4, s21;
	v29 =	vxor.u32 $0xFFFFFFFF, v1;
	v27 =	vshrl.u32 v27, $0x11;
	v25 =	vmul.f32 v25, v25  }
0x5b: {  	v21 =	vsel vm0, v26, v21;
	v8 =	vmul.f32 v8, v8;
	vm0 =	vlt.s32 v1, $0x0;
	v30 =	vld [tilespmem:s23+$0xFFFFFFE0];
	p0 =	slt.u32 s21, $0x7C  }
0x5c: {  	v10 =	vshrl.u32 v10, $0x11;
	v22 =	vmul.f32 v22, v22;
	v13 =	vsel vm0, v29, v13;
	v26 =	vld [tilespmem:s23+$0xFFFFFFF0]  }
0x5d: {  	v0 =	vadd.f32 v24, v0;
	v21 =	vshrl.u32 v21, $0x11;
	v13 =	vshrl.u32 v13, $0x11;
	v23 =	vld.idx.msk [tilespmem:v23+s14+$0x0], $0xffff  }
0x5e: {  	v19 =	vshrl.u32 v19, $0x11;
	v6 =	vmul.f32 v6, v6;
	v5 =	vadd.f32 v22, v5;
	v18 =	vld.idx.msk [tilespmem:v18+s4+$0x0], $0xffff  }
0x5f: {  	v0 =	vadd.f32 v25, v0;
	vm0 =	vlt.s32 v28, $0x0;
	v22 =	vxor.u32 $0xFFFFFFFF, v28;
	v17 =	vld.idx.msk [tilespmem:v17+s15+$0x0], $0xffff  }
0x60: {  	v20 =	vsub.f32 v20, v3;
	v2 =	vadd.f32 v2, v5;
	v24 =	vxor.u32 $0x80000000, v28;
	v25 =	vld [tilespmem:s22+$0x10]  }
0x61: {  	v0 =	vadd.f32 v7, v0;
	vm1 =	vlt.s32 v30, $0x0;
	v5 =	vsel vm0, v22, v24;
	v22 =	vld.idx.msk [tilespmem:v10+s4+$0x0], $0xffff  }
0x62: {  	v7 =	vxor.u32 $0xFFFFFFFF, v30;
	v10 =	vxor.u32 $0x80000000, v30;
	v5 =	vshrl.u32 v5, $0x11;
	v24 =	vld [tilespmem:s22+$0xFFFFFFE0]  }
0x63: {  	v0 =	vadd.f32 v6, v0;
	v6 =	vadd.f32 v11, v2;
	v7 =	vsel vm1, v7, v10;
	v10 =	vld.idx.msk [tilespmem:v13+s14+$0x0], $0xffff  }
0x64: {  	v2 =	vmul.f32 v20, v20;
	v29 =	vshrl.u32 v7, $0x11;
	v7 =	vsub.f32 v14, v18;
	v11 =	vld [tilespmem:s23+$0x0]  }
0x65: {  	v4 =	vadd.f32 v15, v4;
	v20 =	vxor.u32 $0x80000000, v26;
	v14 =	vxor.u32 $0xFFFFFFFF, v26;
	v15 =	vld.idx.msk [tilespmem:v27+s15+$0x0], $0xffff  }
0x66: {  	vm0 =	vlt.s32 v9, $0x0;
	v13 =	vmul.f32 v1, v1;
	v7 =	vmul.f32 v7, v7;
	v27 =	vld [tilespmem:s23+$0x10]  }
0x67: {  	v1 =	vadd.f32 v12, v4;
	v12 =	vsub.f32 v23, v3;
	vm1 =	vlt.s32 v25, $0x0;
	v3 =	vld.idx.msk [tilespmem:v5+s4+$0x0], $0xffff  }
0x68: {  	v4 =	vxor.u32 $0xFFFFFFFF, v25;
	v5 =	vadd.f32 v7, v6;
	v7 =	vxor.u32 $0x80000000, v9;
	v31 =	vld.idx.msk [tilespmem:v19+s4+$0x0], $0xffff  }
0x69: {  	v8 =	vadd.f32 v8, v1;
	v9 =	vxor.u32 $0x80000000, v25;
	v6 =	vsub.f32 v10, v22;
	v19 =	vld [tilespmem:s22+$0xFFFFFFF0]  }
0x6a: {  	v23 =	vxor.u32 $0xFFFFFFFF, v24;
	v32 =	vxor.u32 $0x80000000, v24;
	v7 =	vsel vm0, v16, v7;
	v21 =	vld.idx.msk [tilespmem:v21+s14+$0x0], $0xffff  }
0x6b: {  	v10 =	vsel vm1, v4, v9;
	v4 =	vadd.f32 v13, v8;
	v1 =	vsub.f32 v27, v25  }
0x6c: {  	v8 =	vsub.f32 v11, v28;
	v16 =	vshrl.u32 v7, $0x11;
	vm1 =	vlt.s32 v27, $0x0  }
0x6d: {  	vm0 =	vlt.s32 v11, $0x0;
	v7 =	vmul.f32 v12, v12;
	v25 =	vxor.u32 $0xFFFFFFFF, v11  }
0x6e: {  	v28 =	vsub.f32 v30, v24;
	vm2 =	vlt.s32 v8, $0x0;
	v30 =	vxor.u32 $0xFFFFFFFF, v27  }
0x6f: {  	v12 =	vsub.f32 v15, v22;
	v11 =	vxor.u32 $0x80000000, v11;
	v13 =	vxor.u32 $0x80000000, v1  }
0x70: {  	v11 =	vsel vm0, v25, v11;
	v9 =	vsub.f32 v26, v19;
	vm3 =	vlt.s32 v19, $0x0  }
0x71: {  	vm4 =	vlt.s32 v26, $0x0;
	v33 =	vshrl.u32 v11, $0x11;
	v15 =	vxor.u32 $0x80000000, v19  }
0x72: {  	v14 =	vsel vm4, v14, v20;
	vm0 =	vlt.s32 v28, $0x0;
	v20 =	vsub.f32 v21, v18;
	v16 =	vld.idx.msk [tilespmem:v16+s14+$0x0], $0xffff  }
0x73: {  	vm4 =	vlt.s32 v24, $0x0;
	v21 =	vxor.u32 $0x80000000, v28;
	v18 =	vxor.u32 $0xFFFFFFFF, v19  }
0x74: {  	v22 =	vxor.u32 $0xFFFFFFFF, v8;
	v24 =	vxor.u32 $0x80000000, v8;
	v11 =	vmul.f32 v12, v12  }
.Ltmp0:
0x75: {  	v12 =	vsel vm4, v23, v32;
	v19 =	vsel vm3, v18, v15;
	v15 =	vsel vm2, v22, v24;
	(pc) =	sbr.rel @p0 .LBB2_3-.Ltmp0, $4  }
0x76: {  	v18 =	vshrl.u32 v12, $0x11;
	v22 =	vsub.f32 v17, v31;
	v23 =	vshrl.u32 v15, $0x11  }
0x77: {  	v17 =	vshrl.u32 v14, $0x11;
	v12 =	vmul.f32 v9, v9;
	v24 =	vmul.f32 v20, v20  }
0x78: {  	v27 =	vxor.u32 $0x80000000, v27;
	v26 =	vxor.u32 $0xFFFFFFFF, v28;
	v25 =	vsub.f32 v16, v31;
	v14 =	vld.idx.msk [tilespmem:v29+s15+$0x0], $0xffff  }
0x79: {  	s23 =	sadd.s32 $0x40, s23;
	s22 =	sadd.s32 $0x40, s22;
	v27 =	vsel vm1, v30, v27;
	v15 =	vmul.f32 v28, v28;
	v16 =	vxor.u32 $0xFFFFFFFF, v9;
	v20 =	vld.idx.msk [tilespmem:v33+s15+$0x0], $0xffff  }
0x7a: {  	_ = 	snop  }
0x7b: {  	v21 =	vsel vm0, v26, v21  }
0x7c: {  	vm14 =	vlt.s32 v9, $0x0;
	v48 =	vxor.u32 $0x80000000, v9;
	v21 =	vshrl.u32 v21, $0x11  }
0x7d: {  	v19 =	vshrl.u32 v19, $0x11;
	v9 =	vsel vm14, v16, v48  }
0x7e: {  	v23 =	vld.idx.msk [tilespmem:v23+s14+$0x0], $0xffff;
	v9 =	vshrl.u32 v9, $0x11  }
0x7f: {  	v49 =	vxor.u32 $0xFFFFFFFF, v1;
	vm15 =	vlt.s32 v1, $0x0;
	v10 =	vshrl.u32 v10, $0x11;
	v50 =	vld.idx.msk [tilespmem:v18+s4+$0x0], $0xffff  }
0x80: {  	v51 =	vmul.f32 v22, v22;
	v17 =	vld.idx.msk [tilespmem:v17+s15+$0x0], $0xffff;
	v52 =	vshrl.u32 v27, $0x11;
	v13 =	vsel vm15, v49, v13  }
0x81: {  	v25 =	vmul.f32 v25, v25;
	v0 =	vadd.f32 v24, v0;
	v13 =	vshrl.u32 v13, $0x11;
	v21 =	vld.idx.msk [tilespmem:v21+s14+$0x0], $0xffff  }
0x82: {  	v4 =	vadd.f32 v15, v4;
	v5 =	vadd.f32 v51, v5;
	v53 =	vld.idx.msk [tilespmem:v19+s4+$0x0], $0xffff  }
0x83: {  	v0 =	vadd.f32 v25, v0;
	v9 =	vld.idx.msk [tilespmem:v9+s14+$0x0], $0xffff  }
0x84: {  	v4 =	vadd.f32 v12, v4;
	v2 =	vadd.f32 v2, v5;
	v5 =	vld.idx.msk [tilespmem:v10+s4+$0x0], $0xffff  }
0x85: {  	v6 =	vmul.f32 v6, v6;
	v0 =	vadd.f32 v7, v0;
	v56 =	vsub.f32 v14, v50;
	v57 =	vld.idx.msk [tilespmem:v52+s15+$0x0], $0xffff  }
0x86: {  	v54 =	vsub.f32 v20, v3;
	v55 =	vld.idx.msk [tilespmem:v13+s14+$0x0], $0xffff;
	v58 =	vsub.f32 v21, v50  }
0x87: {  	v0 =	vadd.f32 v6, v0;
	v2 =	vadd.f32 v11, v2;
	v10 =	vmul.f32 v56, v56  }
0x88: {  	v59 =	vsub.f32 v17, v53;
	v9 =	vsub.f32 v9, v53;
	v60 =	vmul.f32 v58, v58  }
0x89: {  	v8 =	vmul.f32 v8, v8;
	v3 =	vsub.f32 v23, v3;
	v2 =	vadd.f32 v10, v2  }
0x8a: {  	s20 =	sadd.s32 $0x1, s20;
	v61 =	vmul.f32 v59, v59;
	v9 =	vmul.f32 v9, v9;
	v0 =	vadd.f32 v60, v0  }
0x8b: {  	p0 =	sne.s32 s20, $0x8;
	v62 =	vmul.f32 v54, v54;
	v7 =	vsub.f32 v55, v5;
	v5 =	vsub.f32 v57, v5  }
.Ltmp1:
0x8c: {  	v3 =	vmul.f32 v3, v3;
	v2 =	vadd.f32 v61, v2;
	v0 =	vadd.f32 v9, v0;
	(pc) =	sbr.rel @p0 .LBB2_2-.Ltmp1, $4  }
0x8d: {  	v1 =	vmul.f32 v1, v1;
	v4 =	vadd.f32 v8, v4;
	v5 =	vmul.f32 v5, v5  }
0x8e: {  	v63 =	vmul.f32 v7, v7;
	v2 =	vadd.f32 v62, v2;
	v0 =	vadd.f32 v3, v0  }
0x8f: {  	v3 =	vadd.f32 v1, v4  }
0x90: {  	v1 =	vadd.f32 v5, v2;
	v0 =	vadd.f32 v63, v0  }
0x91: {  	_ = 	snop  }
0x92: {  	[tilespmem:$0x19000] =	vst v0  }
0x93: {  	[hbm4b:s9+s4] =	stream.linear.scatter [tilespmem:s18], [sflag:$0x1], $0x10, $0x38;
	[tilespmem:$0x19080] =	vst v63  }
0x94: {  	_ =	swait.ge [sflag:s13], $0x10  }
0x95: {  	[sflag:s13] =	ssyncset.done $0x0  }
0x96: {  	[sflag:s13] =	ssyncadd.s32 $0xFFFFFFF0  }
0x97: {  	[tilespmem:$0x19000] =	vst v1  }
0x98: {  	[hbm4b:s10+s4] =	stream.linear.scatter [tilespmem:s18], [sflag:$0x1], $0x10, $0x38;
	[tilespmem:$0x19080] =	vst v63  }
0x99: {  	_ =	swait.ge [sflag:s13], $0x10  }
0x9a: {  	s19 =	sadd.s32 $0x1, s19;
	[sflag:s13] =	ssyncset.done $0x0  }
0x9b: {  	p0 =	sne.s32 s19, s12;
	[sflag:s13] =	ssyncadd.s32 $0xFFFFFFF0  }
.Ltmp2:
0x9c: {  	[tilespmem:$0x19000] =	vst v3;
	(pc) =	sbr.rel @p0 .LBB2_1-.Ltmp2, $4  }
0x9d: {  	[hbm4b:s11+s4] =	stream.linear.scatter [tilespmem:s18], [sflag:$0x1], $0x10, $0x38;
	[tilespmem:$0x19080] =	vst v63  }
0x9e: {  	_ =	swait.ge [sflag:s13], $0x10  }
0x9f: {  	[sflag:s13] =	ssyncset.done $0x0  }
0xa0: {  	[sflag:s13] =	ssyncadd.s32 $0xFFFFFFF0  }
0xa1: {  	_ =	sfence.sel $0x180000  }
0xa2: {  	[bflag:$0x0] =	sbarrier.arrive $0xFFFF  }
0xa3: {  	p0 =	sne.s32 s2, $0x0;
	_ =	strace $0x90000050  }
0xa4: {  	s0 =	sadd.s32 @!p0 $0x100000, s0;
	[bflag:$0x2] =	sbarrier.arrive $0xFFFF  }
0xa5: {  	[sflag:s0] =	ssyncadd.tile.s32 @!p0 $0x1;
	_ =	shalt  }
.Lfunc_end2:
_tile_overlayer_lowered:
.L_overlay_start_2:
0xa6: {  	(tag) =	ssettag $0x2  }
0xa7: {  	s0 =	rddreg [dreg:$0x0];
	s2 =	stileid.u32  }
0xa8: {  	s1 =	rddreg [dreg:$0x1];
	p0 =	sne.s32 s2, $0x0  }
0xa9: {  	s3 =	rddreg [dreg:$0x2];
	[bflag:$0x3] =	sbarrier.arrive $0xFFFF;
	s2 =	simm.s32 @!p0 $0x1C01  }
0xaa: {  	[timem:s3], [sflag:s2] =	dma.local @!p0 [hbm:s0], s1  }
0xab: {  	s0 =	simm.s32 @!p0 $0x1  }
0xac: {  	_ =	swait.ge @!p0 [sflag:s0], s1  }
0xad: {  	s1 =	ssub.s32 @!p0 $0x0, s1;
	[sflag:s0] =	ssyncset.done @!p0 $0x0  }
0xae: {  	[sflag:s0] =	ssyncadd.s32 @!p0 s1  }
0xaf: {  	[bflag:$0x3] =	sbarrier.arrive $0xFFFF  }
0xb0: {  	_ =	shalt  }

// kernel: kernel.15.cloned.1.call-start
scs
__scs_entry_jumppad:
0x0: {  	(pc) =	sbr.rel $0x88, $3  }
0x1: {  	(tag) =	ssettag $0x0;
	lr =	simm.s32 $0x1  }
0x2: {  	[smem:$0x3F9D] =	sst lr;
	_ =	strace $0xD0000000  }
0x3: {  	_ = 	snop  }
0x4: {  	_ = 	snop  }
0x5: {  	_ = 	snop  }
0x6: {  	_ = 	snop  }
0x7: {  	_ = 	snop  }
__scs_overlays_trampoline_lowered:
0x8: {  	[smem:$0x3FAC] =	sst s0  }
0x9: {  	[smem:$0x3FAD] =	sst s1  }
0xa: {  	[smem:$0x3FAE] =	sst s2  }
0xb: {  	[smem:$0x3FAF] =	sst s3  }
0xc: {  	[smem:$0x3FB0] =	sst s4  }
0xd: {  	[smem:$0x3FB1] =	sst s5  }
0xe: {  	[smem:$0x3FB2] =	sst s6  }
0xf: {  	[smem:$0x3FB3] =	sst s7  }
0x10: {  	[smem:$0x3FB4] =	sst s8  }
0x11: {  	[smem:$0x3FB5] =	sst s9;
	s0 =	simm.s32 @!p0 $0x0  }
0x12: {  	s1 =	sld [smem:$0x3F9B];
	s0 =	simm.s32 @p0 $0x1  }
0x13: {  	[smem:$0x3FB6] =	sst s0;
	s0 =	simm.s32 @!p1 $0x0  }
0x14: {  	s2 =	sld [smem:$0x3F9A];
	s0 =	simm.s32 @p1 $0x1  }
0x15: {  	[smem:$0x3FB7] =	sst s0;
	s0 =	simm.s32 @!p2 $0x0  }
0x16: {  	s3 =	sld [smem:$0x3FDB];
	s0 =	simm.s32 @p2 $0x1  }
0x17: {  	s4 =	simm.s32 $0x1BF5;
	[smem:$0x3FB9] =	sst s0  }
0x18: {  	s0 =	sld [smem:$0x3F9C];
	_ =	swait.ge [sflag:s4], $0x0  }
0x19: {  	s7 =	sld [smem:$0x3F9D]  }
0x1a: {  	s8 =	sadd.s32 $0xFFFFE003, lr  }
0x1b: {  	s9 =	sadd.s32 $0xFFFFFEF7, lr;
	s5 =	simm.s32 $0xFFFFFFFF;
	p2 =	slt.u32 s8, $0xFFFFF086  }
0x1c: {  	p1 =	slt.u32 s9, $0xF7A;
	s5 =	simm.s32 @!p2 $0x0  }
0x1d: {  	s5 =	simm.s32 @p1 $0x1;
	p0 =	seq.s32 s7, s2  }
0x1e: {  	s7 =	smul.u32 @!p0 $0xF7A, s2;
	p2 =	seq.s32 @!p0 s5, $0x0  }
0x1f: {  	s9 =	smul.u32 $0xF7A, s1;
	s8 =	simm.s32 @!p0 $0x1BF5;
	p2 =	por !p2, p0  }
0x20: {  	[sflag:s8] =	ssyncset.s32 @!p0 $0xFFFFF086;
	s6 =	sadd.s32 @!p0 s3, s7;
	s7 =	simm.s32 @!p0 $0x108  }
0x21: {  	s3 =	sadd.s32 s3, s9;
	s6 =	sadd.s32 @!p0 $0x88, s6;
	s7 =	simm.s32 @p2 $0x1082  }
0x22: {  	[simem:s7], [sflag:s8] =	dma.local @!p0 [hbm:s6], $0xF7A  }
0x23: {  	s9 =	sor.u32 $0xD0000000, s2;
	s6 =	simm.s32 $0x108;
	_ =	swait.ge @!p0 [sflag:s8], $0x0  }
0x24: {  	s3 =	sadd.s32 $0x88, s3;
	s6 =	simm.s32 @!p1 $0x1082;
	[sflag:s4] =	ssyncset.s32 $0xFFFFF086  }
0x25: {  	[simem:s6], [sflag:s4] =	dma.local [hbm:s3], $0xF7A  }
0x26: {  	[smem:$0x3F9D] =	sst s1;
	(tag) =	ssettag s2;
	_ =	strace s9  }
0x27: {  	s1 =	sld [smem:$0x3FAD]  }
0x28: {  	s2 =	sld [smem:$0x3FAE]  }
0x29: {  	s4 =	sld [smem:$0x3FB0]  }
0x2a: {  	p0 =	seq.s32 s5, $0x0;
	s5 =	sld [smem:$0x3FB1]  }
0x2b: {  	s6 =	sld [smem:$0x3FB2]  }
0x2c: {  	s7 =	sld [smem:$0x3FB3]  }
0x2d: {  	s3 =	simm.s32 $0x108;
	s8 =	sld [smem:$0x3FB4]  }
0x2e: {  	s3 =	simm.s32 @!p0 $0x1082;
	s9 =	sld [smem:$0x3FB5]  }
0x2f: {  	lr =	sadd.s32 s0, s3;
	s0 =	sld [smem:$0x3FAC]  }
0x30: {  	s3 =	sld [smem:$0x3FAF]  }
0x31: {  	[smem:$0x3FB8] =	sst s10  }
0x32: {  	s10 =	sld [smem:$0x3FB6];
	_ =	sdelay $0x3  }
0x33: {  	p0 =	seq.s32 s10, $0x1;
	s10 =	sld [smem:$0x3FB8];
	_ =	sdelay $0x3  }
0x34: {  	[smem:$0x3FB8] =	sst s10  }
0x35: {  	s10 =	sld [smem:$0x3FB7];
	_ =	sdelay $0x3  }
0x36: {  	p1 =	seq.s32 s10, $0x1;
	s10 =	sld [smem:$0x3FB8];
	_ =	sdelay $0x3  }
0x37: {  	[smem:$0x3FB8] =	sst s10  }
0x38: {  	s10 =	sld [smem:$0x3FB9]  }
0x39: {  	_ = 	snop;
	(pc) =	sbr.ind lr, $3  }
0x3a: {  	_ = 	snop  }
0x3b: {  	_ = 	snop  }
0x3c: {  	p2 =	seq.s32 s10, $0x1;
	s10 =	sld [smem:$0x3FB8]  }
0x3d: {  	_ =	shalt  }
0x3e: {  	_ =	shalt  }
0x3f: {  	_ =	shalt  }
0x40: {  	_ =	shalt  }
0x41: {  	_ =	shalt  }
0x42: {  	_ =	shalt  }
0x43: {  	_ =	shalt  }
0x44: {  	_ =	shalt  }
0x45: {  	_ =	shalt  }
0x46: {  	_ =	shalt  }
0x47: {  	_ =	shalt  }
0x48: {  	_ =	shalt  }
0x49: {  	_ =	shalt  }
0x4a: {  	_ =	shalt  }
0x4b: {  	_ =	shalt  }
0x4c: {  	_ =	shalt  }
0x4d: {  	_ =	shalt  }
0x4e: {  	_ =	shalt  }
0x4f: {  	_ =	shalt  }
0x50: {  	_ =	shalt  }
0x51: {  	_ =	shalt  }
0x52: {  	_ =	shalt  }
0x53: {  	_ =	shalt  }
0x54: {  	_ =	shalt  }
0x55: {  	_ =	shalt  }
0x56: {  	_ =	shalt  }
0x57: {  	_ =	shalt  }
0x58: {  	_ =	shalt  }
0x59: {  	_ =	shalt  }
0x5a: {  	_ =	shalt  }
0x5b: {  	_ =	shalt  }
0x5c: {  	_ =	shalt  }
0x5d: {  	_ =	shalt  }
0x5e: {  	_ =	shalt  }
0x5f: {  	_ =	shalt  }
0x60: {  	_ =	shalt  }
0x61: {  	_ =	shalt  }
0x62: {  	_ =	shalt  }
0x63: {  	_ =	shalt  }
0x64: {  	_ =	shalt  }
0x65: {  	_ =	shalt  }
0x66: {  	_ =	shalt  }
0x67: {  	_ =	shalt  }
0x68: {  	_ =	shalt  }
0x69: {  	_ =	shalt  }
0x6a: {  	_ =	shalt  }
0x6b: {  	_ =	shalt  }
0x6c: {  	_ =	shalt  }
0x6d: {  	_ =	shalt  }
0x6e: {  	_ =	shalt  }
0x6f: {  	_ =	shalt  }
0x70: {  	_ =	shalt  }
0x71: {  	_ =	shalt  }
0x72: {  	_ =	shalt  }
0x73: {  	_ =	shalt  }
0x74: {  	_ =	shalt  }
0x75: {  	_ =	shalt  }
0x76: {  	_ =	shalt  }
0x77: {  	_ =	shalt  }
0x78: {  	_ =	shalt  }
0x79: {  	_ =	shalt  }
0x7a: {  	_ =	shalt  }
0x7b: {  	_ =	shalt  }
0x7c: {  	_ =	shalt  }
0x7d: {  	_ =	shalt  }
0x7e: {  	_ =	shalt  }
0x7f: {  	_ =	shalt  }
0x80: {  	_ =	shalt  }
0x81: {  	_ =	shalt  }
0x82: {  	_ =	shalt  }
0x83: {  	_ =	shalt  }
0x84: {  	_ =	shalt  }
0x85: {  	_ =	shalt  }
0x86: {  	_ =	shalt  }
0x87: {  	_ =	shalt  }
.Lfunc_end0:
.L_simem_size_0:
called_computation.3_lowered:
.L_overlay_start_0:
0x88: {  	s2 =	sld [smem:$0x3FD9]  }
0x89: {  	s3 =	sld [smem:$0x3FFE];
	_ =	sdelay $0x1  }
0x8a: {  	s1 =	srdreg.scid  }
0x8b: {  	s0 =	sand.u32 $0x1, s1  }
0x8c: {  	s17 =	sshll.u32 s0, $0xA;
	s2 =	sadd.s32 s3, s2  }
0x8d: {  	s2 =	sadd.s32 s2, s17  }
0x8e: {  	[smem:$0x3FC4] =	sst s2  }
0x8f: {  	_ = 	snop  }
0x90: {  	s18 =	sld [smem:$0x3FC7]  }
0x91: {  	s4 =	sld [smem:$0x3FC6];
	(tm) =	ssettm $0x1  }
0x92: {  	s19 =	sld [smem:$0x3FFB];
	_ =	sdelay $0x3  }
0x93: {  	_ =	strace s19  }
0x94: {  	s2 =	sld [smem:$0x3FFC];
	_ =	sdelay $0x3  }
0x95: {  	_ =	strace s2  }
0x96: {  	s2 =	sld [smem:$0x3FFD];
	_ =	sdelay $0x3  }
0x97: {  	_ =	strace s2  }
0x98: {  	_ =	strace $0x8FFFFFFF  }
0x99: {  	s20 =	sld [smem:$0x3FDB];
	_ =	sdelay $0x1  }
0x9a: {  	s5 =	simm.s32 $_scs_section_size  }
0x9b: {  	s6 =	simm.s32 $_size__tile_overlayer_lowered;
	s7 =	simm.s32 $_tile_overlayer_lowered  }
0x9c: {  	s8 =	simm.s32 $0x1BFF;
	s21 =	sshll.u32 s7, $0x1;
	s5 =	sadd.s32 s5, s20  }
0x9d: {  	s22 =	simm.s32 $0x0;
	s6 =	sshll.u32 s6, $0x1;
	s7 =	sadd.s32 s21, s5  }
0x9e: {  	[timem:s22], [sflag:s8] =	dma.local [hbm:s7], s6  }
0x9f: {  	_ =	swait.ge [sflag:s8], s6  }
0xa0: {  	s6 =	ssub.s32 $0x0, s6;
	[sflag:s8] =	ssyncset.done $0x0  }
0xa1: {  	[sflag:s8] =	ssyncadd.s32 s6;
	_ =	sdelay $0x1  }
0xa2: {  	s23 =	simm.s32 $0x1B8B  }
0xa3: {  	_ =	swait.ge [sflag:s23], $0x1  }
0xa4: {  	[sflag:s23] =	ssyncset.done $0x0  }
0xa5: {  	[sflag:s23] =	ssyncadd.s32 $0xFFFFFFFF  }
0xa6: {  	s6 =	sld [smem:$0x0]  }
0xa7: {  	s7 =	sand.u32 $0xFFFFFFFE, s1  }
0xa8: {  	p0 =	sne.s32 s1, s7  }
0xa9: {  	s7 =	sshll.u32 @p0 s7, $0xE  }
0xaa: {  	s7 =	sadd.s32 @p0 $0x11B8D, s7;
	s8 =	sshll.u32 @p0 s6, $0x11  }
0xab: {  	s7 =	sor.u32 @p0 s8, s7  }
0xac: {  	[sflag:s7] =	ssyncadd.remote.s32 @p0 $0x1;
	_ =	sdelay $0x1  }
0xad: {  	s7 =	simm.s32 @p0 $0x1B8D  }
0xae: {  	_ =	swait.eq @p0 [sflag:s7], $0x1  }
0xaf: {  	[sflag:s7] =	ssyncadd.s32 @p0 $0xFFFFFFFF  }
0xb0: {  	s8 =	sshll.u32 @!p0 s1, $0xE  }
0xb1: {  	s8 =	sor.u32 @!p0 $0x4000, s8;
	s7 =	simm.s32 @!p0 $0x1B8D  }
0xb2: {  	s6 =	sshll.u32 @!p0 s6, $0x11;
	s8 =	sadd.s32 @!p0 $0x11B8D, s8;
	_ =	swait.eq @!p0 [sflag:s7], $0x1  }
0xb3: {  	s6 =	sor.u32 @!p0 s6, s8;
	[sflag:s7] =	ssyncadd.s32 @!p0 $0xFFFFFFFF  }
0xb4: {  	s25 =	simm.s32 $0x1B8E;
	s24 =	sld [smem:$0x3FFE];
	[sflag:s6] =	ssyncadd.remote.s32 @!p0 $0x1  }
0xb5: {  	s26 =	simm.s32 $execute0_lowered;
	[smem:$0x3FD2] =	sst s25  }
0xb6: {  	s7 =	sshll.u32 s26, $0x1;
	_ =	strace $0x8000004C;
	[dreg:$0x1] =	wrdreg $0xFFFFFFFF  }
0xb7: {  	s28 =	simm.s32 $_size_execute0_lowered;
	s5 =	sadd.s32 s5, s7;
	[dreg:$0x0] =	wrdreg $0x0  }
0xb8: {  	s7 =	sshll.u32 s28, $0x1;
	[dreg:$0x2] =	wrdreg s5  }
0xb9: {  	[dreg:$0x3] =	wrdreg s7  }
0xba: {  	[dreg:$0x4] =	wrdreg $0xC0  }
0xbb: {  	_ =	task [dreg:s22], $0x5FFFF  }
0xbc: {  	[dreg:$0x1] =	wrdreg $0xFFFFFFFF  }
0xbd: {  	[dreg:$0x0] =	wrdreg $0x60  }
0xbe: {  	[dreg:$0x2] =	wrdreg s24  }
0xbf: {  	[dreg:$0x3] =	wrdreg s18  }
0xc0: {  	[dreg:$0x4] =	wrdreg s4  }
0xc1: {  	[dreg:$0x5] =	wrdreg $0x0  }
0xc2: {  	[dreg:$0x6] =	wrdreg $0x9  }
0xc3: {  	_ =	task.clear_ibuf [dreg:s22], $0x7FFFF;
	_ =	strace $0x9000004C  }
0xc4: {  	s29 =	simm.s32 $0x9;
	_ =	strace $0x8000004E  }
0xc5: {  	_ =	swait.ge [sflag:s29], $0x1  }
0xc6: {  	[sflag:s29] =	ssyncadd.s32 $0xFFFFFFFF  }
0xc7: {  	_ =	strace $0x9000004E  }
0xc8: {  	_ =	sfence  }
0xc9: {  	s30 =	sld [smem:$0x0];
	_ =	sdelay $0x2  }
0xca: {  	s31 =	sshll.u32 s1, $0xD;
	s1 =	sshrl.u32 s1, $0x2  }
0xcb: {  	s4 =	sand.u32 $0x4000, s31;
	s1 =	sadd.s32 s1, s30  }
0xcc: {  	s0 =	sor.u32 s4, s0;
	s1 =	sshll.u32 s1, $0x11  }
0xcd: {  	s0 =	sor.u32 s1, s0  }
0xce: {  	s0 =	sadd.s32 $0x8F2B, s0  }
0xcf: {  	[sflag:s0] =	ssyncadd.remote.s32 $0x1  }
0xd0: {  	_ =	sfence.sel $0xFFFF  }
0xd1: {  	[dreg:$0x0] =	wrdreg $0xFFFFFFFF;
	(pc) =	sbr.abs _section_cstart, $3  }
0xd2: {  	[dreg:$0x1] =	wrdreg $0xFFFFFFFF  }
0xd3: {  	_ =	task.clear_ibuf [dreg:s22], $0x2FFFF;
	_ =	strace $0x9FFFFFFF  }
0xd4: {  	(tm) =	ssettm $0x7FFFFFFF  }
0xd5: {  	_ =	shalt  }
tec
execute0_lowered:
.L_overlay_start_1:
0x0: {  	(tag) =	ssettag $0x1  }
0x1: {  	s0 =	rddreg [dreg:$0x0]  }
0x2: {  	s1 =	rddreg [dreg:$0x1]  }
0x3: {  	s3 =	rddreg [dreg:$0x2]  }
0x4: {  	s4 =	rddreg [dreg:$0x3]  }
0x5: {  	s2 =	srdreg.scid;
	s12 =	stileid.u32;
	s5 =	simm.s32 $0x0  }
0x6: {  	s16 =	simm.s32 $0x14000;
	s17 =	simm.s32 $0x9;
	s18 =	simm.s32 $0x16000  }
0x7: {  	s19 =	simm.s32 $0x18000;
	s21 =	simm.s32 $0x8000;
	s22 =	simm.s32 $0x6000  }
0x8: {  	s23 =	simm.s32 $0xA000;
	s30 =	simm.s32 $0x2;
	s31 =	simm.s32 $0x4  }
0x9: {  	s13 =	simm.s32 $0x6;
	s14 =	simm.s32 $0x8;
	s2 =	sand.u32 $0x1, s2  }
0xa: {  	s6 =	sshll.u32 s12, $0x1;
	[smem:$0x7FF] =	sst s5;
	s7 =	sadd.s32 $0x60200, s0  }
0xb: {  	s8 =	sor.u32 s2, s6;
	_ =	strace $0x8000004D;
	s2 =	ssub.s32 $0x2, s2  }
0xc: {  	s6 =	smul.u32 $0xA0000, s8;
	s8 =	sshll.u32 s8, $0x1;
	s9 =	sshrl.u32 s2, $0x1  }
0xd: {  	s10 =	sadd.s32 s8, s0;
	s2 =	ssub.s32 s2, s9;
	s8 =	sshll.u32 s12, $0xE  }
0xe: {  	s9 =	sadd.s32 $0x68200, s0;
	s12 =	simm.s32 $0x7;
	s28 =	sadd.s32 $0x73200, s10  }
0xf: {  	s11 =	sshrl.u32 s6, $0x3;
	s29 =	smax.u32 s2, $0x1;
	[dreg:$0x9] =	wrdreg s28  }
0x10: {  	s2 =	simm.s32 $0x0;
	s25 =	sadd.s32 s1, s11;
	[dreg:$0xa] =	wrdreg s29  }
0x11: {  	s24 =	sor.u32 $0x400, s11;
	s11 =	sadd.s32 s3, s11;
	[dreg:$0x5] =	wrdreg s25  }
0x12: {  	[dreg:$0x6] =	wrdreg s11;
	s26 =	sadd.s32 s1, s24;
	s0 =	sadd.s32 s3, s24  }
0x13: {  	s24 =	simm.s32 $0x1;
	s25 =	simm.s32 $0x3;
	[dreg:$0x7] =	wrdreg s26  }
0x14: {  	s11 =	simm.s32 $0x5;
	[dreg:$0x8] =	wrdreg s0;
	s26 =	simm.s32 $0x2000  }
.LBB2_1:
0x15: {  	[dreg:$0xb] =	wrdreg s2;
	p1 =	por $0x1, $0x1;
	s0 =	simm.s32 $0x0  }
.LBB2_2:
0x16: {  	s15 =	sor.u32 s8, s0  }
0x17: {  	s0 =	sshrl.u32 s15, $0x3  }
0x18: {  	s2 =	sadd.s32 s7, s0  }
0x19: {  	[tilespmem:s16], [sflag:$0x9] =	stream.linear.gather [hbm4b:s2+s5], $0x2000, $0x38;
	[tilespmem:$0x1C080] =	vst v63  }
0x1a: {  	_ =	swait.ge [sflag:s17], $0x2000  }
0x1b: {  	[sflag:s17] =	ssyncset.done $0x0  }
0x1c: {  	s0 =	sadd.s32 s0, s9;
	[sflag:s17] =	ssyncadd.s32 $0xFFFFE000  }
0x1d: {  	[tilespmem:s18], [sflag:$0x9] =	stream.linear.gather [hbm4b:s0+s5], $0x2000, $0x38;
	[tilespmem:$0x1C080] =	vst v63  }
0x1e: {  	_ =	swait.ge [sflag:s17], $0x2000  }
0x1f: {  	[sflag:s17] =	ssyncset.done $0x0  }
0x20: {  	s28 =	simm.s32 $0x14040;
	[sflag:s17] =	ssyncadd.s32 $0xFFFFE000  }
0x21: {  	s29 =	simm.s32 $0x16040;
	v0 =	vld [tilespmem:s28+$0xFFFFFFC0]  }
0x22: {  	v1 =	vld [tilespmem:s29+$0xFFFFFFC0];
	_ =	sdelay $0x4  }
0x23: {  	v2 =	vshrl.u32 v0, $0x10;
	v3 =	vshrl.u32 v1, $0x10  }
0x24: {  	v2 =	vand.u32 $0x1, v2;
	v3 =	vand.u32 $0x1, v3  }
0x25: {  	v0 =	vadd.s32 v2, v0;
	v1 =	vadd.s32 v3, v1  }
0x26: {  	v0 =	vadd.s32 $0x7FFF, v0;
	v1 =	vadd.s32 $0x7FFF, v1  }
0x27: {  	v0 =	vshrl.u32 v0, $0x10;
	v1 =	vand.u32 $0xFFFF0000, v1  }
0x28: {  	s0 =	simm.s32 $0x18040;
	v0 =	vor.u32 v0, v1  }
0x29: {  	[tilespmem:s0+$0xFFFFFFC0] =	vst v0  }
0x2a: {  	v0 =	vld [tilespmem:s28+$0xFFFFFFD0]  }
0x2b: {  	v1 =	vld [tilespmem:s29+$0xFFFFFFD0];
	_ =	sdelay $0x4  }
0x2c: {  	v2 =	vshrl.u32 v0, $0x10;
	v3 =	vshrl.u32 v1, $0x10  }
0x2d: {  	v2 =	vand.u32 $0x1, v2;
	v3 =	vand.u32 $0x1, v3  }
0x2e: {  	v0 =	vadd.s32 v2, v0;
	v1 =	vadd.s32 v3, v1  }
0x2f: {  	v0 =	vadd.s32 $0x7FFF, v0;
	v1 =	vadd.s32 $0x7FFF, v1  }
0x30: {  	v0 =	vshrl.u32 v0, $0x10;
	v1 =	vand.u32 $0xFFFF0000, v1  }
0x31: {  	v0 =	vor.u32 v0, v1  }
0x32: {  	[tilespmem:s0+$0xFFFFFFD0] =	vst v0  }
0x33: {  	v0 =	vld [tilespmem:s28+$0xFFFFFFE0]  }
0x34: {  	v1 =	vld [tilespmem:s29+$0xFFFFFFE0];
	_ =	sdelay $0x4  }
0x35: {  	v2 =	vshrl.u32 v0, $0x10;
	v3 =	vshrl.u32 v1, $0x10  }
0x36: {  	v2 =	vand.u32 $0x1, v2;
	v3 =	vand.u32 $0x1, v3  }
0x37: {  	v0 =	vadd.s32 v2, v0;
	v1 =	vadd.s32 v3, v1  }
0x38: {  	v0 =	vadd.s32 $0x7FFF, v0;
	v1 =	vadd.s32 $0x7FFF, v1  }
0x39: {  	v0 =	vshrl.u32 v0, $0x10;
	v1 =	vand.u32 $0xFFFF0000, v1  }
0x3a: {  	v0 =	vor.u32 v0, v1  }
0x3b: {  	[tilespmem:s0+$0xFFFFFFE0] =	vst v0  }
0x3c: {  	v0 =	vld [tilespmem:s28+$0xFFFFFFF0]  }
0x3d: {  	v1 =	vld [tilespmem:s29+$0xFFFFFFF0];
	_ =	sdelay $0x4  }
0x3e: {  	v2 =	vshrl.u32 v0, $0x10;
	v3 =	vshrl.u32 v1, $0x10  }
0x3f: {  	v2 =	vand.u32 $0x1, v2;
	v3 =	vand.u32 $0x1, v3  }
0x40: {  	v0 =	vadd.s32 v2, v0;
	v1 =	vadd.s32 v3, v1  }
0x41: {  	v0 =	vadd.s32 $0x7FFF, v0;
	v1 =	vadd.s32 $0x7FFF, v1  }
0x42: {  	v0 =	vshrl.u32 v0, $0x10;
	v1 =	vand.u32 $0xFFFF0000, v1  }
0x43: {  	v0 =	vor.u32 v0, v1  }
0x44: {  	[tilespmem:s0+$0xFFFFFFF0] =	vst v0  }
0x45: {  	v0 =	vld [tilespmem:s28+$0x0]  }
0x46: {  	v1 =	vld [tilespmem:s29+$0x0];
	_ =	sdelay $0x4  }
0x47: {  	v2 =	vshrl.u32 v0, $0x10;
	v3 =	vshrl.u32 v1, $0x10  }
0x48: {  	v2 =	vand.u32 $0x1, v2;
	v3 =	vand.u32 $0x1, v3  }
0x49: {  	v0 =	vadd.s32 v2, v0;
	v1 =	vadd.s32 v3, v1  }
0x4a: {  	v0 =	vadd.s32 $0x7FFF, v0;
	v1 =	vadd.s32 $0x7FFF, v1  }
0x4b: {  	v0 =	vshrl.u32 v0, $0x10;
	v1 =	vand.u32 $0xFFFF0000, v1  }
0x4c: {  	v0 =	vor.u32 v0, v1  }
0x4d: {  	[tilespmem:s0+$0x0] =	vst v0  }
0x4e: {  	v0 =	vld [tilespmem:s28+$0x10]  }
0x4f: {  	v1 =	vld [tilespmem:s29+$0x10];
	_ =	sdelay $0x4  }
0x50: {  	v2 =	vshrl.u32 v0, $0x10;
	v3 =	vshrl.u32 v1, $0x10  }
0x51: {  	v2 =	vand.u32 $0x1, v2;
	v3 =	vand.u32 $0x1, v3  }
0x52: {  	v0 =	vadd.s32 v2, v0;
	v1 =	vadd.s32 v3, v1  }
0x53: {  	v0 =	vadd.s32 $0x7FFF, v0;
	v1 =	vadd.s32 $0x7FFF, v1  }
0x54: {  	v0 =	vshrl.u32 v0, $0x10;
	v1 =	vand.u32 $0xFFFF0000, v1  }
0x55: {  	v0 =	vor.u32 v0, v1  }
0x56: {  	[tilespmem:s0+$0x10] =	vst v0  }
0x57: {  	v0 =	vld [tilespmem:s28+$0x20]  }
0x58: {  	v1 =	vld [tilespmem:s29+$0x20];
	_ =	sdelay $0x4  }
0x59: {  	v2 =	vshrl.u32 v0, $0x10;
	v3 =	vshrl.u32 v1, $0x10  }
0x5a: {  	v2 =	vand.u32 $0x1, v2;
	v3 =	vand.u32 $0x1, v3  }
0x5b: {  	v0 =	vadd.s32 v2, v0;
	v1 =	vadd.s32 v3, v1  }
0x5c: {  	v0 =	vadd.s32 $0x7FFF, v0;
	v1 =	vadd.s32 $0x7FFF, v1  }
0x5d: {  	v0 =	vshrl.u32 v0, $0x10;
	v1 =	vand.u32 $0xFFFF0000, v1  }
0x5e: {  	v0 =	vor.u32 v0, v1  }
0x5f: {  	[tilespmem:s0+$0x20] =	vst v0  }
0x60: {  	v0 =	vld [tilespmem:s28+$0x30]  }
0x61: {  	v1 =	vld [tilespmem:s29+$0x30];
	_ =	sdelay $0x2  }
0x62: {  	p0 =	por p1, p1;
	s10 =	simm.s32 $0x180C0;
	s2 =	simm.s32 $0x0  }
.LBB2_3:
0x63: {  	s2 =	sadd.s32 $0x8, s2;
	v2 =	vshrl.u32 v0, $0x10;
	s28 =	sadd.s32 $0x80, s28;
	s29 =	sadd.s32 $0x80, s29  }
0x64: {  	p1 =	slt.u32 s2, $0x1F8;
	v2 =	vand.u32 $0x1, v2;
	v3 =	vshrl.u32 v1, $0x10  }
0x65: {  	v0 =	vadd.s32 v2, v0;
	v2 =	vand.u32 $0x1, v3  }
0x66: {  	v0 =	vadd.s32 $0x7FFF, v0;
	v1 =	vadd.s32 v2, v1  }
0x67: {  	v0 =	vshrl.u32 v0, $0x10;
	v1 =	vadd.s32 $0x7FFF, v1  }
0x68: {  	v1 =	vand.u32 $0xFFFF0000, v1  }
0x69: {  	v0 =	vor.u32 v0, v1  }
0x6a: {  	[tilespmem:s0+$0x30] =	vst v0;
	s0 =	smov.u32 s10  }
0x6b: {  	v0 =	vld [tilespmem:s28+$0xFFFFFFC0]  }
0x6c: {  	v1 =	vld [tilespmem:s29+$0xFFFFFFC0];
	_ =	sdelay $0x3  }
0x6d: {  	v2 =	vshrl.u32 v0, $0x10  }
0x6e: {  	v2 =	vand.u32 $0x1, v2;
	v3 =	vshrl.u32 v1, $0x10  }
0x6f: {  	v0 =	vadd.s32 v2, v0;
	v2 =	vand.u32 $0x1, v3  }
0x70: {  	v0 =	vadd.s32 $0x7FFF, v0;
	v1 =	vadd.s32 v2, v1  }
0x71: {  	v1 =	vadd.s32 $0x7FFF, v1  }
0x72: {  	v0 =	vshrl.u32 v0, $0x10;
	v1 =	vand.u32 $0xFFFF0000, v1  }
0x73: {  	v0 =	vor.u32 v0, v1  }
0x74: {  	[tilespmem:s10+$0xFFFFFFC0] =	vst v0  }
0x75: {  	v0 =	vld [tilespmem:s28+$0xFFFFFFD0]  }
0x76: {  	v1 =	vld [tilespmem:s29+$0xFFFFFFD0];
	_ =	sdelay $0x3  }
0x77: {  	v2 =	vshrl.u32 v0, $0x10  }
0x78: {  	v2 =	vand.u32 $0x1, v2;
	v3 =	vshrl.u32 v1, $0x10  }
0x79: {  	v0 =	vadd.s32 v2, v0;
	v2 =	vand.u32 $0x1, v3  }
0x7a: {  	v0 =	vadd.s32 $0x7FFF, v0;
	v1 =	vadd.s32 v2, v1  }
0x7b: {  	v0 =	vshrl.u32 v0, $0x10;
	v1 =	vadd.s32 $0x7FFF, v1  }
0x7c: {  	v1 =	vand.u32 $0xFFFF0000, v1  }
0x7d: {  	v0 =	vor.u32 v0, v1  }
0x7e: {  	[tilespmem:s10+$0xFFFFFFD0] =	vst v0  }
0x7f: {  	v0 =	vld [tilespmem:s28+$0xFFFFFFE0]  }
0x80: {  	v1 =	vld [tilespmem:s29+$0xFFFFFFE0];
	_ =	sdelay $0x3  }
0x81: {  	v2 =	vshrl.u32 v0, $0x10  }
0x82: {  	v2 =	vand.u32 $0x1, v2;
	v3 =	vshrl.u32 v1, $0x10  }
0x83: {  	v0 =	vadd.s32 v2, v0;
	v2 =	vand.u32 $0x1, v3  }
0x84: {  	v0 =	vadd.s32 $0x7FFF, v0;
	v1 =	vadd.s32 v2, v1  }
0x85: {  	v0 =	vshrl.u32 v0, $0x10;
	v1 =	vadd.s32 $0x7FFF, v1  }
0x86: {  	v1 =	vand.u32 $0xFFFF0000, v1  }
0x87: {  	v0 =	vor.u32 v0, v1  }
0x88: {  	[tilespmem:s10+$0xFFFFFFE0] =	vst v0  }
0x89: {  	v0 =	vld [tilespmem:s28+$0xFFFFFFF0]  }
0x8a: {  	v1 =	vld [tilespmem:s29+$0xFFFFFFF0];
	_ =	sdelay $0x3  }
0x8b: {  	v2 =	vshrl.u32 v0, $0x10  }
0x8c: {  	v2 =	vand.u32 $0x1, v2;
	v3 =	vshrl.u32 v1, $0x10  }
0x8d: {  	v0 =	vadd.s32 v2, v0;
	v2 =	vand.u32 $0x1, v3  }
0x8e: {  	v0 =	vadd.s32 $0x7FFF, v0;
	v1 =	vadd.s32 v2, v1  }
0x8f: {  	v0 =	vshrl.u32 v0, $0x10;
	v1 =	vadd.s32 $0x7FFF, v1  }
0x90: {  	v1 =	vand.u32 $0xFFFF0000, v1  }
0x91: {  	v0 =	vor.u32 v0, v1  }
0x92: {  	[tilespmem:s10+$0xFFFFFFF0] =	vst v0  }
0x93: {  	v0 =	vld [tilespmem:s28+$0x0]  }
0x94: {  	v1 =	vld [tilespmem:s29+$0x0];
	_ =	sdelay $0x3  }
0x95: {  	v2 =	vshrl.u32 v0, $0x10  }
0x96: {  	v2 =	vand.u32 $0x1, v2;
	v3 =	vshrl.u32 v1, $0x10  }
0x97: {  	v0 =	vadd.s32 v2, v0;
	v2 =	vand.u32 $0x1, v3  }
0x98: {  	v0 =	vadd.s32 $0x7FFF, v0;
	v1 =	vadd.s32 v2, v1  }
0x99: {  	v0 =	vshrl.u32 v0, $0x10;
	v1 =	vadd.s32 $0x7FFF, v1  }
0x9a: {  	v1 =	vand.u32 $0xFFFF0000, v1  }
0x9b: {  	v0 =	vor.u32 v0, v1  }
0x9c: {  	[tilespmem:s10+$0x0] =	vst v0  }
0x9d: {  	v0 =	vld [tilespmem:s28+$0x10]  }
0x9e: {  	v1 =	vld [tilespmem:s29+$0x10];
	_ =	sdelay $0x3  }
0x9f: {  	v2 =	vshrl.u32 v0, $0x10  }
0xa0: {  	v2 =	vand.u32 $0x1, v2;
	v3 =	vshrl.u32 v1, $0x10  }
0xa1: {  	v0 =	vadd.s32 v2, v0;
	v2 =	vand.u32 $0x1, v3  }
0xa2: {  	v0 =	vadd.s32 $0x7FFF, v0;
	v1 =	vadd.s32 v2, v1  }
0xa3: {  	v0 =	vshrl.u32 v0, $0x10;
	v1 =	vadd.s32 $0x7FFF, v1  }
0xa4: {  	v1 =	vand.u32 $0xFFFF0000, v1  }
0xa5: {  	v0 =	vor.u32 v0, v1  }
0xa6: {  	[tilespmem:s10+$0x10] =	vst v0  }
0xa7: {  	v0 =	vld [tilespmem:s28+$0x20]  }
0xa8: {  	v1 =	vld [tilespmem:s29+$0x20];
	_ =	sdelay $0x3  }
0xa9: {  	v2 =	vshrl.u32 v0, $0x10  }
0xaa: {  	v2 =	vand.u32 $0x1, v2;
	v3 =	vshrl.u32 v1, $0x10  }
0xab: {  	v0 =	vadd.s32 v2, v0;
	v2 =	vand.u32 $0x1, v3  }
0xac: {  	v0 =	vadd.s32 $0x7FFF, v0;
	v1 =	vadd.s32 v2, v1  }
0xad: {  	v0 =	vshrl.u32 v0, $0x10;
	v1 =	vadd.s32 $0x7FFF, v1  }
0xae: {  	v1 =	vand.u32 $0xFFFF0000, v1  }
0xaf: {  	v0 =	vor.u32 v0, v1  }
0xb0: {  	[tilespmem:s10+$0x20] =	vst v0  }
.Ltmp0:
0xb1: {  	v0 =	vld [tilespmem:s28+$0x30];
	(pc) =	sbr.rel @p1 .LBB2_3-.Ltmp0, $2  }
0xb2: {  	v1 =	vld [tilespmem:s29+$0x30];
	_ =	sdelay $0x2  }
0xb3: {  	s10 =	sadd.s32 $0x80, s10  }
0xb4: {  	_ = 	snop  }
0xb5: {  	v2 =	vshrl.u32 v0, $0x10;
	v3 =	vshrl.u32 v1, $0x10  }
0xb6: {  	v2 =	vand.u32 $0x1, v2;
	v3 =	vand.u32 $0x1, v3  }
0xb7: {  	v62 =	vadd.s32 v2, v0;
	v63 =	vadd.s32 v3, v1  }
0xb8: {  	v0 =	vadd.s32 $0x7FFF, v62;
	v1 =	vadd.s32 $0x7FFF, v63  }
0xb9: {  	v0 =	vshrl.u32 v0, $0x10;
	v1 =	vand.u32 $0xFFFF0000, v1  }
0xba: {  	v0 =	vor.u32 v0, v1  }
.Ltmp1:
0xbb: {  	s29 =	sadd.s32 s15, s4;
	[tilespmem:s0+$0x30] =	vst v0;
	(pc) =	sbr.rel @p0 .LBB2_2-.Ltmp1, $4  }
0xbc: {  	[spmem:s29] =	stream.linear.scatter [tilespmem:s19], [sflag:$0x9], $0x2000, $0x38;
	[tilespmem:$0x1C080] =	vst v63  }
0xbd: {  	_ =	swait.ge [sflag:s17], $0x2000  }
0xbe: {  	[sflag:s17] =	ssyncset.done $0x0  }
0xbf: {  	p1 =	por $0x0, $0x0;
	s0 =	simm.s32 $0x2000;
	[sflag:s17] =	ssyncadd.s32 $0xFFFFE000  }
0xc0: {  	[bflag:$0x0] =	sbarrier.arrive $0xFFFF  }
0xc1: {  	s15 =	simm.s32 $0x0;
	s2 =	simm.s32 $0x4000;
	s0 =	rddreg [dreg:$0x5]  }
0xc2: {  	[tilespmem:s2], [sflag:$0x1] =	stream.linear.gather [hbm4b:s0+s15], $0x2000, $0x38;
	[tilespmem:$0x1C080] =	vst v63  }
0xc3: {  	s20 =	rddreg [dreg:$0x6]  }
0xc4: {  	[tilespmem:s21], [sflag:$0x3] =	stream.linear.gather [hbm4b:s20+s15], $0x2000, $0x38;
	[tilespmem:$0x1C080] =	vst v63  }
0xc5: {  	s28 =	rddreg [dreg:$0x7]  }
0xc6: {  	[tilespmem:s22], [sflag:$0x2] =	stream.linear.gather [hbm4b:s28+s15], $0x2000, $0x38;
	[tilespmem:$0x1C080] =	vst v63  }
0xc7: {  	s29 =	rddreg [dreg:$0x8]  }
0xc8: {  	v0 =	vimm.f32 $0.0e+00;
	[tilespmem:s23], [sflag:$0x4] =	stream.linear.gather [hbm4b:s29+s15], $0x2000, $0x38;
	[tilespmem:$0x1C080] =	vst v63  }
.LBB2_6:
0xc9: {  	_ =	swait.ge [sflag:s24], $0x2000  }
0xca: {  	[sflag:s24] =	ssyncset.done $0x0  }
0xcb: {  	[sflag:s24] =	ssyncadd.s32 $0xFFFFE000  }
0xcc: {  	_ =	swait.ge [sflag:s25], $0x2000  }
0xcd: {  	[sflag:s25] =	ssyncset.done $0x0  }
0xce: {  	s0 =	simm.s32 $0x4040;
	[sflag:s25] =	ssyncadd.s32 $0xFFFFE000  }
0xcf: {  	v1 =	vld [tilespmem:s0+$0xFFFFFFC0];
	_ =	sdelay $0x4  }
0xd0: {  	s2 =	simm.s32 $0xC040;
	v1 =	vand.u32 $0x3FFFF, v1  }
0xd1: {  	s20 =	simm.s32 $0x8040;
	[tilespmem:s2+$0xFFFFFFC0] =	vst v1  }
0xd2: {  	v1 =	vld [tilespmem:s20+$0xFFFFFFC0];
	_ =	sdelay $0x4  }
0xd3: {  	s10 =	simm.s32 $0x10040;
	v1 =	vand.u32 $0x3FFFF, v1  }
0xd4: {  	[tilespmem:s10+$0xFFFFFFC0] =	vst v1  }
0xd5: {  	v1 =	vld [tilespmem:s0+$0xFFFFFFD0];
	_ =	sdelay $0x4  }
0xd6: {  	v1 =	vand.u32 $0x3FFFF, v1  }
0xd7: {  	[tilespmem:s2+$0xFFFFFFD0] =	vst v1  }
0xd8: {  	v1 =	vld [tilespmem:s20+$0xFFFFFFD0];
	_ =	sdelay $0x4  }
0xd9: {  	v1 =	vand.u32 $0x3FFFF, v1  }
0xda: {  	[tilespmem:s10+$0xFFFFFFD0] =	vst v1  }
0xdb: {  	v1 =	vld [tilespmem:s0+$0xFFFFFFE0];
	_ =	sdelay $0x4  }
0xdc: {  	v1 =	vand.u32 $0x3FFFF, v1  }
0xdd: {  	[tilespmem:s2+$0xFFFFFFE0] =	vst v1  }
0xde: {  	v1 =	vld [tilespmem:s20+$0xFFFFFFE0];
	_ =	sdelay $0x4  }
0xdf: {  	v1 =	vand.u32 $0x3FFFF, v1  }
0xe0: {  	[tilespmem:s10+$0xFFFFFFE0] =	vst v1  }
0xe1: {  	v1 =	vld [tilespmem:s0+$0xFFFFFFF0];
	_ =	sdelay $0x4  }
0xe2: {  	v1 =	vand.u32 $0x3FFFF, v1  }
0xe3: {  	[tilespmem:s2+$0xFFFFFFF0] =	vst v1  }
0xe4: {  	v1 =	vld [tilespmem:s20+$0xFFFFFFF0];
	_ =	sdelay $0x4  }
0xe5: {  	v1 =	vand.u32 $0x3FFFF, v1  }
0xe6: {  	[tilespmem:s10+$0xFFFFFFF0] =	vst v1  }
0xe7: {  	v1 =	vld [tilespmem:s0+$0x0];
	_ =	sdelay $0x4  }
0xe8: {  	v1 =	vand.u32 $0x3FFFF, v1  }
0xe9: {  	[tilespmem:s2+$0x0] =	vst v1  }
0xea: {  	v1 =	vld [tilespmem:s20+$0x0];
	_ =	sdelay $0x4  }
0xeb: {  	v1 =	vand.u32 $0x3FFFF, v1  }
0xec: {  	[tilespmem:s10+$0x0] =	vst v1  }
0xed: {  	v1 =	vld [tilespmem:s0+$0x10];
	_ =	sdelay $0x4  }
0xee: {  	v1 =	vand.u32 $0x3FFFF, v1  }
0xef: {  	[tilespmem:s2+$0x10] =	vst v1  }
0xf0: {  	v1 =	vld [tilespmem:s20+$0x10];
	_ =	sdelay $0x4  }
0xf1: {  	v1 =	vand.u32 $0x3FFFF, v1  }
0xf2: {  	[tilespmem:s10+$0x10] =	vst v1  }
0xf3: {  	v1 =	vld [tilespmem:s0+$0x20];
	_ =	sdelay $0x4  }
0xf4: {  	v1 =	vand.u32 $0x3FFFF, v1  }
0xf5: {  	[tilespmem:s2+$0x20] =	vst v1  }
0xf6: {  	v1 =	vld [tilespmem:s20+$0x20];
	_ =	sdelay $0x4  }
0xf7: {  	v1 =	vand.u32 $0x3FFFF, v1  }
0xf8: {  	[tilespmem:s10+$0x20] =	vst v1  }
0xf9: {  	v1 =	vld [tilespmem:s0+$0x30];
	_ =	sdelay $0x4  }
0xfa: {  	v1 =	vand.u32 $0x3FFFF, v1  }
0xfb: {  	[tilespmem:s2+$0x30] =	vst v1  }
0xfc: {  	v1 =	vld [tilespmem:s20+$0x30];
	_ =	sdelay $0x4  }
0xfd: {  	s28 =	simm.s32 $0x0;
	s29 =	simm.s32 $0x80C0;
	s20 =	simm.s32 $0x100C0;
	v1 =	vand.u32 $0x3FFFF, v1  }
.LBB2_7:
0xfe: {  	s28 =	sadd.s32 $0x8, s28;
	[tilespmem:s10+$0x30] =	vst v1;
	s0 =	sadd.s32 $0x80, s0;
	s2 =	sadd.s32 $0x80, s2  }
0xff: {  	s10 =	smov.u32 s20;
	v1 =	vld [tilespmem:s0+$0xFFFFFFC0];
	p0 =	slt.u32 s28, $0x1F8;
	_ =	sdelay $0x4  }
0x100: {  	v1 =	vand.u32 $0x3FFFF, v1  }
0x101: {  	[tilespmem:s2+$0xFFFFFFC0] =	vst v1  }
0x102: {  	v1 =	vld [tilespmem:s29+$0xFFFFFFC0];
	_ =	sdelay $0x4  }
0x103: {  	v1 =	vand.u32 $0x3FFFF, v1  }
0x104: {  	[tilespmem:s20+$0xFFFFFFC0] =	vst v1  }
0x105: {  	v1 =	vld [tilespmem:s0+$0xFFFFFFD0];
	_ =	sdelay $0x4  }
0x106: {  	v1 =	vand.u32 $0x3FFFF, v1  }
0x107: {  	[tilespmem:s2+$0xFFFFFFD0] =	vst v1  }
0x108: {  	v1 =	vld [tilespmem:s29+$0xFFFFFFD0];
	_ =	sdelay $0x4  }
0x109: {  	v1 =	vand.u32 $0x3FFFF, v1  }
0x10a: {  	[tilespmem:s20+$0xFFFFFFD0] =	vst v1  }
0x10b: {  	v1 =	vld [tilespmem:s0+$0xFFFFFFE0];
	_ =	sdelay $0x4  }
0x10c: {  	v1 =	vand.u32 $0x3FFFF, v1  }
0x10d: {  	[tilespmem:s2+$0xFFFFFFE0] =	vst v1  }
0x10e: {  	v1 =	vld [tilespmem:s29+$0xFFFFFFE0];
	_ =	sdelay $0x4  }
0x10f: {  	v1 =	vand.u32 $0x3FFFF, v1  }
0x110: {  	[tilespmem:s20+$0xFFFFFFE0] =	vst v1  }
0x111: {  	v1 =	vld [tilespmem:s0+$0xFFFFFFF0];
	_ =	sdelay $0x4  }
0x112: {  	v1 =	vand.u32 $0x3FFFF, v1  }
0x113: {  	[tilespmem:s2+$0xFFFFFFF0] =	vst v1  }
0x114: {  	v1 =	vld [tilespmem:s29+$0xFFFFFFF0];
	_ =	sdelay $0x4  }
0x115: {  	v1 =	vand.u32 $0x3FFFF, v1  }
0x116: {  	[tilespmem:s20+$0xFFFFFFF0] =	vst v1  }
0x117: {  	v1 =	vld [tilespmem:s0+$0x0];
	_ =	sdelay $0x4  }
0x118: {  	v1 =	vand.u32 $0x3FFFF, v1  }
0x119: {  	[tilespmem:s2+$0x0] =	vst v1  }
0x11a: {  	v1 =	vld [tilespmem:s29+$0x0];
	_ =	sdelay $0x4  }
0x11b: {  	v1 =	vand.u32 $0x3FFFF, v1  }
0x11c: {  	[tilespmem:s20+$0x0] =	vst v1  }
0x11d: {  	v1 =	vld [tilespmem:s0+$0x10];
	_ =	sdelay $0x4  }
0x11e: {  	v1 =	vand.u32 $0x3FFFF, v1  }
0x11f: {  	[tilespmem:s2+$0x10] =	vst v1  }
0x120: {  	v1 =	vld [tilespmem:s29+$0x10];
	_ =	sdelay $0x4  }
0x121: {  	v1 =	vand.u32 $0x3FFFF, v1  }
0x122: {  	[tilespmem:s20+$0x10] =	vst v1  }
0x123: {  	v1 =	vld [tilespmem:s0+$0x20];
	_ =	sdelay $0x4  }
0x124: {  	v1 =	vand.u32 $0x3FFFF, v1  }
0x125: {  	[tilespmem:s2+$0x20] =	vst v1  }
0x126: {  	v1 =	vld [tilespmem:s29+$0x20];
	_ =	sdelay $0x4  }
0x127: {  	v1 =	vand.u32 $0x3FFFF, v1  }
0x128: {  	[tilespmem:s20+$0x20] =	vst v1  }
0x129: {  	v1 =	vld [tilespmem:s0+$0x30];
	_ =	sdelay $0x4  }
0x12a: {  	v1 =	vand.u32 $0x3FFFF, v1  }
0x12b: {  	[tilespmem:s2+$0x30] =	vst v1  }
0x12c: {  	v1 =	vld [tilespmem:s29+$0x30]  }
.Ltmp2:
0x12d: {  	(pc) =	sbr.rel @p0 .LBB2_7-.Ltmp2, $2  }
0x12e: {  	_ =	sdelay $0x2  }
0x12f: {  	s20 =	sadd.s32 $0x80, s20;
	s29 =	sadd.s32 $0x80, s29;
	v1 =	vand.u32 $0x3FFFF, v1  }
0x130: {  	[tilespmem:s10+$0x30] =	vst v1;
	s0 =	simm.s32 $0xC000  }
0x131: {  	[tilespmem:s16], [sflag:$0x5] =	stream.indirect.gather [spmem:s4], $0x1, s0, s26, $0xb8;
	[tilespmem:$0x1C080] =	vst v63  }
0x132: {  	s20 =	simm.s32 $0x10000  }
0x133: {  	[tilespmem:s19], [sflag:$0x7] =	stream.indirect.gather [spmem:s4], $0x1, s20, s26, $0xb8;
	[tilespmem:$0x1C080] =	vst v63  }
0x134: {  	_ =	swait.ge [sflag:s30], $0x2000  }
0x135: {  	[sflag:s30] =	ssyncset.done $0x0  }
0x136: {  	[sflag:s30] =	ssyncadd.s32 $0xFFFFE000  }
0x137: {  	_ =	swait.ge [sflag:s31], $0x2000  }
0x138: {  	[sflag:s31] =	ssyncset.done $0x0  }
0x139: {  	s0 =	simm.s32 $0x6040;
	[sflag:s31] =	ssyncadd.s32 $0xFFFFE000  }
0x13a: {  	v1 =	vld [tilespmem:s0+$0xFFFFFFC0];
	_ =	sdelay $0x4  }
0x13b: {  	s2 =	simm.s32 $0xE040;
	v1 =	vand.u32 $0x3FFFF, v1  }
0x13c: {  	s20 =	simm.s32 $0xA040;
	[tilespmem:s2+$0xFFFFFFC0] =	vst v1  }
0x13d: {  	v1 =	vld [tilespmem:s20+$0xFFFFFFC0];
	_ =	sdelay $0x4  }
0x13e: {  	s10 =	simm.s32 $0x12040;
	v1 =	vand.u32 $0x3FFFF, v1  }
0x13f: {  	[tilespmem:s10+$0xFFFFFFC0] =	vst v1  }
0x140: {  	v1 =	vld [tilespmem:s0+$0xFFFFFFD0];
	_ =	sdelay $0x4  }
0x141: {  	v1 =	vand.u32 $0x3FFFF, v1  }
0x142: {  	[tilespmem:s2+$0xFFFFFFD0] =	vst v1  }
0x143: {  	v1 =	vld [tilespmem:s20+$0xFFFFFFD0];
	_ =	sdelay $0x4  }
0x144: {  	v1 =	vand.u32 $0x3FFFF, v1  }
0x145: {  	[tilespmem:s10+$0xFFFFFFD0] =	vst v1  }
0x146: {  	v1 =	vld [tilespmem:s0+$0xFFFFFFE0];
	_ =	sdelay $0x4  }
0x147: {  	v1 =	vand.u32 $0x3FFFF, v1  }
0x148: {  	[tilespmem:s2+$0xFFFFFFE0] =	vst v1  }
0x149: {  	v1 =	vld [tilespmem:s20+$0xFFFFFFE0];
	_ =	sdelay $0x4  }
0x14a: {  	v1 =	vand.u32 $0x3FFFF, v1  }
0x14b: {  	[tilespmem:s10+$0xFFFFFFE0] =	vst v1  }
0x14c: {  	v1 =	vld [tilespmem:s0+$0xFFFFFFF0];
	_ =	sdelay $0x4  }
0x14d: {  	v1 =	vand.u32 $0x3FFFF, v1  }
0x14e: {  	[tilespmem:s2+$0xFFFFFFF0] =	vst v1  }
0x14f: {  	v1 =	vld [tilespmem:s20+$0xFFFFFFF0];
	_ =	sdelay $0x4  }
0x150: {  	v1 =	vand.u32 $0x3FFFF, v1  }
0x151: {  	[tilespmem:s10+$0xFFFFFFF0] =	vst v1  }
0x152: {  	v1 =	vld [tilespmem:s0+$0x0];
	_ =	sdelay $0x4  }
0x153: {  	v1 =	vand.u32 $0x3FFFF, v1  }
0x154: {  	[tilespmem:s2+$0x0] =	vst v1  }
0x155: {  	v1 =	vld [tilespmem:s20+$0x0];
	_ =	sdelay $0x4  }
0x156: {  	v1 =	vand.u32 $0x3FFFF, v1  }
0x157: {  	[tilespmem:s10+$0x0] =	vst v1  }
0x158: {  	v1 =	vld [tilespmem:s0+$0x10];
	_ =	sdelay $0x4  }
0x159: {  	v1 =	vand.u32 $0x3FFFF, v1  }
0x15a: {  	[tilespmem:s2+$0x10] =	vst v1  }
0x15b: {  	v1 =	vld [tilespmem:s20+$0x10];
	_ =	sdelay $0x4  }
0x15c: {  	v1 =	vand.u32 $0x3FFFF, v1  }
0x15d: {  	[tilespmem:s10+$0x10] =	vst v1  }
0x15e: {  	v1 =	vld [tilespmem:s0+$0x20];
	_ =	sdelay $0x4  }
0x15f: {  	v1 =	vand.u32 $0x3FFFF, v1  }
0x160: {  	[tilespmem:s2+$0x20] =	vst v1  }
0x161: {  	v1 =	vld [tilespmem:s20+$0x20];
	_ =	sdelay $0x4  }
0x162: {  	v1 =	vand.u32 $0x3FFFF, v1  }
0x163: {  	[tilespmem:s10+$0x20] =	vst v1  }
0x164: {  	v1 =	vld [tilespmem:s0+$0x30];
	_ =	sdelay $0x4  }
0x165: {  	v1 =	vand.u32 $0x3FFFF, v1  }
0x166: {  	[tilespmem:s2+$0x30] =	vst v1  }
0x167: {  	v1 =	vld [tilespmem:s20+$0x30];
	_ =	sdelay $0x4  }
0x168: {  	s28 =	simm.s32 $0x0;
	s29 =	simm.s32 $0xA0C0;
	s20 =	simm.s32 $0x120C0;
	v1 =	vand.u32 $0x3FFFF, v1  }
.LBB2_9:
0x169: {  	s28 =	sadd.s32 $0x8, s28;
	[tilespmem:s10+$0x30] =	vst v1;
	s0 =	sadd.s32 $0x80, s0;
	s2 =	sadd.s32 $0x80, s2  }
0x16a: {  	s10 =	smov.u32 s20;
	v1 =	vld [tilespmem:s0+$0xFFFFFFC0];
	p0 =	slt.u32 s28, $0x1F8;
	_ =	sdelay $0x4  }
0x16b: {  	v1 =	vand.u32 $0x3FFFF, v1  }
0x16c: {  	[tilespmem:s2+$0xFFFFFFC0] =	vst v1  }
0x16d: {  	v1 =	vld [tilespmem:s29+$0xFFFFFFC0];
	_ =	sdelay $0x4  }
0x16e: {  	v1 =	vand.u32 $0x3FFFF, v1  }
0x16f: {  	[tilespmem:s20+$0xFFFFFFC0] =	vst v1  }
0x170: {  	v1 =	vld [tilespmem:s0+$0xFFFFFFD0];
	_ =	sdelay $0x4  }
0x171: {  	v1 =	vand.u32 $0x3FFFF, v1  }
0x172: {  	[tilespmem:s2+$0xFFFFFFD0] =	vst v1  }
0x173: {  	v1 =	vld [tilespmem:s29+$0xFFFFFFD0];
	_ =	sdelay $0x4  }
0x174: {  	v1 =	vand.u32 $0x3FFFF, v1  }
0x175: {  	[tilespmem:s20+$0xFFFFFFD0] =	vst v1  }
0x176: {  	v1 =	vld [tilespmem:s0+$0xFFFFFFE0];
	_ =	sdelay $0x4  }
0x177: {  	v1 =	vand.u32 $0x3FFFF, v1  }
0x178: {  	[tilespmem:s2+$0xFFFFFFE0] =	vst v1  }
0x179: {  	v1 =	vld [tilespmem:s29+$0xFFFFFFE0];
	_ =	sdelay $0x4  }
0x17a: {  	v1 =	vand.u32 $0x3FFFF, v1  }
0x17b: {  	[tilespmem:s20+$0xFFFFFFE0] =	vst v1  }
0x17c: {  	v1 =	vld [tilespmem:s0+$0xFFFFFFF0];
	_ =	sdelay $0x4  }
0x17d: {  	v1 =	vand.u32 $0x3FFFF, v1  }
0x17e: {  	[tilespmem:s2+$0xFFFFFFF0] =	vst v1  }
0x17f: {  	v1 =	vld [tilespmem:s29+$0xFFFFFFF0];
	_ =	sdelay $0x4  }
0x180: {  	v1 =	vand.u32 $0x3FFFF, v1  }
0x181: {  	[tilespmem:s20+$0xFFFFFFF0] =	vst v1  }
0x182: {  	v1 =	vld [tilespmem:s0+$0x0];
	_ =	sdelay $0x4  }
0x183: {  	v1 =	vand.u32 $0x3FFFF, v1  }
0x184: {  	[tilespmem:s2+$0x0] =	vst v1  }
0x185: {  	v1 =	vld [tilespmem:s29+$0x0];
	_ =	sdelay $0x4  }
0x186: {  	v1 =	vand.u32 $0x3FFFF, v1  }
0x187: {  	[tilespmem:s20+$0x0] =	vst v1  }
0x188: {  	v1 =	vld [tilespmem:s0+$0x10];
	_ =	sdelay $0x4  }
0x189: {  	v1 =	vand.u32 $0x3FFFF, v1  }
0x18a: {  	[tilespmem:s2+$0x10] =	vst v1  }
0x18b: {  	v1 =	vld [tilespmem:s29+$0x10];
	_ =	sdelay $0x4  }
0x18c: {  	v1 =	vand.u32 $0x3FFFF, v1  }
0x18d: {  	[tilespmem:s20+$0x10] =	vst v1  }
0x18e: {  	v1 =	vld [tilespmem:s0+$0x20];
	_ =	sdelay $0x4  }
0x18f: {  	v1 =	vand.u32 $0x3FFFF, v1  }
0x190: {  	[tilespmem:s2+$0x20] =	vst v1  }
0x191: {  	v1 =	vld [tilespmem:s29+$0x20];
	_ =	sdelay $0x4  }
0x192: {  	v1 =	vand.u32 $0x3FFFF, v1  }
0x193: {  	[tilespmem:s20+$0x20] =	vst v1  }
0x194: {  	v1 =	vld [tilespmem:s0+$0x30];
	_ =	sdelay $0x4  }
0x195: {  	v1 =	vand.u32 $0x3FFFF, v1  }
0x196: {  	[tilespmem:s2+$0x30] =	vst v1  }
0x197: {  	v1 =	vld [tilespmem:s29+$0x30]  }
.Ltmp3:
0x198: {  	(pc) =	sbr.rel @p0 .LBB2_9-.Ltmp3, $2  }
0x199: {  	_ =	sdelay $0x2  }
0x19a: {  	s20 =	sadd.s32 $0x80, s20;
	s29 =	sadd.s32 $0x80, s29;
	v1 =	vand.u32 $0x3FFFF, v1  }
0x19b: {  	[tilespmem:s10+$0x30] =	vst v1;
	s0 =	simm.s32 $0xE000  }
0x19c: {  	[tilespmem:s18], [sflag:$0x6] =	stream.indirect.gather [spmem:s4], $0x1, s0, s26, $0xb8;
	[tilespmem:$0x1C080] =	vst v63  }
0x19d: {  	s2 =	simm.s32 $0x12000;
	s20 =	simm.s32 $0x1A000;
	s0 =	sshll.u32 s15, $0x1  }
0x19e: {  	[tilespmem:s20], [sflag:$0x8] =	stream.indirect.gather [spmem:s4], $0x1, s2, s26, $0xb8;
	[tilespmem:$0x1C080] =	vst v63  }
0x19f: {  	s10 =	sadd.s32 $0x2, s0;
	_ =	swait.ge [sflag:s11], $0x2000  }
0x1a0: {  	p0 =	seq.s32 s10, $0x50;
	s2 =	sshll.u32 s10, $0xD;
	[sflag:s11] =	ssyncset.done $0x0  }
0x1a1: {  	s2 =	simm.s32 @p0 $0x0;
	[sflag:s11] =	ssyncadd.s32 $0xFFFFE000  }
0x1a2: {  	s2 =	sadd.s32 s6, s2;
	_ =	swait.ge [sflag:s12], $0x2000  }
0x1a3: {  	s2 =	sshrl.u32 s2, $0x3;
	[sflag:s12] =	ssyncset.done $0x0  }
0x1a4: {  	s20 =	simm.s32 $0x4000;
	s10 =	sadd.s32 s1, s2;
	[sflag:s12] =	ssyncadd.s32 $0xFFFFE000  }
0x1a5: {  	[tilespmem:s20], [sflag:$0x1] =	stream.linear.gather [hbm4b:s10+s5], $0x2000, $0x38;
	[tilespmem:$0x1C080] =	vst v63  }
0x1a6: {  	s2 =	sadd.s32 s3, s2;
	s20 =	simm.s32 $0x14040  }
0x1a7: {  	[tilespmem:s21], [sflag:$0x3] =	stream.linear.gather [hbm4b:s2+s5], $0x2000, $0x38;
	[tilespmem:$0x1C080] =	vst v63  }
0x1a8: {  	s28 =	simm.s32 $0x4040;
	v1 =	vld [tilespmem:s20+$0x30]  }
0x1a9: {  	s29 =	simm.s32 $0x18040;
	v6 =	vld [tilespmem:s28+$0x30]  }
0x1aa: {  	s2 =	simm.s32 $0x8040;
	v2 =	vld [tilespmem:s29+$0x30]  }
0x1ab: {  	v8 =	vld [tilespmem:s2+$0x30]  }
0x1ac: {  	v11 =	vld [tilespmem:s20+$0x20]  }
0x1ad: {  	v10 =	vld [tilespmem:s28+$0x20]  }
0x1ae: {  	v4 =	vld [tilespmem:s29+$0x20]  }
0x1af: {  	v12 =	vld [tilespmem:s2+$0x20]  }
0x1b0: {  	v14 =	vld [tilespmem:s20+$0x10]  }
0x1b1: {  	v13 =	vld [tilespmem:s28+$0x10]  }
0x1b2: {  	v5 =	vld [tilespmem:s29+$0x10]  }
0x1b3: {  	v15 =	vld [tilespmem:s2+$0x10]  }
0x1b4: {  	v17 =	vld [tilespmem:s20+$0x0]  }
0x1b5: {  	v16 =	vld [tilespmem:s28+$0x0]  }
0x1b6: {  	v9 =	vld [tilespmem:s29+$0x0]  }
0x1b7: {  	v18 =	vld [tilespmem:s2+$0x0]  }
0x1b8: {  	v20 =	vld [tilespmem:s20+$0xFFFFFFF0]  }
0x1b9: {  	v19 =	vld [tilespmem:s28+$0xFFFFFFF0]  }
0x1ba: {  	v3 =	vld [tilespmem:s29+$0xFFFFFFF0]  }
0x1bb: {  	v21 =	vld [tilespmem:s2+$0xFFFFFFF0]  }
0x1bc: {  	v23 =	vld [tilespmem:s20+$0xFFFFFFE0]  }
0x1bd: {  	v22 =	vld [tilespmem:s28+$0xFFFFFFE0];
	vm0 =	vlt.u32 v6, $0x40000;
	v6 =	vand.u32 $0xFFFF0000, v1  }
0x1be: {  	v25 =	vld [tilespmem:s2+$0xFFFFFFE0];
	v7 =	vshll.u32 v1, $0x10;
	vm1 =	vlt.u32 v8, $0x40000;
	v8 =	vand.u32 $0xFFFF0000, v2  }
0x1bf: {  	v31 =	vld [tilespmem:s20+$0xFFFFFFD0];
	vm2 =	vlt.u32 v10, $0x40000;
	v10 =	vand.u32 $0xFFFF0000, v11;
	v11 =	vshll.u32 v11, $0x10  }
0x1c0: {  	v30 =	vld [tilespmem:s28+$0xFFFFFFD0];
	vm4 =	vlt.u32 v13, $0x40000;
	vm3 =	vlt.u32 v12, $0x40000;
	v12 =	vand.u32 $0xFFFF0000, v4  }
0x1c1: {  	v26 =	vld [tilespmem:s28+$0xFFFFFFC0];
	v13 =	vand.u32 $0xFFFF0000, v14;
	v14 =	vshll.u32 v14, $0x10;
	vm5 =	vlt.u32 v15, $0x40000  }
0x1c2: {  	v24 =	vld [tilespmem:s29+$0xFFFFFFC0];
	vm6 =	vlt.u32 v16, $0x40000;
	v16 =	vand.u32 $0xFFFF0000, v17;
	v15 =	vand.u32 $0xFFFF0000, v5  }
0x1c3: {  	v1 =	vld [tilespmem:s20+$0xFFFFFFC0];
	v17 =	vshll.u32 v17, $0x10;
	vm7 =	vlt.u32 v18, $0x40000;
	v18 =	vand.u32 $0xFFFF0000, v9  }
0x1c4: {  	v29 =	vld [tilespmem:s2+$0xFFFFFFC0];
	vm8 =	vlt.u32 v19, $0x40000;
	v19 =	vand.u32 $0xFFFF0000, v20;
	v20 =	vshll.u32 v20, $0x10  }
0x1c5: {  	v28 =	vld [tilespmem:s2+$0xFFFFFFD0];
	vm10 =	vlt.u32 v22, $0x40000;
	vm9 =	vlt.u32 v21, $0x40000;
	v21 =	vand.u32 $0xFFFF0000, v3  }
0x1c6: {  	v27 =	vld [tilespmem:s29+$0xFFFFFFD0];
	v22 =	vand.u32 $0xFFFF0000, v23;
	v23 =	vshll.u32 v23, $0x10;
	vm11 =	vlt.u32 v25, $0x40000  }
0x1c7: {  	s10 =	simm.s32 $0x0;
	vm12 =	vlt.u32 v30, $0x40000;
	v30 =	vand.u32 $0xFFFF0000, v31;
	v31 =	vshll.u32 v31, $0x10;
	v25 =	vld [tilespmem:s29+$0xFFFFFFE0];
	s20 =	simm.s32 $0x140C0  }
.LBB2_11:
0x1c8: {  	v32 =	vld [tilespmem:s20+$0x30];
	vm13 =	vlt.u32 v26, $0x40000;
	v26 =	vand.u32 $0xFFFF0000, v1;
	v1 =	vshll.u32 v1, $0x10;
	s28 =	sadd.s32 $0x80, s28  }
0x1c9: {  	s29 =	sadd.s32 $0x80, s29;
	v33 =	vld [tilespmem:s28+$0x30];
	vm14 =	vlt.u32 v29, $0x40000;
	v29 =	vand.u32 $0xFFFF0000, v24;
	v24 =	vshll.u32 v24, $0x10  }
0x1ca: {  	s2 =	sadd.s32 $0x80, s2;
	v1 =	vsel vm13, v1, v26;
	v34 =	vld [tilespmem:s29+$0x30];
	v24 =	vsel vm14, v24, v29;
	vm13 =	vlt.u32 v28, $0x40000  }
0x1cb: {  	v26 =	vld [tilespmem:s2+$0x30];
	v1 =	vsub.f32 v1, v24;
	v24 =	vand.u32 $0xFFFF0000, v27;
	v27 =	vshll.u32 v27, $0x10  }
0x1cc: {  	v29 =	vsel vm12, v31, v30;
	v28 =	vld [tilespmem:s20+$0x20];
	v24 =	vsel vm13, v27, v24;
	v27 =	vand.u32 $0xFFFF0000, v25  }
0x1cd: {  	v25 =	vshll.u32 v25, $0x10;
	v30 =	vld [tilespmem:s28+$0x20];
	v1 =	vmul.f32 v1, v1;
	v24 =	vsub.f32 v29, v24  }
0x1ce: {  	v22 =	vsel vm10, v23, v22;
	v3 =	vshll.u32 v3, $0x10;
	v23 =	vsel vm11, v25, v27;
	v29 =	vld [tilespmem:s29+$0x20]  }
0x1cf: {  	v22 =	vsub.f32 v22, v23;
	v25 =	vld [tilespmem:s2+$0x20];
	v0 =	vadd.f32 v1, v0;
	v1 =	vmul.f32 v24, v24  }
0x1d0: {  	v19 =	vsel vm8, v20, v19;
	v9 =	vshll.u32 v9, $0x10;
	v3 =	vsel vm9, v3, v21;
	v23 =	vld [tilespmem:s20+$0x10]  }
0x1d1: {  	v3 =	vsub.f32 v19, v3;
	v20 =	vld [tilespmem:s28+$0x10];
	v0 =	vadd.f32 v1, v0;
	v1 =	vmul.f32 v22, v22  }
0x1d2: {  	v16 =	vsel vm6, v17, v16;
	v17 =	vshll.u32 v5, $0x10;
	v9 =	vsel vm7, v9, v18;
	v5 =	vld [tilespmem:s29+$0x10]  }
0x1d3: {  	v18 =	vld [tilespmem:s2+$0x10];
	v0 =	vadd.f32 v1, v0;
	v1 =	vmul.f32 v3, v3;
	v3 =	vsub.f32 v16, v9  }
0x1d4: {  	v9 =	vsel vm4, v14, v13;
	v13 =	vsel vm5, v17, v15;
	v14 =	vshll.u32 v4, $0x10;
	v4 =	vmovc v29;
	v19 =	vld [tilespmem:s20+$0x0]  }
0x1d5: {  	v15 =	vld [tilespmem:s28+$0x0];
	v0 =	vadd.f32 v1, v0;
	v1 =	vmul.f32 v3, v3;
	v3 =	vsub.f32 v9, v13  }
0x1d6: {  	v10 =	vsel vm2, v11, v10;
	v11 =	vsel vm3, v14, v12;
	v12 =	vshll.u32 v2, $0x10;
	v2 =	vmovc v34;
	v9 =	vld [tilespmem:s29+$0x0]  }
0x1d7: {  	v21 =	vld [tilespmem:s2+$0x0];
	v0 =	vadd.f32 v1, v0;
	v1 =	vmul.f32 v3, v3;
	v3 =	vsub.f32 v10, v11  }
0x1d8: {  	v6 =	vsel vm0, v7, v6;
	v7 =	vsel vm1, v12, v8;
	v22 =	vld [tilespmem:s20+$0xFFFFFFF0]  }
0x1d9: {  	v6 =	vsub.f32 v6, v7;
	v27 =	vld [tilespmem:s28+$0xFFFFFFF0];
	v0 =	vadd.f32 v1, v0;
	v1 =	vmul.f32 v3, v3  }
0x1da: {  	v3 =	vld [tilespmem:s29+$0xFFFFFFF0]  }
0x1db: {  	v31 =	vld [tilespmem:s2+$0xFFFFFFF0];
	v0 =	vadd.f32 v1, v0;
	v1 =	vmul.f32 v6, v6  }
0x1dc: {  	v34 =	vld [tilespmem:s20+$0xFFFFFFE0]  }
0x1dd: {  	vm0 =	vlt.u32 v33, $0x40000;
	v6 =	vand.u32 $0xFFFF0000, v32;
	v35 =	vld [tilespmem:s28+$0xFFFFFFE0];
	v0 =	vadd.f32 v1, v0  }
0x1de: {  	vm1 =	vlt.u32 v26, $0x40000;
	v8 =	vand.u32 $0xFFFF0000, v2;
	v7 =	vshll.u32 v32, $0x10;
	v33 =	vld [tilespmem:s2+$0xFFFFFFE0]  }
0x1df: {  	vm2 =	vlt.u32 v30, $0x40000;
	v10 =	vand.u32 $0xFFFF0000, v28;
	v11 =	vshll.u32 v28, $0x10;
	v32 =	vld [tilespmem:s20+$0xFFFFFFD0]  }
0x1e0: {  	vm3 =	vlt.u32 v25, $0x40000;
	v12 =	vand.u32 $0xFFFF0000, v4;
	vm4 =	vlt.u32 v20, $0x40000;
	v30 =	vld [tilespmem:s28+$0xFFFFFFD0]  }
0x1e1: {  	s10 =	sadd.s32 $0x8, s10;
	v13 =	vand.u32 $0xFFFF0000, v23;
	v14 =	vshll.u32 v23, $0x10;
	vm5 =	vlt.u32 v18, $0x40000;
	v1 =	vld [tilespmem:s20+$0xFFFFFFC0]  }
0x1e2: {  	p0 =	slt.u32 s10, $0x1F8;
	v16 =	vand.u32 $0xFFFF0000, v19;
	vm6 =	vlt.u32 v15, $0x40000;
	v15 =	vand.u32 $0xFFFF0000, v5;
	v26 =	vld [tilespmem:s28+$0xFFFFFFC0]  }
.Ltmp4:
0x1e3: {  	v17 =	vshll.u32 v19, $0x10;
	v18 =	vand.u32 $0xFFFF0000, v9;
	vm7 =	vlt.u32 v21, $0x40000;
	v24 =	vld [tilespmem:s29+$0xFFFFFFC0];
	(pc) =	sbr.rel @p0 .LBB2_11-.Ltmp4, $4  }
0x1e4: {  	v19 =	vand.u32 $0xFFFF0000, v22;
	v20 =	vshll.u32 v22, $0x10;
	vm8 =	vlt.u32 v27, $0x40000;
	v29 =	vld [tilespmem:s2+$0xFFFFFFC0]  }
0x1e5: {  	v21 =	vand.u32 $0xFFFF0000, v3;
	vm9 =	vlt.u32 v31, $0x40000;
	vm10 =	vlt.u32 v35, $0x40000;
	v28 =	vld [tilespmem:s2+$0xFFFFFFD0]  }
0x1e6: {  	v22 =	vand.u32 $0xFFFF0000, v34;
	v23 =	vshll.u32 v34, $0x10;
	vm11 =	vlt.u32 v33, $0x40000;
	v27 =	vld [tilespmem:s29+$0xFFFFFFD0]  }
0x1e7: {  	s20 =	sadd.s32 $0x80, s20;
	v31 =	vshll.u32 v32, $0x10;
	vm12 =	vlt.u32 v30, $0x40000;
	v30 =	vand.u32 $0xFFFF0000, v32;
	v25 =	vld [tilespmem:s29+$0xFFFFFFE0]  }
0x1e8: {  	s0 =	sadd.s32 $0x3, s0  }
0x1e9: {  	s2 =	smulhi.u32 $0x66666667, s0;
	_ =	sdelay $0x1  }
0x1ea: {  	s2 =	sshrl.u32 s2, $0x5  }
0x1eb: {  	s2 =	smul.u32 $0x50, s2  }
0x1ec: {  	_ =	swait.ge [sflag:s13], $0x2000  }
0x1ed: {  	[sflag:s13] =	ssyncset.done $0x0;
	s0 =	ssub.s32 s0, s2  }
0x1ee: {  	[sflag:s13] =	ssyncadd.s32 $0xFFFFE000;
	s0 =	sshll.u32 s0, $0xD  }
0x1ef: {  	_ =	swait.ge [sflag:s14], $0x2000;
	s0 =	sadd.s32 s6, s0  }
0x1f0: {  	[sflag:s14] =	ssyncset.done $0x0;
	s0 =	sshrl.u32 s0, $0x3  }
0x1f1: {  	[sflag:s14] =	ssyncadd.s32 $0xFFFFE000;
	s10 =	sadd.s32 s1, s0  }
0x1f2: {  	[tilespmem:s22], [sflag:$0x2] =	stream.linear.gather [hbm4b:s10+s5], $0x2000, $0x38;
	[tilespmem:$0x1C080] =	vst v63  }
0x1f3: {  	s20 =	simm.s32 $0x16040;
	s0 =	sadd.s32 s3, s0  }
0x1f4: {  	[tilespmem:s23], [sflag:$0x4] =	stream.linear.gather [hbm4b:s0+s5], $0x2000, $0x38;
	[tilespmem:$0x1C080] =	vst v63  }
0x1f5: {  	vm13 =	vlt.u32 v26, $0x40000;
	v26 =	vand.u32 $0xFFFF0000, v1;
	v1 =	vshll.u32 v1, $0x10;
	s0 =	simm.s32 $0x6040;
	v32 =	vld [tilespmem:s20+$0x30]  }
0x1f6: {  	s28 =	simm.s32 $0x1A040;
	vm14 =	vlt.u32 v29, $0x40000;
	v29 =	vand.u32 $0xFFFF0000, v24;
	v24 =	vshll.u32 v24, $0x10;
	v33 =	vld [tilespmem:s0+$0x30]  }
0x1f7: {  	s29 =	simm.s32 $0xA040;
	v26 =	vsel vm13, v1, v26;
	v24 =	vsel vm14, v24, v29;
	vm13 =	vlt.u32 v28, $0x40000;
	v1 =	vld [tilespmem:s28+$0x30]  }
0x1f8: {  	v24 =	vsub.f32 v26, v24;
	v26 =	vand.u32 $0xFFFF0000, v27;
	v27 =	vshll.u32 v27, $0x10;
	v28 =	vld [tilespmem:s29+$0x30]  }
0x1f9: {  	v29 =	vsel vm12, v31, v30;
	v26 =	vsel vm13, v27, v26;
	v27 =	vand.u32 $0xFFFF0000, v25;
	v30 =	vld [tilespmem:s20+$0x20]  }
0x1fa: {  	v25 =	vshll.u32 v25, $0x10;
	v24 =	vmul.f32 v24, v24;
	v26 =	vsub.f32 v29, v26;
	v29 =	vld [tilespmem:s0+$0x20]  }
0x1fb: {  	v22 =	vsel vm10, v23, v22;
	v23 =	vsel vm11, v25, v27;
	v25 =	vshll.u32 v3, $0x10;
	v3 =	vld [tilespmem:s28+$0x20]  }
0x1fc: {  	v22 =	vsub.f32 v22, v23;
	v0 =	vadd.f32 v24, v0;
	v24 =	vmul.f32 v26, v26;
	v23 =	vld [tilespmem:s29+$0x20]  }
0x1fd: {  	v19 =	vsel vm8, v20, v19;
	v9 =	vshll.u32 v9, $0x10;
	v20 =	vsel vm9, v25, v21;
	v25 =	vld [tilespmem:s20+$0x10]  }
0x1fe: {  	v19 =	vsub.f32 v19, v20;
	v22 =	vmul.f32 v22, v22;
	v21 =	vadd.f32 v24, v0;
	v20 =	vld [tilespmem:s0+$0x10]  }
0x1ff: {  	v16 =	vsel vm6, v17, v16;
	v9 =	vsel vm7, v9, v18;
	v0 =	vld [tilespmem:s28+$0x10]  }
0x200: {  	v9 =	vsub.f32 v16, v9;
	v18 =	vmul.f32 v19, v19;
	v17 =	vadd.f32 v22, v21;
	v16 =	vld [tilespmem:s29+$0x10]  }
0x201: {  	v5 =	vshll.u32 v5, $0x10;
	v19 =	vld [tilespmem:s20+$0x0]  }
0x202: {  	v13 =	vsel vm4, v14, v13;
	v5 =	vsel vm5, v5, v15;
	v14 =	vadd.f32 v18, v17;
	v17 =	vld [tilespmem:s0+$0x0]  }
0x203: {  	v4 =	vshll.u32 v4, $0x10;
	v5 =	vsub.f32 v13, v5;
	v15 =	vmul.f32 v9, v9;
	v9 =	vld [tilespmem:s28+$0x0]  }
0x204: {  	v10 =	vsel vm2, v11, v10;
	v2 =	vshll.u32 v2, $0x10;
	v4 =	vsel vm3, v4, v12;
	v18 =	vld [tilespmem:s29+$0x0]  }
0x205: {  	v4 =	vsub.f32 v10, v4;
	v5 =	vmul.f32 v5, v5;
	v22 =	vld [tilespmem:s20+$0xFFFFFFF0];
	v11 =	vadd.f32 v15, v14  }
0x206: {  	v6 =	vsel vm0, v7, v6;
	v2 =	vsel vm1, v2, v8;
	v26 =	vld [tilespmem:s0+$0xFFFFFFF0]  }
0x207: {  	v2 =	vsub.f32 v6, v2;
	v4 =	vmul.f32 v4, v4;
	v10 =	vld [tilespmem:s28+$0xFFFFFFF0];
	v5 =	vadd.f32 v5, v11  }
0x208: {  	v27 =	vld [tilespmem:s29+$0xFFFFFFF0]  }
0x209: {  	v2 =	vmul.f32 v2, v2;
	v31 =	vld [tilespmem:s20+$0xFFFFFFE0];
	v4 =	vadd.f32 v4, v5  }
0x20a: {  	v34 =	vld [tilespmem:s0+$0xFFFFFFE0];
	vm0 =	vlt.u32 v33, $0x40000;
	vm1 =	vlt.u32 v28, $0x40000;
	v5 =	vand.u32 $0xFFFF0000, v1  }
0x20b: {  	v63 =	vld [tilespmem:s29+$0xFFFFFFE0];
	vm2 =	vlt.u32 v29, $0x40000;
	v6 =	vand.u32 $0xFFFF0000, v30;
	v7 =	vshll.u32 v30, $0x10  }
0x20c: {  	v21 =	vld [tilespmem:s20+$0xFFFFFFC0];
	vm4 =	vlt.u32 v20, $0x40000;
	vm3 =	vlt.u32 v23, $0x40000;
	v8 =	vand.u32 $0xFFFF0000, v3  }
0x20d: {  	v24 =	vld [tilespmem:s28+$0xFFFFFFC0];
	v11 =	vand.u32 $0xFFFF0000, v25;
	v12 =	vshll.u32 v25, $0x10;
	vm5 =	vlt.u32 v16, $0x40000  }
0x20e: {  	v28 =	vld [tilespmem:s20+$0xFFFFFFD0];
	vm6 =	vlt.u32 v17, $0x40000;
	v15 =	vand.u32 $0xFFFF0000, v19;
	v14 =	vand.u32 $0xFFFF0000, v0  }
0x20f: {  	v30 =	vld [tilespmem:s0+$0xFFFFFFD0];
	v16 =	vshll.u32 v19, $0x10;
	vm7 =	vlt.u32 v18, $0x40000;
	v17 =	vand.u32 $0xFFFF0000, v9  }
0x210: {  	v25 =	vld [tilespmem:s0+$0xFFFFFFC0];
	vm8 =	vlt.u32 v26, $0x40000;
	v18 =	vand.u32 $0xFFFF0000, v22;
	v19 =	vshll.u32 v22, $0x10  }
0x211: {  	v29 =	vld [tilespmem:s29+$0xFFFFFFC0];
	vm10 =	vlt.u32 v34, $0x40000;
	vm9 =	vlt.u32 v27, $0x40000;
	v20 =	vand.u32 $0xFFFF0000, v10  }
0x212: {  	v26 =	vld [tilespmem:s29+$0xFFFFFFD0];
	v22 =	vand.u32 $0xFFFF0000, v31;
	v23 =	vshll.u32 v31, $0x10;
	vm11 =	vlt.u32 v63, $0x40000  }
0x213: {  	v27 =	vld [tilespmem:s28+$0xFFFFFFD0];
	v13 =	vadd.f32 v2, v4;
	v2 =	vand.u32 $0xFFFF0000, v32;
	v4 =	vshll.u32 v32, $0x10  }
0x214: {  	s2 =	simm.s32 $0x0;
	s10 =	simm.s32 $0x160C0;
	vm12 =	vlt.u32 v30, $0x40000;
	v30 =	vand.u32 $0xFFFF0000, v28;
	v31 =	vshll.u32 v28, $0x10;
	v28 =	vld [tilespmem:s28+$0xFFFFFFE0]  }
.LBB2_13:
0x215: {  	v32 =	vld [tilespmem:s10+$0x30];
	vm13 =	vlt.u32 v25, $0x40000;
	v25 =	vand.u32 $0xFFFF0000, v21;
	v21 =	vshll.u32 v21, $0x10;
	s0 =	sadd.s32 $0x80, s0  }
0x216: {  	s28 =	sadd.s32 $0x80, s28;
	v33 =	vld [tilespmem:s0+$0x30];
	vm14 =	vlt.u32 v29, $0x40000;
	v29 =	vand.u32 $0xFFFF0000, v24;
	v24 =	vshll.u32 v24, $0x10  }
0x217: {  	s29 =	sadd.s32 $0x80, s29;
	v21 =	vsel vm13, v21, v25;
	v34 =	vld [tilespmem:s28+$0x30];
	v24 =	vsel vm14, v24, v29;
	vm13 =	vlt.u32 v26, $0x40000  }
0x218: {  	v25 =	vld [tilespmem:s29+$0x30];
	v21 =	vsub.f32 v21, v24;
	v24 =	vand.u32 $0xFFFF0000, v27;
	v26 =	vshll.u32 v27, $0x10  }
0x219: {  	v29 =	vsel vm12, v31, v30;
	v27 =	vld [tilespmem:s10+$0x20];
	v24 =	vsel vm13, v26, v24;
	v26 =	vand.u32 $0xFFFF0000, v28  }
0x21a: {  	v28 =	vshll.u32 v28, $0x10;
	v30 =	vld [tilespmem:s0+$0x20];
	v21 =	vmul.f32 v21, v21;
	v24 =	vsub.f32 v29, v24  }
0x21b: {  	v22 =	vsel vm10, v23, v22;
	v10 =	vshll.u32 v10, $0x10;
	v23 =	vsel vm11, v28, v26;
	v29 =	vld [tilespmem:s28+$0x20]  }
0x21c: {  	v22 =	vsub.f32 v22, v23;
	v26 =	vld [tilespmem:s29+$0x20];
	v13 =	vadd.f32 v21, v13;
	v21 =	vmul.f32 v24, v24  }
0x21d: {  	v18 =	vsel vm8, v19, v18;
	v9 =	vshll.u32 v9, $0x10;
	v10 =	vsel vm9, v10, v20;
	v23 =	vld [tilespmem:s10+$0x10]  }
0x21e: {  	v10 =	vsub.f32 v18, v10;
	v20 =	vmul.f32 v22, v22;
	v19 =	vld [tilespmem:s0+$0x10];
	v13 =	vadd.f32 v21, v13  }
0x21f: {  	v15 =	vsel vm6, v16, v15;
	v16 =	vshll.u32 v0, $0x10;
	v9 =	vsel vm7, v9, v17;
	v0 =	vld [tilespmem:s28+$0x10]  }
0x220: {  	v9 =	vsub.f32 v15, v9;
	v10 =	vmul.f32 v10, v10;
	v17 =	vld [tilespmem:s29+$0x10];
	v13 =	vadd.f32 v20, v13  }
0x221: {  	v11 =	vsel vm4, v12, v11;
	v12 =	vsel vm5, v16, v14;
	v14 =	vshll.u32 v3, $0x10;
	v3 =	vmovc v29;
	v18 =	vld [tilespmem:s10+$0x0]  }
0x222: {  	v11 =	vsub.f32 v11, v12;
	v15 =	vld [tilespmem:s0+$0x0];
	v10 =	vadd.f32 v10, v13;
	v13 =	vmul.f32 v9, v9  }
0x223: {  	v6 =	vsel vm2, v7, v6;
	v7 =	vsel vm3, v14, v8;
	v8 =	vshll.u32 v1, $0x10;
	v1 =	vmovc v34;
	v9 =	vld [tilespmem:s28+$0x0]  }
0x224: {  	v6 =	vsub.f32 v6, v7;
	v11 =	vmul.f32 v11, v11;
	v20 =	vld [tilespmem:s29+$0x0];
	v10 =	vadd.f32 v13, v10  }
0x225: {  	v2 =	vsel vm0, v4, v2;
	v4 =	vsel vm1, v8, v5;
	v22 =	vld [tilespmem:s10+$0xFFFFFFF0]  }
0x226: {  	v2 =	vsub.f32 v2, v4;
	v6 =	vmul.f32 v6, v6;
	v28 =	vld [tilespmem:s0+$0xFFFFFFF0];
	v5 =	vadd.f32 v11, v10  }
0x227: {  	v10 =	vld [tilespmem:s28+$0xFFFFFFF0]  }
0x228: {  	v31 =	vld [tilespmem:s29+$0xFFFFFFF0];
	v4 =	vadd.f32 v6, v5;
	v5 =	vmul.f32 v2, v2  }
0x229: {  	v34 =	vld [tilespmem:s10+$0xFFFFFFE0]  }
0x22a: {  	vm0 =	vlt.u32 v33, $0x40000;
	v2 =	vand.u32 $0xFFFF0000, v32;
	v35 =	vld [tilespmem:s0+$0xFFFFFFE0];
	v13 =	vadd.f32 v5, v4  }
0x22b: {  	vm1 =	vlt.u32 v25, $0x40000;
	v4 =	vshll.u32 v32, $0x10;
	v5 =	vand.u32 $0xFFFF0000, v1;
	v33 =	vld [tilespmem:s29+$0xFFFFFFE0]  }
0x22c: {  	v7 =	vshll.u32 v27, $0x10;
	vm2 =	vlt.u32 v30, $0x40000;
	v6 =	vand.u32 $0xFFFF0000, v27;
	v32 =	vld [tilespmem:s10+$0xFFFFFFD0]  }
0x22d: {  	vm3 =	vlt.u32 v26, $0x40000;
	v8 =	vand.u32 $0xFFFF0000, v3;
	vm4 =	vlt.u32 v19, $0x40000;
	v30 =	vld [tilespmem:s0+$0xFFFFFFD0]  }
0x22e: {  	s2 =	sadd.s32 $0x8, s2;
	v12 =	vshll.u32 v23, $0x10;
	vm5 =	vlt.u32 v17, $0x40000;
	v11 =	vand.u32 $0xFFFF0000, v23;
	v21 =	vld [tilespmem:s10+$0xFFFFFFC0]  }
0x22f: {  	p0 =	slt.u32 s2, $0x1F8;
	v14 =	vand.u32 $0xFFFF0000, v0;
	vm6 =	vlt.u32 v15, $0x40000;
	v15 =	vand.u32 $0xFFFF0000, v18;
	v25 =	vld [tilespmem:s0+$0xFFFFFFC0]  }
.Ltmp5:
0x230: {  	v16 =	vshll.u32 v18, $0x10;
	v17 =	vand.u32 $0xFFFF0000, v9;
	vm7 =	vlt.u32 v20, $0x40000;
	v24 =	vld [tilespmem:s28+$0xFFFFFFC0];
	(pc) =	sbr.rel @p0 .LBB2_13-.Ltmp5, $4  }
0x231: {  	v18 =	vand.u32 $0xFFFF0000, v22;
	v19 =	vshll.u32 v22, $0x10;
	vm8 =	vlt.u32 v28, $0x40000;
	v29 =	vld [tilespmem:s29+$0xFFFFFFC0]  }
0x232: {  	v20 =	vand.u32 $0xFFFF0000, v10;
	vm9 =	vlt.u32 v31, $0x40000;
	vm10 =	vlt.u32 v35, $0x40000;
	v26 =	vld [tilespmem:s29+$0xFFFFFFD0]  }
0x233: {  	v22 =	vand.u32 $0xFFFF0000, v34;
	v23 =	vshll.u32 v34, $0x10;
	vm11 =	vlt.u32 v33, $0x40000;
	v27 =	vld [tilespmem:s28+$0xFFFFFFD0]  }
0x234: {  	s10 =	sadd.s32 $0x80, s10;
	v31 =	vshll.u32 v32, $0x10;
	vm12 =	vlt.u32 v30, $0x40000;
	v30 =	vand.u32 $0xFFFF0000, v32;
	v28 =	vld [tilespmem:s28+$0xFFFFFFE0]  }
0x235: {  	vm13 =	vlt.u32 v25, $0x40000;
	v51 =	vand.u32 $0xFFFF0000, v21;
	v52 =	vshll.u32 v21, $0x10  }
0x236: {  	v53 =	vand.u32 $0xFFFF0000, v24;
	v54 =	vshll.u32 v24, $0x10;
	vm14 =	vlt.u32 v29, $0x40000  }
0x237: {  	v21 =	vsel vm13, v52, v51;
	v24 =	vsel vm14, v54, v53;
	vm13 =	vlt.u32 v26, $0x40000  }
0x238: {  	v21 =	vsub.f32 v21, v24;
	v55 =	vand.u32 $0xFFFF0000, v27;
	v56 =	vshll.u32 v27, $0x10  }
0x239: {  	v57 =	vsel vm12, v31, v30;
	v24 =	vsel vm13, v56, v55;
	v58 =	vand.u32 $0xFFFF0000, v28  }
0x23a: {  	v59 =	vshll.u32 v28, $0x10;
	v21 =	vmul.f32 v21, v21;
	v24 =	vsub.f32 v57, v24  }
0x23b: {  	v22 =	vsel vm10, v23, v22;
	v10 =	vshll.u32 v10, $0x10;
	v60 =	vsel vm11, v59, v58  }
0x23c: {  	v22 =	vsub.f32 v22, v60;
	v13 =	vadd.f32 v21, v13;
	v61 =	vmul.f32 v24, v24  }
0x23d: {  	v18 =	vsel vm8, v19, v18;
	v9 =	vshll.u32 v9, $0x10;
	v10 =	vsel vm9, v10, v20  }
0x23e: {  	v10 =	vsub.f32 v18, v10;
	v62 =	vmul.f32 v22, v22;
	v13 =	vadd.f32 v61, v13  }
0x23f: {  	v15 =	vsel vm6, v16, v15;
	v0 =	vshll.u32 v0, $0x10;
	v9 =	vsel vm7, v9, v17  }
0x240: {  	v9 =	vsub.f32 v15, v9;
	v10 =	vmul.f32 v10, v10;
	v13 =	vadd.f32 v62, v13  }
0x241: {  	v11 =	vsel vm4, v12, v11;
	v3 =	vshll.u32 v3, $0x10;
	v0 =	vsel vm5, v0, v14  }
0x242: {  	v0 =	vsub.f32 v11, v0;
	v9 =	vmul.f32 v9, v9;
	v10 =	vadd.f32 v10, v13  }
0x243: {  	v6 =	vsel vm2, v7, v6;
	v1 =	vshll.u32 v1, $0x10;
	v3 =	vsel vm3, v3, v8  }
0x244: {  	s15 =	sadd.s32 $0x1, s15;
	v3 =	vsub.f32 v6, v3;
	v0 =	vmul.f32 v0, v0;
	v63 =	vadd.f32 v9, v10  }
0x245: {  	v2 =	vsel vm0, v4, v2;
	v1 =	vsel vm1, v1, v5;
	p0 =	sne.s32 s15, $0x28  }
.Ltmp6:
0x246: {  	v1 =	vsub.f32 v2, v1;
	v3 =	vmul.f32 v3, v3;
	v0 =	vadd.f32 v0, v63;
	(pc) =	sbr.rel @p0 .LBB2_6-.Ltmp6, $3  }
0x247: {  	_ = 	snop  }
0x248: {  	v1 =	vmul.f32 v1, v1;
	v0 =	vadd.f32 v3, v0;
	_ =	sdelay $0x1  }
0x249: {  	v0 =	vadd.f32 v1, v0  }
0x24a: {  	_ =	swait.ge [sflag:s24], $0x2000  }
0x24b: {  	[sflag:s24] =	ssyncset.done $0x0  }
0x24c: {  	[sflag:s24] =	ssyncadd.s32 $0xFFFFE000  }
0x24d: {  	_ =	swait.ge [sflag:s25], $0x2000  }
0x24e: {  	[sflag:s25] =	ssyncset.done $0x0  }
0x24f: {  	[sflag:s25] =	ssyncadd.s32 $0xFFFFE000  }
0x250: {  	_ =	swait.ge [sflag:s30], $0x2000  }
0x251: {  	[sflag:s30] =	ssyncset.done $0x0  }
0x252: {  	[sflag:s30] =	ssyncadd.s32 $0xFFFFE000  }
0x253: {  	_ =	swait.ge [sflag:s31], $0x2000  }
0x254: {  	[sflag:s31] =	ssyncset.done $0x0  }
0x255: {  	[sflag:s31] =	ssyncadd.s32 $0xFFFFE000  }
0x256: {  	s2 =	simm.s32 $0x1C000;
	s0 =	rddreg [dreg:$0x9];
	[tilespmem:$0x1C000] =	vst v0  }
0x257: {  	[hbm4b:s0+s5] =	stream.linear.scatter [tilespmem:s2], [sflag:$0x9], $0x10, $0x38;
	[tilespmem:$0x1C080] =	vst v63  }
0x258: {  	_ =	swait.ge [sflag:s17], $0x10  }
0x259: {  	s28 =	rddreg [dreg:$0xb]  }
0x25a: {  	s29 =	rddreg [dreg:$0xa];
	s2 =	sadd.s32 $0x1, s28  }
0x25b: {  	p0 =	sne.s32 s2, s29  }
.Ltmp7:
0x25c: {  	_ = 	snop;
	(pc) =	sbr.rel @p0 .LBB2_1-.Ltmp7, $3  }
0x25d: {  	_ =	sdelay $0x1  }
0x25e: {  	[sflag:s17] =	ssyncset.done $0x0  }
0x25f: {  	[sflag:s17] =	ssyncadd.s32 $0xFFFFFFF0  }
0x260: {  	_ =	sfence.sel $0x180000  }
0x261: {  	[bflag:$0x0] =	sbarrier.arrive $0xFFFF  }
0x262: {  	_ =	strace $0x9000004D  }
0x263: {  	s0 =	stileid.u32;
	[bflag:$0x2] =	sbarrier.arrive $0xFFFF  }
0x264: {  	p0 =	sne.s32 s0, $0x0;
	s0 =	rddreg [dreg:$0x4]  }
0x265: {  	s0 =	sadd.s32 @!p0 $0x100000, s0  }
0x266: {  	[sflag:s0] =	ssyncadd.tile.s32 @!p0 $0x1;
	_ =	shalt  }
.Lfunc_end2:
_tile_overlayer_lowered:
.L_overlay_start_2:
0x267: {  	(tag) =	ssettag $0x2  }
0x268: {  	s0 =	rddreg [dreg:$0x0];
	s2 =	stileid.u32  }
0x269: {  	s1 =	rddreg [dreg:$0x1];
	p0 =	sne.s32 s2, $0x0  }
0x26a: {  	s3 =	rddreg [dreg:$0x2];
	[bflag:$0x3] =	sbarrier.arrive $0xFFFF;
	s2 =	simm.s32 @!p0 $0x1C09  }
0x26b: {  	[timem:s3], [sflag:s2] =	dma.local @!p0 [hbm:s0], s1  }
0x26c: {  	s0 =	simm.s32 @!p0 $0x9  }
0x26d: {  	_ =	swait.ge @!p0 [sflag:s0], s1  }
0x26e: {  	s1 =	ssub.s32 @!p0 $0x0, s1;
	[sflag:s0] =	ssyncset.done @!p0 $0x0  }
0x26f: {  	[sflag:s0] =	ssyncadd.s32 @!p0 s1  }
0x270: {  	[bflag:$0x3] =	sbarrier.arrive $0xFFFF  }
0x271: {  	_ =	shalt  }

// kernel: kernel.6.cloned.1.call-start
scs
__scs_entry_jumppad:
0x0: {  	(pc) =	sbr.rel $0x88, $3  }
0x1: {  	(tag) =	ssettag $0x0;
	lr =	simm.s32 $0x1  }
0x2: {  	[smem:$0x3F9D] =	sst lr;
	_ =	strace $0xD0000000  }
0x3: {  	_ = 	snop  }
0x4: {  	_ = 	snop  }
0x5: {  	_ = 	snop  }
0x6: {  	_ = 	snop  }
0x7: {  	_ = 	snop  }
__scs_overlays_trampoline_lowered:
0x8: {  	[smem:$0x3FAC] =	sst s0  }
0x9: {  	[smem:$0x3FAD] =	sst s1  }
0xa: {  	[smem:$0x3FAE] =	sst s2  }
0xb: {  	[smem:$0x3FAF] =	sst s3  }
0xc: {  	[smem:$0x3FB0] =	sst s4  }
0xd: {  	[smem:$0x3FB1] =	sst s5  }
0xe: {  	[smem:$0x3FB2] =	sst s6  }
0xf: {  	[smem:$0x3FB3] =	sst s7  }
0x10: {  	[smem:$0x3FB4] =	sst s8  }
0x11: {  	[smem:$0x3FB5] =	sst s9;
	s0 =	simm.s32 @!p0 $0x0  }
0x12: {  	s1 =	sld [smem:$0x3F9B];
	s0 =	simm.s32 @p0 $0x1  }
0x13: {  	[smem:$0x3FB6] =	sst s0;
	s0 =	simm.s32 @!p1 $0x0  }
0x14: {  	s2 =	sld [smem:$0x3F9A];
	s0 =	simm.s32 @p1 $0x1  }
0x15: {  	[smem:$0x3FB7] =	sst s0;
	s0 =	simm.s32 @!p2 $0x0  }
0x16: {  	s3 =	sld [smem:$0x3FDB];
	s0 =	simm.s32 @p2 $0x1  }
0x17: {  	s4 =	simm.s32 $0x1BF5;
	[smem:$0x3FB9] =	sst s0  }
0x18: {  	s0 =	sld [smem:$0x3F9C];
	_ =	swait.ge [sflag:s4], $0x0  }
0x19: {  	s7 =	sld [smem:$0x3F9D]  }
0x1a: {  	s8 =	sadd.s32 $0xFFFFE003, lr  }
0x1b: {  	s9 =	sadd.s32 $0xFFFFFEF7, lr;
	s5 =	simm.s32 $0xFFFFFFFF;
	p2 =	slt.u32 s8, $0xFFFFF086  }
0x1c: {  	p1 =	slt.u32 s9, $0xF7A;
	s5 =	simm.s32 @!p2 $0x0  }
0x1d: {  	s5 =	simm.s32 @p1 $0x1;
	p0 =	seq.s32 s7, s2  }
0x1e: {  	s7 =	smul.u32 @!p0 $0xF7A, s2;
	p2 =	seq.s32 @!p0 s5, $0x0  }
0x1f: {  	s9 =	smul.u32 $0xF7A, s1;
	s8 =	simm.s32 @!p0 $0x1BF5;
	p2 =	por !p2, p0  }
0x20: {  	[sflag:s8] =	ssyncset.s32 @!p0 $0xFFFFF086;
	s6 =	sadd.s32 @!p0 s3, s7;
	s7 =	simm.s32 @!p0 $0x108  }
0x21: {  	s3 =	sadd.s32 s3, s9;
	s6 =	sadd.s32 @!p0 $0x88, s6;
	s7 =	simm.s32 @p2 $0x1082  }
0x22: {  	[simem:s7], [sflag:s8] =	dma.local @!p0 [hbm:s6], $0xF7A  }
0x23: {  	s9 =	sor.u32 $0xD0000000, s2;
	s6 =	simm.s32 $0x108;
	_ =	swait.ge @!p0 [sflag:s8], $0x0  }
0x24: {  	s3 =	sadd.s32 $0x88, s3;
	s6 =	simm.s32 @!p1 $0x1082;
	[sflag:s4] =	ssyncset.s32 $0xFFFFF086  }
0x25: {  	[simem:s6], [sflag:s4] =	dma.local [hbm:s3], $0xF7A  }
0x26: {  	[smem:$0x3F9D] =	sst s1;
	(tag) =	ssettag s2;
	_ =	strace s9  }
0x27: {  	s1 =	sld [smem:$0x3FAD]  }
0x28: {  	s2 =	sld [smem:$0x3FAE]  }
0x29: {  	s4 =	sld [smem:$0x3FB0]  }
0x2a: {  	p0 =	seq.s32 s5, $0x0;
	s5 =	sld [smem:$0x3FB1]  }
0x2b: {  	s6 =	sld [smem:$0x3FB2]  }
0x2c: {  	s7 =	sld [smem:$0x3FB3]  }
0x2d: {  	s3 =	simm.s32 $0x108;
	s8 =	sld [smem:$0x3FB4]  }
0x2e: {  	s3 =	simm.s32 @!p0 $0x1082;
	s9 =	sld [smem:$0x3FB5]  }
0x2f: {  	lr =	sadd.s32 s0, s3;
	s0 =	sld [smem:$0x3FAC]  }
0x30: {  	s3 =	sld [smem:$0x3FAF]  }
0x31: {  	[smem:$0x3FB8] =	sst s10  }
0x32: {  	s10 =	sld [smem:$0x3FB6];
	_ =	sdelay $0x3  }
0x33: {  	p0 =	seq.s32 s10, $0x1;
	s10 =	sld [smem:$0x3FB8];
	_ =	sdelay $0x3  }
0x34: {  	[smem:$0x3FB8] =	sst s10  }
0x35: {  	s10 =	sld [smem:$0x3FB7];
	_ =	sdelay $0x3  }
0x36: {  	p1 =	seq.s32 s10, $0x1;
	s10 =	sld [smem:$0x3FB8];
	_ =	sdelay $0x3  }
0x37: {  	[smem:$0x3FB8] =	sst s10  }
0x38: {  	s10 =	sld [smem:$0x3FB9]  }
0x39: {  	_ = 	snop;
	(pc) =	sbr.ind lr, $3  }
0x3a: {  	_ = 	snop  }
0x3b: {  	_ = 	snop  }
0x3c: {  	p2 =	seq.s32 s10, $0x1;
	s10 =	sld [smem:$0x3FB8]  }
0x3d: {  	_ =	shalt  }
0x3e: {  	_ =	shalt  }
0x3f: {  	_ =	shalt  }
0x40: {  	_ =	shalt  }
0x41: {  	_ =	shalt  }
0x42: {  	_ =	shalt  }
0x43: {  	_ =	shalt  }
0x44: {  	_ =	shalt  }
0x45: {  	_ =	shalt  }
0x46: {  	_ =	shalt  }
0x47: {  	_ =	shalt  }
0x48: {  	_ =	shalt  }
0x49: {  	_ =	shalt  }
0x4a: {  	_ =	shalt  }
0x4b: {  	_ =	shalt  }
0x4c: {  	_ =	shalt  }
0x4d: {  	_ =	shalt  }
0x4e: {  	_ =	shalt  }
0x4f: {  	_ =	shalt  }
0x50: {  	_ =	shalt  }
0x51: {  	_ =	shalt  }
0x52: {  	_ =	shalt  }
0x53: {  	_ =	shalt  }
0x54: {  	_ =	shalt  }
0x55: {  	_ =	shalt  }
0x56: {  	_ =	shalt  }
0x57: {  	_ =	shalt  }
0x58: {  	_ =	shalt  }
0x59: {  	_ =	shalt  }
0x5a: {  	_ =	shalt  }
0x5b: {  	_ =	shalt  }
0x5c: {  	_ =	shalt  }
0x5d: {  	_ =	shalt  }
0x5e: {  	_ =	shalt  }
0x5f: {  	_ =	shalt  }
0x60: {  	_ =	shalt  }
0x61: {  	_ =	shalt  }
0x62: {  	_ =	shalt  }
0x63: {  	_ =	shalt  }
0x64: {  	_ =	shalt  }
0x65: {  	_ =	shalt  }
0x66: {  	_ =	shalt  }
0x67: {  	_ =	shalt  }
0x68: {  	_ =	shalt  }
0x69: {  	_ =	shalt  }
0x6a: {  	_ =	shalt  }
0x6b: {  	_ =	shalt  }
0x6c: {  	_ =	shalt  }
0x6d: {  	_ =	shalt  }
0x6e: {  	_ =	shalt  }
0x6f: {  	_ =	shalt  }
0x70: {  	_ =	shalt  }
0x71: {  	_ =	shalt  }
0x72: {  	_ =	shalt  }
0x73: {  	_ =	shalt  }
0x74: {  	_ =	shalt  }
0x75: {  	_ =	shalt  }
0x76: {  	_ =	shalt  }
0x77: {  	_ =	shalt  }
0x78: {  	_ =	shalt  }
0x79: {  	_ =	shalt  }
0x7a: {  	_ =	shalt  }
0x7b: {  	_ =	shalt  }
0x7c: {  	_ =	shalt  }
0x7d: {  	_ =	shalt  }
0x7e: {  	_ =	shalt  }
0x7f: {  	_ =	shalt  }
0x80: {  	_ =	shalt  }
0x81: {  	_ =	shalt  }
0x82: {  	_ =	shalt  }
0x83: {  	_ =	shalt  }
0x84: {  	_ =	shalt  }
0x85: {  	_ =	shalt  }
0x86: {  	_ =	shalt  }
0x87: {  	_ =	shalt  }
.Lfunc_end0:
.L_simem_size_0:
called_computation_lowered:
.L_overlay_start_0:
0x88: {  	s2 =	sld [smem:$0x3FD9]  }
0x89: {  	s3 =	sld [smem:$0x3FFE];
	_ =	sdelay $0x1  }
0x8a: {  	s1 =	srdreg.scid  }
0x8b: {  	s0 =	sand.u32 $0x1, s1  }
0x8c: {  	s17 =	sshll.u32 s0, $0xA;
	s2 =	sadd.s32 s3, s2  }
0x8d: {  	s2 =	sadd.s32 s2, s17  }
0x8e: {  	[smem:$0x3FC4] =	sst s2  }
0x8f: {  	_ = 	snop  }
0x90: {  	s2 =	sld [smem:$0x3FC9]  }
0x91: {  	s18 =	sld [smem:$0x3FC8];
	(tm) =	ssettm $0x1  }
0x92: {  	s4 =	sld [smem:$0x3FFB];
	_ =	sdelay $0x3  }
0x93: {  	_ =	strace s4  }
0x94: {  	s4 =	sld [smem:$0x3FFC];
	_ =	sdelay $0x3  }
0x95: {  	_ =	strace s4  }
0x96: {  	s4 =	sld [smem:$0x3FFD];
	_ =	sdelay $0x3  }
0x97: {  	_ =	strace s4  }
0x98: {  	_ =	strace $0x8FFFFFFF  }
0x99: {  	s19 =	sld [smem:$0x3FDB];
	_ =	sdelay $0x1  }
0x9a: {  	s5 =	simm.s32 $_scs_section_size  }
0x9b: {  	s6 =	simm.s32 $_size__tile_overlayer_lowered;
	s7 =	simm.s32 $_tile_overlayer_lowered  }
0x9c: {  	s22 =	simm.s32 $0x1BFF;
	s21 =	sshll.u32 s7, $0x1;
	s4 =	sadd.s32 s5, s19  }
0x9d: {  	s8 =	simm.s32 $0x0;
	s20 =	sshll.u32 s6, $0x1;
	s6 =	sadd.s32 s21, s4  }
0x9e: {  	[timem:s8], [sflag:s22] =	dma.local [hbm:s6], s20  }
0x9f: {  	_ =	swait.ge [sflag:s22], s20  }
0xa0: {  	s5 =	ssub.s32 $0x0, s20;
	[sflag:s22] =	ssyncset.done $0x0  }
0xa1: {  	[sflag:s22] =	ssyncadd.s32 s5;
	_ =	sdelay $0x1  }
0xa2: {  	s23 =	simm.s32 $0x1B8B  }
0xa3: {  	_ =	swait.ge [sflag:s23], $0x1  }
0xa4: {  	[sflag:s23] =	ssyncset.done $0x0  }
0xa5: {  	s25 =	simm.s32 $0x1B8E;
	s24 =	sld [smem:$0x3FFE];
	[sflag:s23] =	ssyncadd.s32 $0xFFFFFFFF  }
0xa6: {  	s26 =	simm.s32 $execute0_lowered;
	[smem:$0x3FD2] =	sst s25  }
0xa7: {  	s6 =	sshll.u32 s26, $0x1;
	_ =	strace $0x80000046;
	[dreg:$0x1] =	wrdreg $0xFFFFFFFF  }
0xa8: {  	s28 =	simm.s32 $_size_execute0_lowered;
	s4 =	sadd.s32 s4, s6;
	[dreg:$0x0] =	wrdreg $0x0  }
0xa9: {  	s6 =	sshll.u32 s28, $0x1;
	[dreg:$0x2] =	wrdreg s4  }
0xaa: {  	[dreg:$0x3] =	wrdreg s6  }
0xab: {  	[dreg:$0x4] =	wrdreg $0xC0  }
0xac: {  	_ =	task [dreg:s8], $0x5FFFF  }
0xad: {  	[dreg:$0x1] =	wrdreg $0xFFFFFFFF  }
0xae: {  	[dreg:$0x0] =	wrdreg $0x60  }
0xaf: {  	[dreg:$0x2] =	wrdreg s2  }
0xb0: {  	[dreg:$0x3] =	wrdreg s18  }
0xb1: {  	[dreg:$0x4] =	wrdreg s24  }
0xb2: {  	[dreg:$0x5] =	wrdreg $0x9  }
0xb3: {  	_ =	task.clear_ibuf [dreg:s8], $0x6FFFF;
	_ =	strace $0x90000046  }
0xb4: {  	s29 =	simm.s32 $0x9;
	_ =	strace $0x80000048  }
0xb5: {  	_ =	swait.ge [sflag:s29], $0x1  }
0xb6: {  	[sflag:s29] =	ssyncadd.s32 $0xFFFFFFFF  }
0xb7: {  	_ =	strace $0x90000048  }
0xb8: {  	_ =	sfence  }
0xb9: {  	s30 =	sld [smem:$0x0];
	_ =	sdelay $0x2  }
0xba: {  	s31 =	sshll.u32 s1, $0xD;
	s1 =	sshrl.u32 s1, $0x2  }
0xbb: {  	s3 =	sand.u32 $0x4000, s31;
	s1 =	sadd.s32 s1, s30  }
0xbc: {  	s0 =	sor.u32 s3, s0;
	s1 =	sshll.u32 s1, $0x11  }
0xbd: {  	s0 =	sor.u32 s1, s0  }
0xbe: {  	s0 =	sadd.s32 $0x8F2B, s0  }
0xbf: {  	[sflag:s0] =	ssyncadd.remote.s32 $0x1  }
0xc0: {  	_ =	sfence.sel $0xFFFF  }
0xc1: {  	[dreg:$0x0] =	wrdreg $0xFFFFFFFF;
	(pc) =	sbr.abs _section_cstart, $3  }
0xc2: {  	[dreg:$0x1] =	wrdreg $0xFFFFFFFF  }
0xc3: {  	_ =	task.clear_ibuf [dreg:s8], $0x2FFFF;
	_ =	strace $0x9FFFFFFF  }
0xc4: {  	(tm) =	ssettm $0x7FFFFFFF  }
0xc5: {  	_ =	shalt  }
tec
execute0_lowered:
.L_overlay_start_1:
0x0: {  	(tag) =	ssettag $0x1  }
0x1: {  	s1 =	rddreg [dreg:$0x0];
	s2 =	srdreg.scid  }
0x2: {  	s0 =	stileid.u32;
	s3 =	rddreg [dreg:$0x1]  }
0x3: {  	s6 =	rddreg [dreg:$0x2];
	s4 =	simm.s32 $0x0;
	s12 =	simm.s32 $0x800  }
0x4: {  	s13 =	simm.s32 $0x1800;
	s5 =	sand.u32 $0x1, s2;
	s31 =	sshll.u32 s0, $0x1  }
0x5: {  	s14 =	simm.s32 $0x9800;
	s15 =	simm.s32 $0x11800;
	s7 =	sor.u32 s5, s31  }
0x6: {  	s16 =	simm.s32 $0x1000;
	s2 =	rddreg [dreg:$0x3];
	s8 =	smul.u32 $0x18000, s7  }
0x7: {  	s17 =	simm.s32 $0x0;
	[smem:$0x7FF] =	sst s4;
	s9 =	ssub.s32 $0x2, s5  }
0x8: {  	_ =	strace $0x80000047;
	s10 =	sshrl.u32 s9, $0x1;
	s8 =	sshrl.u32 s8, $0x3  }
0x9: {  	s5 =	sadd.s32 $0x60200, s6;
	s10 =	ssub.s32 s9, s10;
	s11 =	sadd.s32 s8, s6  }
0xa: {  	s10 =	smax.u32 s10, $0x1;
	s6 =	sshll.u32 s7, $0xB;
	s7 =	sadd.s32 $0x200, s11  }
0xb: {  	v0 =	vimm.s32 $0x0;
	v1 =	vimm.s32 $0x1;
	s8 =	sadd.s32 $0x1200, s11;
	s9 =	sadd.s32 $0x2200, s11;
	s11 =	simm.s32 $0x1  }
.LBB2_1:
0xc: {  	s18 =	simm.s32 $0x1840  }
0xd: {  	s19 =	simm.s32 $0x9840;
	[tilespmem:s18+$0xFFFFFFC0] =	vst v0  }
0xe: {  	s20 =	simm.s32 $0x11840;
	[tilespmem:s19+$0xFFFFFFC0] =	vst v0  }
0xf: {  	[tilespmem:s20+$0xFFFFFFC0] =	vst v0  }
0x10: {  	[tilespmem:s18+$0xFFFFFFD0] =	vst v0  }
0x11: {  	[tilespmem:s19+$0xFFFFFFD0] =	vst v0  }
0x12: {  	[tilespmem:s20+$0xFFFFFFD0] =	vst v0  }
0x13: {  	[tilespmem:s18+$0xFFFFFFE0] =	vst v0  }
0x14: {  	[tilespmem:s19+$0xFFFFFFE0] =	vst v0  }
0x15: {  	[tilespmem:s20+$0xFFFFFFE0] =	vst v0  }
0x16: {  	[tilespmem:s18+$0xFFFFFFF0] =	vst v0  }
0x17: {  	[tilespmem:s19+$0xFFFFFFF0] =	vst v0  }
0x18: {  	[tilespmem:s20+$0xFFFFFFF0] =	vst v0  }
0x19: {  	[tilespmem:s18+$0x0] =	vst v0  }
0x1a: {  	[tilespmem:s19+$0x0] =	vst v0  }
0x1b: {  	[tilespmem:s20+$0x0] =	vst v0  }
0x1c: {  	[tilespmem:s18+$0x10] =	vst v0  }
0x1d: {  	[tilespmem:s19+$0x10] =	vst v0  }
0x1e: {  	[tilespmem:s20+$0x10] =	vst v0  }
0x1f: {  	[tilespmem:s18+$0x20] =	vst v0  }
0x20: {  	[tilespmem:s19+$0x20] =	vst v0  }
0x21: {  	[tilespmem:s20+$0x20] =	vst v0  }
0x22: {  	[tilespmem:s18+$0x30] =	vst v0  }
0x23: {  	[tilespmem:s19+$0x30] =	vst v0  }
0x24: {  	s21 =	simm.s32 $0x0;
	s22 =	simm.s32 $0x18C0;
	[tilespmem:s20+$0x30] =	vst v0  }
.LBB2_2:
0x25: {  	[tilespmem:s22+$0xFFFFFFC0] =	vst v0;
	s19 =	sadd.s32 $0x80, s19  }
0x26: {  	s20 =	sadd.s32 $0x80, s20;
	[tilespmem:s19+$0xFFFFFFC0] =	vst v0  }
0x27: {  	[tilespmem:s20+$0xFFFFFFC0] =	vst v0  }
0x28: {  	[tilespmem:s22+$0xFFFFFFD0] =	vst v0  }
0x29: {  	[tilespmem:s19+$0xFFFFFFD0] =	vst v0  }
0x2a: {  	[tilespmem:s20+$0xFFFFFFD0] =	vst v0  }
0x2b: {  	[tilespmem:s22+$0xFFFFFFE0] =	vst v0  }
0x2c: {  	[tilespmem:s19+$0xFFFFFFE0] =	vst v0  }
0x2d: {  	[tilespmem:s20+$0xFFFFFFE0] =	vst v0  }
0x2e: {  	[tilespmem:s22+$0xFFFFFFF0] =	vst v0  }
0x2f: {  	[tilespmem:s19+$0xFFFFFFF0] =	vst v0  }
0x30: {  	[tilespmem:s20+$0xFFFFFFF0] =	vst v0  }
0x31: {  	[tilespmem:s22+$0x0] =	vst v0  }
0x32: {  	[tilespmem:s19+$0x0] =	vst v0  }
0x33: {  	[tilespmem:s20+$0x0] =	vst v0  }
0x34: {  	[tilespmem:s22+$0x10] =	vst v0  }
0x35: {  	[tilespmem:s19+$0x10] =	vst v0  }
0x36: {  	s21 =	sadd.s32 $0x8, s21;
	[tilespmem:s20+$0x10] =	vst v0  }
0x37: {  	p0 =	slt.u32 s21, $0x7F8;
	[tilespmem:s22+$0x20] =	vst v0  }
.Ltmp0:
0x38: {  	[tilespmem:s19+$0x20] =	vst v0;
	(pc) =	sbr.rel @p0 .LBB2_2-.Ltmp0, $4  }
0x39: {  	[tilespmem:s20+$0x20] =	vst v0  }
0x3a: {  	[tilespmem:s22+$0x30] =	vst v0  }
0x3b: {  	[tilespmem:s19+$0x30] =	vst v0  }
0x3c: {  	s18 =	simm.s32 $0x0;
	s22 =	sadd.s32 $0x80, s22;
	[tilespmem:s20+$0x30] =	vst v0  }
.LBB2_3:
0x3d: {  	s19 =	sshll.u32 s18, $0x8  }
0x3e: {  	s19 =	sadd.s32 s6, s19  }
0x3f: {  	s20 =	sadd.s32 s1, s19  }
0x40: {  	[tilespmem:s4], [sflag:$0x1] =	stream.linear.gather [hbm4b:s20+s4], $0x800, $0x38;
	[tilespmem:$0x19800] =	vst v63  }
0x41: {  	_ =	swait.ge [sflag:s11], $0x800  }
0x42: {  	[sflag:s11] =	ssyncset.done $0x0  }
0x43: {  	s31 =	sadd.s32 s3, s19;
	[sflag:s11] =	ssyncadd.s32 $0xFFFFF800  }
0x44: {  	[tilespmem:s12], [sflag:$0x1] =	stream.linear.gather [hbm4b:s31+s4], $0x800, $0x38;
	[tilespmem:$0x19800] =	vst v63  }
0x45: {  	_ =	swait.ge [sflag:s11], $0x800  }
0x46: {  	s21 =	simm.s32 $0x1020;
	s22 =	simm.s32 $0x820;
	[sflag:s11] =	ssyncset.done $0x0  }
0x47: {  	s23 =	simm.s32 $0x20;
	s20 =	simm.s32 $0xFFFFFFFC;
	[sflag:s11] =	ssyncadd.s32 $0xFFFFF800  }
.LBB2_4:
0x48: {  	v2 =	vld [tilespmem:s23+$0xFFFFFFE0]  }
0x49: {  	v3 =	vld [tilespmem:s22+$0xFFFFFFE0];
	_ =	sdelay $0x4  }
0x4a: {  	v4 =	vsub.f32 v2, v3  }
0x4b: {  	vm0 =	vlt.s32 v3, $0x0;
	v5 =	vxor.u32 $0xFFFFFFFF, v3;
	v3 =	vxor.u32 $0x80000000, v3  }
0x4c: {  	vm6 =	vlt.s32 v2, $0x0;
	v48 =	vxor.u32 $0xFFFFFFFF, v2;
	v3 =	vsel vm0, v5, v3  }
0x4d: {  	vm5 =	vlt.s32 v4, $0x0;
	v47 =	vxor.u32 $0xFFFFFFFF, v4;
	v6 =	vxor.u32 $0x80000000, v4  }
0x4e: {  	v2 =	vxor.u32 $0x80000000, v2;
	v3 =	vshrl.u32 v3, $0x11;
	v5 =	vsel vm5, v47, v6  }
0x4f: {  	v2 =	vsel vm6, v48, v2;
	v5 =	vshrl.u32 v5, $0x11  }
0x50: {  	v2 =	vshrl.u32 v2, $0x11;
	_ =	sdelay $0x1  }
0x51: {  	[tilespmem:s21+$0xFFFFFFE0] =	vst v4  }
0x52: {  	[tilespmem:v3+s13+$0x0] =	vst.idx.add.s32.msk $0xffff, v1  }
0x53: {  	[tilespmem:v5+s14+$0x0] =	vst.idx.add.s32.msk $0xffff, v1  }
0x54: {  	[tilespmem:v2+s15+$0x0] =	vst.idx.add.s32.msk $0xffff, v1  }
0x55: {  	v2 =	vld [tilespmem:s23+$0xFFFFFFF0]  }
0x56: {  	v3 =	vld [tilespmem:s22+$0xFFFFFFF0];
	_ =	sdelay $0x4  }
0x57: {  	v49 =	vsub.f32 v2, v3  }
0x58: {  	vm7 =	vlt.s32 v3, $0x0;
	v50 =	vxor.u32 $0xFFFFFFFF, v3;
	v3 =	vxor.u32 $0x80000000, v3  }
0x59: {  	vm9 =	vlt.s32 v2, $0x0;
	v53 =	vxor.u32 $0xFFFFFFFF, v2;
	v3 =	vsel vm7, v50, v3  }
0x5a: {  	vm8 =	vlt.s32 v49, $0x0;
	v51 =	vxor.u32 $0xFFFFFFFF, v49;
	v52 =	vxor.u32 $0x80000000, v49  }
0x5b: {  	v2 =	vxor.u32 $0x80000000, v2;
	v3 =	vshrl.u32 v3, $0x11;
	v5 =	vsel vm8, v51, v52  }
0x5c: {  	v2 =	vsel vm9, v53, v2;
	v5 =	vshrl.u32 v5, $0x11  }
0x5d: {  	v2 =	vshrl.u32 v2, $0x11;
	_ =	sdelay $0x1  }
0x5e: {  	[tilespmem:s21+$0xFFFFFFF0] =	vst v49  }
0x5f: {  	[tilespmem:v3+s13+$0x0] =	vst.idx.add.s32.msk $0xffff, v1  }
0x60: {  	[tilespmem:v5+s14+$0x0] =	vst.idx.add.s32.msk $0xffff, v1  }
0x61: {  	[tilespmem:v2+s15+$0x0] =	vst.idx.add.s32.msk $0xffff, v1  }
0x62: {  	v2 =	vld [tilespmem:s23+$0x0]  }
0x63: {  	v3 =	vld [tilespmem:s22+$0x0];
	_ =	sdelay $0x4  }
0x64: {  	v54 =	vsub.f32 v2, v3  }
0x65: {  	vm10 =	vlt.s32 v3, $0x0;
	v55 =	vxor.u32 $0xFFFFFFFF, v3;
	v3 =	vxor.u32 $0x80000000, v3  }
0x66: {  	vm12 =	vlt.s32 v2, $0x0;
	v58 =	vxor.u32 $0xFFFFFFFF, v2;
	v3 =	vsel vm10, v55, v3  }
0x67: {  	vm11 =	vlt.s32 v54, $0x0;
	v56 =	vxor.u32 $0xFFFFFFFF, v54;
	v57 =	vxor.u32 $0x80000000, v54  }
0x68: {  	v2 =	vxor.u32 $0x80000000, v2;
	v3 =	vshrl.u32 v3, $0x11;
	v5 =	vsel vm11, v56, v57  }
0x69: {  	v2 =	vsel vm12, v58, v2;
	v5 =	vshrl.u32 v5, $0x11  }
0x6a: {  	v2 =	vshrl.u32 v2, $0x11;
	_ =	sdelay $0x1  }
0x6b: {  	[tilespmem:s21+$0x0] =	vst v54  }
0x6c: {  	[tilespmem:v3+s13+$0x0] =	vst.idx.add.s32.msk $0xffff, v1  }
0x6d: {  	[tilespmem:v5+s14+$0x0] =	vst.idx.add.s32.msk $0xffff, v1  }
0x6e: {  	[tilespmem:v2+s15+$0x0] =	vst.idx.add.s32.msk $0xffff, v1  }
0x6f: {  	v2 =	vld [tilespmem:s23+$0x10]  }
0x70: {  	v3 =	vld [tilespmem:s22+$0x10];
	_ =	sdelay $0x4  }
0x71: {  	v59 =	vsub.f32 v2, v3  }
0x72: {  	vm13 =	vlt.s32 v3, $0x0;
	v60 =	vxor.u32 $0xFFFFFFFF, v3;
	v3 =	vxor.u32 $0x80000000, v3  }
0x73: {  	vm15 =	vlt.s32 v2, $0x0;
	v63 =	vxor.u32 $0xFFFFFFFF, v2;
	v3 =	vsel vm13, v60, v3  }
0x74: {  	vm14 =	vlt.s32 v59, $0x0;
	v61 =	vxor.u32 $0xFFFFFFFF, v59;
	v62 =	vxor.u32 $0x80000000, v59  }
0x75: {  	v2 =	vxor.u32 $0x80000000, v2;
	v3 =	vshrl.u32 v3, $0x11;
	v5 =	vsel vm14, v61, v62  }
0x76: {  	s20 =	sadd.s32 $0x4, s20;
	v2 =	vsel vm15, v63, v2;
	v5 =	vshrl.u32 v5, $0x11  }
0x77: {  	p0 =	slt.u32 s20, $0x7C;
	v2 =	vshrl.u32 v2, $0x11  }
.Ltmp1:
0x78: {  	_ = 	snop;
	(pc) =	sbr.rel @p0 .LBB2_4-.Ltmp1, $4  }
0x79: {  	[tilespmem:s21+$0x10] =	vst v59  }
0x7a: {  	[tilespmem:v3+s13+$0x0] =	vst.idx.add.s32.msk $0xffff, v1  }
0x7b: {  	[tilespmem:v5+s14+$0x0] =	vst.idx.add.s32.msk $0xffff, v1  }
0x7c: {  	s22 =	sadd.s32 $0x40, s22;
	s23 =	sadd.s32 $0x40, s23;
	s21 =	sadd.s32 $0x40, s21;
	[tilespmem:v2+s15+$0x0] =	vst.idx.add.s32.msk $0xffff, v1  }
0x7d: {  	s18 =	sadd.s32 $0x1, s18  }
0x7e: {  	p0 =	sne.s32 s18, $0x8  }
.Ltmp2:
0x7f: {  	s19 =	sadd.s32 s5, s19;
	(pc) =	sbr.rel @p0 .LBB2_3-.Ltmp2, $4  }
0x80: {  	[hbm4b:s19+s4] =	stream.linear.scatter [tilespmem:s16], [sflag:$0x1], $0x800, $0x38;
	[tilespmem:$0x19800] =	vst v63  }
0x81: {  	_ =	swait.ge [sflag:s11], $0x800  }
0x82: {  	[sflag:s11] =	ssyncset.done $0x0  }
0x83: {  	[sflag:s11] =	ssyncadd.s32 $0xFFFFF800  }
0x84: {  	[hbm4b:s7+s4] =	stream.linear.scatter [tilespmem:s13], [sflag:$0x1], $0x8000, $0x38;
	[tilespmem:$0x19800] =	vst v63  }
0x85: {  	_ =	swait.ge [sflag:s11], $0x8000  }
0x86: {  	[sflag:s11] =	ssyncset.done $0x0  }
0x87: {  	[sflag:s11] =	ssyncadd.s32 $0xFFFF8000  }
0x88: {  	[hbm4b:s8+s4] =	stream.linear.scatter [tilespmem:s14], [sflag:$0x1], $0x8000, $0x38;
	[tilespmem:$0x19800] =	vst v63  }
0x89: {  	s17 =	sadd.s32 $0x1, s17;
	_ =	swait.ge [sflag:s11], $0x8000  }
0x8a: {  	p0 =	sne.s32 s17, s10;
	[sflag:s11] =	ssyncset.done $0x0  }
.Ltmp3:
0x8b: {  	[sflag:s11] =	ssyncadd.s32 $0xFFFF8000;
	(pc) =	sbr.rel @p0 .LBB2_1-.Ltmp3, $4  }
0x8c: {  	[hbm4b:s9+s4] =	stream.linear.scatter [tilespmem:s15], [sflag:$0x1], $0x8000, $0x38;
	[tilespmem:$0x19800] =	vst v63  }
0x8d: {  	_ =	swait.ge [sflag:s11], $0x8000  }
0x8e: {  	[sflag:s11] =	ssyncset.done $0x0  }
0x8f: {  	[sflag:s11] =	ssyncadd.s32 $0xFFFF8000  }
0x90: {  	_ =	sfence.sel $0x180000  }
0x91: {  	[bflag:$0x0] =	sbarrier.arrive $0xFFFF  }
0x92: {  	p0 =	sne.s32 s0, $0x0;
	_ =	strace $0x90000047  }
0x93: {  	s0 =	sadd.s32 @!p0 $0x100000, s2;
	[bflag:$0x2] =	sbarrier.arrive $0xFFFF  }
0x94: {  	[sflag:s0] =	ssyncadd.tile.s32 @!p0 $0x1;
	_ =	shalt  }
.Lfunc_end2:
_tile_overlayer_lowered:
.L_overlay_start_2:
0x95: {  	(tag) =	ssettag $0x2  }
0x96: {  	s0 =	rddreg [dreg:$0x0];
	s2 =	stileid.u32  }
0x97: {  	s1 =	rddreg [dreg:$0x1];
	p0 =	sne.s32 s2, $0x0  }
0x98: {  	s3 =	rddreg [dreg:$0x2];
	[bflag:$0x3] =	sbarrier.arrive $0xFFFF;
	s2 =	simm.s32 @!p0 $0x1C01  }
0x99: {  	[timem:s3], [sflag:s2] =	dma.local @!p0 [hbm:s0], s1  }
0x9a: {  	s0 =	simm.s32 @!p0 $0x1  }
0x9b: {  	_ =	swait.ge @!p0 [sflag:s0], s1  }
0x9c: {  	s1 =	ssub.s32 @!p0 $0x0, s1;
	[sflag:s0] =	ssyncset.done @!p0 $0x0  }
0x9d: {  	[sflag:s0] =	ssyncadd.s32 @!p0 s1  }
0x9e: {  	[bflag:$0x3] =	sbarrier.arrive $0xFFFF  }
0x9f: {  	_ =	shalt  }

// kernel: kernel.9.cloned.1.call-start
scs
__scs_entry_jumppad:
0x0: {  	(pc) =	sbr.rel $0x88, $3  }
0x1: {  	(tag) =	ssettag $0x0;
	lr =	simm.s32 $0x1  }
0x2: {  	[smem:$0x3F9D] =	sst lr;
	_ =	strace $0xD0000000  }
0x3: {  	_ = 	snop  }
0x4: {  	_ = 	snop  }
0x5: {  	_ = 	snop  }
0x6: {  	_ = 	snop  }
0x7: {  	_ = 	snop  }
__scs_overlays_trampoline_lowered:
0x8: {  	[smem:$0x3FAC] =	sst s0  }
0x9: {  	[smem:$0x3FAD] =	sst s1  }
0xa: {  	[smem:$0x3FAE] =	sst s2  }
0xb: {  	[smem:$0x3FAF] =	sst s3  }
0xc: {  	[smem:$0x3FB0] =	sst s4  }
0xd: {  	[smem:$0x3FB1] =	sst s5  }
0xe: {  	[smem:$0x3FB2] =	sst s6  }
0xf: {  	[smem:$0x3FB3] =	sst s7  }
0x10: {  	[smem:$0x3FB4] =	sst s8  }
0x11: {  	[smem:$0x3FB5] =	sst s9;
	s0 =	simm.s32 @!p0 $0x0  }
0x12: {  	s1 =	sld [smem:$0x3F9B];
	s0 =	simm.s32 @p0 $0x1  }
0x13: {  	[smem:$0x3FB6] =	sst s0;
	s0 =	simm.s32 @!p1 $0x0  }
0x14: {  	s2 =	sld [smem:$0x3F9A];
	s0 =	simm.s32 @p1 $0x1  }
0x15: {  	[smem:$0x3FB7] =	sst s0;
	s0 =	simm.s32 @!p2 $0x0  }
0x16: {  	s3 =	sld [smem:$0x3FDB];
	s0 =	simm.s32 @p2 $0x1  }
0x17: {  	s4 =	simm.s32 $0x1BF5;
	[smem:$0x3FB9] =	sst s0  }
0x18: {  	s0 =	sld [smem:$0x3F9C];
	_ =	swait.ge [sflag:s4], $0x0  }
0x19: {  	s7 =	sld [smem:$0x3F9D]  }
0x1a: {  	s8 =	sadd.s32 $0xFFFFE003, lr  }
0x1b: {  	s9 =	sadd.s32 $0xFFFFFEF7, lr;
	s5 =	simm.s32 $0xFFFFFFFF;
	p2 =	slt.u32 s8, $0xFFFFF086  }
0x1c: {  	p1 =	slt.u32 s9, $0xF7A;
	s5 =	simm.s32 @!p2 $0x0  }
0x1d: {  	s5 =	simm.s32 @p1 $0x1;
	p0 =	seq.s32 s7, s2  }
0x1e: {  	s7 =	smul.u32 @!p0 $0xF7A, s2;
	p2 =	seq.s32 @!p0 s5, $0x0  }
0x1f: {  	s9 =	smul.u32 $0xF7A, s1;
	s8 =	simm.s32 @!p0 $0x1BF5;
	p2 =	por !p2, p0  }
0x20: {  	[sflag:s8] =	ssyncset.s32 @!p0 $0xFFFFF086;
	s6 =	sadd.s32 @!p0 s3, s7;
	s7 =	simm.s32 @!p0 $0x108  }
0x21: {  	s3 =	sadd.s32 s3, s9;
	s6 =	sadd.s32 @!p0 $0x88, s6;
	s7 =	simm.s32 @p2 $0x1082  }
0x22: {  	[simem:s7], [sflag:s8] =	dma.local @!p0 [hbm:s6], $0xF7A  }
0x23: {  	s9 =	sor.u32 $0xD0000000, s2;
	s6 =	simm.s32 $0x108;
	_ =	swait.ge @!p0 [sflag:s8], $0x0  }
0x24: {  	s3 =	sadd.s32 $0x88, s3;
	s6 =	simm.s32 @!p1 $0x1082;
	[sflag:s4] =	ssyncset.s32 $0xFFFFF086  }
0x25: {  	[simem:s6], [sflag:s4] =	dma.local [hbm:s3], $0xF7A  }
0x26: {  	[smem:$0x3F9D] =	sst s1;
	(tag) =	ssettag s2;
	_ =	strace s9  }
0x27: {  	s1 =	sld [smem:$0x3FAD]  }
0x28: {  	s2 =	sld [smem:$0x3FAE]  }
0x29: {  	s4 =	sld [smem:$0x3FB0]  }
0x2a: {  	p0 =	seq.s32 s5, $0x0;
	s5 =	sld [smem:$0x3FB1]  }
0x2b: {  	s6 =	sld [smem:$0x3FB2]  }
0x2c: {  	s7 =	sld [smem:$0x3FB3]  }
0x2d: {  	s3 =	simm.s32 $0x108;
	s8 =	sld [smem:$0x3FB4]  }
0x2e: {  	s3 =	simm.s32 @!p0 $0x1082;
	s9 =	sld [smem:$0x3FB5]  }
0x2f: {  	lr =	sadd.s32 s0, s3;
	s0 =	sld [smem:$0x3FAC]  }
0x30: {  	s3 =	sld [smem:$0x3FAF]  }
0x31: {  	[smem:$0x3FB8] =	sst s10  }
0x32: {  	s10 =	sld [smem:$0x3FB6];
	_ =	sdelay $0x3  }
0x33: {  	p0 =	seq.s32 s10, $0x1;
	s10 =	sld [smem:$0x3FB8];
	_ =	sdelay $0x3  }
0x34: {  	[smem:$0x3FB8] =	sst s10  }
0x35: {  	s10 =	sld [smem:$0x3FB7];
	_ =	sdelay $0x3  }
0x36: {  	p1 =	seq.s32 s10, $0x1;
	s10 =	sld [smem:$0x3FB8];
	_ =	sdelay $0x3  }
0x37: {  	[smem:$0x3FB8] =	sst s10  }
0x38: {  	s10 =	sld [smem:$0x3FB9]  }
0x39: {  	_ = 	snop;
	(pc) =	sbr.ind lr, $3  }
0x3a: {  	_ = 	snop  }
0x3b: {  	_ = 	snop  }
0x3c: {  	p2 =	seq.s32 s10, $0x1;
	s10 =	sld [smem:$0x3FB8]  }
0x3d: {  	_ =	shalt  }
0x3e: {  	_ =	shalt  }
0x3f: {  	_ =	shalt  }
0x40: {  	_ =	shalt  }
0x41: {  	_ =	shalt  }
0x42: {  	_ =	shalt  }
0x43: {  	_ =	shalt  }
0x44: {  	_ =	shalt  }
0x45: {  	_ =	shalt  }
0x46: {  	_ =	shalt  }
0x47: {  	_ =	shalt  }
0x48: {  	_ =	shalt  }
0x49: {  	_ =	shalt  }
0x4a: {  	_ =	shalt  }
0x4b: {  	_ =	shalt  }
0x4c: {  	_ =	shalt  }
0x4d: {  	_ =	shalt  }
0x4e: {  	_ =	shalt  }
0x4f: {  	_ =	shalt  }
0x50: {  	_ =	shalt  }
0x51: {  	_ =	shalt  }
0x52: {  	_ =	shalt  }
0x53: {  	_ =	shalt  }
0x54: {  	_ =	shalt  }
0x55: {  	_ =	shalt  }
0x56: {  	_ =	shalt  }
0x57: {  	_ =	shalt  }
0x58: {  	_ =	shalt  }
0x59: {  	_ =	shalt  }
0x5a: {  	_ =	shalt  }
0x5b: {  	_ =	shalt  }
0x5c: {  	_ =	shalt  }
0x5d: {  	_ =	shalt  }
0x5e: {  	_ =	shalt  }
0x5f: {  	_ =	shalt  }
0x60: {  	_ =	shalt  }
0x61: {  	_ =	shalt  }
0x62: {  	_ =	shalt  }
0x63: {  	_ =	shalt  }
0x64: {  	_ =	shalt  }
0x65: {  	_ =	shalt  }
0x66: {  	_ =	shalt  }
0x67: {  	_ =	shalt  }
0x68: {  	_ =	shalt  }
0x69: {  	_ =	shalt  }
0x6a: {  	_ =	shalt  }
0x6b: {  	_ =	shalt  }
0x6c: {  	_ =	shalt  }
0x6d: {  	_ =	shalt  }
0x6e: {  	_ =	shalt  }
0x6f: {  	_ =	shalt  }
0x70: {  	_ =	shalt  }
0x71: {  	_ =	shalt  }
0x72: {  	_ =	shalt  }
0x73: {  	_ =	shalt  }
0x74: {  	_ =	shalt  }
0x75: {  	_ =	shalt  }
0x76: {  	_ =	shalt  }
0x77: {  	_ =	shalt  }
0x78: {  	_ =	shalt  }
0x79: {  	_ =	shalt  }
0x7a: {  	_ =	shalt  }
0x7b: {  	_ =	shalt  }
0x7c: {  	_ =	shalt  }
0x7d: {  	_ =	shalt  }
0x7e: {  	_ =	shalt  }
0x7f: {  	_ =	shalt  }
0x80: {  	_ =	shalt  }
0x81: {  	_ =	shalt  }
0x82: {  	_ =	shalt  }
0x83: {  	_ =	shalt  }
0x84: {  	_ =	shalt  }
0x85: {  	_ =	shalt  }
0x86: {  	_ =	shalt  }
0x87: {  	_ =	shalt  }
.Lfunc_end0:
.L_simem_size_0:
called_computation.1_lowered:
.L_overlay_start_0:
0x88: {  	s0 =	sld [smem:$0x3FD9]  }
0x89: {  	s1 =	sld [smem:$0x3FFE];
	_ =	sdelay $0x3  }
0x8a: {  	s0 =	sadd.s32 s1, s0  }
0x8b: {  	[smem:$0x3FC4] =	sst s0  }
0x8c: {  	_ = 	snop  }
0x8d: {  	(tm) =	ssettm $0x1  }
0x8e: {  	s15 =	sld [smem:$0x3FFB];
	_ =	sdelay $0x3  }
0x8f: {  	_ =	strace s15  }
0x90: {  	s0 =	sld [smem:$0x3FFC];
	_ =	sdelay $0x3  }
0x91: {  	_ =	strace s0  }
0x92: {  	s0 =	sld [smem:$0x3FFD];
	_ =	sdelay $0x3  }
0x93: {  	_ =	strace s0  }
0x94: {  	_ =	strace $0x8FFFFFFF  }
0x95: {  	s16 =	sld [smem:$0x3FDB];
	_ =	sdelay $0x1  }
0x96: {  	s17 =	simm.s32 $_scs_section_size  }
0x97: {  	s2 =	simm.s32 $_size__tile_overlayer_lowered;
	s3 =	simm.s32 $_tile_overlayer_lowered  }
0x98: {  	s20 =	simm.s32 $0x1BFF;
	s19 =	sshll.u32 s3, $0x1;
	s0 =	sadd.s32 s17, s16  }
0x99: {  	s4 =	simm.s32 $0x0;
	s18 =	sshll.u32 s2, $0x1;
	s2 =	sadd.s32 s19, s0  }
0x9a: {  	[timem:s4], [sflag:s20] =	dma.local [hbm:s2], s18  }
0x9b: {  	_ =	swait.ge [sflag:s20], s18  }
0x9c: {  	s1 =	ssub.s32 $0x0, s18;
	[sflag:s20] =	ssyncset.done $0x0  }
0x9d: {  	[sflag:s20] =	ssyncadd.s32 s1;
	_ =	sdelay $0x1  }
0x9e: {  	s21 =	simm.s32 $0x1B8B  }
0x9f: {  	_ =	swait.ge [sflag:s21], $0x1  }
0xa0: {  	[sflag:s21] =	ssyncset.done $0x0  }
0xa1: {  	s23 =	simm.s32 $0x1B8E;
	s22 =	sld [smem:$0x3FFE];
	[sflag:s21] =	ssyncadd.s32 $0xFFFFFFFF  }
0xa2: {  	s24 =	simm.s32 $execute0_lowered;
	[smem:$0x3FD2] =	sst s23  }
0xa3: {  	s2 =	sshll.u32 s24, $0x1;
	_ =	strace $0x80000049;
	[dreg:$0x1] =	wrdreg $0xFFFFFFFF  }
0xa4: {  	s25 =	simm.s32 $_size_execute0_lowered;
	s0 =	sadd.s32 s0, s2;
	[dreg:$0x0] =	wrdreg $0x0  }
0xa5: {  	s2 =	sshll.u32 s25, $0x1;
	[dreg:$0x2] =	wrdreg s0  }
0xa6: {  	[dreg:$0x3] =	wrdreg s2  }
0xa7: {  	[dreg:$0x4] =	wrdreg $0xC0  }
0xa8: {  	_ =	task [dreg:s4], $0x5FFFF  }
0xa9: {  	[dreg:$0x1] =	wrdreg $0xFFFFFFFF  }
0xaa: {  	[dreg:$0x0] =	wrdreg $0x60  }
0xab: {  	[dreg:$0x2] =	wrdreg s22  }
0xac: {  	[dreg:$0x3] =	wrdreg $0x121800  }
0xad: {  	[dreg:$0x4] =	wrdreg $0xA  }
0xae: {  	_ =	task.clear_ibuf [dreg:s4], $0x5FFFF;
	_ =	strace $0x90000049  }
0xaf: {  	s26 =	simm.s32 $0xA;
	_ =	strace $0x8000004B  }
0xb0: {  	_ =	swait.ge [sflag:s26], $0x1  }
0xb1: {  	[sflag:s26] =	ssyncadd.s32 $0xFFFFFFFF  }
0xb2: {  	_ =	strace $0x9000004B  }
0xb3: {  	_ =	sfence  }
0xb4: {  	s28 =	sld [smem:$0x0];
	_ =	sdelay $0x1  }
0xb5: {  	s29 =	srdreg.scid  }
0xb6: {  	s30 =	sshll.u32 s29, $0xD;
	s31 =	sshrl.u32 s29, $0x2  }
0xb7: {  	s1 =	sand.u32 $0x1, s29;
	s2 =	sand.u32 $0x4000, s30;
	s0 =	sadd.s32 s31, s28  }
0xb8: {  	s1 =	sor.u32 s2, s1;
	s0 =	sshll.u32 s0, $0x11  }
0xb9: {  	s0 =	sor.u32 s0, s1  }
0xba: {  	s0 =	sadd.s32 $0x8F2B, s0  }
0xbb: {  	[sflag:s0] =	ssyncadd.remote.s32 $0x1  }
0xbc: {  	_ =	sfence.sel $0xFFFF  }
0xbd: {  	[dreg:$0x0] =	wrdreg $0xFFFFFFFF;
	(pc) =	sbr.abs _section_cstart, $3  }
0xbe: {  	[dreg:$0x1] =	wrdreg $0xFFFFFFFF  }
0xbf: {  	_ =	task.clear_ibuf [dreg:s4], $0x2FFFF;
	_ =	strace $0x9FFFFFFF  }
0xc0: {  	(tm) =	ssettm $0x7FFFFFFF  }
0xc1: {  	_ =	shalt  }
tec
execute0_lowered:
.L_overlay_start_1:
0x0: {  	(tag) =	ssettag $0x1  }
0x1: {  	s4 =	simm.s32 $0x0  }
0x2: {  	s1 =	stileid.u32;
	[smem:$0x7FF] =	sst s4  }
0x3: {  	s0 =	rddreg [dreg:$0x0];
	s1 =	sshll.u32 s1, $0x8;
	_ =	strace $0x8000004A  }
0x4: {  	[smem:$0x7FC] =	sst s1;
	s1 =	sadd.s32 s1, s0;
	s0 =	sadd.s32 $0x70200, s0  }
0x5: {  	v0 =	vimm.s32 $0x0;
	v1 =	vlaneseq.u32;
	s6 =	simm.s32 $0x0;
	[smem:$0x7FD] =	sst s0;
	s2 =	sadd.s32 $0x200, s1  }
.LBB2_1:
0x6: {  	s0 =	simm.s32 $0x2000  }
0x7: {  	s3 =	simm.s32 $0x0;
	s1 =	sadd.s32 $0x3000, s2;
	[smem:$0x7FB] =	sst s2  }
.LBB2_2:
0x8: {  	[tilespmem:s3], [sflag:$0x1] =	stream.linear.gather [hbm4b:s2+s4], $0x800, $0x38;
	[tilespmem:$0x12190] =	vst v63  }
0x9: {  	s3 =	smov.u32 s0;
	s2 =	smov.u32 s1;
	p0 =	sne.s32 s0, $0x3E000  }
.Ltmp0:
0xa: {  	s0 =	sadd.s32 $0x2000, s0;
	(pc) =	sbr.rel @p0 .LBB2_2-.Ltmp0, $2  }
0xb: {  	_ =	sdelay $0x2  }
0xc: {  	s1 =	sadd.s32 $0x3000, s1;
	s3 =	sshra.s32 s3, $0x2  }
0xd: {  	[tilespmem:s3], [sflag:$0x1] =	stream.linear.gather [hbm4b:s2+s4], $0x800, $0x38;
	[tilespmem:$0x12190] =	vst v63  }
0xe: {  	s1 =	simm.s32 $0x1  }
0xf: {  	_ =	swait.ge [sflag:s1], $0x800  }
0x10: {  	[sflag:s1] =	ssyncset.done $0x0  }
0x11: {  	[sflag:s1] =	ssyncadd.s32 $0xFFFFF800  }
0x12: {  	_ =	swait.ge [sflag:s1], $0x800  }
0x13: {  	[sflag:s1] =	ssyncset.done $0x0  }
0x14: {  	[sflag:s1] =	ssyncadd.s32 $0xFFFFF800  }
0x15: {  	_ =	swait.ge [sflag:s1], $0x800  }
0x16: {  	[sflag:s1] =	ssyncset.done $0x0  }
0x17: {  	[sflag:s1] =	ssyncadd.s32 $0xFFFFF800  }
0x18: {  	_ =	swait.ge [sflag:s1], $0x800  }
0x19: {  	[sflag:s1] =	ssyncset.done $0x0  }
0x1a: {  	[sflag:s1] =	ssyncadd.s32 $0xFFFFF800  }
0x1b: {  	_ =	swait.ge [sflag:s1], $0x800  }
0x1c: {  	[sflag:s1] =	ssyncset.done $0x0  }
0x1d: {  	[sflag:s1] =	ssyncadd.s32 $0xFFFFF800  }
0x1e: {  	_ =	swait.ge [sflag:s1], $0x800  }
0x1f: {  	[sflag:s1] =	ssyncset.done $0x0  }
0x20: {  	[sflag:s1] =	ssyncadd.s32 $0xFFFFF800  }
0x21: {  	_ =	swait.ge [sflag:s1], $0x800  }
0x22: {  	[sflag:s1] =	ssyncset.done $0x0  }
0x23: {  	[sflag:s1] =	ssyncadd.s32 $0xFFFFF800  }
0x24: {  	_ =	swait.ge [sflag:s1], $0x800  }
0x25: {  	[sflag:s1] =	ssyncset.done $0x0  }
0x26: {  	[sflag:s1] =	ssyncadd.s32 $0xFFFFF800  }
0x27: {  	_ =	swait.ge [sflag:s1], $0x800  }
0x28: {  	[sflag:s1] =	ssyncset.done $0x0  }
0x29: {  	[sflag:s1] =	ssyncadd.s32 $0xFFFFF800  }
0x2a: {  	_ =	swait.ge [sflag:s1], $0x800  }
0x2b: {  	[sflag:s1] =	ssyncset.done $0x0  }
0x2c: {  	[sflag:s1] =	ssyncadd.s32 $0xFFFFF800  }
0x2d: {  	_ =	swait.ge [sflag:s1], $0x800  }
0x2e: {  	[sflag:s1] =	ssyncset.done $0x0  }
0x2f: {  	[sflag:s1] =	ssyncadd.s32 $0xFFFFF800  }
0x30: {  	_ =	swait.ge [sflag:s1], $0x800  }
0x31: {  	[sflag:s1] =	ssyncset.done $0x0  }
0x32: {  	[sflag:s1] =	ssyncadd.s32 $0xFFFFF800  }
0x33: {  	_ =	swait.ge [sflag:s1], $0x800  }
0x34: {  	[sflag:s1] =	ssyncset.done $0x0  }
0x35: {  	[sflag:s1] =	ssyncadd.s32 $0xFFFFF800  }
0x36: {  	_ =	swait.ge [sflag:s1], $0x800  }
0x37: {  	[sflag:s1] =	ssyncset.done $0x0  }
0x38: {  	[sflag:s1] =	ssyncadd.s32 $0xFFFFF800  }
0x39: {  	_ =	swait.ge [sflag:s1], $0x800  }
0x3a: {  	[sflag:s1] =	ssyncset.done $0x0  }
0x3b: {  	[sflag:s1] =	ssyncadd.s32 $0xFFFFF800  }
0x3c: {  	_ =	swait.ge [sflag:s1], $0x800  }
0x3d: {  	[sflag:s1] =	ssyncset.done $0x0  }
0x3e: {  	[sflag:s1] =	ssyncadd.s32 $0xFFFFF800  }
0x3f: {  	_ =	swait.ge [sflag:s1], $0x800  }
0x40: {  	[sflag:s1] =	ssyncset.done $0x0  }
0x41: {  	[sflag:s1] =	ssyncadd.s32 $0xFFFFF800  }
0x42: {  	_ =	swait.ge [sflag:s1], $0x800  }
0x43: {  	[sflag:s1] =	ssyncset.done $0x0  }
0x44: {  	[sflag:s1] =	ssyncadd.s32 $0xFFFFF800  }
0x45: {  	_ =	swait.ge [sflag:s1], $0x800  }
0x46: {  	[sflag:s1] =	ssyncset.done $0x0  }
0x47: {  	[sflag:s1] =	ssyncadd.s32 $0xFFFFF800  }
0x48: {  	_ =	swait.ge [sflag:s1], $0x800  }
0x49: {  	[sflag:s1] =	ssyncset.done $0x0  }
0x4a: {  	[sflag:s1] =	ssyncadd.s32 $0xFFFFF800  }
0x4b: {  	_ =	swait.ge [sflag:s1], $0x800  }
0x4c: {  	[sflag:s1] =	ssyncset.done $0x0  }
0x4d: {  	[sflag:s1] =	ssyncadd.s32 $0xFFFFF800  }
0x4e: {  	_ =	swait.ge [sflag:s1], $0x800  }
0x4f: {  	[sflag:s1] =	ssyncset.done $0x0  }
0x50: {  	[sflag:s1] =	ssyncadd.s32 $0xFFFFF800  }
0x51: {  	_ =	swait.ge [sflag:s1], $0x800  }
0x52: {  	[sflag:s1] =	ssyncset.done $0x0  }
0x53: {  	[sflag:s1] =	ssyncadd.s32 $0xFFFFF800  }
0x54: {  	_ =	swait.ge [sflag:s1], $0x800  }
0x55: {  	[sflag:s1] =	ssyncset.done $0x0  }
0x56: {  	[sflag:s1] =	ssyncadd.s32 $0xFFFFF800  }
0x57: {  	_ =	swait.ge [sflag:s1], $0x800  }
0x58: {  	[sflag:s1] =	ssyncset.done $0x0  }
0x59: {  	[sflag:s1] =	ssyncadd.s32 $0xFFFFF800  }
0x5a: {  	_ =	swait.ge [sflag:s1], $0x800  }
0x5b: {  	[sflag:s1] =	ssyncset.done $0x0  }
0x5c: {  	[sflag:s1] =	ssyncadd.s32 $0xFFFFF800  }
0x5d: {  	_ =	swait.ge [sflag:s1], $0x800  }
0x5e: {  	[sflag:s1] =	ssyncset.done $0x0  }
0x5f: {  	[sflag:s1] =	ssyncadd.s32 $0xFFFFF800  }
0x60: {  	_ =	swait.ge [sflag:s1], $0x800  }
0x61: {  	[sflag:s1] =	ssyncset.done $0x0  }
0x62: {  	[sflag:s1] =	ssyncadd.s32 $0xFFFFF800  }
0x63: {  	_ =	swait.ge [sflag:s1], $0x800  }
0x64: {  	[sflag:s1] =	ssyncset.done $0x0  }
0x65: {  	[sflag:s1] =	ssyncadd.s32 $0xFFFFF800  }
0x66: {  	_ =	swait.ge [sflag:s1], $0x800  }
0x67: {  	[sflag:s1] =	ssyncset.done $0x0  }
0x68: {  	[sflag:s1] =	ssyncadd.s32 $0xFFFFF800  }
0x69: {  	s0 =	sshll.u32 s6, $0xB;
	_ =	swait.ge [sflag:s1], $0x800  }
0x6a: {  	s5 =	simm.s32 $0x0;
	s0 =	sand.u32 $0x3FFFF800, s0;
	[sflag:s1] =	ssyncset.done $0x0  }
0x6b: {  	s11 =	sand.u32 $0x780, s5;
	s0 =	sadd.s32 $0x10000, s0;
	[sflag:s1] =	ssyncadd.s32 $0xFFFFF800  }
0x6c: {  	s8 =	sand.u32 $0x60, s5;
	_ =	swait.ge [sflag:s1], $0x800;
	[dreg:$0x3] =	wrdreg s0  }
0x6d: {  	s5 =	sor.u32 s8, s11;
	s9 =	sor.u32 $0x800, s11;
	[smem:$0x7AF] =	sst s6  }
0x6e: {  	s10 =	sor.u32 $0x1000, s11;
	s12 =	sor.u32 $0x1800, s11;
	s7 =	rddreg [dreg:$0x3]  }
0x6f: {  	s13 =	sor.u32 $0x2000, s11;
	s14 =	sor.u32 $0x2800, s11;
	[smem:$0x7B3] =	sst s9  }
0x70: {  	s24 =	sor.u32 $0x3000, s11;
	s26 =	sor.u32 $0x3800, s11;
	[smem:$0x7B5] =	sst s10  }
0x71: {  	s28 =	sor.u32 $0x4000, s11;
	s29 =	sor.u32 $0x4800, s11;
	[smem:$0x7B6] =	sst s12  }
0x72: {  	s30 =	sor.u32 $0x5000, s11;
	s31 =	sor.u32 $0x5800, s11;
	[smem:$0x7B7] =	sst s13  }
0x73: {  	s20 =	sor.u32 $0x6000, s11;
	s15 =	sor.u32 s8, s24;
	[smem:$0x7B9] =	sst s14  }
0x74: {  	s21 =	sor.u32 $0x6800, s11;
	s16 =	sor.u32 s8, s29;
	[smem:$0x7B1] =	sst s15  }
0x75: {  	s2 =	sor.u32 s8, s9;
	s17 =	sor.u32 s8, s30;
	[smem:$0x7B2] =	sst s16  }
0x76: {  	s3 =	sor.u32 s8, s10;
	s18 =	sor.u32 s8, s31;
	[smem:$0x7B4] =	sst s17  }
0x77: {  	s25 =	sor.u32 s8, s13;
	s19 =	sor.u32 s8, s20;
	[smem:$0x7B8] =	sst s18  }
0x78: {  	s22 =	sor.u32 s8, s21;
	[sflag:s1] =	ssyncset.done $0x0;
	[smem:$0x7BA] =	sst s19  }
0x79: {  	s6 =	simm.s32 $0x0;
	[smem:$0x7BB] =	sst s22;
	s22 =	sor.u32 $0x7000, s11  }
0x7a: {  	[sflag:s1] =	ssyncadd.s32 $0xFFFFF800;
	[dreg:$0x4] =	wrdreg s6;
	s1 =	sor.u32 s8, s14  }
0x7b: {  	s18 =	sor.u32 $0x8000, s11;
	s6 =	sor.u32 s8, s22;
	[smem:$0x7B0] =	sst s1  }
0x7c: {  	s19 =	sor.u32 $0x8800, s11;
	s9 =	sor.u32 s8, s18;
	[smem:$0x7BC] =	sst s6  }
0x7d: {  	s16 =	sor.u32 $0x9000, s11;
	s10 =	sor.u32 s8, s19;
	[smem:$0x7BE] =	sst s9  }
0x7e: {  	s15 =	sor.u32 $0x9800, s11;
	s13 =	sor.u32 s8, s16;
	[smem:$0x7BF] =	sst s10  }
0x7f: {  	s17 =	sor.u32 $0x7800, s11;
	s14 =	sor.u32 s8, s15;
	[smem:$0x7C0] =	sst s13  }
0x80: {  	s1 =	sadd.s32 s11, s7;
	s7 =	sor.u32 s8, s17;
	[smem:$0x7C1] =	sst s14  }
0x81: {  	s4 =	sor.u32 s8, s12;
	v2 =	vld [tilespmem:s2+$0x0];
	s14 =	sor.u32 $0xA000, s11;
	[smem:$0x7BD] =	sst s7  }
0x82: {  	s13 =	sor.u32 $0xA800, s11;
	v5 =	vld [tilespmem:s4+$0x0];
	s2 =	sor.u32 s8, s14;
	s4 =	sld [smem:$0x7B0]  }
0x83: {  	v3 =	vld [tilespmem:s5+$0x0];
	s10 =	sor.u32 $0xB000, s11;
	s5 =	sor.u32 s8, s13;
	[smem:$0x7C2] =	sst s2  }
0x84: {  	s9 =	sor.u32 $0xB800, s11;
	s6 =	sor.u32 s8, s10;
	[smem:$0x7C3] =	sst s5  }
0x85: {  	s7 =	sor.u32 s8, s9;
	[smem:$0x7C4] =	sst s6;
	s6 =	sor.u32 $0xC000, s11  }
0x86: {  	s23 =	sor.u32 s8, s28;
	[smem:$0x7C8] =	sst s7;
	s2 =	sor.u32 s8, s6  }
0x87: {  	s12 =	sor.u32 s8, s26;
	v4 =	vld [tilespmem:s3+$0x0];
	s7 =	sor.u32 $0xC800, s11;
	[smem:$0x7C9] =	sst s2  }
0x88: {  	v6 =	vld [tilespmem:s25+$0x0];
	s5 =	sor.u32 $0xD000, s11;
	s3 =	sor.u32 s8, s7;
	s2 =	sld [smem:$0x7B1]  }
0x89: {  	s25 =	sor.u32 s8, s5;
	[smem:$0x7D0] =	sst s3;
	v7 =	vld [tilespmem:s4+$0x0];
	s4 =	sor.u32 $0xD800, s11  }
0x8a: {  	s3 =	sor.u32 $0xE000, s11;
	[smem:$0x7D1] =	sst s25;
	s25 =	sor.u32 s8, s4  }
0x8b: {  	[smem:$0x7D8] =	sst s25;
	s25 =	sor.u32 $0xE800, s11;
	v8 =	vld [tilespmem:s2+$0x0];
	s2 =	sor.u32 s8, s3  }
0x8c: {  	v2 =	vadd.s32 v2, v3;
	s0 =	sor.u32 s8, s25;
	[smem:$0x7D9] =	sst s2;
	s2 =	sor.u32 $0xF000, s11  }
0x8d: {  	v2 =	vadd.s32 v4, v2;
	v4 =	vld [tilespmem:s23+$0x0];
	[smem:$0x7DD] =	sst s0;
	s0 =	sor.u32 $0x10, s8;
	s23 =	sor.u32 s8, s2  }
0x8e: {  	v3 =	vld [tilespmem:s12+$0x0];
	s12 =	sor.u32 $0xF800, s11;
	s11 =	sor.u32 s0, s11;
	[smem:$0x7DE] =	sst s23  }
0x8f: {  	[smem:$0x7ED] =	sst s11  }
0x90: {  	s20 =	sor.u32 s0, s20;
	s11 =	sld [smem:$0x7B4]  }
0x91: {  	s21 =	sor.u32 s0, s21;
	[dreg:$0x1c] =	wrdreg s20  }
0x92: {  	[dreg:$0x1b] =	wrdreg s21  }
0x93: {  	s10 =	sor.u32 s0, s10;
	s20 =	sld [smem:$0x7BE]  }
0x94: {  	s9 =	sor.u32 s0, s9;
	[dreg:$0x9] =	wrdreg s10  }
0x95: {  	s6 =	sor.u32 s0, s6;
	[dreg:$0xc] =	wrdreg s9  }
0x96: {  	s5 =	sor.u32 s0, s5;
	[dreg:$0xa] =	wrdreg s6  }
0x97: {  	s4 =	sor.u32 s0, s4;
	[dreg:$0xb] =	wrdreg s5  }
0x98: {  	[dreg:$0x6] =	wrdreg s4  }
0x99: {  	s6 =	sld [smem:$0x7C2]  }
0x9a: {  	s21 =	sor.u32 s0, s14;
	s14 =	sld [smem:$0x7C4]  }
0x9b: {  	s23 =	sor.u32 s8, s12;
	s4 =	sor.u32 s0, s25;
	s25 =	sld [smem:$0x7D0]  }
0x9c: {  	[smem:$0x7E2] =	sst s23  }
0x9d: {  	s8 =	sadd.s32 s8, s1;
	s23 =	sld [smem:$0x7B2]  }
0x9e: {  	[smem:$0x7EC] =	sst s8  }
0x9f: {  	[dreg:$0x12] =	wrdreg s21  }
0xa0: {  	v2 =	vadd.s32 v5, v2;
	v5 =	vld [tilespmem:s23+$0x0];
	s23 =	sld [smem:$0x7B3]  }
0xa1: {  	s5 =	sor.u32 s0, s12;
	[dreg:$0x7] =	wrdreg s4  }
0xa2: {  	s9 =	simm.s32 $0x2;
	[dreg:$0x8] =	wrdreg s5  }
0xa3: {  	s8 =	smov.u32 s1;
	s1 =	sor.u32 s0, s23;
	s23 =	sld [smem:$0x7B5]  }
0xa4: {  	[dreg:$0x1f] =	wrdreg s9  }
0xa5: {  	[smem:$0x7F1] =	sst s1  }
0xa6: {  	s1 =	sor.u32 s0, s23;
	s23 =	sld [smem:$0x7B6]  }
0xa7: {  	s5 =	sld [smem:$0x7D1]  }
0xa8: {  	[smem:$0x7F2] =	sst s1  }
0xa9: {  	s1 =	sor.u32 s0, s23;
	s23 =	sld [smem:$0x7B7]  }
0xaa: {  	v2 =	vadd.s32 v6, v2;
	v6 =	vld [tilespmem:s11+$0x0];
	s11 =	sld [smem:$0x7B8]  }
0xab: {  	[smem:$0x7F6] =	sst s1  }
0xac: {  	s1 =	sor.u32 s0, s23;
	s23 =	sld [smem:$0x7B9]  }
0xad: {  	s9 =	sld [smem:$0x7D8]  }
0xae: {  	v2 =	vadd.s32 v7, v2;
	v7 =	vld [tilespmem:s11+$0x0];
	s11 =	sld [smem:$0x7BD]  }
0xaf: {  	[smem:$0x7F7] =	sst s1;
	s1 =	sor.u32 s0, s23  }
0xb0: {  	s23 =	sor.u32 s0, s24;
	s24 =	sor.u32 s0, s26;
	s26 =	sld [smem:$0x7BA]  }
0xb1: {  	[dreg:$0x17] =	wrdreg s1  }
0xb2: {  	[dreg:$0x14] =	wrdreg s23  }
0xb3: {  	[dreg:$0x10] =	wrdreg s24;
	s1 =	sor.u32 s0, s28  }
0xb4: {  	s23 =	sor.u32 s0, s29;
	[dreg:$0xf] =	wrdreg s1  }
0xb5: {  	s24 =	sor.u32 s0, s30;
	[dreg:$0xe] =	wrdreg s23  }
0xb6: {  	[dreg:$0x1e] =	wrdreg s24  }
0xb7: {  	s23 =	sld [smem:$0x7BC]  }
0xb8: {  	v2 =	vadd.s32 v8, v2;
	s1 =	sor.u32 s0, s31;
	v8 =	vld [tilespmem:s26+$0x0];
	s26 =	sld [smem:$0x7BB]  }
0xb9: {  	s24 =	sor.u32 s0, s22;
	[dreg:$0x1d] =	wrdreg s1  }
0xba: {  	s22 =	sor.u32 s0, s13;
	[dreg:$0x1a] =	wrdreg s24  }
0xbb: {  	[dreg:$0xd] =	wrdreg s22  }
0xbc: {  	s1 =	sor.u32 s0, s18;
	s18 =	sor.u32 s0, s16;
	s16 =	sld [smem:$0x7C8]  }
0xbd: {  	s22 =	sld [smem:$0x7C9]  }
0xbe: {  	[dreg:$0x15] =	wrdreg s1  }
0xbf: {  	v2 =	vadd.s32 v3, v2;
	s24 =	sor.u32 s0, s7;
	s7 =	simm.s32 $0x20;
	[dreg:$0x13] =	wrdreg s18  }
0xc0: {  	v2 =	vadd.s32 v2, v4;
	[dreg:$0x5] =	wrdreg s24;
	s12 =	sand.u32 $0x780, s7;
	v4 =	vld [tilespmem:s23+$0x0]  }
0xc1: {  	s23 =	sld [smem:$0x7BF];
	s10 =	sor.u32 $0x800, s12;
	v3 =	vld [tilespmem:s26+$0x0];
	s26 =	sor.u32 s0, s17  }
0xc2: {  	s17 =	sor.u32 s0, s19;
	s19 =	sor.u32 s0, s15;
	s15 =	rddreg [dreg:$0x3]  }
0xc3: {  	s18 =	sor.u32 $0x1800, s12;
	[smem:$0x7C6] =	sst s10  }
0xc4: {  	s21 =	sor.u32 $0x2000, s12;
	[smem:$0x7CC] =	sst s18  }
0xc5: {  	s1 =	sor.u32 $0x3000, s12;
	[smem:$0x7CE] =	sst s21  }
0xc6: {  	s4 =	sor.u32 $0x3800, s12;
	[smem:$0x7D4] =	sst s1  }
0xc7: {  	[smem:$0x7D6] =	sst s4  }
0xc8: {  	[dreg:$0x19] =	wrdreg s26  }
0xc9: {  	[dreg:$0x16] =	wrdreg s17  }
0xca: {  	[dreg:$0x11] =	wrdreg s19  }
0xcb: {  	v2 =	vadd.s32 v5, v2;
	s26 =	sld [smem:$0x7C0]  }
0xcc: {  	v2 =	vadd.s32 v6, v2;
	v6 =	vld [tilespmem:s20+$0x0];
	s20 =	sor.u32 s0, s2;
	s19 =	sor.u32 s0, s3;
	s3 =	sld [smem:$0x7C1]  }
0xcd: {  	s13 =	sand.u32 $0x60, s7;
	s0 =	sadd.s32 s0, s8;
	s8 =	sld [smem:$0x7C3]  }
0xce: {  	s24 =	sor.u32 s13, s21;
	[smem:$0x7C5] =	sst s15  }
0xcf: {  	[smem:$0x7CF] =	sst s24  }
0xd0: {  	s17 =	sor.u32 $0x1000, s12;
	[dreg:$0x18] =	wrdreg s0  }
0xd1: {  	s21 =	sor.u32 $0x4800, s12;
	[smem:$0x7CA] =	sst s17  }
0xd2: {  	s15 =	sor.u32 s13, s21;
	s0 =	sor.u32 s13, s10;
	s10 =	sld [smem:$0x7D9]  }
0xd3: {  	[smem:$0x7DB] =	sst s15  }
0xd4: {  	v2 =	vadd.s32 v7, v2;
	v7 =	vld [tilespmem:s23+$0x0];
	s23 =	sor.u32 s13, s18;
	s18 =	sld [smem:$0x7DE]  }
0xd5: {  	[smem:$0x7C7] =	sst s0  }
0xd6: {  	[smem:$0x7CD] =	sst s23  }
0xd7: {  	v5 =	vld [tilespmem:s11+$0x0];
	s0 =	sor.u32 s13, s17;
	s17 =	sld [smem:$0x7DD]  }
0xd8: {  	v2 =	vadd.s32 v8, v2;
	v8 =	vld [tilespmem:s26+$0x0];
	[smem:$0x7CB] =	sst s0;
	s26 =	sor.u32 $0x2800, s12  }
0xd9: {  	[smem:$0x7D2] =	sst s26  }
0xda: {  	v2 =	vadd.s32 v3, v2;
	v3 =	vld [tilespmem:s3+$0x0];
	s0 =	sor.u32 s13, s26;
	s3 =	sld [smem:$0x7E2]  }
0xdb: {  	s28 =	sor.u32 $0x6000, s12;
	v2 =	vadd.s32 v4, v2;
	v4 =	vld [tilespmem:s6+$0x0];
	[smem:$0x7D3] =	sst s0;
	s6 =	sor.u32 s13, s1  }
0xdc: {  	s1 =	sor.u32 s13, s28;
	[smem:$0x7D5] =	sst s6  }
0xdd: {  	s29 =	sor.u32 $0x7000, s12;
	v2 =	vadd.s32 v5, v2;
	v5 =	vld [tilespmem:s8+$0x0];
	s8 =	sor.u32 s13, s4;
	[smem:$0x7E0] =	sst s1  }
0xde: {  	s30 =	sor.u32 $0x8000, s12;
	s4 =	sor.u32 s13, s29;
	[smem:$0x7D7] =	sst s8  }
0xdf: {  	s23 =	sor.u32 $0x4000, s12;
	s6 =	sor.u32 s13, s30;
	v2 =	vadd.s32 v2, v6;
	[smem:$0x7E3] =	sst s4  }
0xe0: {  	s24 =	sor.u32 $0x5000, s12;
	v6 =	vld [tilespmem:s14+$0x0];
	s14 =	sor.u32 s13, s23;
	[smem:$0x7E5] =	sst s6;
	v2 =	vadd.s32 v7, v2  }
0xe1: {  	s6 =	sor.u32 $0xA800, s12;
	v7 =	vld [tilespmem:s16+$0x0];
	[smem:$0x7DA] =	sst s14;
	s16 =	sor.u32 s13, s24;
	v2 =	vadd.s32 v8, v2  }
0xe2: {  	s1 =	sor.u32 $0xB000, s12;
	s15 =	sor.u32 s13, s6;
	v8 =	vld [tilespmem:s22+$0x0];
	[smem:$0x7DC] =	sst s16;
	v2 =	vadd.s32 v3, v2  }
0xe3: {  	[smem:$0x7EA] =	sst s15;
	s16 =	sor.u32 s13, s1;
	v3 =	vld [tilespmem:s25+$0x0];
	v2 =	vadd.s32 v4, v2  }
0xe4: {  	s22 =	sor.u32 $0x6800, s12;
	[smem:$0x7EB] =	sst s16;
	v4 =	vld [tilespmem:s5+$0x0];
	v2 =	vadd.s32 v5, v2  }
0xe5: {  	s25 =	sor.u32 $0x5800, s12;
	s2 =	sor.u32 s13, s22;
	s16 =	sld [smem:$0x7F1];
	v5 =	vld [tilespmem:s9+$0x0];
	v2 =	vadd.s32 v6, v2  }
0xe6: {  	s31 =	sor.u32 $0x7800, s12;
	s26 =	sor.u32 s13, s25;
	[smem:$0x7E1] =	sst s2;
	v6 =	vld [tilespmem:s10+$0x0];
	v2 =	vadd.s32 v7, v2  }
0xe7: {  	s4 =	sor.u32 $0x9000, s12;
	s5 =	sor.u32 s13, s31;
	[smem:$0x7DF] =	sst s26;
	v7 =	vld [tilespmem:s17+$0x0];
	v2 =	vadd.s32 v2, v8  }
0xe8: {  	[smem:$0x7E4] =	sst s5;
	s26 =	sor.u32 $0x8800, s12;
	s9 =	sor.u32 s13, s4;
	v8 =	vld [tilespmem:s18+$0x0];
	v2 =	vadd.s32 v3, v2  }
0xe9: {  	s0 =	sor.u32 $0x9800, s12;
	s8 =	sor.u32 s13, s26;
	[smem:$0x7E7] =	sst s9;
	v3 =	vld [tilespmem:s3+$0x0];
	v2 =	vadd.s32 v4, v2  }
0xea: {  	s10 =	sor.u32 s13, s0;
	[smem:$0x7E6] =	sst s8;
	v2 =	vadd.s32 v5, v2  }
0xeb: {  	[smem:$0x7E8] =	sst s10;
	v2 =	vadd.s32 v6, v2  }
0xec: {  	s9 =	sor.u32 $0xB800, s12;
	s17 =	sld [smem:$0x7EC];
	v2 =	vadd.s32 v7, v2  }
0xed: {  	s5 =	sor.u32 s13, s9;
	s18 =	sld [smem:$0x7ED];
	v2 =	vadd.s32 v8, v2  }
0xee: {  	s8 =	sor.u32 $0xC800, s12;
	[smem:$0x7EE] =	sst s5;
	v7 =	vadd.s32 v3, v2  }
0xef: {  	s15 =	sor.u32 s13, s8;
	s5 =	sld [smem:$0x7F7];
	[tilespmem:s17+$0x0] =	vst v7  }
0xf0: {  	[smem:$0x7F0] =	sst s15;
	v3 =	vld [tilespmem:s16+$0x0];
	s16 =	sor.u32 $0xD000, s12  }
0xf1: {  	s17 =	sld [smem:$0x7F2];
	v2 =	vld [tilespmem:s18+$0x0];
	s18 =	sor.u32 s13, s16  }
0xf2: {  	s3 =	sor.u32 $0xA000, s12;
	[smem:$0x7F3] =	sst s18  }
0xf3: {  	s10 =	sor.u32 $0xC000, s12;
	s14 =	sor.u32 s13, s3;
	s18 =	sld [smem:$0x7F6]  }
0xf4: {  	s15 =	sor.u32 $0xD800, s12;
	[smem:$0x7E9] =	sst s14;
	s14 =	sor.u32 s13, s10  }
0xf5: {  	s2 =	sor.u32 $0xE000, s12;
	[smem:$0x7EF] =	sst s14;
	s14 =	sor.u32 s13, s15;
	v4 =	vld [tilespmem:s17+$0x0]  }
0xf6: {  	[smem:$0x7F4] =	sst s14;
	s17 =	sor.u32 s13, s2;
	v5 =	vld [tilespmem:s18+$0x0];
	s18 =	sor.u32 $0xE800, s12  }
0xf7: {  	v6 =	vld [tilespmem:s5+$0x0];
	[smem:$0x7F5] =	sst s17;
	s17 =	sor.u32 $0xF000, s12;
	s5 =	sor.u32 s13, s18  }
0xf8: {  	s14 =	sor.u32 $0xF800, s12;
	[smem:$0x7F8] =	sst s5;
	s5 =	sor.u32 s13, s17  }
0xf9: {  	[smem:$0x7F9] =	sst s5;
	s5 =	sor.u32 s13, s14  }
0xfa: {  	s11 =	sor.u32 s13, s12;
	(xrf0) =	vadd.scan.msk.s32 $0xffff, v7;
	[smem:$0x7FA] =	sst s5  }
.LBB2_4:
0xfb: {  	[smem:$0x7A8] =	sst s11  }
0xfc: {  	s5 =	rddreg [dreg:$0x1f]  }
0xfd: {  	s11 =	sadd.s32 $0x2, s5;
	s5 =	sld [smem:$0x7C5]  }
0xfe: {  	[smem:$0x7A6] =	sst s19  }
0xff: {  	[smem:$0x7A7] =	sst s20  }
0x100: {  	[dreg:$0x1f] =	wrdreg s11;
	s19 =	sadd.s32 s12, s5  }
0x101: {  	s20 =	sor.u32 $0x10, s13;
	s5 =	rddreg [dreg:$0x17];
	s13 =	sadd.s32 s13, s19  }
0x102: {  	[smem:$0x7A9] =	sst s13  }
0x103: {  	s12 =	sor.u32 s20, s12;
	s13 =	sld [smem:$0x7C6]  }
0x104: {  	[smem:$0x7AA] =	sst s12  }
0x105: {  	s12 =	sld [smem:$0x7CC]  }
0x106: {  	v7 =	vld [tilespmem:s5+$0x0];
	s5 =	sor.u32 s20, s13;
	s13 =	sld [smem:$0x7CA]  }
0x107: {  	[smem:$0x7AB] =	sst s5  }
0x108: {  	s5 =	rddreg [dreg:$0x14]  }
0x109: {  	v2 =	vadd.s32 v3, v2;
	v3 =	vld [tilespmem:s5+$0x0];
	s5 =	sor.u32 s20, s13;
	s13 =	sld [smem:$0x7CE]  }
0x10a: {  	[smem:$0x7AC] =	sst s5;
	s5 =	sor.u32 s20, s12  }
0x10b: {  	[smem:$0x7AD] =	sst s5  }
0x10c: {  	s5 =	sor.u32 s20, s13;
	s13 =	sld [smem:$0x7D2]  }
0x10d: {  	[smem:$0x7AE] =	sst s5  }
0x10e: {  	s5 =	rddreg [dreg:$0x10]  }
0x10f: {  	v2 =	vadd.s32 v4, v2;
	v4 =	vld [tilespmem:s5+$0x0];
	s5 =	sor.u32 s20, s13;
	s13 =	sld [smem:$0x7D4]  }
0x110: {  	s12 =	sld [smem:$0x7D6]  }
0x111: {  	p0 =	slt.u32 s11, $0x7E;
	s11 =	rddreg [dreg:$0xc]  }
0x112: {  	[dreg:$0x17] =	wrdreg s5;
	s5 =	sor.u32 s20, s13  }
0x113: {  	s13 =	sor.u32 s20, s12;
	s12 =	sor.u32 s20, s24;
	s24 =	sor.u32 s20, s21  }
0x114: {  	s21 =	sor.u32 s20, s28;
	s28 =	sor.u32 s20, s4;
	s4 =	rddreg [dreg:$0x1a]  }
0x115: {  	[dreg:$0x14] =	wrdreg s5  }
0x116: {  	[dreg:$0x10] =	wrdreg s13  }
0x117: {  	s5 =	rddreg [dreg:$0xf]  }
0x118: {  	s13 =	sor.u32 s20, s23;
	s23 =	rddreg [dreg:$0xe]  }
0x119: {  	[dreg:$0xe] =	wrdreg s24  }
0x11a: {  	[dreg:$0xf] =	wrdreg s13  }
0x11b: {  	v2 =	vadd.s32 v5, v2;
	s13 =	sor.u32 s20, s25;
	s25 =	rddreg [dreg:$0x1e]  }
0x11c: {  	s26 =	sor.u32 s20, s26;
	v2 =	vadd.s32 v6, v2;
	v5 =	vld [tilespmem:s5+$0x0];
	s5 =	rddreg [dreg:$0x1d]  }
0x11d: {  	v2 =	vadd.s32 v7, v2;
	v6 =	vld [tilespmem:s23+$0x0];
	s23 =	sor.u32 s20, s29;
	s29 =	sor.u32 s20, s3;
	s3 =	rddreg [dreg:$0x1b]  }
0x11e: {  	v2 =	vadd.s32 v3, v2;
	s24 =	sor.u32 s20, s31;
	s31 =	sor.u32 s20, s1;
	v3 =	vld [tilespmem:s5+$0x0];
	s5 =	rddreg [dreg:$0x1c]  }
0x11f: {  	v7 =	vld [tilespmem:s25+$0x0];
	s25 =	sor.u32 s20, s30;
	s30 =	sor.u32 s20, s6;
	s6 =	rddreg [dreg:$0x19]  }
0x120: {  	s1 =	sadd.s32 s20, s19;
	s19 =	smov.u32 s13;
	s13 =	rddreg [dreg:$0x11]  }
0x121: {  	v2 =	vadd.s32 v4, v2;
	v4 =	vld [tilespmem:s5+$0x0];
	s5 =	sor.u32 s20, s8;
	s8 =	sor.u32 s20, s15;
	s15 =	rddreg [dreg:$0x16]  }
0x122: {  	[dreg:$0x1d] =	wrdreg s19;
	s19 =	smov.u32 s26  }
0x123: {  	[dreg:$0x16] =	wrdreg s19  }
0x124: {  	s22 =	sor.u32 s20, s22;
	s19 =	rddreg [dreg:$0xb];
	v2 =	vadd.s32 v2, v5;
	v5 =	vld [tilespmem:s3+$0x0];
	s3 =	sor.u32 s20, s17  }
0x125: {  	s17 =	smov.u32 s12;
	s12 =	smov.u32 s22;
	s22 =	rddreg [dreg:$0xd]  }
0x126: {  	v2 =	vadd.s32 v6, v2;
	v6 =	vld [tilespmem:s4+$0x0];
	s4 =	sor.u32 s20, s2;
	s2 =	sor.u32 s20, s14;
	s14 =	rddreg [dreg:$0x15]  }
0x127: {  	[dreg:$0x1e] =	wrdreg s17  }
0x128: {  	[dreg:$0x1b] =	wrdreg s12  }
0x129: {  	s26 =	smov.u32 s31;
	s17 =	smov.u32 s25;
	s25 =	rddreg [dreg:$0x9]  }
0x12a: {  	[dreg:$0x9] =	wrdreg s26  }
0x12b: {  	s26 =	sld [smem:$0x7A7]  }
0x12c: {  	s12 =	sld [smem:$0x7CD]  }
0x12d: {  	s0 =	sor.u32 s20, s0;
	v2 =	vadd.s32 v7, v2;
	v7 =	vld [tilespmem:s6+$0x0];
	s6 =	sor.u32 s20, s18;
	s18 =	rddreg [dreg:$0x13]  }
0x12e: {  	s9 =	sor.u32 s20, s9;
	s10 =	sor.u32 s20, s10;
	[dreg:$0x15] =	wrdreg s17  }
0x12f: {  	s16 =	sor.u32 s20, s16;
	s20 =	smov.u32 s21;
	s17 =	rddreg [dreg:$0x5]  }
0x130: {  	s21 =	smov.u32 s0;
	[dreg:$0x1c] =	wrdreg s20  }
0x131: {  	[dreg:$0x11] =	wrdreg s21  }
0x132: {  	v2 =	vadd.s32 v3, v2;
	v3 =	vld [tilespmem:s14+$0x0];
	s14 =	smov.u32 s23;
	s21 =	rddreg [dreg:$0x6]  }
0x133: {  	s20 =	smov.u32 s28;
	[dreg:$0x1a] =	wrdreg s14  }
0x134: {  	[dreg:$0x13] =	wrdreg s20  }
0x135: {  	s14 =	rddreg [dreg:$0xa]  }
0x136: {  	v2 =	vadd.s32 v4, v2;
	v4 =	vld [tilespmem:s15+$0x0];
	s15 =	smov.u32 s24;
	s20 =	smov.u32 s16;
	s16 =	sld [smem:$0x7D7]  }
0x137: {  	[dreg:$0x19] =	wrdreg s15  }
0x138: {  	s23 =	smov.u32 s29;
	v2 =	vadd.s32 v5, v2;
	v5 =	vld [tilespmem:s18+$0x0];
	s18 =	rddreg [dreg:$0x12]  }
0x139: {  	s24 =	smov.u32 s30;
	[dreg:$0x12] =	wrdreg s23  }
0x13a: {  	[dreg:$0xd] =	wrdreg s24  }
0x13b: {  	[dreg:$0xb] =	wrdreg s20  }
0x13c: {  	s23 =	sld [smem:$0x7A6]  }
0x13d: {  	s24 =	rddreg [dreg:$0x7]  }
0x13e: {  	s15 =	smov.u32 s10;
	s10 =	sld [smem:$0x7A8]  }
0x13f: {  	s20 =	smov.u32 s3;
	s3 =	sld [smem:$0x7E6]  }
0x140: {  	[dreg:$0xa] =	wrdreg s15  }
0x141: {  	v2 =	vadd.s32 v6, v2;
	v6 =	vld [tilespmem:s13+$0x0];
	s13 =	smov.u32 s9;
	s9 =	sld [smem:$0x7C7]  }
0x142: {  	s15 =	sld [smem:$0x7D5]  }
0x143: {  	[dreg:$0xc] =	wrdreg s13  }
0x144: {  	s13 =	sld [smem:$0x7CF]  }
0x145: {  	v2 =	vadd.s32 v7, v2;
	v7 =	vld [tilespmem:s18+$0x0];
	s18 =	smov.u32 s5;
	s5 =	smov.u32 s2;
	s2 =	sld [smem:$0x7E5]  }
0x146: {  	[dreg:$0x5] =	wrdreg s18  }
0x147: {  	v2 =	vadd.s32 v2, v3;
	v3 =	vld [tilespmem:s22+$0x0];
	s22 =	smov.u32 s8;
	s18 =	sld [smem:$0x7DB]  }
0x148: {  	[dreg:$0x6] =	wrdreg s22  }
0x149: {  	s8 =	smov.u32 s1;
	v2 =	vadd.s32 v4, v2;
	v4 =	vld [tilespmem:s25+$0x0];
	s25 =	smov.u32 s6;
	s6 =	rddreg [dreg:$0x18]  }
0x14a: {  	[dreg:$0x18] =	wrdreg s8;
	v2 =	vadd.s32 v5, v2;
	v5 =	vld [tilespmem:s11+$0x0]  }
0x14b: {  	s22 =	sld [smem:$0x7DF];
	v2 =	vadd.s32 v6, v2;
	v6 =	vld [tilespmem:s14+$0x0]  }
0x14c: {  	s8 =	sld [smem:$0x7E9];
	v2 =	vadd.s32 v7, v2;
	v7 =	vld [tilespmem:s17+$0x0]  }
0x14d: {  	[dreg:$0x7] =	wrdreg s25;
	v2 =	vadd.s32 v3, v2;
	v3 =	vld [tilespmem:s19+$0x0]  }
0x14e: {  	v8, _, _ =	vpop (xrf0);
	s11 =	sld [smem:$0x7CB];
	v2 =	vadd.s32 v4, v2;
	v4 =	vld [tilespmem:s21+$0x0]  }
0x14f: {  	(v2sf) =	vpush v8, $0xF;
	s25 =	sld [smem:$0x7E3];
	v2 =	vadd.s32 v5, v2;
	v5 =	vld [tilespmem:s23+$0x0]  }
0x150: {  	s14 =	sld [smem:$0x7D3];
	v2 =	vadd.s32 v2, v6;
	v6 =	vld [tilespmem:s24+$0x0]  }
0x151: {  	s19 =	smov.u32 s4;
	s4 =	rddreg [dreg:$0x8];
	v2 =	vadd.s32 v7, v2;
	v7 =	vld [tilespmem:s26+$0x0]  }
0x152: {  	s17 =	sld [smem:$0x7DA];
	v2 =	vadd.s32 v3, v2;
	v3 =	vld [tilespmem:s4+$0x0]  }
0x153: {  	[dreg:$0x8] =	wrdreg s5;
	v2 =	vadd.s32 v4, v2  }
0x154: {  	s5 =	rddreg [dreg:$0x3];
	v2 =	vadd.s32 v5, v2  }
0x155: {  	s21 =	sld [smem:$0x7DC];
	v2 =	vadd.s32 v6, v2  }
0x156: {  	[smem:$0x7C5] =	sst s5;
	v2 =	vadd.s32 v7, v2  }
0x157: {  	s23 =	sld [smem:$0x7E0];
	v2 =	vadd.s32 v3, v2  }
0x158: {  	s24 =	sld [smem:$0x7E1];
	[tilespmem:s6+$0x0] =	vst v2  }
0x159: {  	s26 =	sld [smem:$0x7E4];
	(xrf0) =	vadd.scan.msk.s32 $0xffff, v2;
	v2 =	vld [tilespmem:s9+$0x0]  }
0x15a: {  	s4 =	sld [smem:$0x7E7];
	v3 =	vld [tilespmem:s10+$0x0]  }
0x15b: {  	s7 =	sadd.s32 $0x20, s7;
	s6 =	sld [smem:$0x7E8];
	v4 =	vld [tilespmem:s11+$0x0]  }
0x15c: {  	v5 =	vld [tilespmem:s12+$0x0];
	s12 =	sand.u32 $0x780, s7;
	s9 =	rddreg [dreg:$0x4]  }
0x15d: {  	v7 =	vld [tilespmem:s14+$0x0];
	s14 =	sld [smem:$0x7EA];
	s10 =	sor.u32 $0x800, s12  }
0x15e: {  	s0 =	spop (v2sf);
	s5 =	sor.u32 $0x3800, s12;
	[smem:$0x7C6] =	sst s10  }
0x15f: {  	v6 =	vld [tilespmem:s13+$0x0];
	s13 =	sand.u32 $0x60, s7;
	s0 =	sadd.s32 s9, s0;
	[smem:$0x7D6] =	sst s5  }
0x160: {  	s28 =	sor.u32 $0x6000, s12;
	s9 =	sor.u32 s13, s5;
	s5 =	sld [smem:$0x7FA]  }
0x161: {  	s1 =	sor.u32 s13, s28;
	[smem:$0x7D7] =	sst s9;
	v2 =	vadd.s32 v2, v3;
	v3 =	vld [tilespmem:s15+$0x0]  }
0x162: {  	[smem:$0x7E0] =	sst s1;
	v2 =	vadd.s32 v4, v2;
	v4 =	vld [tilespmem:s16+$0x0]  }
0x163: {  	s16 =	sor.u32 $0x1000, s12;
	v2 =	vadd.s32 v5, v2;
	v5 =	vld [tilespmem:s17+$0x0];
	s17 =	sld [smem:$0x7EB]  }
0x164: {  	[smem:$0x7CA] =	sst s16;
	v2 =	vadd.s32 v6, v2;
	v6 =	vld [tilespmem:s18+$0x0];
	s18 =	sor.u32 s13, s16  }
0x165: {  	[smem:$0x7CB] =	sst s18  }
0x166: {  	v2 =	vadd.s32 v7, v2;
	v7 =	vld [tilespmem:s21+$0x0];
	s21 =	sor.u32 $0x1800, s12;
	s18 =	sld [smem:$0x7F5]  }
0x167: {  	v2 =	vadd.s32 v3, v2;
	v3 =	vld [tilespmem:s22+$0x0];
	[smem:$0x7CC] =	sst s21  }
0x168: {  	s22 =	sor.u32 $0x2000, s12;
	v2 =	vadd.s32 v4, v2;
	v4 =	vld [tilespmem:s23+$0x0];
	s23 =	sld [smem:$0x7EE]  }
0x169: {  	v8, _, _ =	vpop (xrf0);
	[smem:$0x7CE] =	sst s22;
	v2 =	vadd.s32 v2, v5;
	v5 =	vld [tilespmem:s24+$0x0];
	s24 =	sor.u32 s13, s21  }
0x16a: {  	(v2sf) =	vpush v8, $0xF;
	s21 =	sor.u32 $0x4800, s12;
	v2 =	vadd.s32 v6, v2;
	v6 =	vld [tilespmem:s25+$0x0];
	[smem:$0x7CD] =	sst s24;
	s25 =	sor.u32 s13, s22  }
0x16b: {  	s16 =	sor.u32 s13, s21;
	[smem:$0x7CF] =	sst s25  }
0x16c: {  	v2 =	vadd.s32 v7, v2;
	v7 =	vld [tilespmem:s26+$0x0];
	s26 =	sor.u32 $0x2800, s12;
	[smem:$0x7DB] =	sst s16  }
0x16d: {  	[smem:$0x7D2] =	sst s26  }
0x16e: {  	v2 =	vadd.s32 v3, v2;
	v3 =	vld [tilespmem:s2+$0x0];
	s2 =	sor.u32 s13, s10;
	s10 =	sld [smem:$0x7F3]  }
0x16f: {  	s25 =	sor.u32 $0x5800, s12;
	[smem:$0x7C7] =	sst s2  }
0x170: {  	s22 =	sor.u32 s13, s25;
	s2 =	sld [smem:$0x7EF]  }
0x171: {  	[smem:$0x7DF] =	sst s22  }
0x172: {  	v2 =	vadd.s32 v4, v2;
	v4 =	vld [tilespmem:s3+$0x0];
	s3 =	sor.u32 s13, s26;
	s26 =	sld [smem:$0x7F8]  }
0x173: {  	[smem:$0x7D3] =	sst s3  }
0x174: {  	v2 =	vadd.s32 v5, v2;
	v5 =	vld [tilespmem:s4+$0x0];
	s3 =	sld [smem:$0x7F9]  }
0x175: {  	s4 =	sor.u32 $0x3000, s12;
	v2 =	vadd.s32 v6, v2;
	v6 =	vld [tilespmem:s6+$0x0];
	s6 =	sld [smem:$0x7F0]  }
0x176: {  	s29 =	sor.u32 $0x7000, s12;
	[smem:$0x7D4] =	sst s4;
	v2 =	vadd.s32 v7, v2;
	v7 =	vld [tilespmem:s8+$0x0];
	s8 =	sor.u32 s13, s4  }
0x177: {  	s30 =	sor.u32 $0x8000, s12;
	s4 =	sor.u32 s13, s29;
	[smem:$0x7D5] =	sst s8  }
0x178: {  	v2 =	vadd.s32 v2, v3;
	v3 =	vld [tilespmem:s14+$0x0];
	[smem:$0x7E3] =	sst s4;
	s8 =	sor.u32 s13, s30  }
0x179: {  	s24 =	sor.u32 $0x5000, s12;
	s15 =	spop (v2sf);
	v2 =	vadd.s32 v4, v2;
	v4 =	vld [tilespmem:s17+$0x0];
	[smem:$0x7E5] =	sst s8  }
0x17a: {  	s17 =	sor.u32 s13, s24;
	s0 =	sadd.s32 s15, s0;
	v2 =	vadd.s32 v5, v2;
	v5 =	vld [tilespmem:s23+$0x0];
	s15 =	sld [smem:$0x7F4]  }
0x17b: {  	s1 =	sor.u32 $0xB000, s12;
	[smem:$0x7DC] =	sst s17;
	v2 =	vadd.s32 v6, v2;
	v6 =	vld [tilespmem:s2+$0x0]  }
0x17c: {  	s17 =	sor.u32 s13, s1;
	[dreg:$0x4] =	wrdreg s0;
	v2 =	vadd.s32 v7, v2;
	v7 =	vld [tilespmem:s6+$0x0]  }
0x17d: {  	s23 =	sor.u32 $0x4000, s12;
	[smem:$0x7EB] =	sst s17;
	v2 =	vadd.s32 v3, v2;
	v3 =	vld [tilespmem:s10+$0x0]  }
0x17e: {  	s22 =	sor.u32 $0x6800, s12;
	s14 =	sor.u32 s13, s23;
	s17 =	sld [smem:$0x7AB];
	v2 =	vadd.s32 v4, v2;
	v4 =	vld [tilespmem:s15+$0x0]  }
0x17f: {  	s31 =	sor.u32 $0x7800, s12;
	s2 =	sor.u32 s13, s22;
	[smem:$0x7DA] =	sst s14;
	v2 =	vadd.s32 v5, v2;
	v5 =	vld [tilespmem:s18+$0x0]  }
0x180: {  	s0 =	sor.u32 $0x9800, s12;
	[smem:$0x7E1] =	sst s2;
	s6 =	sor.u32 s13, s31;
	v2 =	vadd.s32 v2, v6;
	v6 =	vld [tilespmem:s26+$0x0]  }
0x181: {  	s4 =	sor.u32 $0x9000, s12;
	s14 =	sor.u32 s13, s0;
	[smem:$0x7E4] =	sst s6;
	v2 =	vadd.s32 v7, v2;
	v7 =	vld [tilespmem:s3+$0x0]  }
0x182: {  	s10 =	sor.u32 s13, s4;
	[smem:$0x7E8] =	sst s14;
	s6 =	sor.u32 $0xA800, s12;
	v2 =	vadd.s32 v3, v2;
	v3 =	vld [tilespmem:s5+$0x0]  }
0x183: {  	[smem:$0x7E7] =	sst s10;
	s16 =	sor.u32 s13, s6;
	v2 =	vadd.s32 v4, v2  }
0x184: {  	[smem:$0x7EA] =	sst s16;
	v2 =	vadd.s32 v5, v2  }
0x185: {  	s26 =	sor.u32 $0x8800, s12;
	s5 =	sld [smem:$0x7A9];
	v2 =	vadd.s32 v6, v2  }
0x186: {  	s16 =	sld [smem:$0x7AA];
	s9 =	sor.u32 s13, s26;
	s3 =	sor.u32 $0xA000, s12;
	v2 =	vadd.s32 v7, v2  }
0x187: {  	[smem:$0x7E6] =	sst s9;
	s15 =	sor.u32 s13, s3;
	s9 =	sor.u32 $0xB800, s12;
	v2 =	vadd.s32 v3, v2  }
0x188: {  	s8 =	sor.u32 $0xC800, s12;
	[smem:$0x7E9] =	sst s15;
	s18 =	sor.u32 s13, s9;
	[tilespmem:s5+$0x0] =	vst v2  }
0x189: {  	s15 =	sor.u32 s13, s8;
	[smem:$0x7EE] =	sst s18;
	(xrf0) =	vadd.scan.msk.s32 $0xffff, v2;
	v2 =	vld [tilespmem:s16+$0x0];
	s16 =	sor.u32 $0xD000, s12  }
0x18a: {  	[smem:$0x7F0] =	sst s15;
	s18 =	sor.u32 s13, s16  }
0x18b: {  	[smem:$0x7F3] =	sst s18  }
0x18c: {  	s10 =	sor.u32 $0xC000, s12;
	s18 =	sld [smem:$0x7AC]  }
0x18d: {  	s14 =	sor.u32 s13, s10;
	s15 =	sor.u32 $0xD800, s12;
	s5 =	sld [smem:$0x7AD]  }
0x18e: {  	s2 =	sor.u32 $0xE000, s12;
	[smem:$0x7EF] =	sst s14;
	s14 =	sor.u32 s13, s15;
	v3 =	vld [tilespmem:s17+$0x0]  }
0x18f: {  	[smem:$0x7F4] =	sst s14;
	s17 =	sor.u32 s13, s2;
	v4 =	vld [tilespmem:s18+$0x0];
	s18 =	sor.u32 $0xE800, s12  }
0x190: {  	[smem:$0x7F5] =	sst s17;
	s17 =	sor.u32 $0xF000, s12;
	v5 =	vld [tilespmem:s5+$0x0];
	s5 =	sor.u32 s13, s18  }
0x191: {  	s14 =	sor.u32 $0xF800, s12;
	[smem:$0x7F8] =	sst s5;
	s5 =	sor.u32 s13, s17  }
0x192: {  	[smem:$0x7F9] =	sst s5;
	s5 =	sor.u32 s13, s14  }
.Ltmp1:
0x193: {  	[smem:$0x7FA] =	sst s5;
	(pc) =	sbr.rel @p0 .LBB2_4-.Ltmp1, $2  }
0x194: {  	s5 =	sld [smem:$0x7AE];
	_ =	sdelay $0x2  }
0x195: {  	s11 =	sor.u32 s13, s12;
	v6 =	vld [tilespmem:s5+$0x0]  }
0x196: {  	s7 =	rddreg [dreg:$0x17]  }
0x197: {  	s5 =	rddreg [dreg:$0x14];
	v7 =	vld [tilespmem:s7+$0x0]  }
0x198: {  	v2 =	vadd.s32 v3, v2;
	v8 =	vld [tilespmem:s5+$0x0];
	s5 =	rddreg [dreg:$0x10]  }
0x199: {  	v2 =	vadd.s32 v4, v2;
	v3 =	vld [tilespmem:s5+$0x0];
	s5 =	rddreg [dreg:$0xf]  }
0x19a: {  	v2 =	vadd.s32 v5, v2;
	v34 =	vld [tilespmem:s5+$0x0];
	s5 =	rddreg [dreg:$0xe]  }
0x19b: {  	v35 =	vld [tilespmem:s5+$0x0];
	v2 =	vadd.s32 v6, v2;
	s5 =	rddreg [dreg:$0x1e]  }
0x19c: {  	s7 =	rddreg [dreg:$0x1d];
	v36 =	vld [tilespmem:s5+$0x0];
	v2 =	vadd.s32 v7, v2  }
0x19d: {  	v37 =	vld [tilespmem:s7+$0x0];
	s7 =	rddreg [dreg:$0x1c];
	v2 =	vadd.s32 v8, v2  }
0x19e: {  	v38 =	vld [tilespmem:s7+$0x0];
	s7 =	rddreg [dreg:$0x1b];
	v2 =	vadd.s32 v3, v2  }
0x19f: {  	v3 =	vld [tilespmem:s7+$0x0];
	s7 =	rddreg [dreg:$0x1a];
	v2 =	vadd.s32 v2, v34  }
0x1a0: {  	v39 =	vld [tilespmem:s7+$0x0];
	s7 =	rddreg [dreg:$0x19];
	v2 =	vadd.s32 v35, v2  }
0x1a1: {  	s5 =	rddreg [dreg:$0x15];
	v40 =	vld [tilespmem:s7+$0x0];
	v2 =	vadd.s32 v36, v2  }
0x1a2: {  	v41 =	vld [tilespmem:s5+$0x0];
	s5 =	rddreg [dreg:$0x16];
	v2 =	vadd.s32 v37, v2  }
0x1a3: {  	v42 =	vld [tilespmem:s5+$0x0];
	s5 =	rddreg [dreg:$0x13];
	v2 =	vadd.s32 v38, v2  }
0x1a4: {  	v43 =	vld [tilespmem:s5+$0x0];
	s5 =	rddreg [dreg:$0x11];
	v2 =	vadd.s32 v3, v2  }
0x1a5: {  	v3 =	vld [tilespmem:s5+$0x0];
	s5 =	rddreg [dreg:$0x12];
	v2 =	vadd.s32 v39, v2  }
0x1a6: {  	v44 =	vld [tilespmem:s5+$0x0];
	s5 =	rddreg [dreg:$0xd];
	v2 =	vadd.s32 v40, v2  }
0x1a7: {  	v45 =	vld [tilespmem:s5+$0x0];
	s5 =	rddreg [dreg:$0x9];
	v2 =	vadd.s32 v2, v41  }
0x1a8: {  	v46 =	vld [tilespmem:s5+$0x0];
	s5 =	rddreg [dreg:$0xc];
	v2 =	vadd.s32 v42, v2  }
0x1a9: {  	v47 =	vld [tilespmem:s5+$0x0];
	s5 =	rddreg [dreg:$0xa];
	v2 =	vadd.s32 v43, v2  }
0x1aa: {  	v48 =	vld [tilespmem:s5+$0x0];
	s5 =	rddreg [dreg:$0x5];
	v2 =	vadd.s32 v3, v2  }
0x1ab: {  	v3 =	vld [tilespmem:s5+$0x0];
	s5 =	rddreg [dreg:$0xb];
	v2 =	vadd.s32 v44, v2  }
0x1ac: {  	v49 =	vld [tilespmem:s5+$0x0];
	s5 =	rddreg [dreg:$0x6];
	v2 =	vadd.s32 v45, v2  }
0x1ad: {  	v50 =	vld [tilespmem:s5+$0x0];
	v2 =	vadd.s32 v46, v2  }
0x1ae: {  	v51 =	vld [tilespmem:s19+$0x0];
	s19 =	rddreg [dreg:$0x7];
	v2 =	vadd.s32 v47, v2  }
0x1af: {  	v52 =	vld [tilespmem:s19+$0x0];
	v2 =	vadd.s32 v2, v48  }
0x1b0: {  	v53 =	vld [tilespmem:s20+$0x0];
	s5 =	rddreg [dreg:$0x8];
	v2 =	vadd.s32 v3, v2  }
0x1b1: {  	v3 =	vld [tilespmem:s5+$0x0];
	v2 =	vadd.s32 v49, v2  }
0x1b2: {  	v2 =	vadd.s32 v50, v2  }
0x1b3: {  	v2 =	vadd.s32 v51, v2  }
0x1b4: {  	v2 =	vadd.s32 v52, v2  }
0x1b5: {  	s20 =	sld [smem:$0x7C7];
	v2 =	vadd.s32 v53, v2  }
0x1b6: {  	s19 =	rddreg [dreg:$0x18];
	v2 =	vadd.s32 v3, v2  }
0x1b7: {  	s7 =	sld [smem:$0x7CB];
	[tilespmem:s19+$0x0] =	vst v2  }
0x1b8: {  	v54 =	vld [tilespmem:s11+$0x0];
	s11 =	sld [smem:$0x7CD]  }
0x1b9: {  	s19 =	sld [smem:$0x7CF];
	v3 =	vld [tilespmem:s20+$0x0]  }
0x1ba: {  	v55 =	vld [tilespmem:s7+$0x0];
	s20 =	sld [smem:$0x7D3]  }
0x1bb: {  	s7 =	sld [smem:$0x7D5];
	v56 =	vld [tilespmem:s11+$0x0]  }
0x1bc: {  	v57 =	vld [tilespmem:s19+$0x0];
	s11 =	sld [smem:$0x7D7]  }
0x1bd: {  	s19 =	sld [smem:$0x7DA];
	v58 =	vld [tilespmem:s20+$0x0]  }
0x1be: {  	v9 =	vld [tilespmem:s7+$0x0];
	s20 =	sld [smem:$0x7DB];
	v3 =	vadd.s32 v3, v54  }
0x1bf: {  	s7 =	sld [smem:$0x7DC];
	v59 =	vld [tilespmem:s11+$0x0];
	v3 =	vadd.s32 v55, v3  }
0x1c0: {  	v60 =	vld [tilespmem:s19+$0x0];
	s11 =	sld [smem:$0x7DF];
	v3 =	vadd.s32 v56, v3  }
0x1c1: {  	s19 =	sld [smem:$0x7E0];
	v61 =	vld [tilespmem:s20+$0x0];
	v3 =	vadd.s32 v57, v3  }
0x1c2: {  	v62 =	vld [tilespmem:s7+$0x0];
	s20 =	sld [smem:$0x7E1];
	v3 =	vadd.s32 v58, v3  }
0x1c3: {  	s7 =	sld [smem:$0x7E3];
	v63 =	vld [tilespmem:s11+$0x0];
	v3 =	vadd.s32 v9, v3  }
0x1c4: {  	v12 =	vld [tilespmem:s19+$0x0];
	s11 =	sld [smem:$0x7E4];
	v3 =	vadd.s32 v59, v3  }
0x1c5: {  	s19 =	sld [smem:$0x7E5];
	v13 =	vld [tilespmem:s20+$0x0];
	v3 =	vadd.s32 v3, v60  }
0x1c6: {  	v14 =	vld [tilespmem:s7+$0x0];
	s20 =	sld [smem:$0x7E6];
	v3 =	vadd.s32 v61, v3  }
0x1c7: {  	s7 =	sld [smem:$0x7E7];
	v15 =	vld [tilespmem:s11+$0x0];
	v3 =	vadd.s32 v62, v3  }
0x1c8: {  	v16 =	vld [tilespmem:s19+$0x0];
	s11 =	sld [smem:$0x7E8];
	v3 =	vadd.s32 v63, v3  }
0x1c9: {  	s19 =	sld [smem:$0x7E9];
	v17 =	vld [tilespmem:s20+$0x0];
	v3 =	vadd.s32 v12, v3  }
0x1ca: {  	v18 =	vld [tilespmem:s7+$0x0];
	s20 =	sld [smem:$0x7EA];
	v3 =	vadd.s32 v13, v3  }
0x1cb: {  	s7 =	sld [smem:$0x7EB];
	v19 =	vld [tilespmem:s11+$0x0];
	v3 =	vadd.s32 v14, v3  }
0x1cc: {  	v20 =	vld [tilespmem:s19+$0x0];
	s11 =	sld [smem:$0x7EE];
	v3 =	vadd.s32 v15, v3  }
0x1cd: {  	s19 =	sld [smem:$0x7EF];
	v21 =	vld [tilespmem:s20+$0x0];
	v3 =	vadd.s32 v3, v16  }
0x1ce: {  	v22 =	vld [tilespmem:s7+$0x0];
	s20 =	sld [smem:$0x7F0];
	v3 =	vadd.s32 v17, v3  }
0x1cf: {  	s7 =	sld [smem:$0x7F3];
	v23 =	vld [tilespmem:s11+$0x0];
	v3 =	vadd.s32 v18, v3  }
0x1d0: {  	v24 =	vld [tilespmem:s19+$0x0];
	s11 =	sld [smem:$0x7F4];
	v3 =	vadd.s32 v19, v3  }
0x1d1: {  	s19 =	sld [smem:$0x7F5];
	v25 =	vld [tilespmem:s20+$0x0];
	v3 =	vadd.s32 v20, v3  }
0x1d2: {  	v26 =	vld [tilespmem:s7+$0x0];
	s20 =	sld [smem:$0x7F8];
	v3 =	vadd.s32 v21, v3  }
0x1d3: {  	s7 =	sld [smem:$0x7F9];
	v27 =	vld [tilespmem:s11+$0x0];
	v3 =	vadd.s32 v22, v3  }
0x1d4: {  	v28 =	vld [tilespmem:s19+$0x0];
	s11 =	sld [smem:$0x7FA];
	v3 =	vadd.s32 v23, v3  }
0x1d5: {  	v29 =	vld [tilespmem:s20+$0x0];
	v3 =	vadd.s32 v3, v24  }
0x1d6: {  	v30 =	vld [tilespmem:s7+$0x0];
	v3 =	vadd.s32 v25, v3  }
0x1d7: {  	v31 =	vld [tilespmem:s11+$0x0];
	v3 =	vadd.s32 v26, v3  }
0x1d8: {  	s19 =	sld [smem:$0x7C5];
	v3 =	vadd.s32 v27, v3  }
0x1d9: {  	v3 =	vadd.s32 v28, v3  }
0x1da: {  	v3 =	vadd.s32 v29, v3  }
0x1db: {  	s5 =	sadd.s32 s12, s19;
	v3 =	vadd.s32 v30, v3  }
0x1dc: {  	s7 =	sor.u32 $0x10, s13;
	s20 =	sadd.s32 s13, s5;
	s13 =	sld [smem:$0x7C6];
	v3 =	vadd.s32 v31, v3  }
0x1dd: {  	[tilespmem:s20+$0x0] =	vst v3;
	s20 =	sld [smem:$0x7CA];
	_ =	sdelay $0x1  }
0x1de: {  	s11 =	sor.u32 s7, s12;
	s19 =	sor.u32 s7, s13;
	s13 =	sld [smem:$0x7CC]  }
0x1df: {  	v32 =	vld [tilespmem:s11+$0x0];
	s11 =	sor.u32 s7, s20;
	s20 =	sld [smem:$0x7CE];
	_ =	sdelay $0x1  }
0x1e0: {  	v33 =	vld [tilespmem:s19+$0x0];
	s19 =	sor.u32 s7, s13;
	s13 =	sld [smem:$0x7D2]  }
0x1e1: {  	v34 =	vld [tilespmem:s11+$0x0];
	s11 =	sor.u32 s7, s20;
	s20 =	sld [smem:$0x7D4]  }
0x1e2: {  	s12 =	sld [smem:$0x7D6];
	v35 =	vld [tilespmem:s19+$0x0]  }
0x1e3: {  	s19 =	sor.u32 s7, s13;
	v36 =	vld [tilespmem:s11+$0x0]  }
0x1e4: {  	v37 =	vld [tilespmem:s19+$0x0];
	s11 =	sor.u32 s7, s20  }
0x1e5: {  	s13 =	sor.u32 s7, s12;
	v4 =	vadd.s32 v33, v32;
	v10 =	vld [tilespmem:s11+$0x0]  }
0x1e6: {  	v38 =	vld [tilespmem:s13+$0x0];
	s19 =	sor.u32 s7, s23;
	v4 =	vadd.s32 v34, v4  }
0x1e7: {  	v39 =	vld [tilespmem:s19+$0x0];
	s20 =	sor.u32 s7, s21;
	v4 =	vadd.s32 v35, v4  }
0x1e8: {  	s21 =	sor.u32 s7, s24;
	v40 =	vld [tilespmem:s20+$0x0];
	v4 =	vadd.s32 v36, v4  }
0x1e9: {  	s23 =	sor.u32 s7, s25;
	v41 =	vld [tilespmem:s21+$0x0];
	v4 =	vadd.s32 v37, v4  }
0x1ea: {  	v42 =	vld [tilespmem:s23+$0x0];
	s24 =	sor.u32 s7, s28;
	v4 =	vadd.s32 v10, v4  }
0x1eb: {  	s25 =	sor.u32 s7, s22;
	v43 =	vld [tilespmem:s24+$0x0];
	v4 =	vadd.s32 v38, v4  }
0x1ec: {  	v44 =	vld [tilespmem:s25+$0x0];
	s28 =	sor.u32 s7, s29;
	v4 =	vadd.s32 v4, v39  }
0x1ed: {  	s29 =	sor.u32 s7, s31;
	v45 =	vld [tilespmem:s28+$0x0];
	v4 =	vadd.s32 v40, v4  }
0x1ee: {  	s30 =	sor.u32 s7, s30;
	v46 =	vld [tilespmem:s29+$0x0];
	v4 =	vadd.s32 v41, v4  }
0x1ef: {  	v47 =	vld [tilespmem:s30+$0x0];
	s31 =	sor.u32 s7, s26;
	v4 =	vadd.s32 v42, v4  }
0x1f0: {  	s4 =	sor.u32 s7, s4;
	v48 =	vld [tilespmem:s31+$0x0];
	v4 =	vadd.s32 v43, v4  }
0x1f1: {  	s0 =	sor.u32 s7, s0;
	v49 =	vld [tilespmem:s4+$0x0];
	v4 =	vadd.s32 v44, v4  }
0x1f2: {  	s3 =	sor.u32 s7, s3;
	v50 =	vld [tilespmem:s0+$0x0];
	v4 =	vadd.s32 v45, v4  }
0x1f3: {  	v51 =	vld [tilespmem:s3+$0x0];
	s4 =	sor.u32 s7, s6;
	v4 =	vadd.s32 v46, v4  }
0x1f4: {  	s6 =	sor.u32 s7, s1;
	v52 =	vld [tilespmem:s4+$0x0];
	v4 =	vadd.s32 v4, v47  }
0x1f5: {  	s9 =	sor.u32 s7, s9;
	v53 =	vld [tilespmem:s6+$0x0];
	v4 =	vadd.s32 v48, v4  }
0x1f6: {  	v54 =	vld [tilespmem:s9+$0x0];
	s11 =	sor.u32 s7, s10;
	v4 =	vadd.s32 v49, v4  }
0x1f7: {  	s12 =	sor.u32 s7, s8;
	v55 =	vld [tilespmem:s11+$0x0];
	v4 =	vadd.s32 v50, v4  }
0x1f8: {  	v56 =	vld [tilespmem:s12+$0x0];
	s13 =	sor.u32 s7, s16;
	v4 =	vadd.s32 v51, v4  }
0x1f9: {  	s16 =	sor.u32 s7, s15;
	v57 =	vld [tilespmem:s13+$0x0];
	v4 =	vadd.s32 v52, v4  }
0x1fa: {  	v58 =	vld [tilespmem:s16+$0x0];
	s19 =	sor.u32 s7, s2;
	v4 =	vadd.s32 v53, v4  }
0x1fb: {  	v59 =	vld [tilespmem:s19+$0x0];
	s20 =	sor.u32 s7, s18;
	v4 =	vadd.s32 v54, v4  }
0x1fc: {  	s21 =	sor.u32 s7, s17;
	v60 =	vld [tilespmem:s20+$0x0];
	v4 =	vadd.s32 v4, v55  }
0x1fd: {  	s22 =	sor.u32 s7, s14;
	v61 =	vld [tilespmem:s21+$0x0];
	v4 =	vadd.s32 v56, v4  }
0x1fe: {  	v62 =	vld [tilespmem:s22+$0x0];
	v4 =	vadd.s32 v57, v4  }
0x1ff: {  	v4 =	vadd.s32 v58, v4  }
0x200: {  	v4 =	vadd.s32 v59, v4  }
0x201: {  	v4 =	vadd.s32 v60, v4  }
0x202: {  	(xrf0) =	vadd.scan.msk.s32 $0xffff, v2;
	v2 =	vadd.s32 v61, v4  }
0x203: {  	(xrf0) =	vadd.scan.msk.s32 $0xffff, v3;
	v2 =	vadd.s32 v62, v2  }
0x204: {  	(xrf0) =	vadd.scan.msk.s32 $0xffff, v2;
	_ =	sdelay $0x2  }
0x205: {  	v3, _, _ =	vpop (xrf0)  }
0x206: {  	v63, _, _ =	vpop (xrf0);
	(v2sf) =	vpush v3, $0xF  }
0x207: {  	(v2sf) =	vpush v63, $0xF;
	v3, _, _ =	vpop (xrf0)  }
0x208: {  	(v2sf) =	vpush v3, $0xF;
	v3, _, _ =	vpop (xrf0)  }
0x209: {  	(v2sf) =	vpush v3, $0xF;
	_ =	sdelay $0x7  }
0x20a: {  	s28 =	sld [smem:$0x7AF];
	_ =	sdelay $0x2  }
0x20b: {  	s6 =	sadd.s32 $0x1, s28  }
0x20c: {  	s24 =	rddreg [dreg:$0x4];
	p0 =	sne.s32 s6, $0x3;
	s23 =	spop (v2sf)  }
.Ltmp2:
0x20d: {  	s0 =	sadd.s32 s24, s23;
	s25 =	spop (v2sf);
	(pc) =	sbr.rel @p0 .LBB2_1-.Ltmp2, $4  }
0x20e: {  	s31 =	sld [smem:$0x7FB];
	s0 =	sadd.s32 s25, s0;
	s26 =	spop (v2sf)  }
0x20f: {  	s0 =	sadd.s32 s0, s26;
	v3 =	vmov s28;
	s29 =	spop (v2sf)  }
0x210: {  	s30 =	sadd.s32 s7, s5;
	vm0 =	veq.s32 v3, v1;
	s0 =	sadd.s32 s29, s0  }
0x211: {  	s4 =	simm.s32 $0x0;
	s2 =	sadd.s32 $0x1000, s31;
	[tilespmem:s30+$0x0] =	vst v2;
	v0 =	vsel vm0, s0, v0  }
0x212: {  	s12 =	stileid.u32  }
0x213: {  	s2 =	rddreg [dreg:$0x1];
	s0 =	sshll.u32 s12, $0x4  }
0x214: {  	[tilespmem:$0x12000] =	vst v0;
	s1 =	simm.s32 $0x12000;
	s0 =	sadd.s32 s0, s2  }
0x215: {  	[spmem:s0] =	stream.linear.scatter [tilespmem:s1], [sflag:$0x2], $0x10, $0x38;
	[tilespmem:$0x12190] =	vst v63  }
0x216: {  	s0 =	simm.s32 $0x2  }
0x217: {  	_ =	swait.ge [sflag:s0], $0x10  }
0x218: {  	[sflag:s0] =	ssyncset.done $0x0  }
0x219: {  	[sflag:s0] =	ssyncadd.s32 $0xFFFFFFF0  }
0x21a: {  	s1 =	simm.s32 $0x12080;
	[bflag:$0x0] =	sbarrier.arrive $0xFFFF  }
0x21b: {  	[tilespmem:s1], [sflag:$0x2] =	stream.linear.gather [spmem:s2], $0x100, $0x38;
	[tilespmem:$0x12190] =	vst v63  }
0x21c: {  	_ =	swait.ge [sflag:s0], $0x100  }
0x21d: {  	s31 =	sld [smem:$0x7FC]  }
0x21e: {  	s3 =	sld [smem:$0x7FD];
	_ =	sdelay $0x1  }
0x21f: {  	v1 =	vlaneseq.u32;
	s4 =	simm.s32 $0x11800;
	s5 =	simm.s32 $0x0;
	v0 =	vmov s12;
	[sflag:s0] =	ssyncset.done $0x0  }
0x220: {  	vm0 =	vgt.u32 v0, v1;
	v0 =	vmul.u32 $0x10, v1;
	[sflag:s0] =	ssyncadd.s32 $0xFFFFFF00;
	s2 =	sadd.s32 s3, s31;
	s3 =	simm.s32 $0x0  }
.LBB2_7:
0x221: {  	_ = 	snop  }
0x222: {  	v1 =	vor.u32 s5, v0;
	_ =	sdelay $0x4  }
0x223: {  	v1 =	vld.idx.msk [tilespmem:v1+s1+$0x0], $0xffff;
	_ =	sdelay $0x4  }
0x224: {  	v1 =	vnsel vm0, $0x0, v1  }
0x225: {  	(xrf0) =	vadd.scan.msk.s32 $0xffff, v1;
	_ =	sdelay $0x5  }
0x226: {  	v1, _, _ =	vpop (xrf0)  }
0x227: {  	s6 =	sshll.u32 s5, $0xB;
	(v2sf) =	vpush v1, $0xF  }
0x228: {  	s6 =	sand.u32 $0x3FFFF800, s6  }
0x229: {  	s7 =	sand.u32 $0x780, s3;
	s6 =	sadd.s32 $0x10000, s6  }
0x22a: {  	s8 =	sand.u32 $0x70, s3;
	s7 =	sadd.s32 s7, s6  }
0x22b: {  	s7 =	sadd.s32 s8, s7  }
0x22c: {  	v1 =	vld [tilespmem:s7+$0x0];
	_ =	sdelay $0x4  }
0x22d: {  	(xrf0) =	vadd.scan.msk.s32 $0xffff, v1;
	_ =	sdelay $0x3  }
0x22e: {  	v3 =	vcvt.s32.f32 v1  }
0x22f: {  	s29 =	spop (v2sf)  }
0x230: {  	v3 =	vadd.f32 $-1.000000000e+00, v3;
	v2, _, _ =	vpop (xrf0);
	v1 =	vsub.s32 s29, v1  }
0x231: {  	(v2sf) =	vpush v2, $0xF;
	v1 =	vadd.s32 v2, v1  }
0x232: {  	v2 =	vmul.f32 $5.000000000e-01, v3;
	v1 =	vcvt.s32.f32 v1;
	_ =	sdelay $0x1  }
0x233: {  	v1 =	vadd.f32 v1, v2  }
0x234: {  	s30 =	simm.s32 $0x10  }
0x235: {  	s9 =	sand.u32 $0x780, s30;
	v1 =	vmul.f32 $1.907348630e-06, v1  }
0x236: {  	s9 =	sadd.s32 s9, s6;
	s8 =	sand.u32 $0x70, s30  }
0x237: {  	s8 =	sadd.s32 s8, s9;
	[tilespmem:s4+$0x0] =	vst v1  }
0x238: {  	v1 =	vld [tilespmem:s8+$0x0];
	_ =	sdelay $0x4  }
0x239: {  	(xrf0) =	vadd.scan.msk.s32 $0xffff, v1;
	_ =	sdelay $0x1  }
0x23a: {  	s10 =	simm.s32 $0x30;
	s31 =	spop (v2sf)  }
0x23b: {  	s9 =	simm.s32 $0x20;
	s8 =	simm.s32 $0x11800;
	s7 =	sadd.s32 s29, s31  }
.LBB2_8:
0x23c: {  	p0 =	sne.s32 s10, $0x7F0;
	v2 =	vcvt.s32.f32 v1;
	_ =	sdelay $0x1  }
0x23d: {  	v1 =	vsub.s32 s7, v1;
	v2 =	vadd.f32 $-1.000000000e+00, v2;
	v3, _, _ =	vpop (xrf0)  }
0x23e: {  	v1 =	vadd.s32 v3, v1;
	(v2sf) =	vpush v3, $0xF  }
0x23f: {  	v1 =	vcvt.s32.f32 v1;
	v2 =	vmul.f32 $5.000000000e-01, v2;
	_ =	sdelay $0x1  }
0x240: {  	v1 =	vadd.f32 v1, v2;
	_ =	sdelay $0x1  }
0x241: {  	s11 =	sand.u32 $0x780, s9;
	v1 =	vmul.f32 $1.907348630e-06, v1  }
0x242: {  	s9 =	sand.u32 $0x70, s9;
	s8 =	sadd.s32 $0x10, s8;
	s11 =	sadd.s32 s11, s6  }
0x243: {  	s11 =	sadd.s32 s9, s11;
	s9 =	smov.u32 s10;
	[tilespmem:s8+$0x0] =	vst v1  }
0x244: {  	v1 =	vld [tilespmem:s11+$0x0];
	_ =	sdelay $0x3  }
.Ltmp3:
0x245: {  	(pc) =	sbr.rel @p0 .LBB2_8-.Ltmp3, $3  }
0x246: {  	(xrf0) =	vadd.scan.msk.s32 $0xffff, v1;
	_ =	sdelay $0x1  }
0x247: {  	s11 =	spop (v2sf)  }
0x248: {  	s10 =	sadd.s32 $0x10, s10;
	s7 =	sadd.s32 s7, s11  }
0x249: {  	v2 =	vcvt.s32.f32 v1;
	_ =	sdelay $0x1  }
0x24a: {  	v1 =	vsub.s32 s7, v1;
	v2 =	vadd.f32 $-1.000000000e+00, v2;
	v3, _, _ =	vpop (xrf0)  }
0x24b: {  	v1 =	vadd.s32 v3, v1  }
0x24c: {  	v1 =	vcvt.s32.f32 v1;
	v2 =	vmul.f32 $5.000000000e-01, v2;
	_ =	sdelay $0x1  }
0x24d: {  	v1 =	vadd.f32 v1, v2;
	_ =	sdelay $0x1  }
0x24e: {  	s10 =	sand.u32 $0x780, s9;
	v1 =	vmul.f32 $1.907348630e-06, v1  }
0x24f: {  	s26 =	sand.u32 $0x70, s9;
	s8 =	sadd.s32 $0x10, s8;
	s6 =	sadd.s32 s10, s6  }
0x250: {  	s6 =	sadd.s32 s26, s6;
	(v2sf) =	vpush v3, $0xF;
	[tilespmem:s8+$0x0] =	vst v1  }
0x251: {  	v1 =	vld [tilespmem:s6+$0x0];
	_ =	sdelay $0x4  }
0x252: {  	(xrf0) =	vadd.scan.msk.s32 $0xffff, v1;
	_ =	sdelay $0x5  }
0x253: {  	v2, _, _ =	vpop (xrf0)  }
0x254: {  	(v2sf) =	vpush v2, $0xF;
	_ =	sdelay $0x1  }
0x255: {  	v3 =	vcvt.s32.f32 v1;
	s28 =	spop (v2sf)  }
0x256: {  	s6 =	sadd.s32 s7, s28  }
0x257: {  	v3 =	vadd.f32 $-1.000000000e+00, v3;
	v1 =	vsub.s32 s6, v1  }
0x258: {  	v1 =	vadd.s32 v2, v1  }
0x259: {  	v2 =	vmul.f32 $5.000000000e-01, v3;
	v1 =	vcvt.s32.f32 v1;
	_ =	sdelay $0x1  }
0x25a: {  	v1 =	vadd.f32 v1, v2;
	_ =	sdelay $0x1  }
0x25b: {  	v1 =	vmul.f32 $1.907348630e-06, v1  }
0x25c: {  	s30 =	sshll.u32 s5, $0xC;
	s5 =	sadd.s32 $0x1, s5;
	s29 =	sadd.s32 $0x10, s8  }
0x25d: {  	p0 =	sne.s32 s5, $0x3;
	s6 =	sadd.s32 s30, s2;
	[tilespmem:s29+$0x0] =	vst v1  }
0x25e: {  	[hbm4b:s6+s3] =	stream.linear.scatter [tilespmem:s4], [sflag:$0x2], $0x800, $0x38;
	[tilespmem:$0x12190] =	vst v63  }
.Ltmp4:
0x25f: {  	_ = 	snop;
	(pc) =	sbr.rel @p0 .LBB2_7-.Ltmp4, $4  }
0x260: {  	s31 =	spop (v2sf)  }
0x261: {  	_ =	swait.ge [sflag:s0], $0x800  }
0x262: {  	[sflag:s0] =	ssyncset.done $0x0  }
0x263: {  	[sflag:s0] =	ssyncadd.s32 $0xFFFFF800  }
0x264: {  	_ =	sfence.sel $0x180000  }
0x265: {  	[bflag:$0x0] =	sbarrier.arrive $0xFFFF  }
0x266: {  	_ =	strace $0x9000004A  }
0x267: {  	[bflag:$0x2] =	sbarrier.arrive $0xFFFF  }
0x268: {  	p0 =	sne.s32 s12, $0x0;
	s0 =	rddreg [dreg:$0x2]  }
0x269: {  	s0 =	sadd.s32 @!p0 $0x100000, s0  }
0x26a: {  	[sflag:s0] =	ssyncadd.tile.s32 @!p0 $0x1;
	_ =	shalt  }
.Lfunc_end2:
_tile_overlayer_lowered:
.L_overlay_start_2:
0x26b: {  	(tag) =	ssettag $0x2  }
0x26c: {  	s0 =	rddreg [dreg:$0x0];
	s2 =	stileid.u32  }
0x26d: {  	s1 =	rddreg [dreg:$0x1];
	p0 =	sne.s32 s2, $0x0  }
0x26e: {  	s3 =	rddreg [dreg:$0x2];
	[bflag:$0x3] =	sbarrier.arrive $0xFFFF;
	s2 =	simm.s32 @!p0 $0x1C02  }
0x26f: {  	[timem:s3], [sflag:s2] =	dma.local @!p0 [hbm:s0], s1  }
0x270: {  	s0 =	simm.s32 @!p0 $0x2  }
0x271: {  	_ =	swait.ge @!p0 [sflag:s0], s1  }
0x272: {  	s1 =	ssub.s32 @!p0 $0x0, s1;
	[sflag:s0] =	ssyncset.done @!p0 $0x0  }
0x273: {  	[sflag:s0] =	ssyncadd.s32 @!p0 s1  }
0x274: {  	[bflag:$0x3] =	sbarrier.arrive $0xFFFF  }
0x275: {  	_ =	shalt  }

</sc_bundles>
